<compile_context>
chip_gen: v7x
topology: tpu7x:2x2x1
jax: 0.10.2.dev20260603
libtpu: 0.0.44.dev20260713+nightly
codegen_flags: <defaults>
</compile_context>

<pallas_src>
import jax
import jax.numpy as jnp
from jax import lax
from jax.experimental import pallas as pl
from jax.experimental.pallas import tpu as pltpu
from jax.experimental.pallas import tpu_sc as plsc

NC = 2
NS = 16
NW = NC * NS

B = 16384
L = 50
D = 64
TB = B // 128
TB_W = TB // NW
NCHUNK = L * TB_W
NBUF = 2


TPITCH = 137


def _transpose_chunk(gbuf, tbuf, drows):
    @pl.loop(0, 128, unroll=8)
    def _(c):
        cols = jnp.full((16,), c, jnp.int32)
        for d0 in range(4):
            v = gbuf[c, pl.ds(d0 * 16, 16)]
            plsc.store_scatter(tbuf, [drows[d0], cols], v)


def _body(table_hbm, px_hbm, p_hbm, idx_v, gbuf, tbuf, gsems, osems):
    wid = lax.axis_index("s") * NC + lax.axis_index("c")
    iota16 = lax.broadcasted_iota(jnp.int32, (16,), 0)
    drows = [iota16 + d0 * 16 for d0 in range(4)]
    pltpu.sync_copy(px_hbm.at[:, pl.ds(wid * TB_W, TB_W)], idx_v)

    def chunk_lt(k):
        l = k // TB_W
        t = k - l * TB_W
        return l, t

    def gather(k, b):
        l, t = chunk_lt(k)
        pltpu.async_copy(
            table_hbm.at[idx_v.at[l // 8, t, l - (l // 8) * 8]],
            gbuf.at[b],
            gsems.at[b],
        )

    def writeback_all(k, b):
        l, t = chunk_lt(k)
        for td in range(8):
            pltpu.async_copy(
                tbuf.at[b, pl.ds(td * 8, 8), pl.ds(0, 128)],
                p_hbm.at[l, td, wid * TB_W + t],
                osems.at[b],
            )

    def drain_all(k, b):
        l, t = chunk_lt(k)
        for td in range(8):
            pltpu.make_async_copy(
                tbuf.at[b, pl.ds(td * 8, 8), pl.ds(0, 128)],
                p_hbm.at[l, td, wid * TB_W + t],
                osems.at[b],
            ).wait()

    for b in range(NBUF):
        gather(b, b)

    @pl.loop(0, NCHUNK, step=NBUF)
    def _(j):
        for b in range(NBUF):
            k = j + b
            l, t = chunk_lt(k)
            pltpu.make_async_copy(
                table_hbm.at[idx_v.at[l // 8, t, l - (l // 8) * 8]],
                gbuf.at[b],
                gsems.at[b],
            ).wait()

            @pl.when(k >= NBUF)
            def _():
                drain_all(k - NBUF, b)

            _transpose_chunk(gbuf.at[b], tbuf.at[b], drows)
            writeback_all(k, b)

            @pl.when(k + NBUF < NCHUNK)
            def _():
                gather(k + NBUF, b)

    for b in range(NBUF):
        drain_all(NCHUNK - NBUF + b, b)


@jax.jit
def _gather(table, px):
    mesh = plsc.VectorSubcoreMesh(
        core_axis_name="c", subcore_axis_name="s", num_cores=NC, num_subcores=NS
    )
    return pl.kernel(
        _body,
        out_type=jax.ShapeDtypeStruct((L, 8, TB, 8, 128), jnp.float32),
        mesh=mesh,
        scratch_types=[
            pltpu.VMEM((7, TB_W, 8, 128), jnp.int32),
            pltpu.VMEM((NBUF, 128, D), jnp.float32),
            pltpu.VMEM((NBUF, D, TPITCH), jnp.float32),
            pltpu.SemaphoreType.DMA((NBUF,)),
            pltpu.SemaphoreType.DMA((NBUF,)),
        ],
        compiler_params=pltpu.CompilerParams(
            use_tc_tiling_on_sc=False, needs_layout_passes=False
        ),
    )(table, px)


def kernel(x, table):
    xpad = jnp.pad(x.astype(jnp.int32), ((0, 0), (0, 6)))
    px = xpad.T.reshape(7, 8, TB, 128).transpose(0, 2, 1, 3)
    p = _gather(table, px)
    return p.transpose(2, 4, 0, 1, 3).reshape(B, L, D)

# --- scband reference (transcript-rebuilt; emitter-appended) ---
"""Pipeline reference for scband-embedder-30631706755171 (READ-ONLY COPY).

The authoritative reference and input builder live on the scoring server;
editing this copy changes nothing except your own understanding.
"""

import jax, jax.numpy as jnp
import numpy as np

VOCAB = 1000000
D_MODEL = 64
B = 16384
L = 50

def setup_inputs(seed: int = 0) -> dict:
    key = jax.random.key(seed)
    k1, k2 = jax.random.split(key)
    x = jax.random.randint(k1, (B, L), 0, VOCAB, dtype=jnp.int64 if jax.config.jax_enable_x64 else jnp.int32)
    table = jax.random.normal(k2, (VOCAB, D_MODEL), dtype=jnp.float32)
    return {"x": x, "table": table}

def reference(x, table):
    # Embedder.forward: return self.embed(x)  (the print is a side effect, omitted)
    return jnp.take(table, x, axis=0)

if __name__ == "__main__":
    import jax
    _d = setup_inputs()
    print(jax.jit(kernel)(*tuple(_d.values())))

</pallas_src>

<mosaic_0001>
#map = affine_map<(d0, d1) -> (0, 0)>
#map1 = affine_map<(d0, d1) -> (0, 0, 0, 0)>
#map2 = affine_map<(d0, d1) -> (0, 0, 0, 0, 0)>
module attributes {stable_mosaic.version = 14 : i64} {
  func.func @_body(%arg0: i32, %arg1: i32, %arg2: memref<1000000x64xf32, #tpu.memory_space<hbm>>, %arg3: memref<7x128x8x128xi32, #tpu.memory_space<hbm>>, %arg4: memref<50x8x128x8x128xf32, #tpu.memory_space<hbm>>, %arg5: memref<7x4x8x128xi32, #tpu.memory_space<vmem>>, %arg6: memref<2x128x64xf32, #tpu.memory_space<vmem>>, %arg7: memref<2x64x137xf32, #tpu.memory_space<vmem>>, %arg8: memref<2x!tpu.dma_semaphore, #tpu.memory_space<semaphore_mem>>, %arg9: memref<2x!tpu.dma_semaphore, #tpu.memory_space<semaphore_mem>>) attributes {dimension_semantics = [#tpu.dimension_semantics<core_parallel>, #tpu.dimension_semantics<subcore_parallel>], iteration_bounds = array<i64: 2, 16>, scalar_prefetch = 0 : i64, scratch_operands = 5 : i64, tpu.core_type = #tpu.core_type<sc_vector_subcore>, window_params = [{transform_indices = #map}, {transform_indices = #map1}, {transform_indices = #map2}]} {
    %mul3A = arith.constant 2 : i32
    %mul3A_0 = arith.muli %arg1, %mul3A : i32
    %add3A = arith.addi %mul3A_0, %arg0 : i32
    %iota3A = tpu.iota {dimensions = array<i32: 0>} : vector<16xi32>
    %add3A_1 = arith.constant 0 : i32
    %add3A_2 = vector.broadcast %add3A_1 : i32 to vector<16xi32>
    %add3A_3 = arith.addi %iota3A, %add3A_2 : vector<16xi32>
    %add3A_4 = arith.constant 16 : i32
    %add3A_5 = vector.broadcast %add3A_4 : i32 to vector<16xi32>
    %add3A_6 = arith.addi %iota3A, %add3A_5 : vector<16xi32>
    %add3A_7 = arith.constant 32 : i32
    %add3A_8 = vector.broadcast %add3A_7 : i32 to vector<16xi32>
    %add3A_9 = arith.addi %iota3A, %add3A_8 : vector<16xi32>
    %add3A_10 = arith.constant 48 : i32
    %add3A_11 = vector.broadcast %add3A_10 : i32 to vector<16xi32>
    %add3A_12 = arith.addi %iota3A, %add3A_11 : vector<16xi32>
    %mul3A_13 = arith.constant 4 : i32
    %mul3A_14 = arith.muli %add3A, %mul3A_13 : i32
    "tpu.region"() ({
      %run_scoped3A = tpu.sem_alloc : memref<!tpu.dma_semaphore, #tpu.memory_space<semaphore_mem>>
      %dma_start3A_467 = arith.constant 0 : i32
      %dma_start3A_468 = arith.constant 0 : i32
      %dma_start3A_469 = arith.constant 0 : i32
      %dma_start3A_470 = tpu.memref_slice %arg3[%dma_start3A_467, %mul3A_14, %dma_start3A_468, %dma_start3A_469] : memref<7x128x8x128xi32, #tpu.memory_space<hbm>> -> memref<7x4x8x128xi32, #tpu.memory_space<hbm>>
      %dma_start3A_471 = arith.constant 0 : i32
      %dma_start3A_472 = arith.constant 0 : i32
      %dma_start3A_473 = arith.constant 0 : i32
      %dma_start3A_474 = tpu.memref_slice %arg3[%dma_start3A_471, %mul3A_14, %dma_start3A_472, %dma_start3A_473] : memref<7x128x8x128xi32, #tpu.memory_space<hbm>> -> memref<7x4x8x128xi32, #tpu.memory_space<hbm>>
      tpu.enqueue_dma source(%dma_start3A_474 : memref<7x4x8x128xi32, #tpu.memory_space<hbm>>) target(%arg5 : memref<7x4x8x128xi32, #tpu.memory_space<vmem>>) target_semaphore(%run_scoped3A : memref<!tpu.dma_semaphore, #tpu.memory_space<semaphore_mem>>)
      %dma_wait3A_475 = arith.constant 0 : i32
      %dma_wait3A_476 = arith.constant 0 : i32
      %dma_wait3A_477 = arith.constant 0 : i32
      %dma_wait3A_478 = tpu.memref_slice %arg3[%dma_wait3A_475, %mul3A_14, %dma_wait3A_476, %dma_wait3A_477] : memref<7x128x8x128xi32, #tpu.memory_space<hbm>> -> memref<7x4x8x128xi32, #tpu.memory_space<hbm>>
      %dma_wait3A_479 = arith.constant 0 : i32
      %dma_wait3A_480 = arith.constant 0 : i32
      %dma_wait3A_481 = arith.constant 0 : i32
      %dma_wait3A_482 = tpu.memref_slice %arg3[%dma_wait3A_479, %mul3A_14, %dma_wait3A_480, %dma_wait3A_481] : memref<7x128x8x128xi32, #tpu.memory_space<hbm>> -> memref<7x4x8x128xi32, #tpu.memory_space<hbm>>
      tpu.wait_dma2 semaphore(%run_scoped3A : memref<!tpu.dma_semaphore, #tpu.memory_space<semaphore_mem>>) src(%dma_wait3A_482 : memref<7x4x8x128xi32, #tpu.memory_space<hbm>>) dst(%arg5 : memref<7x4x8x128xi32, #tpu.memory_space<vmem>>)
      tpu.yield
    }) : () -> ()
    %dma_start3A = arith.constant 0 : i32
    %dma_start3A_15 = arith.constant 0 : i32
    %dma_start3A_16 = arith.constant 0 : i32
    %dma_start3A_17 = arith.constant 0 : i32
    %dma_start3A_18 = arith.constant 0 : i32
    %dma_start3A_19 = arith.constant 0 : i32
    %dma_start3A_20 = arith.constant 0 : i32
    %dma_start3A_21 = tpu.memref_slice %arg6[%dma_start3A_17, %dma_start3A_19, %dma_start3A_20] : memref<2x128x64xf32, #tpu.memory_space<vmem>> -> memref<1x128x64xf32, #tpu.memory_space<vmem>>
    %dma_start3A_22 = tpu.memref_squeeze %dma_start3A_21 : memref<1x128x64xf32, #tpu.memory_space<vmem>> -> memref<128x64xf32, #tpu.memory_space<vmem>>
    %dma_start3A_23 = arith.constant 0 : i32
    %dma_start3A_24 = tpu.memref_slice %arg5[%dma_start3A, %dma_start3A_15, %dma_start3A_16, %dma_start3A_23] : memref<7x4x8x128xi32, #tpu.memory_space<vmem>> -> memref<1x1x1x128xi32, #tpu.memory_space<vmem>>
    %dma_start3A_25 = tpu.memref_squeeze %dma_start3A_24 : memref<1x1x1x128xi32, #tpu.memory_space<vmem>> -> memref<128xi32, #tpu.memory_space<vmem>>
    %dma_start3A_26 = arith.constant 0 : i32
    %dma_start3A_27 = arith.constant 0 : i32
    %dma_start3A_28 = tpu.memref_slice %arg2[%dma_start3A_26, %dma_start3A_27] : memref<1000000x64xf32, #tpu.memory_space<hbm>> -> memref<1000000x64xf32, #tpu.memory_space<hbm>>
    %dma_start3A_29 = tpu.memref_slice %arg8[%dma_start3A_18] : memref<2x!tpu.dma_semaphore, #tpu.memory_space<semaphore_mem>> -> memref<1x!tpu.dma_semaphore, #tpu.memory_space<semaphore_mem>>
    %dma_start3A_30 = tpu.memref_squeeze %dma_start3A_29 : memref<1x!tpu.dma_semaphore, #tpu.memory_space<semaphore_mem>> -> memref<!tpu.dma_semaphore, #tpu.memory_space<semaphore_mem>>
    tpu.enqueue_indirect_dma source(%dma_start3A_28 : memref<1000000x64xf32, #tpu.memory_space<hbm>>) target(%dma_start3A_22 : memref<128x64xf32, #tpu.memory_space<vmem>>) offsets(%dma_start3A_25 : memref<128xi32, #tpu.memory_space<vmem>>) semaphore(%dma_start3A_30 : memref<!tpu.dma_semaphore, #tpu.memory_space<semaphore_mem>>)
    %dma_start3A_31 = arith.constant 0 : i32
    %dma_start3A_32 = arith.constant 1 : i32
    %dma_start3A_33 = arith.constant 0 : i32
    %dma_start3A_34 = arith.constant 1 : i32
    %dma_start3A_35 = arith.constant 1 : i32
    %dma_start3A_36 = arith.constant 0 : i32
    %dma_start3A_37 = arith.constant 0 : i32
    %dma_start3A_38 = tpu.memref_slice %arg6[%dma_start3A_34, %dma_start3A_36, %dma_start3A_37] : memref<2x128x64xf32, #tpu.memory_space<vmem>> -> memref<1x128x64xf32, #tpu.memory_space<vmem>>
    %dma_start3A_39 = tpu.memref_squeeze %dma_start3A_38 : memref<1x128x64xf32, #tpu.memory_space<vmem>> -> memref<128x64xf32, #tpu.memory_space<vmem>>
    %dma_start3A_40 = arith.constant 0 : i32
    %dma_start3A_41 = tpu.memref_slice %arg5[%dma_start3A_31, %dma_start3A_32, %dma_start3A_33, %dma_start3A_40] : memref<7x4x8x128xi32, #tpu.memory_space<vmem>> -> memref<1x1x1x128xi32, #tpu.memory_space<vmem>>
    %dma_start3A_42 = tpu.memref_squeeze %dma_start3A_41 : memref<1x1x1x128xi32, #tpu.memory_space<vmem>> -> memref<128xi32, #tpu.memory_space<vmem>>
    %dma_start3A_43 = arith.constant 0 : i32
    %dma_start3A_44 = arith.constant 0 : i32
    %dma_start3A_45 = tpu.memref_slice %arg2[%dma_start3A_43, %dma_start3A_44] : memref<1000000x64xf32, #tpu.memory_space<hbm>> -> memref<1000000x64xf32, #tpu.memory_space<hbm>>
    %dma_start3A_46 = tpu.memref_slice %arg8[%dma_start3A_35] : memref<2x!tpu.dma_semaphore, #tpu.memory_space<semaphore_mem>> -> memref<1x!tpu.dma_semaphore, #tpu.memory_space<semaphore_mem>>
    %dma_start3A_47 = tpu.memref_squeeze %dma_start3A_46 : memref<1x!tpu.dma_semaphore, #tpu.memory_space<semaphore_mem>> -> memref<!tpu.dma_semaphore, #tpu.memory_space<semaphore_mem>>
    tpu.enqueue_indirect_dma source(%dma_start3A_45 : memref<1000000x64xf32, #tpu.memory_space<hbm>>) target(%dma_start3A_39 : memref<128x64xf32, #tpu.memory_space<vmem>>) offsets(%dma_start3A_42 : memref<128xi32, #tpu.memory_space<vmem>>) semaphore(%dma_start3A_47 : memref<!tpu.dma_semaphore, #tpu.memory_space<semaphore_mem>>)
    %scan3A = arith.constant 0 : i32
    %scan3A_48 = arith.constant 100 : i32
    %scan3A_49 = arith.addi %scan3A, %scan3A_48 : i32
    %scan3A_50 = arith.constant 1 : i32
    scf.for %scan3A_467 = %scan3A to %scan3A_49 step %scan3A_50  : i32 {
      %mul3A_468 = arith.constant 2 : i32
      %mul3A_469 = arith.muli %scan3A_467, %mul3A_468 : i32
      %add3A_470 = arith.constant 0 : i32
      %add3A_471 = arith.addi %add3A_470, %mul3A_469 : i32
      %add3A_472 = arith.constant 0 : i32
      %add3A_473 = arith.addi %add3A_471, %add3A_472 : i32
      %jit3A = arith.constant 4 : i32
      %div3A = arith.divsi %add3A_473, %jit3A : i32
      %sign3A = arith.constant 0 : i32
      %sign3A_474 = arith.cmpi sgt, %add3A_473, %sign3A : i32
      %sign3A_475 = arith.extui %sign3A_474 : i1 to i32
      %sign3A_476 = arith.constant 0 : i32
      %sign3A_477 = arith.cmpi slt, %add3A_473, %sign3A_476 : i32
      %sign3A_478 = arith.extui %sign3A_477 : i1 to i32
      %sign3A_479 = arith.subi %sign3A_475, %sign3A_478 : i32
      %sign3A_480 = arith.constant 0 : i32
      %sign3A_481 = arith.cmpi sgt, %jit3A, %sign3A_480 : i32
      %sign3A_482 = arith.extui %sign3A_481 : i1 to i32
      %sign3A_483 = arith.constant 0 : i32
      %sign3A_484 = arith.cmpi slt, %jit3A, %sign3A_483 : i32
      %sign3A_485 = arith.extui %sign3A_484 : i1 to i32
      %sign3A_486 = arith.subi %sign3A_482, %sign3A_485 : i32
      %ne3A = arith.cmpi ne, %sign3A_479, %sign3A_486 : i32
      %rem3A = arith.remsi %add3A_473, %jit3A : i32
      %ne3A_487 = arith.constant 0 : i32
      %ne3A_488 = arith.cmpi ne, %rem3A, %ne3A_487 : i32
      %and3A = arith.andi %ne3A, %ne3A_488 : i1
      %sub3A = arith.constant 1 : i32
      %sub3A_489 = arith.subi %div3A, %sub3A : i32
      %select_n3A = arith.select %and3A, %sub3A_489, %div3A : i32
      %mul3A_490 = arith.constant 4 : i32
      %mul3A_491 = arith.muli %select_n3A, %mul3A_490 : i32
      %sub3A_492 = arith.subi %add3A_473, %mul3A_491 : i32
      %jit3A_493 = arith.constant 8 : i32
      %div3A_494 = arith.divsi %select_n3A, %jit3A_493 : i32
      %sign3A_495 = arith.constant 0 : i32
      %sign3A_496 = arith.cmpi sgt, %select_n3A, %sign3A_495 : i32
      %sign3A_497 = arith.extui %sign3A_496 : i1 to i32
      %sign3A_498 = arith.constant 0 : i32
      %sign3A_499 = arith.cmpi slt, %select_n3A, %sign3A_498 : i32
      %sign3A_500 = arith.extui %sign3A_499 : i1 to i32
      %sign3A_501 = arith.subi %sign3A_497, %sign3A_500 : i32
      %sign3A_502 = arith.constant 0 : i32
      %sign3A_503 = arith.cmpi sgt, %jit3A_493, %sign3A_502 : i32
      %sign3A_504 = arith.extui %sign3A_503 : i1 to i32
      %sign3A_505 = arith.constant 0 : i32
      %sign3A_506 = arith.cmpi slt, %jit3A_493, %sign3A_505 : i32
      %sign3A_507 = arith.extui %sign3A_506 : i1 to i32
      %sign3A_508 = arith.subi %sign3A_504, %sign3A_507 : i32
      %ne3A_509 = arith.cmpi ne, %sign3A_501, %sign3A_508 : i32
      %rem3A_510 = arith.remsi %select_n3A, %jit3A_493 : i32
      %ne3A_511 = arith.constant 0 : i32
      %ne3A_512 = arith.cmpi ne, %rem3A_510, %ne3A_511 : i32
      %and3A_513 = arith.andi %ne3A_509, %ne3A_512 : i1
      %sub3A_514 = arith.constant 1 : i32
      %sub3A_515 = arith.subi %div3A_494, %sub3A_514 : i32
      %select_n3A_516 = arith.select %and3A_513, %sub3A_515, %div3A_494 : i32
      %jit3A_517 = arith.constant 8 : i32
      %div3A_518 = arith.divsi %select_n3A, %jit3A_517 : i32
      %sign3A_519 = arith.constant 0 : i32
      %sign3A_520 = arith.cmpi sgt, %select_n3A, %sign3A_519 : i32
      %sign3A_521 = arith.extui %sign3A_520 : i1 to i32
      %sign3A_522 = arith.constant 0 : i32
      %sign3A_523 = arith.cmpi slt, %select_n3A, %sign3A_522 : i32
      %sign3A_524 = arith.extui %sign3A_523 : i1 to i32
      %sign3A_525 = arith.subi %sign3A_521, %sign3A_524 : i32
      %sign3A_526 = arith.constant 0 : i32
      %sign3A_527 = arith.cmpi sgt, %jit3A_517, %sign3A_526 : i32
      %sign3A_528 = arith.extui %sign3A_527 : i1 to i32
      %sign3A_529 = arith.constant 0 : i32
      %sign3A_530 = arith.cmpi slt, %jit3A_517, %sign3A_529 : i32
      %sign3A_531 = arith.extui %sign3A_530 : i1 to i32
      %sign3A_532 = arith.subi %sign3A_528, %sign3A_531 : i32
      %ne3A_533 = arith.cmpi ne, %sign3A_525, %sign3A_532 : i32
      %rem3A_534 = arith.remsi %select_n3A, %jit3A_517 : i32
      %ne3A_535 = arith.constant 0 : i32
      %ne3A_536 = arith.cmpi ne, %rem3A_534, %ne3A_535 : i32
      %and3A_537 = arith.andi %ne3A_533, %ne3A_536 : i1
      %sub3A_538 = arith.constant 1 : i32
      %sub3A_539 = arith.subi %div3A_518, %sub3A_538 : i32
      %select_n3A_540 = arith.select %and3A_537, %sub3A_539, %div3A_518 : i32
      %mul3A_541 = arith.constant 8 : i32
      %mul3A_542 = arith.muli %select_n3A_540, %mul3A_541 : i32
      %sub3A_543 = arith.subi %select_n3A, %mul3A_542 : i32
      %dma_wait3A_544 = arith.constant 0 : i32
      %dma_wait3A_545 = arith.constant 0 : i32
      %dma_wait3A_546 = arith.constant 0 : i32
      %dma_wait3A_547 = arith.constant 0 : i32
      %dma_wait3A_548 = tpu.memref_slice %arg6[%dma_wait3A_544, %dma_wait3A_546, %dma_wait3A_547] : memref<2x128x64xf32, #tpu.memory_space<vmem>> -> memref<1x128x64xf32, #tpu.memory_space<vmem>>
      %dma_wait3A_549 = tpu.memref_squeeze %dma_wait3A_548 : memref<1x128x64xf32, #tpu.memory_space<vmem>> -> memref<128x64xf32, #tpu.memory_space<vmem>>
      %dma_wait3A_550 = arith.constant 0 : i32
      %dma_wait3A_551 = tpu.memref_slice %arg5[%select_n3A_516, %sub3A_492, %sub3A_543, %dma_wait3A_550] : memref<7x4x8x128xi32, #tpu.memory_space<vmem>> -> memref<1x1x1x128xi32, #tpu.memory_space<vmem>>
      %dma_wait3A_552 = tpu.memref_squeeze %dma_wait3A_551 : memref<1x1x1x128xi32, #tpu.memory_space<vmem>> -> memref<128xi32, #tpu.memory_space<vmem>>
      %dma_wait3A_553 = arith.constant 0 : i32
      %dma_wait3A_554 = arith.constant 0 : i32
      %dma_wait3A_555 = tpu.memref_slice %arg2[%dma_wait3A_553, %dma_wait3A_554] : memref<1000000x64xf32, #tpu.memory_space<hbm>> -> memref<1000000x64xf32, #tpu.memory_space<hbm>>
      %dma_wait3A_556 = tpu.memref_slice %arg8[%dma_wait3A_545] : memref<2x!tpu.dma_semaphore, #tpu.memory_space<semaphore_mem>> -> memref<1x!tpu.dma_semaphore, #tpu.memory_space<semaphore_mem>>
      %dma_wait3A_557 = tpu.memref_squeeze %dma_wait3A_556 : memref<1x!tpu.dma_semaphore, #tpu.memory_space<semaphore_mem>> -> memref<!tpu.dma_semaphore, #tpu.memory_space<semaphore_mem>>
      tpu.wait_indirect_dma semaphore(%dma_wait3A_557 : memref<!tpu.dma_semaphore, #tpu.memory_space<semaphore_mem>>) src(%dma_wait3A_555 : memref<1000000x64xf32, #tpu.memory_space<hbm>>) dst(%dma_wait3A_549 : memref<128x64xf32, #tpu.memory_space<vmem>>)
      %ge3A = arith.constant 2 : i32
      %ge3A_558 = arith.cmpi sge, %add3A_473, %ge3A : i32
      %convert_element_type3A = arith.extui %ge3A_558 : i1 to i32
      %cond3A = arith.constant 0 : i32
      %cond3A_559 = arith.cmpi ne, %convert_element_type3A, %cond3A : i32
      scf.if %cond3A_559 {
        %sub3A_1124 = arith.constant 2 : i32
        %sub3A_1125 = arith.subi %add3A_473, %sub3A_1124 : i32
        %jit3A_1126 = arith.constant 4 : i32
        %div3A_1127 = arith.divsi %sub3A_1125, %jit3A_1126 : i32
        %sign3A_1128 = arith.constant 0 : i32
        %sign3A_1129 = arith.cmpi sgt, %sub3A_1125, %sign3A_1128 : i32
        %sign3A_1130 = arith.extui %sign3A_1129 : i1 to i32
        %sign3A_1131 = arith.constant 0 : i32
        %sign3A_1132 = arith.cmpi slt, %sub3A_1125, %sign3A_1131 : i32
        %sign3A_1133 = arith.extui %sign3A_1132 : i1 to i32
        %sign3A_1134 = arith.subi %sign3A_1130, %sign3A_1133 : i32
        %sign3A_1135 = arith.constant 0 : i32
        %sign3A_1136 = arith.cmpi sgt, %jit3A_1126, %sign3A_1135 : i32
        %sign3A_1137 = arith.extui %sign3A_1136 : i1 to i32
        %sign3A_1138 = arith.constant 0 : i32
        %sign3A_1139 = arith.cmpi slt, %jit3A_1126, %sign3A_1138 : i32
        %sign3A_1140 = arith.extui %sign3A_1139 : i1 to i32
        %sign3A_1141 = arith.subi %sign3A_1137, %sign3A_1140 : i32
        %ne3A_1142 = arith.cmpi ne, %sign3A_1134, %sign3A_1141 : i32
        %rem3A_1143 = arith.remsi %sub3A_1125, %jit3A_1126 : i32
        %ne3A_1144 = arith.constant 0 : i32
        %ne3A_1145 = arith.cmpi ne, %rem3A_1143, %ne3A_1144 : i32
        %and3A_1146 = arith.andi %ne3A_1142, %ne3A_1145 : i1
        %sub3A_1147 = arith.constant 1 : i32
        %sub3A_1148 = arith.subi %div3A_1127, %sub3A_1147 : i32
        %select_n3A_1149 = arith.select %and3A_1146, %sub3A_1148, %div3A_1127 : i32
        %mul3A_1150 = arith.constant 4 : i32
        %mul3A_1151 = arith.muli %select_n3A_1149, %mul3A_1150 : i32
        %sub3A_1152 = arith.subi %sub3A_1125, %mul3A_1151 : i32
        %mul3A_1153 = arith.constant 4 : i32
        %mul3A_1154 = arith.muli %add3A, %mul3A_1153 : i32
        %add3A_1155 = arith.addi %mul3A_1154, %sub3A_1152 : i32
        %dma_wait3A_1156 = arith.constant 0 : i32
        %dma_wait3A_1157 = arith.constant 0 : i32
        %dma_wait3A_1158 = arith.constant 0 : i32
        %dma_wait3A_1159 = arith.constant 0 : i32
        %dma_wait3A_1160 = arith.constant 0 : i32
        %dma_wait3A_1161 = tpu.memref_slice %arg7[%dma_wait3A_1156, %dma_wait3A_1159, %dma_wait3A_1160] : memref<2x64x137xf32, #tpu.memory_space<vmem>> -> memref<1x8x128xf32, #tpu.memory_space<vmem>>
        %dma_wait3A_1162 = tpu.memref_squeeze %dma_wait3A_1161 : memref<1x8x128xf32, #tpu.memory_space<vmem>> -> memref<8x128xf32, #tpu.memory_space<vmem>>
        %dma_wait3A_1163 = arith.constant 0 : i32
        %dma_wait3A_1164 = arith.constant 0 : i32
        %dma_wait3A_1165 = tpu.memref_slice %arg4[%select_n3A_1149, %dma_wait3A_1157, %add3A_1155, %dma_wait3A_1163, %dma_wait3A_1164] : memref<50x8x128x8x128xf32, #tpu.memory_space<hbm>> -> memref<1x1x1x8x128xf32, #tpu.memory_space<hbm>>
        %dma_wait3A_1166 = tpu.memref_squeeze %dma_wait3A_1165 : memref<1x1x1x8x128xf32, #tpu.memory_space<hbm>> -> memref<8x128xf32, #tpu.memory_space<hbm>>
        %dma_wait3A_1167 = tpu.memref_slice %arg9[%dma_wait3A_1158] : memref<2x!tpu.dma_semaphore, #tpu.memory_space<semaphore_mem>> -> memref<1x!tpu.dma_semaphore, #tpu.memory_space<semaphore_mem>>
        %dma_wait3A_1168 = tpu.memref_squeeze %dma_wait3A_1167 : memref<1x!tpu.dma_semaphore, #tpu.memory_space<semaphore_mem>> -> memref<!tpu.dma_semaphore, #tpu.memory_space<semaphore_mem>>
        %dma_wait3A_1169 = arith.constant 0 : i32
        %dma_wait3A_1170 = arith.constant 0 : i32
        %dma_wait3A_1171 = tpu.memref_slice %arg4[%select_n3A_1149, %dma_wait3A_1157, %add3A_1155, %dma_wait3A_1169, %dma_wait3A_1170] : memref<50x8x128x8x128xf32, #tpu.memory_space<hbm>> -> memref<1x1x1x8x128xf32, #tpu.memory_space<hbm>>
        %dma_wait3A_1172 = tpu.memref_squeeze %dma_wait3A_1171 : memref<1x1x1x8x128xf32, #tpu.memory_space<hbm>> -> memref<8x128xf32, #tpu.memory_space<hbm>>
        %dma_wait3A_1173 = arith.constant 0 : i32
        %dma_wait3A_1174 = arith.constant 0 : i32
        %dma_wait3A_1175 = tpu.memref_slice %arg7[%dma_wait3A_1156, %dma_wait3A_1173, %dma_wait3A_1174] : memref<2x64x137xf32, #tpu.memory_space<vmem>> -> memref<1x8x128xf32, #tpu.memory_space<vmem>>
        %dma_wait3A_1176 = tpu.memref_squeeze %dma_wait3A_1175 : memref<1x8x128xf32, #tpu.memory_space<vmem>> -> memref<8x128xf32, #tpu.memory_space<vmem>>
        tpu.wait_dma2 semaphore(%dma_wait3A_1168 : memref<!tpu.dma_semaphore, #tpu.memory_space<semaphore_mem>>) src(%dma_wait3A_1176 : memref<8x128xf32, #tpu.memory_space<vmem>>) dst(%dma_wait3A_1172 : memref<8x128xf32, #tpu.memory_space<hbm>>)
        %mul3A_1177 = arith.constant 4 : i32
        %mul3A_1178 = arith.muli %add3A, %mul3A_1177 : i32
        %add3A_1179 = arith.addi %mul3A_1178, %sub3A_1152 : i32
        %dma_wait3A_1180 = arith.constant 0 : i32
        %dma_wait3A_1181 = arith.constant 1 : i32
        %dma_wait3A_1182 = arith.constant 0 : i32
        %dma_wait3A_1183 = arith.constant 8 : i32
        %dma_wait3A_1184 = arith.constant 0 : i32
        %dma_wait3A_1185 = tpu.memref_slice %arg7[%dma_wait3A_1180, %dma_wait3A_1183, %dma_wait3A_1184] : memref<2x64x137xf32, #tpu.memory_space<vmem>> -> memref<1x8x128xf32, #tpu.memory_space<vmem>>
        %dma_wait3A_1186 = tpu.memref_squeeze %dma_wait3A_1185 : memref<1x8x128xf32, #tpu.memory_space<vmem>> -> memref<8x128xf32, #tpu.memory_space<vmem>>
        %dma_wait3A_1187 = arith.constant 0 : i32
        %dma_wait3A_1188 = arith.constant 0 : i32
        %dma_wait3A_1189 = tpu.memref_slice %arg4[%select_n3A_1149, %dma_wait3A_1181, %add3A_1179, %dma_wait3A_1187, %dma_wait3A_1188] : memref<50x8x128x8x128xf32, #tpu.memory_space<hbm>> -> memref<1x1x1x8x128xf32, #tpu.memory_space<hbm>>
        %dma_wait3A_1190 = tpu.memref_squeeze %dma_wait3A_1189 : memref<1x1x1x8x128xf32, #tpu.memory_space<hbm>> -> memref<8x128xf32, #tpu.memory_space<hbm>>
        %dma_wait3A_1191 = tpu.memref_slice %arg9[%dma_wait3A_1182] : memref<2x!tpu.dma_semaphore, #tpu.memory_space<semaphore_mem>> -> memref<1x!tpu.dma_semaphore, #tpu.memory_space<semaphore_mem>>
        %dma_wait3A_1192 = tpu.memref_squeeze %dma_wait3A_1191 : memref<1x!tpu.dma_semaphore, #tpu.memory_space<semaphore_mem>> -> memref<!tpu.dma_semaphore, #tpu.memory_space<semaphore_mem>>
        %dma_wait3A_1193 = arith.constant 0 : i32
        %dma_wait3A_1194 = arith.constant 0 : i32
        %dma_wait3A_1195 = tpu.memref_slice %arg4[%select_n3A_1149, %dma_wait3A_1181, %add3A_1179, %dma_wait3A_1193, %dma_wait3A_1194] : memref<50x8x128x8x128xf32, #tpu.memory_space<hbm>> -> memref<1x1x1x8x128xf32, #tpu.memory_space<hbm>>
        %dma_wait3A_1196 = tpu.memref_squeeze %dma_wait3A_1195 : memref<1x1x1x8x128xf32, #tpu.memory_space<hbm>> -> memref<8x128xf32, #tpu.memory_space<hbm>>
        %dma_wait3A_1197 = arith.constant 8 : i32
        %dma_wait3A_1198 = arith.constant 0 : i32
        %dma_wait3A_1199 = tpu.memref_slice %arg7[%dma_wait3A_1180, %dma_wait3A_1197, %dma_wait3A_1198] : memref<2x64x137xf32, #tpu.memory_space<vmem>> -> memref<1x8x128xf32, #tpu.memory_space<vmem>>
        %dma_wait3A_1200 = tpu.memref_squeeze %dma_wait3A_1199 : memref<1x8x128xf32, #tpu.memory_space<vmem>> -> memref<8x128xf32, #tpu.memory_space<vmem>>
        tpu.wait_dma2 semaphore(%dma_wait3A_1192 : memref<!tpu.dma_semaphore, #tpu.memory_space<semaphore_mem>>) src(%dma_wait3A_1200 : memref<8x128xf32, #tpu.memory_space<vmem>>) dst(%dma_wait3A_1196 : memref<8x128xf32, #tpu.memory_space<hbm>>)
        %mul3A_1201 = arith.constant 4 : i32
        %mul3A_1202 = arith.muli %add3A, %mul3A_1201 : i32
        %add3A_1203 = arith.addi %mul3A_1202, %sub3A_1152 : i32
        %dma_wait3A_1204 = arith.constant 0 : i32
        %dma_wait3A_1205 = arith.constant 2 : i32
        %dma_wait3A_1206 = arith.constant 0 : i32
        %dma_wait3A_1207 = arith.constant 16 : i32
        %dma_wait3A_1208 = arith.constant 0 : i32
        %dma_wait3A_1209 = tpu.memref_slice %arg7[%dma_wait3A_1204, %dma_wait3A_1207, %dma_wait3A_1208] : memref<2x64x137xf32, #tpu.memory_space<vmem>> -> memref<1x8x128xf32, #tpu.memory_space<vmem>>
        %dma_wait3A_1210 = tpu.memref_squeeze %dma_wait3A_1209 : memref<1x8x128xf32, #tpu.memory_space<vmem>> -> memref<8x128xf32, #tpu.memory_space<vmem>>
        %dma_wait3A_1211 = arith.constant 0 : i32
        %dma_wait3A_1212 = arith.constant 0 : i32
        %dma_wait3A_1213 = tpu.memref_slice %arg4[%select_n3A_1149, %dma_wait3A_1205, %add3A_1203, %dma_wait3A_1211, %dma_wait3A_1212] : memref<50x8x128x8x128xf32, #tpu.memory_space<hbm>> -> memref<1x1x1x8x128xf32, #tpu.memory_space<hbm>>
        %dma_wait3A_1214 = tpu.memref_squeeze %dma_wait3A_1213 : memref<1x1x1x8x128xf32, #tpu.memory_space<hbm>> -> memref<8x128xf32, #tpu.memory_space<hbm>>
        %dma_wait3A_1215 = tpu.memref_slice %arg9[%dma_wait3A_1206] : memref<2x!tpu.dma_semaphore, #tpu.memory_space<semaphore_mem>> -> memref<1x!tpu.dma_semaphore, #tpu.memory_space<semaphore_mem>>
        %dma_wait3A_1216 = tpu.memref_squeeze %dma_wait3A_1215 : memref<1x!tpu.dma_semaphore, #tpu.memory_space<semaphore_mem>> -> memref<!tpu.dma_semaphore, #tpu.memory_space<semaphore_mem>>
        %dma_wait3A_1217 = arith.constant 0 : i32
        %dma_wait3A_1218 = arith.constant 0 : i32
        %dma_wait3A_1219 = tpu.memref_slice %arg4[%select_n3A_1149, %dma_wait3A_1205, %add3A_1203, %dma_wait3A_1217, %dma_wait3A_1218] : memref<50x8x128x8x128xf32, #tpu.memory_space<hbm>> -> memref<1x1x1x8x128xf32, #tpu.memory_space<hbm>>
        %dma_wait3A_1220 = tpu.memref_squeeze %dma_wait3A_1219 : memref<1x1x1x8x128xf32, #tpu.memory_space<hbm>> -> memref<8x128xf32, #tpu.memory_space<hbm>>
        %dma_wait3A_1221 = arith.constant 16 : i32
        %dma_wait3A_1222 = arith.constant 0 : i32
        %dma_wait3A_1223 = tpu.memref_slice %arg7[%dma_wait3A_1204, %dma_wait3A_1221, %dma_wait3A_1222] : memref<2x64x137xf32, #tpu.memory_space<vmem>> -> memref<1x8x128xf32, #tpu.memory_space<vmem>>
        %dma_wait3A_1224 = tpu.memref_squeeze %dma_wait3A_1223 : memref<1x8x128xf32, #tpu.memory_space<vmem>> -> memref<8x128xf32, #tpu.memory_space<vmem>>
        tpu.wait_dma2 semaphore(%dma_wait3A_1216 : memref<!tpu.dma_semaphore, #tpu.memory_space<semaphore_mem>>) src(%dma_wait3A_1224 : memref<8x128xf32, #tpu.memory_space<vmem>>) dst(%dma_wait3A_1220 : memref<8x128xf32, #tpu.memory_space<hbm>>)
        %mul3A_1225 = arith.constant 4 : i32
        %mul3A_1226 = arith.muli %add3A, %mul3A_1225 : i32
        %add3A_1227 = arith.addi %mul3A_1226, %sub3A_1152 : i32
        %dma_wait3A_1228 = arith.constant 0 : i32
        %dma_wait3A_1229 = arith.constant 3 : i32
        %dma_wait3A_1230 = arith.constant 0 : i32
        %dma_wait3A_1231 = arith.constant 24 : i32
        %dma_wait3A_1232 = arith.constant 0 : i32
        %dma_wait3A_1233 = tpu.memref_slice %arg7[%dma_wait3A_1228, %dma_wait3A_1231, %dma_wait3A_1232] : memref<2x64x137xf32, #tpu.memory_space<vmem>> -> memref<1x8x128xf32, #tpu.memory_space<vmem>>
        %dma_wait3A_1234 = tpu.memref_squeeze %dma_wait3A_1233 : memref<1x8x128xf32, #tpu.memory_space<vmem>> -> memref<8x128xf32, #tpu.memory_space<vmem>>
        %dma_wait3A_1235 = arith.constant 0 : i32
        %dma_wait3A_1236 = arith.constant 0 : i32
        %dma_wait3A_1237 = tpu.memref_slice %arg4[%select_n3A_1149, %dma_wait3A_1229, %add3A_1227, %dma_wait3A_1235, %dma_wait3A_1236] : memref<50x8x128x8x128xf32, #tpu.memory_space<hbm>> -> memref<1x1x1x8x128xf32, #tpu.memory_space<hbm>>
        %dma_wait3A_1238 = tpu.memref_squeeze %dma_wait3A_1237 : memref<1x1x1x8x128xf32, #tpu.memory_space<hbm>> -> memref<8x128xf32, #tpu.memory_space<hbm>>
        %dma_wait3A_1239 = tpu.memref_slice %arg9[%dma_wait3A_1230] : memref<2x!tpu.dma_semaphore, #tpu.memory_space<semaphore_mem>> -> memref<1x!tpu.dma_semaphore, #tpu.memory_space<semaphore_mem>>
        %dma_wait3A_1240 = tpu.memref_squeeze %dma_wait3A_1239 : memref<1x!tpu.dma_semaphore, #tpu.memory_space<semaphore_mem>> -> memref<!tpu.dma_semaphore, #tpu.memory_space<semaphore_mem>>
        %dma_wait3A_1241 = arith.constant 0 : i32
        %dma_wait3A_1242 = arith.constant 0 : i32
        %dma_wait3A_1243 = tpu.memref_slice %arg4[%select_n3A_1149, %dma_wait3A_1229, %add3A_1227, %dma_wait3A_1241, %dma_wait3A_1242] : memref<50x8x128x8x128xf32, #tpu.memory_space<hbm>> -> memref<1x1x1x8x128xf32, #tpu.memory_space<hbm>>
        %dma_wait3A_1244 = tpu.memref_squeeze %dma_wait3A_1243 : memref<1x1x1x8x128xf32, #tpu.memory_space<hbm>> -> memref<8x128xf32, #tpu.memory_space<hbm>>
        %dma_wait3A_1245 = arith.constant 24 : i32
        %dma_wait3A_1246 = arith.constant 0 : i32
        %dma_wait3A_1247 = tpu.memref_slice %arg7[%dma_wait3A_1228, %dma_wait3A_1245, %dma_wait3A_1246] : memref<2x64x137xf32, #tpu.memory_space<vmem>> -> memref<1x8x128xf32, #tpu.memory_space<vmem>>
        %dma_wait3A_1248 = tpu.memref_squeeze %dma_wait3A_1247 : memref<1x8x128xf32, #tpu.memory_space<vmem>> -> memref<8x128xf32, #tpu.memory_space<vmem>>
        tpu.wait_dma2 semaphore(%dma_wait3A_1240 : memref<!tpu.dma_semaphore, #tpu.memory_space<semaphore_mem>>) src(%dma_wait3A_1248 : memref<8x128xf32, #tpu.memory_space<vmem>>) dst(%dma_wait3A_1244 : memref<8x128xf32, #tpu.memory_space<hbm>>)
        %mul3A_1249 = arith.constant 4 : i32
        %mul3A_1250 = arith.muli %add3A, %mul3A_1249 : i32
        %add3A_1251 = arith.addi %mul3A_1250, %sub3A_1152 : i32
        %dma_wait3A_1252 = arith.constant 0 : i32
        %dma_wait3A_1253 = arith.constant 4 : i32
        %dma_wait3A_1254 = arith.constant 0 : i32
        %dma_wait3A_1255 = arith.constant 32 : i32
        %dma_wait3A_1256 = arith.constant 0 : i32
        %dma_wait3A_1257 = tpu.memref_slice %arg7[%dma_wait3A_1252, %dma_wait3A_1255, %dma_wait3A_1256] : memref<2x64x137xf32, #tpu.memory_space<vmem>> -> memref<1x8x128xf32, #tpu.memory_space<vmem>>
        %dma_wait3A_1258 = tpu.memref_squeeze %dma_wait3A_1257 : memref<1x8x128xf32, #tpu.memory_space<vmem>> -> memref<8x128xf32, #tpu.memory_space<vmem>>
        %dma_wait3A_1259 = arith.constant 0 : i32
        %dma_wait3A_1260 = arith.constant 0 : i32
        %dma_wait3A_1261 = tpu.memref_slice %arg4[%select_n3A_1149, %dma_wait3A_1253, %add3A_1251, %dma_wait3A_1259, %dma_wait3A_1260] : memref<50x8x128x8x128xf32, #tpu.memory_space<hbm>> -> memref<1x1x1x8x128xf32, #tpu.memory_space<hbm>>
        %dma_wait3A_1262 = tpu.memref_squeeze %dma_wait3A_1261 : memref<1x1x1x8x128xf32, #tpu.memory_space<hbm>> -> memref<8x128xf32, #tpu.memory_space<hbm>>
        %dma_wait3A_1263 = tpu.memref_slice %arg9[%dma_wait3A_1254] : memref<2x!tpu.dma_semaphore, #tpu.memory_space<semaphore_mem>> -> memref<1x!tpu.dma_semaphore, #tpu.memory_space<semaphore_mem>>
        %dma_wait3A_1264 = tpu.memref_squeeze %dma_wait3A_1263 : memref<1x!tpu.dma_semaphore, #tpu.memory_space<semaphore_mem>> -> memref<!tpu.dma_semaphore, #tpu.memory_space<semaphore_mem>>
        %dma_wait3A_1265 = arith.constant 0 : i32
        %dma_wait3A_1266 = arith.constant 0 : i32
        %dma_wait3A_1267 = tpu.memref_slice %arg4[%select_n3A_1149, %dma_wait3A_1253, %add3A_1251, %dma_wait3A_1265, %dma_wait3A_1266] : memref<50x8x128x8x128xf32, #tpu.memory_space<hbm>> -> memref<1x1x1x8x128xf32, #tpu.memory_space<hbm>>
        %dma_wait3A_1268 = tpu.memref_squeeze %dma_wait3A_1267 : memref<1x1x1x8x128xf32, #tpu.memory_space<hbm>> -> memref<8x128xf32, #tpu.memory_space<hbm>>
        %dma_wait3A_1269 = arith.constant 32 : i32
        %dma_wait3A_1270 = arith.constant 0 : i32
        %dma_wait3A_1271 = tpu.memref_slice %arg7[%dma_wait3A_1252, %dma_wait3A_1269, %dma_wait3A_1270] : memref<2x64x137xf32, #tpu.memory_space<vmem>> -> memref<1x8x128xf32, #tpu.memory_space<vmem>>
        %dma_wait3A_1272 = tpu.memref_squeeze %dma_wait3A_1271 : memref<1x8x128xf32, #tpu.memory_space<vmem>> -> memref<8x128xf32, #tpu.memory_space<vmem>>
        tpu.wait_dma2 semaphore(%dma_wait3A_1264 : memref<!tpu.dma_semaphore, #tpu.memory_space<semaphore_mem>>) src(%dma_wait3A_1272 : memref<8x128xf32, #tpu.memory_space<vmem>>) dst(%dma_wait3A_1268 : memref<8x128xf32, #tpu.memory_space<hbm>>)
        %mul3A_1273 = arith.constant 4 : i32
        %mul3A_1274 = arith.muli %add3A, %mul3A_1273 : i32
        %add3A_1275 = arith.addi %mul3A_1274, %sub3A_1152 : i32
        %dma_wait3A_1276 = arith.constant 0 : i32
        %dma_wait3A_1277 = arith.constant 5 : i32
        %dma_wait3A_1278 = arith.constant 0 : i32
        %dma_wait3A_1279 = arith.constant 40 : i32
        %dma_wait3A_1280 = arith.constant 0 : i32
        %dma_wait3A_1281 = tpu.memref_slice %arg7[%dma_wait3A_1276, %dma_wait3A_1279, %dma_wait3A_1280] : memref<2x64x137xf32, #tpu.memory_space<vmem>> -> memref<1x8x128xf32, #tpu.memory_space<vmem>>
        %dma_wait3A_1282 = tpu.memref_squeeze %dma_wait3A_1281 : memref<1x8x128xf32, #tpu.memory_space<vmem>> -> memref<8x128xf32, #tpu.memory_space<vmem>>
        %dma_wait3A_1283 = arith.constant 0 : i32
        %dma_wait3A_1284 = arith.constant 0 : i32
        %dma_wait3A_1285 = tpu.memref_slice %arg4[%select_n3A_1149, %dma_wait3A_1277, %add3A_1275, %dma_wait3A_1283, %dma_wait3A_1284] : memref<50x8x128x8x128xf32, #tpu.memory_space<hbm>> -> memref<1x1x1x8x128xf32, #tpu.memory_space<hbm>>
        %dma_wait3A_1286 = tpu.memref_squeeze %dma_wait3A_1285 : memref<1x1x1x8x128xf32, #tpu.memory_space<hbm>> -> memref<8x128xf32, #tpu.memory_space<hbm>>
        %dma_wait3A_1287 = tpu.memref_slice %arg9[%dma_wait3A_1278] : memref<2x!tpu.dma_semaphore, #tpu.memory_space<semaphore_mem>> -> memref<1x!tpu.dma_semaphore, #tpu.memory_space<semaphore_mem>>
        %dma_wait3A_1288 = tpu.memref_squeeze %dma_wait3A_1287 : memref<1x!tpu.dma_semaphore, #tpu.memory_space<semaphore_mem>> -> memref<!tpu.dma_semaphore, #tpu.memory_space<semaphore_mem>>
        %dma_wait3A_1289 = arith.constant 0 : i32
        %dma_wait3A_1290 = arith.constant 0 : i32
        %dma_wait3A_1291 = tpu.memref_slice %arg4[%select_n3A_1149, %dma_wait3A_1277, %add3A_1275, %dma_wait3A_1289, %dma_wait3A_1290] : memref<50x8x128x8x128xf32, #tpu.memory_space<hbm>> -> memref<1x1x1x8x128xf32, #tpu.memory_space<hbm>>
        %dma_wait3A_1292 = tpu.memref_squeeze %dma_wait3A_1291 : memref<1x1x1x8x128xf32, #tpu.memory_space<hbm>> -> memref<8x128xf32, #tpu.memory_space<hbm>>
        %dma_wait3A_1293 = arith.constant 40 : i32
        %dma_wait3A_1294 = arith.constant 0 : i32
        %dma_wait3A_1295 = tpu.memref_slice %arg7[%dma_wait3A_1276, %dma_wait3A_1293, %dma_wait3A_1294] : memref<2x64x137xf32, #tpu.memory_space<vmem>> -> memref<1x8x128xf32, #tpu.memory_space<vmem>>
        %dma_wait3A_1296 = tpu.memref_squeeze %dma_wait3A_1295 : memref<1x8x128xf32, #tpu.memory_space<vmem>> -> memref<8x128xf32, #tpu.memory_space<vmem>>
        tpu.wait_dma2 semaphore(%dma_wait3A_1288 : memref<!tpu.dma_semaphore, #tpu.memory_space<semaphore_mem>>) src(%dma_wait3A_1296 : memref<8x128xf32, #tpu.memory_space<vmem>>) dst(%dma_wait3A_1292 : memref<8x128xf32, #tpu.memory_space<hbm>>)
        %mul3A_1297 = arith.constant 4 : i32
        %mul3A_1298 = arith.muli %add3A, %mul3A_1297 : i32
        %add3A_1299 = arith.addi %mul3A_1298, %sub3A_1152 : i32
        %dma_wait3A_1300 = arith.constant 0 : i32
        %dma_wait3A_1301 = arith.constant 6 : i32
        %dma_wait3A_1302 = arith.constant 0 : i32
        %dma_wait3A_1303 = arith.constant 48 : i32
        %dma_wait3A_1304 = arith.constant 0 : i32
        %dma_wait3A_1305 = tpu.memref_slice %arg7[%dma_wait3A_1300, %dma_wait3A_1303, %dma_wait3A_1304] : memref<2x64x137xf32, #tpu.memory_space<vmem>> -> memref<1x8x128xf32, #tpu.memory_space<vmem>>
        %dma_wait3A_1306 = tpu.memref_squeeze %dma_wait3A_1305 : memref<1x8x128xf32, #tpu.memory_space<vmem>> -> memref<8x128xf32, #tpu.memory_space<vmem>>
        %dma_wait3A_1307 = arith.constant 0 : i32
        %dma_wait3A_1308 = arith.constant 0 : i32
        %dma_wait3A_1309 = tpu.memref_slice %arg4[%select_n3A_1149, %dma_wait3A_1301, %add3A_1299, %dma_wait3A_1307, %dma_wait3A_1308] : memref<50x8x128x8x128xf32, #tpu.memory_space<hbm>> -> memref<1x1x1x8x128xf32, #tpu.memory_space<hbm>>
        %dma_wait3A_1310 = tpu.memref_squeeze %dma_wait3A_1309 : memref<1x1x1x8x128xf32, #tpu.memory_space<hbm>> -> memref<8x128xf32, #tpu.memory_space<hbm>>
        %dma_wait3A_1311 = tpu.memref_slice %arg9[%dma_wait3A_1302] : memref<2x!tpu.dma_semaphore, #tpu.memory_space<semaphore_mem>> -> memref<1x!tpu.dma_semaphore, #tpu.memory_space<semaphore_mem>>
        %dma_wait3A_1312 = tpu.memref_squeeze %dma_wait3A_1311 : memref<1x!tpu.dma_semaphore, #tpu.memory_space<semaphore_mem>> -> memref<!tpu.dma_semaphore, #tpu.memory_space<semaphore_mem>>
        %dma_wait3A_1313 = arith.constant 0 : i32
        %dma_wait3A_1314 = arith.constant 0 : i32
        %dma_wait3A_1315 = tpu.memref_slice %arg4[%select_n3A_1149, %dma_wait3A_1301, %add3A_1299, %dma_wait3A_1313, %dma_wait3A_1314] : memref<50x8x128x8x128xf32, #tpu.memory_space<hbm>> -> memref<1x1x1x8x128xf32, #tpu.memory_space<hbm>>
        %dma_wait3A_1316 = tpu.memref_squeeze %dma_wait3A_1315 : memref<1x1x1x8x128xf32, #tpu.memory_space<hbm>> -> memref<8x128xf32, #tpu.memory_space<hbm>>
        %dma_wait3A_1317 = arith.constant 48 : i32
        %dma_wait3A_1318 = arith.constant 0 : i32
        %dma_wait3A_1319 = tpu.memref_slice %arg7[%dma_wait3A_1300, %dma_wait3A_1317, %dma_wait3A_1318] : memref<2x64x137xf32, #tpu.memory_space<vmem>> -> memref<1x8x128xf32, #tpu.memory_space<vmem>>
        %dma_wait3A_1320 = tpu.memref_squeeze %dma_wait3A_1319 : memref<1x8x128xf32, #tpu.memory_space<vmem>> -> memref<8x128xf32, #tpu.memory_space<vmem>>
        tpu.wait_dma2 semaphore(%dma_wait3A_1312 : memref<!tpu.dma_semaphore, #tpu.memory_space<semaphore_mem>>) src(%dma_wait3A_1320 : memref<8x128xf32, #tpu.memory_space<vmem>>) dst(%dma_wait3A_1316 : memref<8x128xf32, #tpu.memory_space<hbm>>)
        %mul3A_1321 = arith.constant 4 : i32
        %mul3A_1322 = arith.muli %add3A, %mul3A_1321 : i32
        %add3A_1323 = arith.addi %mul3A_1322, %sub3A_1152 : i32
        %dma_wait3A_1324 = arith.constant 0 : i32
        %dma_wait3A_1325 = arith.constant 7 : i32
        %dma_wait3A_1326 = arith.constant 0 : i32
        %dma_wait3A_1327 = arith.constant 56 : i32
        %dma_wait3A_1328 = arith.constant 0 : i32
        %dma_wait3A_1329 = tpu.memref_slice %arg7[%dma_wait3A_1324, %dma_wait3A_1327, %dma_wait3A_1328] : memref<2x64x137xf32, #tpu.memory_space<vmem>> -> memref<1x8x128xf32, #tpu.memory_space<vmem>>
        %dma_wait3A_1330 = tpu.memref_squeeze %dma_wait3A_1329 : memref<1x8x128xf32, #tpu.memory_space<vmem>> -> memref<8x128xf32, #tpu.memory_space<vmem>>
        %dma_wait3A_1331 = arith.constant 0 : i32
        %dma_wait3A_1332 = arith.constant 0 : i32
        %dma_wait3A_1333 = tpu.memref_slice %arg4[%select_n3A_1149, %dma_wait3A_1325, %add3A_1323, %dma_wait3A_1331, %dma_wait3A_1332] : memref<50x8x128x8x128xf32, #tpu.memory_space<hbm>> -> memref<1x1x1x8x128xf32, #tpu.memory_space<hbm>>
        %dma_wait3A_1334 = tpu.memref_squeeze %dma_wait3A_1333 : memref<1x1x1x8x128xf32, #tpu.memory_space<hbm>> -> memref<8x128xf32, #tpu.memory_space<hbm>>
        %dma_wait3A_1335 = tpu.memref_slice %arg9[%dma_wait3A_1326] : memref<2x!tpu.dma_semaphore, #tpu.memory_space<semaphore_mem>> -> memref<1x!tpu.dma_semaphore, #tpu.memory_space<semaphore_mem>>
        %dma_wait3A_1336 = tpu.memref_squeeze %dma_wait3A_1335 : memref<1x!tpu.dma_semaphore, #tpu.memory_space<semaphore_mem>> -> memref<!tpu.dma_semaphore, #tpu.memory_space<semaphore_mem>>
        %dma_wait3A_1337 = arith.constant 0 : i32
        %dma_wait3A_1338 = arith.constant 0 : i32
        %dma_wait3A_1339 = tpu.memref_slice %arg4[%select_n3A_1149, %dma_wait3A_1325, %add3A_1323, %dma_wait3A_1337, %dma_wait3A_1338] : memref<50x8x128x8x128xf32, #tpu.memory_space<hbm>> -> memref<1x1x1x8x128xf32, #tpu.memory_space<hbm>>
        %dma_wait3A_1340 = tpu.memref_squeeze %dma_wait3A_1339 : memref<1x1x1x8x128xf32, #tpu.memory_space<hbm>> -> memref<8x128xf32, #tpu.memory_space<hbm>>
        %dma_wait3A_1341 = arith.constant 56 : i32
        %dma_wait3A_1342 = arith.constant 0 : i32
        %dma_wait3A_1343 = tpu.memref_slice %arg7[%dma_wait3A_1324, %dma_wait3A_1341, %dma_wait3A_1342] : memref<2x64x137xf32, #tpu.memory_space<vmem>> -> memref<1x8x128xf32, #tpu.memory_space<vmem>>
        %dma_wait3A_1344 = tpu.memref_squeeze %dma_wait3A_1343 : memref<1x8x128xf32, #tpu.memory_space<vmem>> -> memref<8x128xf32, #tpu.memory_space<vmem>>
        tpu.wait_dma2 semaphore(%dma_wait3A_1336 : memref<!tpu.dma_semaphore, #tpu.memory_space<semaphore_mem>>) src(%dma_wait3A_1344 : memref<8x128xf32, #tpu.memory_space<vmem>>) dst(%dma_wait3A_1340 : memref<8x128xf32, #tpu.memory_space<hbm>>)
      } else {
      }
      %scan3A_560 = arith.constant 0 : i32
      %scan3A_561 = arith.constant 0 : i32
      %scan3A_562 = arith.constant 0 : i32
      %scan3A_563 = arith.constant 128 : i32
      %scan3A_564 = arith.addi %scan3A_562, %scan3A_563 : i32
      %scan3A_565 = arith.constant 8 : i32
      scf.for %scan3A_1124 = %scan3A_562 to %scan3A_564 step %scan3A_565  : i32 {
        %mul3A_1125 = arith.constant 1 : i32
        %mul3A_1126 = arith.muli %scan3A_1124, %mul3A_1125 : i32
        %add3A_1127 = arith.constant 0 : i32
        %add3A_1128 = arith.addi %add3A_1127, %mul3A_1126 : i32
        %broadcast_in_dim3A = vector.broadcast %add3A_1128 : i32 to vector<16xi32>
        %get3A = arith.constant 0 : i32
        %get3A_1129 = arith.constant 0 : i32
        %get3A_1130 = tpu.memref_slice %arg6[%scan3A_560, %get3A, %get3A_1129] : memref<2x128x64xf32, #tpu.memory_space<vmem>> -> memref<1x128x64xf32, #tpu.memory_space<vmem>>
        %get3A_1131 = tpu.memref_squeeze %get3A_1130 : memref<1x128x64xf32, #tpu.memory_space<vmem>> -> memref<128x64xf32, #tpu.memory_space<vmem>>
        %get3A_1132 = arith.index_cast %add3A_1128 : i32 to index
        %get3A_1133 = arith.constant 0 : index
        %get3A_1134 = tpu.vector_load %get3A_1131[%get3A_1132, %get3A_1133] {strides = array<i32>} : memref<128x64xf32, #tpu.memory_space<vmem>>, vector<16xf32>,
        %scatter3A = arith.constant 0 : i32
        %scatter3A_1135 = arith.constant 0 : i32
        %scatter3A_1136 = tpu.memref_slice %arg7[%scan3A_561, %scatter3A, %scatter3A_1135] : memref<2x64x137xf32, #tpu.memory_space<vmem>> -> memref<1x64x137xf32, #tpu.memory_space<vmem>>
        %scatter3A_1137 = tpu.memref_squeeze %scatter3A_1136 : memref<1x64x137xf32, #tpu.memory_space<vmem>> -> memref<64x137xf32, #tpu.memory_space<vmem>>
        tpu.vector_store_idx %scatter3A_1137[%add3A_3, %broadcast_in_dim3A], %get3A_1134 : memref<64x137xf32, #tpu.memory_space<vmem>>[vector<16xi32>, vector<16xi32>], vector<16xf32>,
        %get3A_1138 = arith.constant 0 : i32
        %get3A_1139 = arith.constant 0 : i32
        %get3A_1140 = tpu.memref_slice %arg6[%scan3A_560, %get3A_1138, %get3A_1139] : memref<2x128x64xf32, #tpu.memory_space<vmem>> -> memref<1x128x64xf32, #tpu.memory_space<vmem>>
        %get3A_1141 = tpu.memref_squeeze %get3A_1140 : memref<1x128x64xf32, #tpu.memory_space<vmem>> -> memref<128x64xf32, #tpu.memory_space<vmem>>
        %get3A_1142 = arith.index_cast %add3A_1128 : i32 to index
        %get3A_1143 = arith.constant 16 : index
        %get3A_1144 = tpu.vector_load %get3A_1141[%get3A_1142, %get3A_1143] {strides = array<i32>} : memref<128x64xf32, #tpu.memory_space<vmem>>, vector<16xf32>,
        %scatter3A_1145 = arith.constant 0 : i32
        %scatter3A_1146 = arith.constant 0 : i32
        %scatter3A_1147 = tpu.memref_slice %arg7[%scan3A_561, %scatter3A_1145, %scatter3A_1146] : memref<2x64x137xf32, #tpu.memory_space<vmem>> -> memref<1x64x137xf32, #tpu.memory_space<vmem>>
        %scatter3A_1148 = tpu.memref_squeeze %scatter3A_1147 : memref<1x64x137xf32, #tpu.memory_space<vmem>> -> memref<64x137xf32, #tpu.memory_space<vmem>>
        tpu.vector_store_idx %scatter3A_1148[%add3A_6, %broadcast_in_dim3A], %get3A_1144 : memref<64x137xf32, #tpu.memory_space<vmem>>[vector<16xi32>, vector<16xi32>], vector<16xf32>,
        %get3A_1149 = arith.constant 0 : i32
        %get3A_1150 = arith.constant 0 : i32
        %get3A_1151 = tpu.memref_slice %arg6[%scan3A_560, %get3A_1149, %get3A_1150] : memref<2x128x64xf32, #tpu.memory_space<vmem>> -> memref<1x128x64xf32, #tpu.memory_space<vmem>>
        %get3A_1152 = tpu.memref_squeeze %get3A_1151 : memref<1x128x64xf32, #tpu.memory_space<vmem>> -> memref<128x64xf32, #tpu.memory_space<vmem>>
        %get3A_1153 = arith.index_cast %add3A_1128 : i32 to index
        %get3A_1154 = arith.constant 32 : index
        %get3A_1155 = tpu.vector_load %get3A_1152[%get3A_1153, %get3A_1154] {strides = array<i32>} : memref<128x64xf32, #tpu.memory_space<vmem>>, vector<16xf32>,
        %scatter3A_1156 = arith.constant 0 : i32
        %scatter3A_1157 = arith.constant 0 : i32
        %scatter3A_1158 = tpu.memref_slice %arg7[%scan3A_561, %scatter3A_1156, %scatter3A_1157] : memref<2x64x137xf32, #tpu.memory_space<vmem>> -> memref<1x64x137xf32, #tpu.memory_space<vmem>>
        %scatter3A_1159 = tpu.memref_squeeze %scatter3A_1158 : memref<1x64x137xf32, #tpu.memory_space<vmem>> -> memref<64x137xf32, #tpu.memory_space<vmem>>
        tpu.vector_store_idx %scatter3A_1159[%add3A_9, %broadcast_in_dim3A], %get3A_1155 : memref<64x137xf32, #tpu.memory_space<vmem>>[vector<16xi32>, vector<16xi32>], vector<16xf32>,
        %get3A_1160 = arith.constant 0 : i32
        %get3A_1161 = arith.constant 0 : i32
        %get3A_1162 = tpu.memref_slice %arg6[%scan3A_560, %get3A_1160, %get3A_1161] : memref<2x128x64xf32, #tpu.memory_space<vmem>> -> memref<1x128x64xf32, #tpu.memory_space<vmem>>
        %get3A_1163 = tpu.memref_squeeze %get3A_1162 : memref<1x128x64xf32, #tpu.memory_space<vmem>> -> memref<128x64xf32, #tpu.memory_space<vmem>>
        %get3A_1164 = arith.index_cast %add3A_1128 : i32 to index
        %get3A_1165 = arith.constant 48 : index
        %get3A_1166 = tpu.vector_load %get3A_1163[%get3A_1164, %get3A_1165] {strides = array<i32>} : memref<128x64xf32, #tpu.memory_space<vmem>>, vector<16xf32>,
        %scatter3A_1167 = arith.constant 0 : i32
        %scatter3A_1168 = arith.constant 0 : i32
        %scatter3A_1169 = tpu.memref_slice %arg7[%scan3A_561, %scatter3A_1167, %scatter3A_1168] : memref<2x64x137xf32, #tpu.memory_space<vmem>> -> memref<1x64x137xf32, #tpu.memory_space<vmem>>
        %scatter3A_1170 = tpu.memref_squeeze %scatter3A_1169 : memref<1x64x137xf32, #tpu.memory_space<vmem>> -> memref<64x137xf32, #tpu.memory_space<vmem>>
        tpu.vector_store_idx %scatter3A_1170[%add3A_12, %broadcast_in_dim3A], %get3A_1166 : memref<64x137xf32, #tpu.memory_space<vmem>>[vector<16xi32>, vector<16xi32>], vector<16xf32>,
        %scan3A_1171 = arith.constant 1 : i32
        %scan3A_1172 = arith.addi %scan3A_1124, %scan3A_1171 : i32
        %mul3A_1173 = arith.constant 1 : i32
        %mul3A_1174 = arith.muli %scan3A_1172, %mul3A_1173 : i32
        %add3A_1175 = arith.constant 0 : i32
        %add3A_1176 = arith.addi %add3A_1175, %mul3A_1174 : i32
        %broadcast_in_dim3A_1177 = vector.broadcast %add3A_1176 : i32 to vector<16xi32>
        %get3A_1178 = arith.constant 0 : i32
        %get3A_1179 = arith.constant 0 : i32
        %get3A_1180 = tpu.memref_slice %arg6[%scan3A_560, %get3A_1178, %get3A_1179] : memref<2x128x64xf32, #tpu.memory_space<vmem>> -> memref<1x128x64xf32, #tpu.memory_space<vmem>>
        %get3A_1181 = tpu.memref_squeeze %get3A_1180 : memref<1x128x64xf32, #tpu.memory_space<vmem>> -> memref<128x64xf32, #tpu.memory_space<vmem>>
        %get3A_1182 = arith.index_cast %add3A_1176 : i32 to index
        %get3A_1183 = arith.constant 0 : index
        %get3A_1184 = tpu.vector_load %get3A_1181[%get3A_1182, %get3A_1183] {strides = array<i32>} : memref<128x64xf32, #tpu.memory_space<vmem>>, vector<16xf32>,
        %scatter3A_1185 = arith.constant 0 : i32
        %scatter3A_1186 = arith.constant 0 : i32
        %scatter3A_1187 = tpu.memref_slice %arg7[%scan3A_561, %scatter3A_1185, %scatter3A_1186] : memref<2x64x137xf32, #tpu.memory_space<vmem>> -> memref<1x64x137xf32, #tpu.memory_space<vmem>>
        %scatter3A_1188 = tpu.memref_squeeze %scatter3A_1187 : memref<1x64x137xf32, #tpu.memory_space<vmem>> -> memref<64x137xf32, #tpu.memory_space<vmem>>
        tpu.vector_store_idx %scatter3A_1188[%add3A_3, %broadcast_in_dim3A_1177], %get3A_1184 : memref<64x137xf32, #tpu.memory_space<vmem>>[vector<16xi32>, vector<16xi32>], vector<16xf32>,
        %get3A_1189 = arith.constant 0 : i32
        %get3A_1190 = arith.constant 0 : i32
        %get3A_1191 = tpu.memref_slice %arg6[%scan3A_560, %get3A_1189, %get3A_1190] : memref<2x128x64xf32, #tpu.memory_space<vmem>> -> memref<1x128x64xf32, #tpu.memory_space<vmem>>
        %get3A_1192 = tpu.memref_squeeze %get3A_1191 : memref<1x128x64xf32, #tpu.memory_space<vmem>> -> memref<128x64xf32, #tpu.memory_space<vmem>>
        %get3A_1193 = arith.index_cast %add3A_1176 : i32 to index
        %get3A_1194 = arith.constant 16 : index
        %get3A_1195 = tpu.vector_load %get3A_1192[%get3A_1193, %get3A_1194] {strides = array<i32>} : memref<128x64xf32, #tpu.memory_space<vmem>>, vector<16xf32>,
        %scatter3A_1196 = arith.constant 0 : i32
        %scatter3A_1197 = arith.constant 0 : i32
        %scatter3A_1198 = tpu.memref_slice %arg7[%scan3A_561, %scatter3A_1196, %scatter3A_1197] : memref<2x64x137xf32, #tpu.memory_space<vmem>> -> memref<1x64x137xf32, #tpu.memory_space<vmem>>
        %scatter3A_1199 = tpu.memref_squeeze %scatter3A_1198 : memref<1x64x137xf32, #tpu.memory_space<vmem>> -> memref<64x137xf32, #tpu.memory_space<vmem>>
        tpu.vector_store_idx %scatter3A_1199[%add3A_6, %broadcast_in_dim3A_1177], %get3A_1195 : memref<64x137xf32, #tpu.memory_space<vmem>>[vector<16xi32>, vector<16xi32>], vector<16xf32>,
        %get3A_1200 = arith.constant 0 : i32
        %get3A_1201 = arith.constant 0 : i32
        %get3A_1202 = tpu.memref_slice %arg6[%scan3A_560, %get3A_1200, %get3A_1201] : memref<2x128x64xf32, #tpu.memory_space<vmem>> -> memref<1x128x64xf32, #tpu.memory_space<vmem>>
        %get3A_1203 = tpu.memref_squeeze %get3A_1202 : memref<1x128x64xf32, #tpu.memory_space<vmem>> -> memref<128x64xf32, #tpu.memory_space<vmem>>
        %get3A_1204 = arith.index_cast %add3A_1176 : i32 to index
        %get3A_1205 = arith.constant 32 : index
        %get3A_1206 = tpu.vector_load %get3A_1203[%get3A_1204, %get3A_1205] {strides = array<i32>} : memref<128x64xf32, #tpu.memory_space<vmem>>, vector<16xf32>,
        %scatter3A_1207 = arith.constant 0 : i32
        %scatter3A_1208 = arith.constant 0 : i32
        %scatter3A_1209 = tpu.memref_slice %arg7[%scan3A_561, %scatter3A_1207, %scatter3A_1208] : memref<2x64x137xf32, #tpu.memory_space<vmem>> -> memref<1x64x137xf32, #tpu.memory_space<vmem>>
        %scatter3A_1210 = tpu.memref_squeeze %scatter3A_1209 : memref<1x64x137xf32, #tpu.memory_space<vmem>> -> memref<64x137xf32, #tpu.memory_space<vmem>>
        tpu.vector_store_idx %scatter3A_1210[%add3A_9, %broadcast_in_dim3A_1177], %get3A_1206 : memref<64x137xf32, #tpu.memory_space<vmem>>[vector<16xi32>, vector<16xi32>], vector<16xf32>,
        %get3A_1211 = arith.constant 0 : i32
        %get3A_1212 = arith.constant 0 : i32
        %get3A_1213 = tpu.memref_slice %arg6[%scan3A_560, %get3A_1211, %get3A_1212] : memref<2x128x64xf32, #tpu.memory_space<vmem>> -> memref<1x128x64xf32, #tpu.memory_space<vmem>>
        %get3A_1214 = tpu.memref_squeeze %get3A_1213 : memref<1x128x64xf32, #tpu.memory_space<vmem>> -> memref<128x64xf32, #tpu.memory_space<vmem>>
        %get3A_1215 = arith.index_cast %add3A_1176 : i32 to index
        %get3A_1216 = arith.constant 48 : index
        %get3A_1217 = tpu.vector_load %get3A_1214[%get3A_1215, %get3A_1216] {strides = array<i32>} : memref<128x64xf32, #tpu.memory_space<vmem>>, vector<16xf32>,
        %scatter3A_1218 = arith.constant 0 : i32
        %scatter3A_1219 = arith.constant 0 : i32
        %scatter3A_1220 = tpu.memref_slice %arg7[%scan3A_561, %scatter3A_1218, %scatter3A_1219] : memref<2x64x137xf32, #tpu.memory_space<vmem>> -> memref<1x64x137xf32, #tpu.memory_space<vmem>>
        %scatter3A_1221 = tpu.memref_squeeze %scatter3A_1220 : memref<1x64x137xf32, #tpu.memory_space<vmem>> -> memref<64x137xf32, #tpu.memory_space<vmem>>
        tpu.vector_store_idx %scatter3A_1221[%add3A_12, %broadcast_in_dim3A_1177], %get3A_1217 : memref<64x137xf32, #tpu.memory_space<vmem>>[vector<16xi32>, vector<16xi32>], vector<16xf32>,
        %scan3A_1222 = arith.constant 2 : i32
        %scan3A_1223 = arith.addi %scan3A_1124, %scan3A_1222 : i32
        %mul3A_1224 = arith.constant 1 : i32
        %mul3A_1225 = arith.muli %scan3A_1223, %mul3A_1224 : i32
        %add3A_1226 = arith.constant 0 : i32
        %add3A_1227 = arith.addi %add3A_1226, %mul3A_1225 : i32
        %broadcast_in_dim3A_1228 = vector.broadcast %add3A_1227 : i32 to vector<16xi32>
        %get3A_1229 = arith.constant 0 : i32
        %get3A_1230 = arith.constant 0 : i32
        %get3A_1231 = tpu.memref_slice %arg6[%scan3A_560, %get3A_1229, %get3A_1230] : memref<2x128x64xf32, #tpu.memory_space<vmem>> -> memref<1x128x64xf32, #tpu.memory_space<vmem>>
        %get3A_1232 = tpu.memref_squeeze %get3A_1231 : memref<1x128x64xf32, #tpu.memory_space<vmem>> -> memref<128x64xf32, #tpu.memory_space<vmem>>
        %get3A_1233 = arith.index_cast %add3A_1227 : i32 to index
        %get3A_1234 = arith.constant 0 : index
        %get3A_1235 = tpu.vector_load %get3A_1232[%get3A_1233, %get3A_1234] {strides = array<i32>} : memref<128x64xf32, #tpu.memory_space<vmem>>, vector<16xf32>,
        %scatter3A_1236 = arith.constant 0 : i32
        %scatter3A_1237 = arith.constant 0 : i32
        %scatter3A_1238 = tpu.memref_slice %arg7[%scan3A_561, %scatter3A_1236, %scatter3A_1237] : memref<2x64x137xf32, #tpu.memory_space<vmem>> -> memref<1x64x137xf32, #tpu.memory_space<vmem>>
        %scatter3A_1239 = tpu.memref_squeeze %scatter3A_1238 : memref<1x64x137xf32, #tpu.memory_space<vmem>> -> memref<64x137xf32, #tpu.memory_space<vmem>>
        tpu.vector_store_idx %scatter3A_1239[%add3A_3, %broadcast_in_dim3A_1228], %get3A_1235 : memref<64x137xf32, #tpu.memory_space<vmem>>[vector<16xi32>, vector<16xi32>], vector<16xf32>,
        %get3A_1240 = arith.constant 0 : i32
        %get3A_1241 = arith.constant 0 : i32
        %get3A_1242 = tpu.memref_slice %arg6[%scan3A_560, %get3A_1240, %get3A_1241] : memref<2x128x64xf32, #tpu.memory_space<vmem>> -> memref<1x128x64xf32, #tpu.memory_space<vmem>>
        %get3A_1243 = tpu.memref_squeeze %get3A_1242 : memref<1x128x64xf32, #tpu.memory_space<vmem>> -> memref<128x64xf32, #tpu.memory_space<vmem>>
        %get3A_1244 = arith.index_cast %add3A_1227 : i32 to index
        %get3A_1245 = arith.constant 16 : index
        %get3A_1246 = tpu.vector_load %get3A_1243[%get3A_1244, %get3A_1245] {strides = array<i32>} : memref<128x64xf32, #tpu.memory_space<vmem>>, vector<16xf32>,
        %scatter3A_1247 = arith.constant 0 : i32
        %scatter3A_1248 = arith.constant 0 : i32
        %scatter3A_1249 = tpu.memref_slice %arg7[%scan3A_561, %scatter3A_1247, %scatter3A_1248] : memref<2x64x137xf32, #tpu.memory_space<vmem>> -> memref<1x64x137xf32, #tpu.memory_space<vmem>>
        %scatter3A_1250 = tpu.memref_squeeze %scatter3A_1249 : memref<1x64x137xf32, #tpu.memory_space<vmem>> -> memref<64x137xf32, #tpu.memory_space<vmem>>
        tpu.vector_store_idx %scatter3A_1250[%add3A_6, %broadcast_in_dim3A_1228], %get3A_1246 : memref<64x137xf32, #tpu.memory_space<vmem>>[vector<16xi32>, vector<16xi32>], vector<16xf32>,
        %get3A_1251 = arith.constant 0 : i32
        %get3A_1252 = arith.constant 0 : i32
        %get3A_1253 = tpu.memref_slice %arg6[%scan3A_560, %get3A_1251, %get3A_1252] : memref<2x128x64xf32, #tpu.memory_space<vmem>> -> memref<1x128x64xf32, #tpu.memory_space<vmem>>
        %get3A_1254 = tpu.memref_squeeze %get3A_1253 : memref<1x128x64xf32, #tpu.memory_space<vmem>> -> memref<128x64xf32, #tpu.memory_space<vmem>>
        %get3A_1255 = arith.index_cast %add3A_1227 : i32 to index
        %get3A_1256 = arith.constant 32 : index
        %get3A_1257 = tpu.vector_load %get3A_1254[%get3A_1255, %get3A_1256] {strides = array<i32>} : memref<128x64xf32, #tpu.memory_space<vmem>>, vector<16xf32>,
        %scatter3A_1258 = arith.constant 0 : i32
        %scatter3A_1259 = arith.constant 0 : i32
        %scatter3A_1260 = tpu.memref_slice %arg7[%scan3A_561, %scatter3A_1258, %scatter3A_1259] : memref<2x64x137xf32, #tpu.memory_space<vmem>> -> memref<1x64x137xf32, #tpu.memory_space<vmem>>
        %scatter3A_1261 = tpu.memref_squeeze %scatter3A_1260 : memref<1x64x137xf32, #tpu.memory_space<vmem>> -> memref<64x137xf32, #tpu.memory_space<vmem>>
        tpu.vector_store_idx %scatter3A_1261[%add3A_9, %broadcast_in_dim3A_1228], %get3A_1257 : memref<64x137xf32, #tpu.memory_space<vmem>>[vector<16xi32>, vector<16xi32>], vector<16xf32>,
        %get3A_1262 = arith.constant 0 : i32
        %get3A_1263 = arith.constant 0 : i32
        %get3A_1264 = tpu.memref_slice %arg6[%scan3A_560, %get3A_1262, %get3A_1263] : memref<2x128x64xf32, #tpu.memory_space<vmem>> -> memref<1x128x64xf32, #tpu.memory_space<vmem>>
        %get3A_1265 = tpu.memref_squeeze %get3A_1264 : memref<1x128x64xf32, #tpu.memory_space<vmem>> -> memref<128x64xf32, #tpu.memory_space<vmem>>
        %get3A_1266 = arith.index_cast %add3A_1227 : i32 to index
        %get3A_1267 = arith.constant 48 : index
        %get3A_1268 = tpu.vector_load %get3A_1265[%get3A_1266, %get3A_1267] {strides = array<i32>} : memref<128x64xf32, #tpu.memory_space<vmem>>, vector<16xf32>,
        %scatter3A_1269 = arith.constant 0 : i32
        %scatter3A_1270 = arith.constant 0 : i32
        %scatter3A_1271 = tpu.memref_slice %arg7[%scan3A_561, %scatter3A_1269, %scatter3A_1270] : memref<2x64x137xf32, #tpu.memory_space<vmem>> -> memref<1x64x137xf32, #tpu.memory_space<vmem>>
        %scatter3A_1272 = tpu.memref_squeeze %scatter3A_1271 : memref<1x64x137xf32, #tpu.memory_space<vmem>> -> memref<64x137xf32, #tpu.memory_space<vmem>>
        tpu.vector_store_idx %scatter3A_1272[%add3A_12, %broadcast_in_dim3A_1228], %get3A_1268 : memref<64x137xf32, #tpu.memory_space<vmem>>[vector<16xi32>, vector<16xi32>], vector<16xf32>,
        %scan3A_1273 = arith.constant 3 : i32
        %scan3A_1274 = arith.addi %scan3A_1124, %scan3A_1273 : i32
        %mul3A_1275 = arith.constant 1 : i32
        %mul3A_1276 = arith.muli %scan3A_1274, %mul3A_1275 : i32
        %add3A_1277 = arith.constant 0 : i32
        %add3A_1278 = arith.addi %add3A_1277, %mul3A_1276 : i32
        %broadcast_in_dim3A_1279 = vector.broadcast %add3A_1278 : i32 to vector<16xi32>
        %get3A_1280 = arith.constant 0 : i32
        %get3A_1281 = arith.constant 0 : i32
        %get3A_1282 = tpu.memref_slice %arg6[%scan3A_560, %get3A_1280, %get3A_1281] : memref<2x128x64xf32, #tpu.memory_space<vmem>> -> memref<1x128x64xf32, #tpu.memory_space<vmem>>
        %get3A_1283 = tpu.memref_squeeze %get3A_1282 : memref<1x128x64xf32, #tpu.memory_space<vmem>> -> memref<128x64xf32, #tpu.memory_space<vmem>>
        %get3A_1284 = arith.index_cast %add3A_1278 : i32 to index
        %get3A_1285 = arith.constant 0 : index
        %get3A_1286 = tpu.vector_load %get3A_1283[%get3A_1284, %get3A_1285] {strides = array<i32>} : memref<128x64xf32, #tpu.memory_space<vmem>>, vector<16xf32>,
        %scatter3A_1287 = arith.constant 0 : i32
        %scatter3A_1288 = arith.constant 0 : i32
        %scatter3A_1289 = tpu.memref_slice %arg7[%scan3A_561, %scatter3A_1287, %scatter3A_1288] : memref<2x64x137xf32, #tpu.memory_space<vmem>> -> memref<1x64x137xf32, #tpu.memory_space<vmem>>
        %scatter3A_1290 = tpu.memref_squeeze %scatter3A_1289 : memref<1x64x137xf32, #tpu.memory_space<vmem>> -> memref<64x137xf32, #tpu.memory_space<vmem>>
        tpu.vector_store_idx %scatter3A_1290[%add3A_3, %broadcast_in_dim3A_1279], %get3A_1286 : memref<64x137xf32, #tpu.memory_space<vmem>>[vector<16xi32>, vector<16xi32>], vector<16xf32>,
        %get3A_1291 = arith.constant 0 : i32
        %get3A_1292 = arith.constant 0 : i32
        %get3A_1293 = tpu.memref_slice %arg6[%scan3A_560, %get3A_1291, %get3A_1292] : memref<2x128x64xf32, #tpu.memory_space<vmem>> -> memref<1x128x64xf32, #tpu.memory_space<vmem>>
        %get3A_1294 = tpu.memref_squeeze %get3A_1293 : memref<1x128x64xf32, #tpu.memory_space<vmem>> -> memref<128x64xf32, #tpu.memory_space<vmem>>
        %get3A_1295 = arith.index_cast %add3A_1278 : i32 to index
        %get3A_1296 = arith.constant 16 : index
        %get3A_1297 = tpu.vector_load %get3A_1294[%get3A_1295, %get3A_1296] {strides = array<i32>} : memref<128x64xf32, #tpu.memory_space<vmem>>, vector<16xf32>,
        %scatter3A_1298 = arith.constant 0 : i32
        %scatter3A_1299 = arith.constant 0 : i32
        %scatter3A_1300 = tpu.memref_slice %arg7[%scan3A_561, %scatter3A_1298, %scatter3A_1299] : memref<2x64x137xf32, #tpu.memory_space<vmem>> -> memref<1x64x137xf32, #tpu.memory_space<vmem>>
        %scatter3A_1301 = tpu.memref_squeeze %scatter3A_1300 : memref<1x64x137xf32, #tpu.memory_space<vmem>> -> memref<64x137xf32, #tpu.memory_space<vmem>>
        tpu.vector_store_idx %scatter3A_1301[%add3A_6, %broadcast_in_dim3A_1279], %get3A_1297 : memref<64x137xf32, #tpu.memory_space<vmem>>[vector<16xi32>, vector<16xi32>], vector<16xf32>,
        %get3A_1302 = arith.constant 0 : i32
        %get3A_1303 = arith.constant 0 : i32
        %get3A_1304 = tpu.memref_slice %arg6[%scan3A_560, %get3A_1302, %get3A_1303] : memref<2x128x64xf32, #tpu.memory_space<vmem>> -> memref<1x128x64xf32, #tpu.memory_space<vmem>>
        %get3A_1305 = tpu.memref_squeeze %get3A_1304 : memref<1x128x64xf32, #tpu.memory_space<vmem>> -> memref<128x64xf32, #tpu.memory_space<vmem>>
        %get3A_1306 = arith.index_cast %add3A_1278 : i32 to index
        %get3A_1307 = arith.constant 32 : index
        %get3A_1308 = tpu.vector_load %get3A_1305[%get3A_1306, %get3A_1307] {strides = array<i32>} : memref<128x64xf32, #tpu.memory_space<vmem>>, vector<16xf32>,
        %scatter3A_1309 = arith.constant 0 : i32
        %scatter3A_1310 = arith.constant 0 : i32
        %scatter3A_1311 = tpu.memref_slice %arg7[%scan3A_561, %scatter3A_1309, %scatter3A_1310] : memref<2x64x137xf32, #tpu.memory_space<vmem>> -> memref<1x64x137xf32, #tpu.memory_space<vmem>>
        %scatter3A_1312 = tpu.memref_squeeze %scatter3A_1311 : memref<1x64x137xf32, #tpu.memory_space<vmem>> -> memref<64x137xf32, #tpu.memory_space<vmem>>
        tpu.vector_store_idx %scatter3A_1312[%add3A_9, %broadcast_in_dim3A_1279], %get3A_1308 : memref<64x137xf32, #tpu.memory_space<vmem>>[vector<16xi32>, vector<16xi32>], vector<16xf32>,
        %get3A_1313 = arith.constant 0 : i32
        %get3A_1314 = arith.constant 0 : i32
        %get3A_1315 = tpu.memref_slice %arg6[%scan3A_560, %get3A_1313, %get3A_1314] : memref<2x128x64xf32, #tpu.memory_space<vmem>> -> memref<1x128x64xf32, #tpu.memory_space<vmem>>
        %get3A_1316 = tpu.memref_squeeze %get3A_1315 : memref<1x128x64xf32, #tpu.memory_space<vmem>> -> memref<128x64xf32, #tpu.memory_space<vmem>>
        %get3A_1317 = arith.index_cast %add3A_1278 : i32 to index
        %get3A_1318 = arith.constant 48 : index
        %get3A_1319 = tpu.vector_load %get3A_1316[%get3A_1317, %get3A_1318] {strides = array<i32>} : memref<128x64xf32, #tpu.memory_space<vmem>>, vector<16xf32>,
        %scatter3A_1320 = arith.constant 0 : i32
        %scatter3A_1321 = arith.constant 0 : i32
        %scatter3A_1322 = tpu.memref_slice %arg7[%scan3A_561, %scatter3A_1320, %scatter3A_1321] : memref<2x64x137xf32, #tpu.memory_space<vmem>> -> memref<1x64x137xf32, #tpu.memory_space<vmem>>
        %scatter3A_1323 = tpu.memref_squeeze %scatter3A_1322 : memref<1x64x137xf32, #tpu.memory_space<vmem>> -> memref<64x137xf32, #tpu.memory_space<vmem>>
        tpu.vector_store_idx %scatter3A_1323[%add3A_12, %broadcast_in_dim3A_1279], %get3A_1319 : memref<64x137xf32, #tpu.memory_space<vmem>>[vector<16xi32>, vector<16xi32>], vector<16xf32>,
        %scan3A_1324 = arith.constant 4 : i32
        %scan3A_1325 = arith.addi %scan3A_1124, %scan3A_1324 : i32
        %mul3A_1326 = arith.constant 1 : i32
        %mul3A_1327 = arith.muli %scan3A_1325, %mul3A_1326 : i32
        %add3A_1328 = arith.constant 0 : i32
        %add3A_1329 = arith.addi %add3A_1328, %mul3A_1327 : i32
        %broadcast_in_dim3A_1330 = vector.broadcast %add3A_1329 : i32 to vector<16xi32>
        %get3A_1331 = arith.constant 0 : i32
        %get3A_1332 = arith.constant 0 : i32
        %get3A_1333 = tpu.memref_slice %arg6[%scan3A_560, %get3A_1331, %get3A_1332] : memref<2x128x64xf32, #tpu.memory_space<vmem>> -> memref<1x128x64xf32, #tpu.memory_space<vmem>>
        %get3A_1334 = tpu.memref_squeeze %get3A_1333 : memref<1x128x64xf32, #tpu.memory_space<vmem>> -> memref<128x64xf32, #tpu.memory_space<vmem>>
        %get3A_1335 = arith.index_cast %add3A_1329 : i32 to index
        %get3A_1336 = arith.constant 0 : index
        %get3A_1337 = tpu.vector_load %get3A_1334[%get3A_1335, %get3A_1336] {strides = array<i32>} : memref<128x64xf32, #tpu.memory_space<vmem>>, vector<16xf32>,
        %scatter3A_1338 = arith.constant 0 : i32
        %scatter3A_1339 = arith.constant 0 : i32
        %scatter3A_1340 = tpu.memref_slice %arg7[%scan3A_561, %scatter3A_1338, %scatter3A_1339] : memref<2x64x137xf32, #tpu.memory_space<vmem>> -> memref<1x64x137xf32, #tpu.memory_space<vmem>>
        %scatter3A_1341 = tpu.memref_squeeze %scatter3A_1340 : memref<1x64x137xf32, #tpu.memory_space<vmem>> -> memref<64x137xf32, #tpu.memory_space<vmem>>
        tpu.vector_store_idx %scatter3A_1341[%add3A_3, %broadcast_in_dim3A_1330], %get3A_1337 : memref<64x137xf32, #tpu.memory_space<vmem>>[vector<16xi32>, vector<16xi32>], vector<16xf32>,
        %get3A_1342 = arith.constant 0 : i32
        %get3A_1343 = arith.constant 0 : i32
        %get3A_1344 = tpu.memref_slice %arg6[%scan3A_560, %get3A_1342, %get3A_1343] : memref<2x128x64xf32, #tpu.memory_space<vmem>> -> memref<1x128x64xf32, #tpu.memory_space<vmem>>
        %get3A_1345 = tpu.memref_squeeze %get3A_1344 : memref<1x128x64xf32, #tpu.memory_space<vmem>> -> memref<128x64xf32, #tpu.memory_space<vmem>>
        %get3A_1346 = arith.index_cast %add3A_1329 : i32 to index
        %get3A_1347 = arith.constant 16 : index
        %get3A_1348 = tpu.vector_load %get3A_1345[%get3A_1346, %get3A_1347] {strides = array<i32>} : memref<128x64xf32, #tpu.memory_space<vmem>>, vector<16xf32>,
        %scatter3A_1349 = arith.constant 0 : i32
        %scatter3A_1350 = arith.constant 0 : i32
        %scatter3A_1351 = tpu.memref_slice %arg7[%scan3A_561, %scatter3A_1349, %scatter3A_1350] : memref<2x64x137xf32, #tpu.memory_space<vmem>> -> memref<1x64x137xf32, #tpu.memory_space<vmem>>
        %scatter3A_1352 = tpu.memref_squeeze %scatter3A_1351 : memref<1x64x137xf32, #tpu.memory_space<vmem>> -> memref<64x137xf32, #tpu.memory_space<vmem>>
        tpu.vector_store_idx %scatter3A_1352[%add3A_6, %broadcast_in_dim3A_1330], %get3A_1348 : memref<64x137xf32, #tpu.memory_space<vmem>>[vector<16xi32>, vector<16xi32>], vector<16xf32>,
        %get3A_1353 = arith.constant 0 : i32
        %get3A_1354 = arith.constant 0 : i32
        %get3A_1355 = tpu.memref_slice %arg6[%scan3A_560, %get3A_1353, %get3A_1354] : memref<2x128x64xf32, #tpu.memory_space<vmem>> -> memref<1x128x64xf32, #tpu.memory_space<vmem>>
        %get3A_1356 = tpu.memref_squeeze %get3A_1355 : memref<1x128x64xf32, #tpu.memory_space<vmem>> -> memref<128x64xf32, #tpu.memory_space<vmem>>
        %get3A_1357 = arith.index_cast %add3A_1329 : i32 to index
        %get3A_1358 = arith.constant 32 : index
        %get3A_1359 = tpu.vector_load %get3A_1356[%get3A_1357, %get3A_1358] {strides = array<i32>} : memref<128x64xf32, #tpu.memory_space<vmem>>, vector<16xf32>,
        %scatter3A_1360 = arith.constant 0 : i32
        %scatter3A_1361 = arith.constant 0 : i32
        %scatter3A_1362 = tpu.memref_slice %arg7[%scan3A_561, %scatter3A_1360, %scatter3A_1361] : memref<2x64x137xf32, #tpu.memory_space<vmem>> -> memref<1x64x137xf32, #tpu.memory_space<vmem>>
        %scatter3A_1363 = tpu.memref_squeeze %scatter3A_1362 : memref<1x64x137xf32, #tpu.memory_space<vmem>> -> memref<64x137xf32, #tpu.memory_space<vmem>>
        tpu.vector_store_idx %scatter3A_1363[%add3A_9, %broadcast_in_dim3A_1330], %get3A_1359 : memref<64x137xf32, #tpu.memory_space<vmem>>[vector<16xi32>, vector<16xi32>], vector<16xf32>,
        %get3A_1364 = arith.constant 0 : i32
        %get3A_1365 = arith.constant 0 : i32
        %get3A_1366 = tpu.memref_slice %arg6[%scan3A_560, %get3A_1364, %get3A_1365] : memref<2x128x64xf32, #tpu.memory_space<vmem>> -> memref<1x128x64xf32, #tpu.memory_space<vmem>>
        %get3A_1367 = tpu.memref_squeeze %get3A_1366 : memref<1x128x64xf32, #tpu.memory_space<vmem>> -> memref<128x64xf32, #tpu.memory_space<vmem>>
        %get3A_1368 = arith.index_cast %add3A_1329 : i32 to index
        %get3A_1369 = arith.constant 48 : index
        %get3A_1370 = tpu.vector_load %get3A_1367[%get3A_1368, %get3A_1369] {strides = array<i32>} : memref<128x64xf32, #tpu.memory_space<vmem>>, vector<16xf32>,
        %scatter3A_1371 = arith.constant 0 : i32
        %scatter3A_1372 = arith.constant 0 : i32
        %scatter3A_1373 = tpu.memref_slice %arg7[%scan3A_561, %scatter3A_1371, %scatter3A_1372] : memref<2x64x137xf32, #tpu.memory_space<vmem>> -> memref<1x64x137xf32, #tpu.memory_space<vmem>>
        %scatter3A_1374 = tpu.memref_squeeze %scatter3A_1373 : memref<1x64x137xf32, #tpu.memory_space<vmem>> -> memref<64x137xf32, #tpu.memory_space<vmem>>
        tpu.vector_store_idx %scatter3A_1374[%add3A_12, %broadcast_in_dim3A_1330], %get3A_1370 : memref<64x137xf32, #tpu.memory_space<vmem>>[vector<16xi32>, vector<16xi32>], vector<16xf32>,
        %scan3A_1375 = arith.constant 5 : i32
        %scan3A_1376 = arith.addi %scan3A_1124, %scan3A_1375 : i32
        %mul3A_1377 = arith.constant 1 : i32
        %mul3A_1378 = arith.muli %scan3A_1376, %mul3A_1377 : i32
        %add3A_1379 = arith.constant 0 : i32
        %add3A_1380 = arith.addi %add3A_1379, %mul3A_1378 : i32
        %broadcast_in_dim3A_1381 = vector.broadcast %add3A_1380 : i32 to vector<16xi32>
        %get3A_1382 = arith.constant 0 : i32
        %get3A_1383 = arith.constant 0 : i32
        %get3A_1384 = tpu.memref_slice %arg6[%scan3A_560, %get3A_1382, %get3A_1383] : memref<2x128x64xf32, #tpu.memory_space<vmem>> -> memref<1x128x64xf32, #tpu.memory_space<vmem>>
        %get3A_1385 = tpu.memref_squeeze %get3A_1384 : memref<1x128x64xf32, #tpu.memory_space<vmem>> -> memref<128x64xf32, #tpu.memory_space<vmem>>
        %get3A_1386 = arith.index_cast %add3A_1380 : i32 to index
        %get3A_1387 = arith.constant 0 : index
        %get3A_1388 = tpu.vector_load %get3A_1385[%get3A_1386, %get3A_1387] {strides = array<i32>} : memref<128x64xf32, #tpu.memory_space<vmem>>, vector<16xf32>,
        %scatter3A_1389 = arith.constant 0 : i32
        %scatter3A_1390 = arith.constant 0 : i32
        %scatter3A_1391 = tpu.memref_slice %arg7[%scan3A_561, %scatter3A_1389, %scatter3A_1390] : memref<2x64x137xf32, #tpu.memory_space<vmem>> -> memref<1x64x137xf32, #tpu.memory_space<vmem>>
        %scatter3A_1392 = tpu.memref_squeeze %scatter3A_1391 : memref<1x64x137xf32, #tpu.memory_space<vmem>> -> memref<64x137xf32, #tpu.memory_space<vmem>>
        tpu.vector_store_idx %scatter3A_1392[%add3A_3, %broadcast_in_dim3A_1381], %get3A_1388 : memref<64x137xf32, #tpu.memory_space<vmem>>[vector<16xi32>, vector<16xi32>], vector<16xf32>,
        %get3A_1393 = arith.constant 0 : i32
        %get3A_1394 = arith.constant 0 : i32
        %get3A_1395 = tpu.memref_slice %arg6[%scan3A_560, %get3A_1393, %get3A_1394] : memref<2x128x64xf32, #tpu.memory_space<vmem>> -> memref<1x128x64xf32, #tpu.memory_space<vmem>>
        %get3A_1396 = tpu.memref_squeeze %get3A_1395 : memref<1x128x64xf32, #tpu.memory_space<vmem>> -> memref<128x64xf32, #tpu.memory_space<vmem>>
        %get3A_1397 = arith.index_cast %add3A_1380 : i32 to index
        %get3A_1398 = arith.constant 16 : index
        %get3A_1399 = tpu.vector_load %get3A_1396[%get3A_1397, %get3A_1398] {strides = array<i32>} : memref<128x64xf32, #tpu.memory_space<vmem>>, vector<16xf32>,
        %scatter3A_1400 = arith.constant 0 : i32
        %scatter3A_1401 = arith.constant 0 : i32
        %scatter3A_1402 = tpu.memref_slice %arg7[%scan3A_561, %scatter3A_1400, %scatter3A_1401] : memref<2x64x137xf32, #tpu.memory_space<vmem>> -> memref<1x64x137xf32, #tpu.memory_space<vmem>>
        %scatter3A_1403 = tpu.memref_squeeze %scatter3A_1402 : memref<1x64x137xf32, #tpu.memory_space<vmem>> -> memref<64x137xf32, #tpu.memory_space<vmem>>
        tpu.vector_store_idx %scatter3A_1403[%add3A_6, %broadcast_in_dim3A_1381], %get3A_1399 : memref<64x137xf32, #tpu.memory_space<vmem>>[vector<16xi32>, vector<16xi32>], vector<16xf32>,
        %get3A_1404 = arith.constant 0 : i32
        %get3A_1405 = arith.constant 0 : i32
        %get3A_1406 = tpu.memref_slice %arg6[%scan3A_560, %get3A_1404, %get3A_1405] : memref<2x128x64xf32, #tpu.memory_space<vmem>> -> memref<1x128x64xf32, #tpu.memory_space<vmem>>
        %get3A_1407 = tpu.memref_squeeze %get3A_1406 : memref<1x128x64xf32, #tpu.memory_space<vmem>> -> memref<128x64xf32, #tpu.memory_space<vmem>>
        %get3A_1408 = arith.index_cast %add3A_1380 : i32 to index
        %get3A_1409 = arith.constant 32 : index
        %get3A_1410 = tpu.vector_load %get3A_1407[%get3A_1408, %get3A_1409] {strides = array<i32>} : memref<128x64xf32, #tpu.memory_space<vmem>>, vector<16xf32>,
        %scatter3A_1411 = arith.constant 0 : i32
        %scatter3A_1412 = arith.constant 0 : i32
        %scatter3A_1413 = tpu.memref_slice %arg7[%scan3A_561, %scatter3A_1411, %scatter3A_1412] : memref<2x64x137xf32, #tpu.memory_space<vmem>> -> memref<1x64x137xf32, #tpu.memory_space<vmem>>
        %scatter3A_1414 = tpu.memref_squeeze %scatter3A_1413 : memref<1x64x137xf32, #tpu.memory_space<vmem>> -> memref<64x137xf32, #tpu.memory_space<vmem>>
        tpu.vector_store_idx %scatter3A_1414[%add3A_9, %broadcast_in_dim3A_1381], %get3A_1410 : memref<64x137xf32, #tpu.memory_space<vmem>>[vector<16xi32>, vector<16xi32>], vector<16xf32>,
        %get3A_1415 = arith.constant 0 : i32
        %get3A_1416 = arith.constant 0 : i32
        %get3A_1417 = tpu.memref_slice %arg6[%scan3A_560, %get3A_1415, %get3A_1416] : memref<2x128x64xf32, #tpu.memory_space<vmem>> -> memref<1x128x64xf32, #tpu.memory_space<vmem>>
        %get3A_1418 = tpu.memref_squeeze %get3A_1417 : memref<1x128x64xf32, #tpu.memory_space<vmem>> -> memref<128x64xf32, #tpu.memory_space<vmem>>
        %get3A_1419 = arith.index_cast %add3A_1380 : i32 to index
        %get3A_1420 = arith.constant 48 : index
        %get3A_1421 = tpu.vector_load %get3A_1418[%get3A_1419, %get3A_1420] {strides = array<i32>} : memref<128x64xf32, #tpu.memory_space<vmem>>, vector<16xf32>,
        %scatter3A_1422 = arith.constant 0 : i32
        %scatter3A_1423 = arith.constant 0 : i32
        %scatter3A_1424 = tpu.memref_slice %arg7[%scan3A_561, %scatter3A_1422, %scatter3A_1423] : memref<2x64x137xf32, #tpu.memory_space<vmem>> -> memref<1x64x137xf32, #tpu.memory_space<vmem>>
        %scatter3A_1425 = tpu.memref_squeeze %scatter3A_1424 : memref<1x64x137xf32, #tpu.memory_space<vmem>> -> memref<64x137xf32, #tpu.memory_space<vmem>>
        tpu.vector_store_idx %scatter3A_1425[%add3A_12, %broadcast_in_dim3A_1381], %get3A_1421 : memref<64x137xf32, #tpu.memory_space<vmem>>[vector<16xi32>, vector<16xi32>], vector<16xf32>,
        %scan3A_1426 = arith.constant 6 : i32
        %scan3A_1427 = arith.addi %scan3A_1124, %scan3A_1426 : i32
        %mul3A_1428 = arith.constant 1 : i32
        %mul3A_1429 = arith.muli %scan3A_1427, %mul3A_1428 : i32
        %add3A_1430 = arith.constant 0 : i32
        %add3A_1431 = arith.addi %add3A_1430, %mul3A_1429 : i32
        %broadcast_in_dim3A_1432 = vector.broadcast %add3A_1431 : i32 to vector<16xi32>
        %get3A_1433 = arith.constant 0 : i32
        %get3A_1434 = arith.constant 0 : i32
        %get3A_1435 = tpu.memref_slice %arg6[%scan3A_560, %get3A_1433, %get3A_1434] : memref<2x128x64xf32, #tpu.memory_space<vmem>> -> memref<1x128x64xf32, #tpu.memory_space<vmem>>
        %get3A_1436 = tpu.memref_squeeze %get3A_1435 : memref<1x128x64xf32, #tpu.memory_space<vmem>> -> memref<128x64xf32, #tpu.memory_space<vmem>>
        %get3A_1437 = arith.index_cast %add3A_1431 : i32 to index
        %get3A_1438 = arith.constant 0 : index
        %get3A_1439 = tpu.vector_load %get3A_1436[%get3A_1437, %get3A_1438] {strides = array<i32>} : memref<128x64xf32, #tpu.memory_space<vmem>>, vector<16xf32>,
        %scatter3A_1440 = arith.constant 0 : i32
        %scatter3A_1441 = arith.constant 0 : i32
        %scatter3A_1442 = tpu.memref_slice %arg7[%scan3A_561, %scatter3A_1440, %scatter3A_1441] : memref<2x64x137xf32, #tpu.memory_space<vmem>> -> memref<1x64x137xf32, #tpu.memory_space<vmem>>
        %scatter3A_1443 = tpu.memref_squeeze %scatter3A_1442 : memref<1x64x137xf32, #tpu.memory_space<vmem>> -> memref<64x137xf32, #tpu.memory_space<vmem>>
        tpu.vector_store_idx %scatter3A_1443[%add3A_3, %broadcast_in_dim3A_1432], %get3A_1439 : memref<64x137xf32, #tpu.memory_space<vmem>>[vector<16xi32>, vector<16xi32>], vector<16xf32>,
        %get3A_1444 = arith.constant 0 : i32
        %get3A_1445 = arith.constant 0 : i32
        %get3A_1446 = tpu.memref_slice %arg6[%scan3A_560, %get3A_1444, %get3A_1445] : memref<2x128x64xf32, #tpu.memory_space<vmem>> -> memref<1x128x64xf32, #tpu.memory_space<vmem>>
        %get3A_1447 = tpu.memref_squeeze %get3A_1446 : memref<1x128x64xf32, #tpu.memory_space<vmem>> -> memref<128x64xf32, #tpu.memory_space<vmem>>
        %get3A_1448 = arith.index_cast %add3A_1431 : i32 to index
        %get3A_1449 = arith.constant 16 : index
        %get3A_1450 = tpu.vector_load %get3A_1447[%get3A_1448, %get3A_1449] {strides = array<i32>} : memref<128x64xf32, #tpu.memory_space<vmem>>, vector<16xf32>,
        %scatter3A_1451 = arith.constant 0 : i32
        %scatter3A_1452 = arith.constant 0 : i32
        %scatter3A_1453 = tpu.memref_slice %arg7[%scan3A_561, %scatter3A_1451, %scatter3A_1452] : memref<2x64x137xf32, #tpu.memory_space<vmem>> -> memref<1x64x137xf32, #tpu.memory_space<vmem>>
        %scatter3A_1454 = tpu.memref_squeeze %scatter3A_1453 : memref<1x64x137xf32, #tpu.memory_space<vmem>> -> memref<64x137xf32, #tpu.memory_space<vmem>>
        tpu.vector_store_idx %scatter3A_1454[%add3A_6, %broadcast_in_dim3A_1432], %get3A_1450 : memref<64x137xf32, #tpu.memory_space<vmem>>[vector<16xi32>, vector<16xi32>], vector<16xf32>,
        %get3A_1455 = arith.constant 0 : i32
        %get3A_1456 = arith.constant 0 : i32
        %get3A_1457 = tpu.memref_slice %arg6[%scan3A_560, %get3A_1455, %get3A_1456] : memref<2x128x64xf32, #tpu.memory_space<vmem>> -> memref<1x128x64xf32, #tpu.memory_space<vmem>>
        %get3A_1458 = tpu.memref_squeeze %get3A_1457 : memref<1x128x64xf32, #tpu.memory_space<vmem>> -> memref<128x64xf32, #tpu.memory_space<vmem>>
        %get3A_1459 = arith.index_cast %add3A_1431 : i32 to index
        %get3A_1460 = arith.constant 32 : index
        %get3A_1461 = tpu.vector_load %get3A_1458[%get3A_1459, %get3A_1460] {strides = array<i32>} : memref<128x64xf32, #tpu.memory_space<vmem>>, vector<16xf32>,
        %scatter3A_1462 = arith.constant 0 : i32
        %scatter3A_1463 = arith.constant 0 : i32
        %scatter3A_1464 = tpu.memref_slice %arg7[%scan3A_561, %scatter3A_1462, %scatter3A_1463] : memref<2x64x137xf32, #tpu.memory_space<vmem>> -> memref<1x64x137xf32, #tpu.memory_space<vmem>>
        %scatter3A_1465 = tpu.memref_squeeze %scatter3A_1464 : memref<1x64x137xf32, #tpu.memory_space<vmem>> -> memref<64x137xf32, #tpu.memory_space<vmem>>
        tpu.vector_store_idx %scatter3A_1465[%add3A_9, %broadcast_in_dim3A_1432], %get3A_1461 : memref<64x137xf32, #tpu.memory_space<vmem>>[vector<16xi32>, vector<16xi32>], vector<16xf32>,
        %get3A_1466 = arith.constant 0 : i32
        %get3A_1467 = arith.constant 0 : i32
        %get3A_1468 = tpu.memref_slice %arg6[%scan3A_560, %get3A_1466, %get3A_1467] : memref<2x128x64xf32, #tpu.memory_space<vmem>> -> memref<1x128x64xf32, #tpu.memory_space<vmem>>
        %get3A_1469 = tpu.memref_squeeze %get3A_1468 : memref<1x128x64xf32, #tpu.memory_space<vmem>> -> memref<128x64xf32, #tpu.memory_space<vmem>>
        %get3A_1470 = arith.index_cast %add3A_1431 : i32 to index
        %get3A_1471 = arith.constant 48 : index
        %get3A_1472 = tpu.vector_load %get3A_1469[%get3A_1470, %get3A_1471] {strides = array<i32>} : memref<128x64xf32, #tpu.memory_space<vmem>>, vector<16xf32>,
        %scatter3A_1473 = arith.constant 0 : i32
        %scatter3A_1474 = arith.constant 0 : i32
        %scatter3A_1475 = tpu.memref_slice %arg7[%scan3A_561, %scatter3A_1473, %scatter3A_1474] : memref<2x64x137xf32, #tpu.memory_space<vmem>> -> memref<1x64x137xf32, #tpu.memory_space<vmem>>
        %scatter3A_1476 = tpu.memref_squeeze %scatter3A_1475 : memref<1x64x137xf32, #tpu.memory_space<vmem>> -> memref<64x137xf32, #tpu.memory_space<vmem>>
        tpu.vector_store_idx %scatter3A_1476[%add3A_12, %broadcast_in_dim3A_1432], %get3A_1472 : memref<64x137xf32, #tpu.memory_space<vmem>>[vector<16xi32>, vector<16xi32>], vector<16xf32>,
        %scan3A_1477 = arith.constant 7 : i32
        %scan3A_1478 = arith.addi %scan3A_1124, %scan3A_1477 : i32
        %mul3A_1479 = arith.constant 1 : i32
        %mul3A_1480 = arith.muli %scan3A_1478, %mul3A_1479 : i32
        %add3A_1481 = arith.constant 0 : i32
        %add3A_1482 = arith.addi %add3A_1481, %mul3A_1480 : i32
        %broadcast_in_dim3A_1483 = vector.broadcast %add3A_1482 : i32 to vector<16xi32>
        %get3A_1484 = arith.constant 0 : i32
        %get3A_1485 = arith.constant 0 : i32
        %get3A_1486 = tpu.memref_slice %arg6[%scan3A_560, %get3A_1484, %get3A_1485] : memref<2x128x64xf32, #tpu.memory_space<vmem>> -> memref<1x128x64xf32, #tpu.memory_space<vmem>>
        %get3A_1487 = tpu.memref_squeeze %get3A_1486 : memref<1x128x64xf32, #tpu.memory_space<vmem>> -> memref<128x64xf32, #tpu.memory_space<vmem>>
        %get3A_1488 = arith.index_cast %add3A_1482 : i32 to index
        %get3A_1489 = arith.constant 0 : index
        %get3A_1490 = tpu.vector_load %get3A_1487[%get3A_1488, %get3A_1489] {strides = array<i32>} : memref<128x64xf32, #tpu.memory_space<vmem>>, vector<16xf32>,
        %scatter3A_1491 = arith.constant 0 : i32
        %scatter3A_1492 = arith.constant 0 : i32
        %scatter3A_1493 = tpu.memref_slice %arg7[%scan3A_561, %scatter3A_1491, %scatter3A_1492] : memref<2x64x137xf32, #tpu.memory_space<vmem>> -> memref<1x64x137xf32, #tpu.memory_space<vmem>>
        %scatter3A_1494 = tpu.memref_squeeze %scatter3A_1493 : memref<1x64x137xf32, #tpu.memory_space<vmem>> -> memref<64x137xf32, #tpu.memory_space<vmem>>
        tpu.vector_store_idx %scatter3A_1494[%add3A_3, %broadcast_in_dim3A_1483], %get3A_1490 : memref<64x137xf32, #tpu.memory_space<vmem>>[vector<16xi32>, vector<16xi32>], vector<16xf32>,
        %get3A_1495 = arith.constant 0 : i32
        %get3A_1496 = arith.constant 0 : i32
        %get3A_1497 = tpu.memref_slice %arg6[%scan3A_560, %get3A_1495, %get3A_1496] : memref<2x128x64xf32, #tpu.memory_space<vmem>> -> memref<1x128x64xf32, #tpu.memory_space<vmem>>
        %get3A_1498 = tpu.memref_squeeze %get3A_1497 : memref<1x128x64xf32, #tpu.memory_space<vmem>> -> memref<128x64xf32, #tpu.memory_space<vmem>>
        %get3A_1499 = arith.index_cast %add3A_1482 : i32 to index
        %get3A_1500 = arith.constant 16 : index
        %get3A_1501 = tpu.vector_load %get3A_1498[%get3A_1499, %get3A_1500] {strides = array<i32>} : memref<128x64xf32, #tpu.memory_space<vmem>>, vector<16xf32>,
        %scatter3A_1502 = arith.constant 0 : i32
        %scatter3A_1503 = arith.constant 0 : i32
        %scatter3A_1504 = tpu.memref_slice %arg7[%scan3A_561, %scatter3A_1502, %scatter3A_1503] : memref<2x64x137xf32, #tpu.memory_space<vmem>> -> memref<1x64x137xf32, #tpu.memory_space<vmem>>
        %scatter3A_1505 = tpu.memref_squeeze %scatter3A_1504 : memref<1x64x137xf32, #tpu.memory_space<vmem>> -> memref<64x137xf32, #tpu.memory_space<vmem>>
        tpu.vector_store_idx %scatter3A_1505[%add3A_6, %broadcast_in_dim3A_1483], %get3A_1501 : memref<64x137xf32, #tpu.memory_space<vmem>>[vector<16xi32>, vector<16xi32>], vector<16xf32>,
        %get3A_1506 = arith.constant 0 : i32
        %get3A_1507 = arith.constant 0 : i32
        %get3A_1508 = tpu.memref_slice %arg6[%scan3A_560, %get3A_1506, %get3A_1507] : memref<2x128x64xf32, #tpu.memory_space<vmem>> -> memref<1x128x64xf32, #tpu.memory_space<vmem>>
        %get3A_1509 = tpu.memref_squeeze %get3A_1508 : memref<1x128x64xf32, #tpu.memory_space<vmem>> -> memref<128x64xf32, #tpu.memory_space<vmem>>
        %get3A_1510 = arith.index_cast %add3A_1482 : i32 to index
        %get3A_1511 = arith.constant 32 : index
        %get3A_1512 = tpu.vector_load %get3A_1509[%get3A_1510, %get3A_1511] {strides = array<i32>} : memref<128x64xf32, #tpu.memory_space<vmem>>, vector<16xf32>,
        %scatter3A_1513 = arith.constant 0 : i32
        %scatter3A_1514 = arith.constant 0 : i32
        %scatter3A_1515 = tpu.memref_slice %arg7[%scan3A_561, %scatter3A_1513, %scatter3A_1514] : memref<2x64x137xf32, #tpu.memory_space<vmem>> -> memref<1x64x137xf32, #tpu.memory_space<vmem>>
        %scatter3A_1516 = tpu.memref_squeeze %scatter3A_1515 : memref<1x64x137xf32, #tpu.memory_space<vmem>> -> memref<64x137xf32, #tpu.memory_space<vmem>>
        tpu.vector_store_idx %scatter3A_1516[%add3A_9, %broadcast_in_dim3A_1483], %get3A_1512 : memref<64x137xf32, #tpu.memory_space<vmem>>[vector<16xi32>, vector<16xi32>], vector<16xf32>,
        %get3A_1517 = arith.constant 0 : i32
        %get3A_1518 = arith.constant 0 : i32
        %get3A_1519 = tpu.memref_slice %arg6[%scan3A_560, %get3A_1517, %get3A_1518] : memref<2x128x64xf32, #tpu.memory_space<vmem>> -> memref<1x128x64xf32, #tpu.memory_space<vmem>>
        %get3A_1520 = tpu.memref_squeeze %get3A_1519 : memref<1x128x64xf32, #tpu.memory_space<vmem>> -> memref<128x64xf32, #tpu.memory_space<vmem>>
        %get3A_1521 = arith.index_cast %add3A_1482 : i32 to index
        %get3A_1522 = arith.constant 48 : index
        %get3A_1523 = tpu.vector_load %get3A_1520[%get3A_1521, %get3A_1522] {strides = array<i32>} : memref<128x64xf32, #tpu.memory_space<vmem>>, vector<16xf32>,
        %scatter3A_1524 = arith.constant 0 : i32
        %scatter3A_1525 = arith.constant 0 : i32
        %scatter3A_1526 = tpu.memref_slice %arg7[%scan3A_561, %scatter3A_1524, %scatter3A_1525] : memref<2x64x137xf32, #tpu.memory_space<vmem>> -> memref<1x64x137xf32, #tpu.memory_space<vmem>>
        %scatter3A_1527 = tpu.memref_squeeze %scatter3A_1526 : memref<1x64x137xf32, #tpu.memory_space<vmem>> -> memref<64x137xf32, #tpu.memory_space<vmem>>
        tpu.vector_store_idx %scatter3A_1527[%add3A_12, %broadcast_in_dim3A_1483], %get3A_1523 : memref<64x137xf32, #tpu.memory_space<vmem>>[vector<16xi32>, vector<16xi32>], vector<16xf32>,
      }
      %scan3A_566 = arith.constant 128 : i32
      %jit3A_567 = arith.constant 4 : i32
      %div3A_568 = arith.divsi %add3A_473, %jit3A_567 : i32
      %sign3A_569 = arith.constant 0 : i32
      %sign3A_570 = arith.cmpi sgt, %add3A_473, %sign3A_569 : i32
      %sign3A_571 = arith.extui %sign3A_570 : i1 to i32
      %sign3A_572 = arith.constant 0 : i32
      %sign3A_573 = arith.cmpi slt, %add3A_473, %sign3A_572 : i32
      %sign3A_574 = arith.extui %sign3A_573 : i1 to i32
      %sign3A_575 = arith.subi %sign3A_571, %sign3A_574 : i32
      %sign3A_576 = arith.constant 0 : i32
      %sign3A_577 = arith.cmpi sgt, %jit3A_567, %sign3A_576 : i32
      %sign3A_578 = arith.extui %sign3A_577 : i1 to i32
      %sign3A_579 = arith.constant 0 : i32
      %sign3A_580 = arith.cmpi slt, %jit3A_567, %sign3A_579 : i32
      %sign3A_581 = arith.extui %sign3A_580 : i1 to i32
      %sign3A_582 = arith.subi %sign3A_578, %sign3A_581 : i32
      %ne3A_583 = arith.cmpi ne, %sign3A_575, %sign3A_582 : i32
      %rem3A_584 = arith.remsi %add3A_473, %jit3A_567 : i32
      %ne3A_585 = arith.constant 0 : i32
      %ne3A_586 = arith.cmpi ne, %rem3A_584, %ne3A_585 : i32
      %and3A_587 = arith.andi %ne3A_583, %ne3A_586 : i1
      %sub3A_588 = arith.constant 1 : i32
      %sub3A_589 = arith.subi %div3A_568, %sub3A_588 : i32
      %select_n3A_590 = arith.select %and3A_587, %sub3A_589, %div3A_568 : i32
      %mul3A_591 = arith.constant 4 : i32
      %mul3A_592 = arith.muli %select_n3A_590, %mul3A_591 : i32
      %sub3A_593 = arith.subi %add3A_473, %mul3A_592 : i32
      %mul3A_594 = arith.constant 4 : i32
      %mul3A_595 = arith.muli %add3A, %mul3A_594 : i32
      %add3A_596 = arith.addi %mul3A_595, %sub3A_593 : i32
      %dma_start3A_597 = arith.constant 0 : i32
      %dma_start3A_598 = arith.constant 0 : i32
      %dma_start3A_599 = arith.constant 0 : i32
      %dma_start3A_600 = arith.constant 0 : i32
      %dma_start3A_601 = arith.constant 0 : i32
      %dma_start3A_602 = tpu.memref_slice %arg7[%dma_start3A_597, %dma_start3A_600, %dma_start3A_601] : memref<2x64x137xf32, #tpu.memory_space<vmem>> -> memref<1x8x128xf32, #tpu.memory_space<vmem>>
      %dma_start3A_603 = tpu.memref_squeeze %dma_start3A_602 : memref<1x8x128xf32, #tpu.memory_space<vmem>> -> memref<8x128xf32, #tpu.memory_space<vmem>>
      %dma_start3A_604 = arith.constant 0 : i32
      %dma_start3A_605 = arith.constant 0 : i32
      %dma_start3A_606 = tpu.memref_slice %arg4[%select_n3A_590, %dma_start3A_598, %add3A_596, %dma_start3A_604, %dma_start3A_605] : memref<50x8x128x8x128xf32, #tpu.memory_space<hbm>> -> memref<1x1x1x8x128xf32, #tpu.memory_space<hbm>>
      %dma_start3A_607 = tpu.memref_squeeze %dma_start3A_606 : memref<1x1x1x8x128xf32, #tpu.memory_space<hbm>> -> memref<8x128xf32, #tpu.memory_space<hbm>>
      %dma_start3A_608 = tpu.memref_slice %arg9[%dma_start3A_599] : memref<2x!tpu.dma_semaphore, #tpu.memory_space<semaphore_mem>> -> memref<1x!tpu.dma_semaphore, #tpu.memory_space<semaphore_mem>>
      %dma_start3A_609 = tpu.memref_squeeze %dma_start3A_608 : memref<1x!tpu.dma_semaphore, #tpu.memory_space<semaphore_mem>> -> memref<!tpu.dma_semaphore, #tpu.memory_space<semaphore_mem>>
      %dma_start3A_610 = arith.constant 0 : i32
      %dma_start3A_611 = arith.constant 0 : i32
      %dma_start3A_612 = tpu.memref_slice %arg4[%select_n3A_590, %dma_start3A_598, %add3A_596, %dma_start3A_610, %dma_start3A_611] : memref<50x8x128x8x128xf32, #tpu.memory_space<hbm>> -> memref<1x1x1x8x128xf32, #tpu.memory_space<hbm>>
      %dma_start3A_613 = tpu.memref_squeeze %dma_start3A_612 : memref<1x1x1x8x128xf32, #tpu.memory_space<hbm>> -> memref<8x128xf32, #tpu.memory_space<hbm>>
      %dma_start3A_614 = arith.constant 0 : i32
      %dma_start3A_615 = arith.constant 0 : i32
      %dma_start3A_616 = tpu.memref_slice %arg7[%dma_start3A_597, %dma_start3A_614, %dma_start3A_615] : memref<2x64x137xf32, #tpu.memory_space<vmem>> -> memref<1x8x128xf32, #tpu.memory_space<vmem>>
      %dma_start3A_617 = tpu.memref_squeeze %dma_start3A_616 : memref<1x8x128xf32, #tpu.memory_space<vmem>> -> memref<8x128xf32, #tpu.memory_space<vmem>>
      tpu.enqueue_dma source(%dma_start3A_617 : memref<8x128xf32, #tpu.memory_space<vmem>>) target(%dma_start3A_613 : memref<8x128xf32, #tpu.memory_space<hbm>>) target_semaphore(%dma_start3A_609 : memref<!tpu.dma_semaphore, #tpu.memory_space<semaphore_mem>>)
      %mul3A_618 = arith.constant 4 : i32
      %mul3A_619 = arith.muli %add3A, %mul3A_618 : i32
      %add3A_620 = arith.addi %mul3A_619, %sub3A_593 : i32
      %dma_start3A_621 = arith.constant 0 : i32
      %dma_start3A_622 = arith.constant 1 : i32
      %dma_start3A_623 = arith.constant 0 : i32
      %dma_start3A_624 = arith.constant 8 : i32
      %dma_start3A_625 = arith.constant 0 : i32
      %dma_start3A_626 = tpu.memref_slice %arg7[%dma_start3A_621, %dma_start3A_624, %dma_start3A_625] : memref<2x64x137xf32, #tpu.memory_space<vmem>> -> memref<1x8x128xf32, #tpu.memory_space<vmem>>
      %dma_start3A_627 = tpu.memref_squeeze %dma_start3A_626 : memref<1x8x128xf32, #tpu.memory_space<vmem>> -> memref<8x128xf32, #tpu.memory_space<vmem>>
      %dma_start3A_628 = arith.constant 0 : i32
      %dma_start3A_629 = arith.constant 0 : i32
      %dma_start3A_630 = tpu.memref_slice %arg4[%select_n3A_590, %dma_start3A_622, %add3A_620, %dma_start3A_628, %dma_start3A_629] : memref<50x8x128x8x128xf32, #tpu.memory_space<hbm>> -> memref<1x1x1x8x128xf32, #tpu.memory_space<hbm>>
      %dma_start3A_631 = tpu.memref_squeeze %dma_start3A_630 : memref<1x1x1x8x128xf32, #tpu.memory_space<hbm>> -> memref<8x128xf32, #tpu.memory_space<hbm>>
      %dma_start3A_632 = tpu.memref_slice %arg9[%dma_start3A_623] : memref<2x!tpu.dma_semaphore, #tpu.memory_space<semaphore_mem>> -> memref<1x!tpu.dma_semaphore, #tpu.memory_space<semaphore_mem>>
      %dma_start3A_633 = tpu.memref_squeeze %dma_start3A_632 : memref<1x!tpu.dma_semaphore, #tpu.memory_space<semaphore_mem>> -> memref<!tpu.dma_semaphore, #tpu.memory_space<semaphore_mem>>
      %dma_start3A_634 = arith.constant 0 : i32
      %dma_start3A_635 = arith.constant 0 : i32
      %dma_start3A_636 = tpu.memref_slice %arg4[%select_n3A_590, %dma_start3A_622, %add3A_620, %dma_start3A_634, %dma_start3A_635] : memref<50x8x128x8x128xf32, #tpu.memory_space<hbm>> -> memref<1x1x1x8x128xf32, #tpu.memory_space<hbm>>
      %dma_start3A_637 = tpu.memref_squeeze %dma_start3A_636 : memref<1x1x1x8x128xf32, #tpu.memory_space<hbm>> -> memref<8x128xf32, #tpu.memory_space<hbm>>
      %dma_start3A_638 = arith.constant 8 : i32
      %dma_start3A_639 = arith.constant 0 : i32
      %dma_start3A_640 = tpu.memref_slice %arg7[%dma_start3A_621, %dma_start3A_638, %dma_start3A_639] : memref<2x64x137xf32, #tpu.memory_space<vmem>> -> memref<1x8x128xf32, #tpu.memory_space<vmem>>
      %dma_start3A_641 = tpu.memref_squeeze %dma_start3A_640 : memref<1x8x128xf32, #tpu.memory_space<vmem>> -> memref<8x128xf32, #tpu.memory_space<vmem>>
      tpu.enqueue_dma source(%dma_start3A_641 : memref<8x128xf32, #tpu.memory_space<vmem>>) target(%dma_start3A_637 : memref<8x128xf32, #tpu.memory_space<hbm>>) target_semaphore(%dma_start3A_633 : memref<!tpu.dma_semaphore, #tpu.memory_space<semaphore_mem>>)
      %mul3A_642 = arith.constant 4 : i32
      %mul3A_643 = arith.muli %add3A, %mul3A_642 : i32
      %add3A_644 = arith.addi %mul3A_643, %sub3A_593 : i32
      %dma_start3A_645 = arith.constant 0 : i32
      %dma_start3A_646 = arith.constant 2 : i32
      %dma_start3A_647 = arith.constant 0 : i32
      %dma_start3A_648 = arith.constant 16 : i32
      %dma_start3A_649 = arith.constant 0 : i32
      %dma_start3A_650 = tpu.memref_slice %arg7[%dma_start3A_645, %dma_start3A_648, %dma_start3A_649] : memref<2x64x137xf32, #tpu.memory_space<vmem>> -> memref<1x8x128xf32, #tpu.memory_space<vmem>>
      %dma_start3A_651 = tpu.memref_squeeze %dma_start3A_650 : memref<1x8x128xf32, #tpu.memory_space<vmem>> -> memref<8x128xf32, #tpu.memory_space<vmem>>
      %dma_start3A_652 = arith.constant 0 : i32
      %dma_start3A_653 = arith.constant 0 : i32
      %dma_start3A_654 = tpu.memref_slice %arg4[%select_n3A_590, %dma_start3A_646, %add3A_644, %dma_start3A_652, %dma_start3A_653] : memref<50x8x128x8x128xf32, #tpu.memory_space<hbm>> -> memref<1x1x1x8x128xf32, #tpu.memory_space<hbm>>
      %dma_start3A_655 = tpu.memref_squeeze %dma_start3A_654 : memref<1x1x1x8x128xf32, #tpu.memory_space<hbm>> -> memref<8x128xf32, #tpu.memory_space<hbm>>
      %dma_start3A_656 = tpu.memref_slice %arg9[%dma_start3A_647] : memref<2x!tpu.dma_semaphore, #tpu.memory_space<semaphore_mem>> -> memref<1x!tpu.dma_semaphore, #tpu.memory_space<semaphore_mem>>
      %dma_start3A_657 = tpu.memref_squeeze %dma_start3A_656 : memref<1x!tpu.dma_semaphore, #tpu.memory_space<semaphore_mem>> -> memref<!tpu.dma_semaphore, #tpu.memory_space<semaphore_mem>>
      %dma_start3A_658 = arith.constant 0 : i32
      %dma_start3A_659 = arith.constant 0 : i32
      %dma_start3A_660 = tpu.memref_slice %arg4[%select_n3A_590, %dma_start3A_646, %add3A_644, %dma_start3A_658, %dma_start3A_659] : memref<50x8x128x8x128xf32, #tpu.memory_space<hbm>> -> memref<1x1x1x8x128xf32, #tpu.memory_space<hbm>>
      %dma_start3A_661 = tpu.memref_squeeze %dma_start3A_660 : memref<1x1x1x8x128xf32, #tpu.memory_space<hbm>> -> memref<8x128xf32, #tpu.memory_space<hbm>>
      %dma_start3A_662 = arith.constant 16 : i32
      %dma_start3A_663 = arith.constant 0 : i32
      %dma_start3A_664 = tpu.memref_slice %arg7[%dma_start3A_645, %dma_start3A_662, %dma_start3A_663] : memref<2x64x137xf32, #tpu.memory_space<vmem>> -> memref<1x8x128xf32, #tpu.memory_space<vmem>>
      %dma_start3A_665 = tpu.memref_squeeze %dma_start3A_664 : memref<1x8x128xf32, #tpu.memory_space<vmem>> -> memref<8x128xf32, #tpu.memory_space<vmem>>
      tpu.enqueue_dma source(%dma_start3A_665 : memref<8x128xf32, #tpu.memory_space<vmem>>) target(%dma_start3A_661 : memref<8x128xf32, #tpu.memory_space<hbm>>) target_semaphore(%dma_start3A_657 : memref<!tpu.dma_semaphore, #tpu.memory_space<semaphore_mem>>)
      %mul3A_666 = arith.constant 4 : i32
      %mul3A_667 = arith.muli %add3A, %mul3A_666 : i32
      %add3A_668 = arith.addi %mul3A_667, %sub3A_593 : i32
      %dma_start3A_669 = arith.constant 0 : i32
      %dma_start3A_670 = arith.constant 3 : i32
      %dma_start3A_671 = arith.constant 0 : i32
      %dma_start3A_672 = arith.constant 24 : i32
      %dma_start3A_673 = arith.constant 0 : i32
      %dma_start3A_674 = tpu.memref_slice %arg7[%dma_start3A_669, %dma_start3A_672, %dma_start3A_673] : memref<2x64x137xf32, #tpu.memory_space<vmem>> -> memref<1x8x128xf32, #tpu.memory_space<vmem>>
      %dma_start3A_675 = tpu.memref_squeeze %dma_start3A_674 : memref<1x8x128xf32, #tpu.memory_space<vmem>> -> memref<8x128xf32, #tpu.memory_space<vmem>>
      %dma_start3A_676 = arith.constant 0 : i32
      %dma_start3A_677 = arith.constant 0 : i32
      %dma_start3A_678 = tpu.memref_slice %arg4[%select_n3A_590, %dma_start3A_670, %add3A_668, %dma_start3A_676, %dma_start3A_677] : memref<50x8x128x8x128xf32, #tpu.memory_space<hbm>> -> memref<1x1x1x8x128xf32, #tpu.memory_space<hbm>>
      %dma_start3A_679 = tpu.memref_squeeze %dma_start3A_678 : memref<1x1x1x8x128xf32, #tpu.memory_space<hbm>> -> memref<8x128xf32, #tpu.memory_space<hbm>>
      %dma_start3A_680 = tpu.memref_slice %arg9[%dma_start3A_671] : memref<2x!tpu.dma_semaphore, #tpu.memory_space<semaphore_mem>> -> memref<1x!tpu.dma_semaphore, #tpu.memory_space<semaphore_mem>>
      %dma_start3A_681 = tpu.memref_squeeze %dma_start3A_680 : memref<1x!tpu.dma_semaphore, #tpu.memory_space<semaphore_mem>> -> memref<!tpu.dma_semaphore, #tpu.memory_space<semaphore_mem>>
      %dma_start3A_682 = arith.constant 0 : i32
      %dma_start3A_683 = arith.constant 0 : i32
      %dma_start3A_684 = tpu.memref_slice %arg4[%select_n3A_590, %dma_start3A_670, %add3A_668, %dma_start3A_682, %dma_start3A_683] : memref<50x8x128x8x128xf32, #tpu.memory_space<hbm>> -> memref<1x1x1x8x128xf32, #tpu.memory_space<hbm>>
      %dma_start3A_685 = tpu.memref_squeeze %dma_start3A_684 : memref<1x1x1x8x128xf32, #tpu.memory_space<hbm>> -> memref<8x128xf32, #tpu.memory_space<hbm>>
      %dma_start3A_686 = arith.constant 24 : i32
      %dma_start3A_687 = arith.constant 0 : i32
      %dma_start3A_688 = tpu.memref_slice %arg7[%dma_start3A_669, %dma_start3A_686, %dma_start3A_687] : memref<2x64x137xf32, #tpu.memory_space<vmem>> -> memref<1x8x128xf32, #tpu.memory_space<vmem>>
      %dma_start3A_689 = tpu.memref_squeeze %dma_start3A_688 : memref<1x8x128xf32, #tpu.memory_space<vmem>> -> memref<8x128xf32, #tpu.memory_space<vmem>>
      tpu.enqueue_dma source(%dma_start3A_689 : memref<8x128xf32, #tpu.memory_space<vmem>>) target(%dma_start3A_685 : memref<8x128xf32, #tpu.memory_space<hbm>>) target_semaphore(%dma_start3A_681 : memref<!tpu.dma_semaphore, #tpu.memory_space<semaphore_mem>>)
      %mul3A_690 = arith.constant 4 : i32
      %mul3A_691 = arith.muli %add3A, %mul3A_690 : i32
      %add3A_692 = arith.addi %mul3A_691, %sub3A_593 : i32
      %dma_start3A_693 = arith.constant 0 : i32
      %dma_start3A_694 = arith.constant 4 : i32
      %dma_start3A_695 = arith.constant 0 : i32
      %dma_start3A_696 = arith.constant 32 : i32
      %dma_start3A_697 = arith.constant 0 : i32
      %dma_start3A_698 = tpu.memref_slice %arg7[%dma_start3A_693, %dma_start3A_696, %dma_start3A_697] : memref<2x64x137xf32, #tpu.memory_space<vmem>> -> memref<1x8x128xf32, #tpu.memory_space<vmem>>
      %dma_start3A_699 = tpu.memref_squeeze %dma_start3A_698 : memref<1x8x128xf32, #tpu.memory_space<vmem>> -> memref<8x128xf32, #tpu.memory_space<vmem>>
      %dma_start3A_700 = arith.constant 0 : i32
      %dma_start3A_701 = arith.constant 0 : i32
      %dma_start3A_702 = tpu.memref_slice %arg4[%select_n3A_590, %dma_start3A_694, %add3A_692, %dma_start3A_700, %dma_start3A_701] : memref<50x8x128x8x128xf32, #tpu.memory_space<hbm>> -> memref<1x1x1x8x128xf32, #tpu.memory_space<hbm>>
      %dma_start3A_703 = tpu.memref_squeeze %dma_start3A_702 : memref<1x1x1x8x128xf32, #tpu.memory_space<hbm>> -> memref<8x128xf32, #tpu.memory_space<hbm>>
      %dma_start3A_704 = tpu.memref_slice %arg9[%dma_start3A_695] : memref<2x!tpu.dma_semaphore, #tpu.memory_space<semaphore_mem>> -> memref<1x!tpu.dma_semaphore, #tpu.memory_space<semaphore_mem>>
      %dma_start3A_705 = tpu.memref_squeeze %dma_start3A_704 : memref<1x!tpu.dma_semaphore, #tpu.memory_space<semaphore_mem>> -> memref<!tpu.dma_semaphore, #tpu.memory_space<semaphore_mem>>
      %dma_start3A_706 = arith.constant 0 : i32
      %dma_start3A_707 = arith.constant 0 : i32
      %dma_start3A_708 = tpu.memref_slice %arg4[%select_n3A_590, %dma_start3A_694, %add3A_692, %dma_start3A_706, %dma_start3A_707] : memref<50x8x128x8x128xf32, #tpu.memory_space<hbm>> -> memref<1x1x1x8x128xf32, #tpu.memory_space<hbm>>
      %dma_start3A_709 = tpu.memref_squeeze %dma_start3A_708 : memref<1x1x1x8x128xf32, #tpu.memory_space<hbm>> -> memref<8x128xf32, #tpu.memory_space<hbm>>
      %dma_start3A_710 = arith.constant 32 : i32
      %dma_start3A_711 = arith.constant 0 : i32
      %dma_start3A_712 = tpu.memref_slice %arg7[%dma_start3A_693, %dma_start3A_710, %dma_start3A_711] : memref<2x64x137xf32, #tpu.memory_space<vmem>> -> memref<1x8x128xf32, #tpu.memory_space<vmem>>
      %dma_start3A_713 = tpu.memref_squeeze %dma_start3A_712 : memref<1x8x128xf32, #tpu.memory_space<vmem>> -> memref<8x128xf32, #tpu.memory_space<vmem>>
      tpu.enqueue_dma source(%dma_start3A_713 : memref<8x128xf32, #tpu.memory_space<vmem>>) target(%dma_start3A_709 : memref<8x128xf32, #tpu.memory_space<hbm>>) target_semaphore(%dma_start3A_705 : memref<!tpu.dma_semaphore, #tpu.memory_space<semaphore_mem>>)
      %mul3A_714 = arith.constant 4 : i32
      %mul3A_715 = arith.muli %add3A, %mul3A_714 : i32
      %add3A_716 = arith.addi %mul3A_715, %sub3A_593 : i32
      %dma_start3A_717 = arith.constant 0 : i32
      %dma_start3A_718 = arith.constant 5 : i32
      %dma_start3A_719 = arith.constant 0 : i32
      %dma_start3A_720 = arith.constant 40 : i32
      %dma_start3A_721 = arith.constant 0 : i32
      %dma_start3A_722 = tpu.memref_slice %arg7[%dma_start3A_717, %dma_start3A_720, %dma_start3A_721] : memref<2x64x137xf32, #tpu.memory_space<vmem>> -> memref<1x8x128xf32, #tpu.memory_space<vmem>>
      %dma_start3A_723 = tpu.memref_squeeze %dma_start3A_722 : memref<1x8x128xf32, #tpu.memory_space<vmem>> -> memref<8x128xf32, #tpu.memory_space<vmem>>
      %dma_start3A_724 = arith.constant 0 : i32
      %dma_start3A_725 = arith.constant 0 : i32
      %dma_start3A_726 = tpu.memref_slice %arg4[%select_n3A_590, %dma_start3A_718, %add3A_716, %dma_start3A_724, %dma_start3A_725] : memref<50x8x128x8x128xf32, #tpu.memory_space<hbm>> -> memref<1x1x1x8x128xf32, #tpu.memory_space<hbm>>
      %dma_start3A_727 = tpu.memref_squeeze %dma_start3A_726 : memref<1x1x1x8x128xf32, #tpu.memory_space<hbm>> -> memref<8x128xf32, #tpu.memory_space<hbm>>
      %dma_start3A_728 = tpu.memref_slice %arg9[%dma_start3A_719] : memref<2x!tpu.dma_semaphore, #tpu.memory_space<semaphore_mem>> -> memref<1x!tpu.dma_semaphore, #tpu.memory_space<semaphore_mem>>
      %dma_start3A_729 = tpu.memref_squeeze %dma_start3A_728 : memref<1x!tpu.dma_semaphore, #tpu.memory_space<semaphore_mem>> -> memref<!tpu.dma_semaphore, #tpu.memory_space<semaphore_mem>>
      %dma_start3A_730 = arith.constant 0 : i32
      %dma_start3A_731 = arith.constant 0 : i32
      %dma_start3A_732 = tpu.memref_slice %arg4[%select_n3A_590, %dma_start3A_718, %add3A_716, %dma_start3A_730, %dma_start3A_731] : memref<50x8x128x8x128xf32, #tpu.memory_space<hbm>> -> memref<1x1x1x8x128xf32, #tpu.memory_space<hbm>>
      %dma_start3A_733 = tpu.memref_squeeze %dma_start3A_732 : memref<1x1x1x8x128xf32, #tpu.memory_space<hbm>> -> memref<8x128xf32, #tpu.memory_space<hbm>>
      %dma_start3A_734 = arith.constant 40 : i32
      %dma_start3A_735 = arith.constant 0 : i32
      %dma_start3A_736 = tpu.memref_slice %arg7[%dma_start3A_717, %dma_start3A_734, %dma_start3A_735] : memref<2x64x137xf32, #tpu.memory_space<vmem>> -> memref<1x8x128xf32, #tpu.memory_space<vmem>>
      %dma_start3A_737 = tpu.memref_squeeze %dma_start3A_736 : memref<1x8x128xf32, #tpu.memory_space<vmem>> -> memref<8x128xf32, #tpu.memory_space<vmem>>
      tpu.enqueue_dma source(%dma_start3A_737 : memref<8x128xf32, #tpu.memory_space<vmem>>) target(%dma_start3A_733 : memref<8x128xf32, #tpu.memory_space<hbm>>) target_semaphore(%dma_start3A_729 : memref<!tpu.dma_semaphore, #tpu.memory_space<semaphore_mem>>)
      %mul3A_738 = arith.constant 4 : i32
      %mul3A_739 = arith.muli %add3A, %mul3A_738 : i32
      %add3A_740 = arith.addi %mul3A_739, %sub3A_593 : i32
      %dma_start3A_741 = arith.constant 0 : i32
      %dma_start3A_742 = arith.constant 6 : i32
      %dma_start3A_743 = arith.constant 0 : i32
      %dma_start3A_744 = arith.constant 48 : i32
      %dma_start3A_745 = arith.constant 0 : i32
      %dma_start3A_746 = tpu.memref_slice %arg7[%dma_start3A_741, %dma_start3A_744, %dma_start3A_745] : memref<2x64x137xf32, #tpu.memory_space<vmem>> -> memref<1x8x128xf32, #tpu.memory_space<vmem>>
      %dma_start3A_747 = tpu.memref_squeeze %dma_start3A_746 : memref<1x8x128xf32, #tpu.memory_space<vmem>> -> memref<8x128xf32, #tpu.memory_space<vmem>>
      %dma_start3A_748 = arith.constant 0 : i32
      %dma_start3A_749 = arith.constant 0 : i32
      %dma_start3A_750 = tpu.memref_slice %arg4[%select_n3A_590, %dma_start3A_742, %add3A_740, %dma_start3A_748, %dma_start3A_749] : memref<50x8x128x8x128xf32, #tpu.memory_space<hbm>> -> memref<1x1x1x8x128xf32, #tpu.memory_space<hbm>>
      %dma_start3A_751 = tpu.memref_squeeze %dma_start3A_750 : memref<1x1x1x8x128xf32, #tpu.memory_space<hbm>> -> memref<8x128xf32, #tpu.memory_space<hbm>>
      %dma_start3A_752 = tpu.memref_slice %arg9[%dma_start3A_743] : memref<2x!tpu.dma_semaphore, #tpu.memory_space<semaphore_mem>> -> memref<1x!tpu.dma_semaphore, #tpu.memory_space<semaphore_mem>>
      %dma_start3A_753 = tpu.memref_squeeze %dma_start3A_752 : memref<1x!tpu.dma_semaphore, #tpu.memory_space<semaphore_mem>> -> memref<!tpu.dma_semaphore, #tpu.memory_space<semaphore_mem>>
      %dma_start3A_754 = arith.constant 0 : i32
      %dma_start3A_755 = arith.constant 0 : i32
      %dma_start3A_756 = tpu.memref_slice %arg4[%select_n3A_590, %dma_start3A_742, %add3A_740, %dma_start3A_754, %dma_start3A_755] : memref<50x8x128x8x128xf32, #tpu.memory_space<hbm>> -> memref<1x1x1x8x128xf32, #tpu.memory_space<hbm>>
      %dma_start3A_757 = tpu.memref_squeeze %dma_start3A_756 : memref<1x1x1x8x128xf32, #tpu.memory_space<hbm>> -> memref<8x128xf32, #tpu.memory_space<hbm>>
      %dma_start3A_758 = arith.constant 48 : i32
      %dma_start3A_759 = arith.constant 0 : i32
      %dma_start3A_760 = tpu.memref_slice %arg7[%dma_start3A_741, %dma_start3A_758, %dma_start3A_759] : memref<2x64x137xf32, #tpu.memory_space<vmem>> -> memref<1x8x128xf32, #tpu.memory_space<vmem>>
      %dma_start3A_761 = tpu.memref_squeeze %dma_start3A_760 : memref<1x8x128xf32, #tpu.memory_space<vmem>> -> memref<8x128xf32, #tpu.memory_space<vmem>>
      tpu.enqueue_dma source(%dma_start3A_761 : memref<8x128xf32, #tpu.memory_space<vmem>>) target(%dma_start3A_757 : memref<8x128xf32, #tpu.memory_space<hbm>>) target_semaphore(%dma_start3A_753 : memref<!tpu.dma_semaphore, #tpu.memory_space<semaphore_mem>>)
      %mul3A_762 = arith.constant 4 : i32
      %mul3A_763 = arith.muli %add3A, %mul3A_762 : i32
      %add3A_764 = arith.addi %mul3A_763, %sub3A_593 : i32
      %dma_start3A_765 = arith.constant 0 : i32
      %dma_start3A_766 = arith.constant 7 : i32
      %dma_start3A_767 = arith.constant 0 : i32
      %dma_start3A_768 = arith.constant 56 : i32
      %dma_start3A_769 = arith.constant 0 : i32
      %dma_start3A_770 = tpu.memref_slice %arg7[%dma_start3A_765, %dma_start3A_768, %dma_start3A_769] : memref<2x64x137xf32, #tpu.memory_space<vmem>> -> memref<1x8x128xf32, #tpu.memory_space<vmem>>
      %dma_start3A_771 = tpu.memref_squeeze %dma_start3A_770 : memref<1x8x128xf32, #tpu.memory_space<vmem>> -> memref<8x128xf32, #tpu.memory_space<vmem>>
      %dma_start3A_772 = arith.constant 0 : i32
      %dma_start3A_773 = arith.constant 0 : i32
      %dma_start3A_774 = tpu.memref_slice %arg4[%select_n3A_590, %dma_start3A_766, %add3A_764, %dma_start3A_772, %dma_start3A_773] : memref<50x8x128x8x128xf32, #tpu.memory_space<hbm>> -> memref<1x1x1x8x128xf32, #tpu.memory_space<hbm>>
      %dma_start3A_775 = tpu.memref_squeeze %dma_start3A_774 : memref<1x1x1x8x128xf32, #tpu.memory_space<hbm>> -> memref<8x128xf32, #tpu.memory_space<hbm>>
      %dma_start3A_776 = tpu.memref_slice %arg9[%dma_start3A_767] : memref<2x!tpu.dma_semaphore, #tpu.memory_space<semaphore_mem>> -> memref<1x!tpu.dma_semaphore, #tpu.memory_space<semaphore_mem>>
      %dma_start3A_777 = tpu.memref_squeeze %dma_start3A_776 : memref<1x!tpu.dma_semaphore, #tpu.memory_space<semaphore_mem>> -> memref<!tpu.dma_semaphore, #tpu.memory_space<semaphore_mem>>
      %dma_start3A_778 = arith.constant 0 : i32
      %dma_start3A_779 = arith.constant 0 : i32
      %dma_start3A_780 = tpu.memref_slice %arg4[%select_n3A_590, %dma_start3A_766, %add3A_764, %dma_start3A_778, %dma_start3A_779] : memref<50x8x128x8x128xf32, #tpu.memory_space<hbm>> -> memref<1x1x1x8x128xf32, #tpu.memory_space<hbm>>
      %dma_start3A_781 = tpu.memref_squeeze %dma_start3A_780 : memref<1x1x1x8x128xf32, #tpu.memory_space<hbm>> -> memref<8x128xf32, #tpu.memory_space<hbm>>
      %dma_start3A_782 = arith.constant 56 : i32
      %dma_start3A_783 = arith.constant 0 : i32
      %dma_start3A_784 = tpu.memref_slice %arg7[%dma_start3A_765, %dma_start3A_782, %dma_start3A_783] : memref<2x64x137xf32, #tpu.memory_space<vmem>> -> memref<1x8x128xf32, #tpu.memory_space<vmem>>
      %dma_start3A_785 = tpu.memref_squeeze %dma_start3A_784 : memref<1x8x128xf32, #tpu.memory_space<vmem>> -> memref<8x128xf32, #tpu.memory_space<vmem>>
      tpu.enqueue_dma source(%dma_start3A_785 : memref<8x128xf32, #tpu.memory_space<vmem>>) target(%dma_start3A_781 : memref<8x128xf32, #tpu.memory_space<hbm>>) target_semaphore(%dma_start3A_777 : memref<!tpu.dma_semaphore, #tpu.memory_space<semaphore_mem>>)
      %add3A_786 = arith.constant 2 : i32
      %add3A_787 = arith.addi %add3A_473, %add3A_786 : i32
      %lt3A = arith.constant 200 : i32
      %lt3A_788 = arith.cmpi slt, %add3A_787, %lt3A : i32
      %convert_element_type3A_789 = arith.extui %lt3A_788 : i1 to i32
      %cond3A_790 = arith.constant 0 : i32
      %cond3A_791 = arith.cmpi ne, %convert_element_type3A_789, %cond3A_790 : i32
      scf.if %cond3A_791 {
        %add3A_1124 = arith.constant 2 : i32
        %add3A_1125 = arith.addi %add3A_473, %add3A_1124 : i32
        %jit3A_1126 = arith.constant 4 : i32
        %div3A_1127 = arith.divsi %add3A_1125, %jit3A_1126 : i32
        %sign3A_1128 = arith.constant 0 : i32
        %sign3A_1129 = arith.cmpi sgt, %add3A_1125, %sign3A_1128 : i32
        %sign3A_1130 = arith.extui %sign3A_1129 : i1 to i32
        %sign3A_1131 = arith.constant 0 : i32
        %sign3A_1132 = arith.cmpi slt, %add3A_1125, %sign3A_1131 : i32
        %sign3A_1133 = arith.extui %sign3A_1132 : i1 to i32
        %sign3A_1134 = arith.subi %sign3A_1130, %sign3A_1133 : i32
        %sign3A_1135 = arith.constant 0 : i32
        %sign3A_1136 = arith.cmpi sgt, %jit3A_1126, %sign3A_1135 : i32
        %sign3A_1137 = arith.extui %sign3A_1136 : i1 to i32
        %sign3A_1138 = arith.constant 0 : i32
        %sign3A_1139 = arith.cmpi slt, %jit3A_1126, %sign3A_1138 : i32
        %sign3A_1140 = arith.extui %sign3A_1139 : i1 to i32
        %sign3A_1141 = arith.subi %sign3A_1137, %sign3A_1140 : i32
        %ne3A_1142 = arith.cmpi ne, %sign3A_1134, %sign3A_1141 : i32
        %rem3A_1143 = arith.remsi %add3A_1125, %jit3A_1126 : i32
        %ne3A_1144 = arith.constant 0 : i32
        %ne3A_1145 = arith.cmpi ne, %rem3A_1143, %ne3A_1144 : i32
        %and3A_1146 = arith.andi %ne3A_1142, %ne3A_1145 : i1
        %sub3A_1147 = arith.constant 1 : i32
        %sub3A_1148 = arith.subi %div3A_1127, %sub3A_1147 : i32
        %select_n3A_1149 = arith.select %and3A_1146, %sub3A_1148, %div3A_1127 : i32
        %mul3A_1150 = arith.constant 4 : i32
        %mul3A_1151 = arith.muli %select_n3A_1149, %mul3A_1150 : i32
        %sub3A_1152 = arith.subi %add3A_1125, %mul3A_1151 : i32
        %jit3A_1153 = arith.constant 8 : i32
        %div3A_1154 = arith.divsi %select_n3A_1149, %jit3A_1153 : i32
        %sign3A_1155 = arith.constant 0 : i32
        %sign3A_1156 = arith.cmpi sgt, %select_n3A_1149, %sign3A_1155 : i32
        %sign3A_1157 = arith.extui %sign3A_1156 : i1 to i32
        %sign3A_1158 = arith.constant 0 : i32
        %sign3A_1159 = arith.cmpi slt, %select_n3A_1149, %sign3A_1158 : i32
        %sign3A_1160 = arith.extui %sign3A_1159 : i1 to i32
        %sign3A_1161 = arith.subi %sign3A_1157, %sign3A_1160 : i32
        %sign3A_1162 = arith.constant 0 : i32
        %sign3A_1163 = arith.cmpi sgt, %jit3A_1153, %sign3A_1162 : i32
        %sign3A_1164 = arith.extui %sign3A_1163 : i1 to i32
        %sign3A_1165 = arith.constant 0 : i32
        %sign3A_1166 = arith.cmpi slt, %jit3A_1153, %sign3A_1165 : i32
        %sign3A_1167 = arith.extui %sign3A_1166 : i1 to i32
        %sign3A_1168 = arith.subi %sign3A_1164, %sign3A_1167 : i32
        %ne3A_1169 = arith.cmpi ne, %sign3A_1161, %sign3A_1168 : i32
        %rem3A_1170 = arith.remsi %select_n3A_1149, %jit3A_1153 : i32
        %ne3A_1171 = arith.constant 0 : i32
        %ne3A_1172 = arith.cmpi ne, %rem3A_1170, %ne3A_1171 : i32
        %and3A_1173 = arith.andi %ne3A_1169, %ne3A_1172 : i1
        %sub3A_1174 = arith.constant 1 : i32
        %sub3A_1175 = arith.subi %div3A_1154, %sub3A_1174 : i32
        %select_n3A_1176 = arith.select %and3A_1173, %sub3A_1175, %div3A_1154 : i32
        %jit3A_1177 = arith.constant 8 : i32
        %div3A_1178 = arith.divsi %select_n3A_1149, %jit3A_1177 : i32
        %sign3A_1179 = arith.constant 0 : i32
        %sign3A_1180 = arith.cmpi sgt, %select_n3A_1149, %sign3A_1179 : i32
        %sign3A_1181 = arith.extui %sign3A_1180 : i1 to i32
        %sign3A_1182 = arith.constant 0 : i32
        %sign3A_1183 = arith.cmpi slt, %select_n3A_1149, %sign3A_1182 : i32
        %sign3A_1184 = arith.extui %sign3A_1183 : i1 to i32
        %sign3A_1185 = arith.subi %sign3A_1181, %sign3A_1184 : i32
        %sign3A_1186 = arith.constant 0 : i32
        %sign3A_1187 = arith.cmpi sgt, %jit3A_1177, %sign3A_1186 : i32
        %sign3A_1188 = arith.extui %sign3A_1187 : i1 to i32
        %sign3A_1189 = arith.constant 0 : i32
        %sign3A_1190 = arith.cmpi slt, %jit3A_1177, %sign3A_1189 : i32
        %sign3A_1191 = arith.extui %sign3A_1190 : i1 to i32
        %sign3A_1192 = arith.subi %sign3A_1188, %sign3A_1191 : i32
        %ne3A_1193 = arith.cmpi ne, %sign3A_1185, %sign3A_1192 : i32
        %rem3A_1194 = arith.remsi %select_n3A_1149, %jit3A_1177 : i32
        %ne3A_1195 = arith.constant 0 : i32
        %ne3A_1196 = arith.cmpi ne, %rem3A_1194, %ne3A_1195 : i32
        %and3A_1197 = arith.andi %ne3A_1193, %ne3A_1196 : i1
        %sub3A_1198 = arith.constant 1 : i32
        %sub3A_1199 = arith.subi %div3A_1178, %sub3A_1198 : i32
        %select_n3A_1200 = arith.select %and3A_1197, %sub3A_1199, %div3A_1178 : i32
        %mul3A_1201 = arith.constant 8 : i32
        %mul3A_1202 = arith.muli %select_n3A_1200, %mul3A_1201 : i32
        %sub3A_1203 = arith.subi %select_n3A_1149, %mul3A_1202 : i32
        %dma_start3A_1204 = arith.constant 0 : i32
        %dma_start3A_1205 = arith.constant 0 : i32
        %dma_start3A_1206 = arith.constant 0 : i32
        %dma_start3A_1207 = arith.constant 0 : i32
        %dma_start3A_1208 = tpu.memref_slice %arg6[%dma_start3A_1204, %dma_start3A_1206, %dma_start3A_1207] : memref<2x128x64xf32, #tpu.memory_space<vmem>> -> memref<1x128x64xf32, #tpu.memory_space<vmem>>
        %dma_start3A_1209 = tpu.memref_squeeze %dma_start3A_1208 : memref<1x128x64xf32, #tpu.memory_space<vmem>> -> memref<128x64xf32, #tpu.memory_space<vmem>>
        %dma_start3A_1210 = arith.constant 0 : i32
        %dma_start3A_1211 = tpu.memref_slice %arg5[%select_n3A_1176, %sub3A_1152, %sub3A_1203, %dma_start3A_1210] : memref<7x4x8x128xi32, #tpu.memory_space<vmem>> -> memref<1x1x1x128xi32, #tpu.memory_space<vmem>>
        %dma_start3A_1212 = tpu.memref_squeeze %dma_start3A_1211 : memref<1x1x1x128xi32, #tpu.memory_space<vmem>> -> memref<128xi32, #tpu.memory_space<vmem>>
        %dma_start3A_1213 = arith.constant 0 : i32
        %dma_start3A_1214 = arith.constant 0 : i32
        %dma_start3A_1215 = tpu.memref_slice %arg2[%dma_start3A_1213, %dma_start3A_1214] : memref<1000000x64xf32, #tpu.memory_space<hbm>> -> memref<1000000x64xf32, #tpu.memory_space<hbm>>
        %dma_start3A_1216 = tpu.memref_slice %arg8[%dma_start3A_1205] : memref<2x!tpu.dma_semaphore, #tpu.memory_space<semaphore_mem>> -> memref<1x!tpu.dma_semaphore, #tpu.memory_space<semaphore_mem>>
        %dma_start3A_1217 = tpu.memref_squeeze %dma_start3A_1216 : memref<1x!tpu.dma_semaphore, #tpu.memory_space<semaphore_mem>> -> memref<!tpu.dma_semaphore, #tpu.memory_space<semaphore_mem>>
        tpu.enqueue_indirect_dma source(%dma_start3A_1215 : memref<1000000x64xf32, #tpu.memory_space<hbm>>) target(%dma_start3A_1209 : memref<128x64xf32, #tpu.memory_space<vmem>>) offsets(%dma_start3A_1212 : memref<128xi32, #tpu.memory_space<vmem>>) semaphore(%dma_start3A_1217 : memref<!tpu.dma_semaphore, #tpu.memory_space<semaphore_mem>>)
      } else {
      }
      %add3A_792 = arith.constant 1 : i32
      %add3A_793 = arith.addi %add3A_471, %add3A_792 : i32
      %jit3A_794 = arith.constant 4 : i32
      %div3A_795 = arith.divsi %add3A_793, %jit3A_794 : i32
      %sign3A_796 = arith.constant 0 : i32
      %sign3A_797 = arith.cmpi sgt, %add3A_793, %sign3A_796 : i32
      %sign3A_798 = arith.extui %sign3A_797 : i1 to i32
      %sign3A_799 = arith.constant 0 : i32
      %sign3A_800 = arith.cmpi slt, %add3A_793, %sign3A_799 : i32
      %sign3A_801 = arith.extui %sign3A_800 : i1 to i32
      %sign3A_802 = arith.subi %sign3A_798, %sign3A_801 : i32
      %sign3A_803 = arith.constant 0 : i32
      %sign3A_804 = arith.cmpi sgt, %jit3A_794, %sign3A_803 : i32
      %sign3A_805 = arith.extui %sign3A_804 : i1 to i32
      %sign3A_806 = arith.constant 0 : i32
      %sign3A_807 = arith.cmpi slt, %jit3A_794, %sign3A_806 : i32
      %sign3A_808 = arith.extui %sign3A_807 : i1 to i32
      %sign3A_809 = arith.subi %sign3A_805, %sign3A_808 : i32
      %ne3A_810 = arith.cmpi ne, %sign3A_802, %sign3A_809 : i32
      %rem3A_811 = arith.remsi %add3A_793, %jit3A_794 : i32
      %ne3A_812 = arith.constant 0 : i32
      %ne3A_813 = arith.cmpi ne, %rem3A_811, %ne3A_812 : i32
      %and3A_814 = arith.andi %ne3A_810, %ne3A_813 : i1
      %sub3A_815 = arith.constant 1 : i32
      %sub3A_816 = arith.subi %div3A_795, %sub3A_815 : i32
      %select_n3A_817 = arith.select %and3A_814, %sub3A_816, %div3A_795 : i32
      %mul3A_818 = arith.constant 4 : i32
      %mul3A_819 = arith.muli %select_n3A_817, %mul3A_818 : i32
      %sub3A_820 = arith.subi %add3A_793, %mul3A_819 : i32
      %jit3A_821 = arith.constant 8 : i32
      %div3A_822 = arith.divsi %select_n3A_817, %jit3A_821 : i32
      %sign3A_823 = arith.constant 0 : i32
      %sign3A_824 = arith.cmpi sgt, %select_n3A_817, %sign3A_823 : i32
      %sign3A_825 = arith.extui %sign3A_824 : i1 to i32
      %sign3A_826 = arith.constant 0 : i32
      %sign3A_827 = arith.cmpi slt, %select_n3A_817, %sign3A_826 : i32
      %sign3A_828 = arith.extui %sign3A_827 : i1 to i32
      %sign3A_829 = arith.subi %sign3A_825, %sign3A_828 : i32
      %sign3A_830 = arith.constant 0 : i32
      %sign3A_831 = arith.cmpi sgt, %jit3A_821, %sign3A_830 : i32
      %sign3A_832 = arith.extui %sign3A_831 : i1 to i32
      %sign3A_833 = arith.constant 0 : i32
      %sign3A_834 = arith.cmpi slt, %jit3A_821, %sign3A_833 : i32
      %sign3A_835 = arith.extui %sign3A_834 : i1 to i32
      %sign3A_836 = arith.subi %sign3A_832, %sign3A_835 : i32
      %ne3A_837 = arith.cmpi ne, %sign3A_829, %sign3A_836 : i32
      %rem3A_838 = arith.remsi %select_n3A_817, %jit3A_821 : i32
      %ne3A_839 = arith.constant 0 : i32
      %ne3A_840 = arith.cmpi ne, %rem3A_838, %ne3A_839 : i32
      %and3A_841 = arith.andi %ne3A_837, %ne3A_840 : i1
      %sub3A_842 = arith.constant 1 : i32
      %sub3A_843 = arith.subi %div3A_822, %sub3A_842 : i32
      %select_n3A_844 = arith.select %and3A_841, %sub3A_843, %div3A_822 : i32
      %jit3A_845 = arith.constant 8 : i32
      %div3A_846 = arith.divsi %select_n3A_817, %jit3A_845 : i32
      %sign3A_847 = arith.constant 0 : i32
      %sign3A_848 = arith.cmpi sgt, %select_n3A_817, %sign3A_847 : i32
      %sign3A_849 = arith.extui %sign3A_848 : i1 to i32
      %sign3A_850 = arith.constant 0 : i32
      %sign3A_851 = arith.cmpi slt, %select_n3A_817, %sign3A_850 : i32
      %sign3A_852 = arith.extui %sign3A_851 : i1 to i32
      %sign3A_853 = arith.subi %sign3A_849, %sign3A_852 : i32
      %sign3A_854 = arith.constant 0 : i32
      %sign3A_855 = arith.cmpi sgt, %jit3A_845, %sign3A_854 : i32
      %sign3A_856 = arith.extui %sign3A_855 : i1 to i32
      %sign3A_857 = arith.constant 0 : i32
      %sign3A_858 = arith.cmpi slt, %jit3A_845, %sign3A_857 : i32
      %sign3A_859 = arith.extui %sign3A_858 : i1 to i32
      %sign3A_860 = arith.subi %sign3A_856, %sign3A_859 : i32
      %ne3A_861 = arith.cmpi ne, %sign3A_853, %sign3A_860 : i32
      %rem3A_862 = arith.remsi %select_n3A_817, %jit3A_845 : i32
      %ne3A_863 = arith.constant 0 : i32
      %ne3A_864 = arith.cmpi ne, %rem3A_862, %ne3A_863 : i32
      %and3A_865 = arith.andi %ne3A_861, %ne3A_864 : i1
      %sub3A_866 = arith.constant 1 : i32
      %sub3A_867 = arith.subi %div3A_846, %sub3A_866 : i32
      %select_n3A_868 = arith.select %and3A_865, %sub3A_867, %div3A_846 : i32
      %mul3A_869 = arith.constant 8 : i32
      %mul3A_870 = arith.muli %select_n3A_868, %mul3A_869 : i32
      %sub3A_871 = arith.subi %select_n3A_817, %mul3A_870 : i32
      %dma_wait3A_872 = arith.constant 1 : i32
      %dma_wait3A_873 = arith.constant 1 : i32
      %dma_wait3A_874 = arith.constant 0 : i32
      %dma_wait3A_875 = arith.constant 0 : i32
      %dma_wait3A_876 = tpu.memref_slice %arg6[%dma_wait3A_872, %dma_wait3A_874, %dma_wait3A_875] : memref<2x128x64xf32, #tpu.memory_space<vmem>> -> memref<1x128x64xf32, #tpu.memory_space<vmem>>
      %dma_wait3A_877 = tpu.memref_squeeze %dma_wait3A_876 : memref<1x128x64xf32, #tpu.memory_space<vmem>> -> memref<128x64xf32, #tpu.memory_space<vmem>>
      %dma_wait3A_878 = arith.constant 0 : i32
      %dma_wait3A_879 = tpu.memref_slice %arg5[%select_n3A_844, %sub3A_820, %sub3A_871, %dma_wait3A_878] : memref<7x4x8x128xi32, #tpu.memory_space<vmem>> -> memref<1x1x1x128xi32, #tpu.memory_space<vmem>>
      %dma_wait3A_880 = tpu.memref_squeeze %dma_wait3A_879 : memref<1x1x1x128xi32, #tpu.memory_space<vmem>> -> memref<128xi32, #tpu.memory_space<vmem>>
      %dma_wait3A_881 = arith.constant 0 : i32
      %dma_wait3A_882 = arith.constant 0 : i32
      %dma_wait3A_883 = tpu.memref_slice %arg2[%dma_wait3A_881, %dma_wait3A_882] : memref<1000000x64xf32, #tpu.memory_space<hbm>> -> memref<1000000x64xf32, #tpu.memory_space<hbm>>
      %dma_wait3A_884 = tpu.memref_slice %arg8[%dma_wait3A_873] : memref<2x!tpu.dma_semaphore, #tpu.memory_space<semaphore_mem>> -> memref<1x!tpu.dma_semaphore, #tpu.memory_space<semaphore_mem>>
      %dma_wait3A_885 = tpu.memref_squeeze %dma_wait3A_884 : memref<1x!tpu.dma_semaphore, #tpu.memory_space<semaphore_mem>> -> memref<!tpu.dma_semaphore, #tpu.memory_space<semaphore_mem>>
      tpu.wait_indirect_dma semaphore(%dma_wait3A_885 : memref<!tpu.dma_semaphore, #tpu.memory_space<semaphore_mem>>) src(%dma_wait3A_883 : memref<1000000x64xf32, #tpu.memory_space<hbm>>) dst(%dma_wait3A_877 : memref<128x64xf32, #tpu.memory_space<vmem>>)
      %ge3A_886 = arith.constant 2 : i32
      %ge3A_887 = arith.cmpi sge, %add3A_793, %ge3A_886 : i32
      %convert_element_type3A_888 = arith.extui %ge3A_887 : i1 to i32
      %cond3A_889 = arith.constant 0 : i32
      %cond3A_890 = arith.cmpi ne, %convert_element_type3A_888, %cond3A_889 : i32
      scf.if %cond3A_890 {
        %sub3A_1124 = arith.constant 2 : i32
        %sub3A_1125 = arith.subi %add3A_793, %sub3A_1124 : i32
        %jit3A_1126 = arith.constant 4 : i32
        %div3A_1127 = arith.divsi %sub3A_1125, %jit3A_1126 : i32
        %sign3A_1128 = arith.constant 0 : i32
        %sign3A_1129 = arith.cmpi sgt, %sub3A_1125, %sign3A_1128 : i32
        %sign3A_1130 = arith.extui %sign3A_1129 : i1 to i32
        %sign3A_1131 = arith.constant 0 : i32
        %sign3A_1132 = arith.cmpi slt, %sub3A_1125, %sign3A_1131 : i32
        %sign3A_1133 = arith.extui %sign3A_1132 : i1 to i32
        %sign3A_1134 = arith.subi %sign3A_1130, %sign3A_1133 : i32
        %sign3A_1135 = arith.constant 0 : i32
        %sign3A_1136 = arith.cmpi sgt, %jit3A_1126, %sign3A_1135 : i32
        %sign3A_1137 = arith.extui %sign3A_1136 : i1 to i32
        %sign3A_1138 = arith.constant 0 : i32
        %sign3A_1139 = arith.cmpi slt, %jit3A_1126, %sign3A_1138 : i32
        %sign3A_1140 = arith.extui %sign3A_1139 : i1 to i32
        %sign3A_1141 = arith.subi %sign3A_1137, %sign3A_1140 : i32
        %ne3A_1142 = arith.cmpi ne, %sign3A_1134, %sign3A_1141 : i32
        %rem3A_1143 = arith.remsi %sub3A_1125, %jit3A_1126 : i32
        %ne3A_1144 = arith.constant 0 : i32
        %ne3A_1145 = arith.cmpi ne, %rem3A_1143, %ne3A_1144 : i32
        %and3A_1146 = arith.andi %ne3A_1142, %ne3A_1145 : i1
        %sub3A_1147 = arith.constant 1 : i32
        %sub3A_1148 = arith.subi %div3A_1127, %sub3A_1147 : i32
        %select_n3A_1149 = arith.select %and3A_1146, %sub3A_1148, %div3A_1127 : i32
        %mul3A_1150 = arith.constant 4 : i32
        %mul3A_1151 = arith.muli %select_n3A_1149, %mul3A_1150 : i32
        %sub3A_1152 = arith.subi %sub3A_1125, %mul3A_1151 : i32
        %mul3A_1153 = arith.constant 4 : i32
        %mul3A_1154 = arith.muli %add3A, %mul3A_1153 : i32
        %add3A_1155 = arith.addi %mul3A_1154, %sub3A_1152 : i32
        %dma_wait3A_1156 = arith.constant 1 : i32
        %dma_wait3A_1157 = arith.constant 0 : i32
        %dma_wait3A_1158 = arith.constant 1 : i32
        %dma_wait3A_1159 = arith.constant 0 : i32
        %dma_wait3A_1160 = arith.constant 0 : i32
        %dma_wait3A_1161 = tpu.memref_slice %arg7[%dma_wait3A_1156, %dma_wait3A_1159, %dma_wait3A_1160] : memref<2x64x137xf32, #tpu.memory_space<vmem>> -> memref<1x8x128xf32, #tpu.memory_space<vmem>>
        %dma_wait3A_1162 = tpu.memref_squeeze %dma_wait3A_1161 : memref<1x8x128xf32, #tpu.memory_space<vmem>> -> memref<8x128xf32, #tpu.memory_space<vmem>>
        %dma_wait3A_1163 = arith.constant 0 : i32
        %dma_wait3A_1164 = arith.constant 0 : i32
        %dma_wait3A_1165 = tpu.memref_slice %arg4[%select_n3A_1149, %dma_wait3A_1157, %add3A_1155, %dma_wait3A_1163, %dma_wait3A_1164] : memref<50x8x128x8x128xf32, #tpu.memory_space<hbm>> -> memref<1x1x1x8x128xf32, #tpu.memory_space<hbm>>
        %dma_wait3A_1166 = tpu.memref_squeeze %dma_wait3A_1165 : memref<1x1x1x8x128xf32, #tpu.memory_space<hbm>> -> memref<8x128xf32, #tpu.memory_space<hbm>>
        %dma_wait3A_1167 = tpu.memref_slice %arg9[%dma_wait3A_1158] : memref<2x!tpu.dma_semaphore, #tpu.memory_space<semaphore_mem>> -> memref<1x!tpu.dma_semaphore, #tpu.memory_space<semaphore_mem>>
        %dma_wait3A_1168 = tpu.memref_squeeze %dma_wait3A_1167 : memref<1x!tpu.dma_semaphore, #tpu.memory_space<semaphore_mem>> -> memref<!tpu.dma_semaphore, #tpu.memory_space<semaphore_mem>>
        %dma_wait3A_1169 = arith.constant 0 : i32
        %dma_wait3A_1170 = arith.constant 0 : i32
        %dma_wait3A_1171 = tpu.memref_slice %arg4[%select_n3A_1149, %dma_wait3A_1157, %add3A_1155, %dma_wait3A_1169, %dma_wait3A_1170] : memref<50x8x128x8x128xf32, #tpu.memory_space<hbm>> -> memref<1x1x1x8x128xf32, #tpu.memory_space<hbm>>
        %dma_wait3A_1172 = tpu.memref_squeeze %dma_wait3A_1171 : memref<1x1x1x8x128xf32, #tpu.memory_space<hbm>> -> memref<8x128xf32, #tpu.memory_space<hbm>>
        %dma_wait3A_1173 = arith.constant 0 : i32
        %dma_wait3A_1174 = arith.constant 0 : i32
        %dma_wait3A_1175 = tpu.memref_slice %arg7[%dma_wait3A_1156, %dma_wait3A_1173, %dma_wait3A_1174] : memref<2x64x137xf32, #tpu.memory_space<vmem>> -> memref<1x8x128xf32, #tpu.memory_space<vmem>>
        %dma_wait3A_1176 = tpu.memref_squeeze %dma_wait3A_1175 : memref<1x8x128xf32, #tpu.memory_space<vmem>> -> memref<8x128xf32, #tpu.memory_space<vmem>>
        tpu.wait_dma2 semaphore(%dma_wait3A_1168 : memref<!tpu.dma_semaphore, #tpu.memory_space<semaphore_mem>>) src(%dma_wait3A_1176 : memref<8x128xf32, #tpu.memory_space<vmem>>) dst(%dma_wait3A_1172 : memref<8x128xf32, #tpu.memory_space<hbm>>)
        %mul3A_1177 = arith.constant 4 : i32
        %mul3A_1178 = arith.muli %add3A, %mul3A_1177 : i32
        %add3A_1179 = arith.addi %mul3A_1178, %sub3A_1152 : i32
        %dma_wait3A_1180 = arith.constant 1 : i32
        %dma_wait3A_1181 = arith.constant 1 : i32
        %dma_wait3A_1182 = arith.constant 1 : i32
        %dma_wait3A_1183 = arith.constant 8 : i32
        %dma_wait3A_1184 = arith.constant 0 : i32
        %dma_wait3A_1185 = tpu.memref_slice %arg7[%dma_wait3A_1180, %dma_wait3A_1183, %dma_wait3A_1184] : memref<2x64x137xf32, #tpu.memory_space<vmem>> -> memref<1x8x128xf32, #tpu.memory_space<vmem>>
        %dma_wait3A_1186 = tpu.memref_squeeze %dma_wait3A_1185 : memref<1x8x128xf32, #tpu.memory_space<vmem>> -> memref<8x128xf32, #tpu.memory_space<vmem>>
        %dma_wait3A_1187 = arith.constant 0 : i32
        %dma_wait3A_1188 = arith.constant 0 : i32
        %dma_wait3A_1189 = tpu.memref_slice %arg4[%select_n3A_1149, %dma_wait3A_1181, %add3A_1179, %dma_wait3A_1187, %dma_wait3A_1188] : memref<50x8x128x8x128xf32, #tpu.memory_space<hbm>> -> memref<1x1x1x8x128xf32, #tpu.memory_space<hbm>>
        %dma_wait3A_1190 = tpu.memref_squeeze %dma_wait3A_1189 : memref<1x1x1x8x128xf32, #tpu.memory_space<hbm>> -> memref<8x128xf32, #tpu.memory_space<hbm>>
        %dma_wait3A_1191 = tpu.memref_slice %arg9[%dma_wait3A_1182] : memref<2x!tpu.dma_semaphore, #tpu.memory_space<semaphore_mem>> -> memref<1x!tpu.dma_semaphore, #tpu.memory_space<semaphore_mem>>
        %dma_wait3A_1192 = tpu.memref_squeeze %dma_wait3A_1191 : memref<1x!tpu.dma_semaphore, #tpu.memory_space<semaphore_mem>> -> memref<!tpu.dma_semaphore, #tpu.memory_space<semaphore_mem>>
        %dma_wait3A_1193 = arith.constant 0 : i32
        %dma_wait3A_1194 = arith.constant 0 : i32
        %dma_wait3A_1195 = tpu.memref_slice %arg4[%select_n3A_1149, %dma_wait3A_1181, %add3A_1179, %dma_wait3A_1193, %dma_wait3A_1194] : memref<50x8x128x8x128xf32, #tpu.memory_space<hbm>> -> memref<1x1x1x8x128xf32, #tpu.memory_space<hbm>>
        %dma_wait3A_1196 = tpu.memref_squeeze %dma_wait3A_1195 : memref<1x1x1x8x128xf32, #tpu.memory_space<hbm>> -> memref<8x128xf32, #tpu.memory_space<hbm>>
        %dma_wait3A_1197 = arith.constant 8 : i32
        %dma_wait3A_1198 = arith.constant 0 : i32
        %dma_wait3A_1199 = tpu.memref_slice %arg7[%dma_wait3A_1180, %dma_wait3A_1197, %dma_wait3A_1198] : memref<2x64x137xf32, #tpu.memory_space<vmem>> -> memref<1x8x128xf32, #tpu.memory_space<vmem>>
        %dma_wait3A_1200 = tpu.memref_squeeze %dma_wait3A_1199 : memref<1x8x128xf32, #tpu.memory_space<vmem>> -> memref<8x128xf32, #tpu.memory_space<vmem>>
        tpu.wait_dma2 semaphore(%dma_wait3A_1192 : memref<!tpu.dma_semaphore, #tpu.memory_space<semaphore_mem>>) src(%dma_wait3A_1200 : memref<8x128xf32, #tpu.memory_space<vmem>>) dst(%dma_wait3A_1196 : memref<8x128xf32, #tpu.memory_space<hbm>>)
        %mul3A_1201 = arith.constant 4 : i32
        %mul3A_1202 = arith.muli %add3A, %mul3A_1201 : i32
        %add3A_1203 = arith.addi %mul3A_1202, %sub3A_1152 : i32
        %dma_wait3A_1204 = arith.constant 1 : i32
        %dma_wait3A_1205 = arith.constant 2 : i32
        %dma_wait3A_1206 = arith.constant 1 : i32
        %dma_wait3A_1207 = arith.constant 16 : i32
        %dma_wait3A_1208 = arith.constant 0 : i32
        %dma_wait3A_1209 = tpu.memref_slice %arg7[%dma_wait3A_1204, %dma_wait3A_1207, %dma_wait3A_1208] : memref<2x64x137xf32, #tpu.memory_space<vmem>> -> memref<1x8x128xf32, #tpu.memory_space<vmem>>
        %dma_wait3A_1210 = tpu.memref_squeeze %dma_wait3A_1209 : memref<1x8x128xf32, #tpu.memory_space<vmem>> -> memref<8x128xf32, #tpu.memory_space<vmem>>
        %dma_wait3A_1211 = arith.constant 0 : i32
        %dma_wait3A_1212 = arith.constant 0 : i32
        %dma_wait3A_1213 = tpu.memref_slice %arg4[%select_n3A_1149, %dma_wait3A_1205, %add3A_1203, %dma_wait3A_1211, %dma_wait3A_1212] : memref<50x8x128x8x128xf32, #tpu.memory_space<hbm>> -> memref<1x1x1x8x128xf32, #tpu.memory_space<hbm>>
        %dma_wait3A_1214 = tpu.memref_squeeze %dma_wait3A_1213 : memref<1x1x1x8x128xf32, #tpu.memory_space<hbm>> -> memref<8x128xf32, #tpu.memory_space<hbm>>
        %dma_wait3A_1215 = tpu.memref_slice %arg9[%dma_wait3A_1206] : memref<2x!tpu.dma_semaphore, #tpu.memory_space<semaphore_mem>> -> memref<1x!tpu.dma_semaphore, #tpu.memory_space<semaphore_mem>>
        %dma_wait3A_1216 = tpu.memref_squeeze %dma_wait3A_1215 : memref<1x!tpu.dma_semaphore, #tpu.memory_space<semaphore_mem>> -> memref<!tpu.dma_semaphore, #tpu.memory_space<semaphore_mem>>
        %dma_wait3A_1217 = arith.constant 0 : i32
        %dma_wait3A_1218 = arith.constant 0 : i32
        %dma_wait3A_1219 = tpu.memref_slice %arg4[%select_n3A_1149, %dma_wait3A_1205, %add3A_1203, %dma_wait3A_1217, %dma_wait3A_1218] : memref<50x8x128x8x128xf32, #tpu.memory_space<hbm>> -> memref<1x1x1x8x128xf32, #tpu.memory_space<hbm>>
        %dma_wait3A_1220 = tpu.memref_squeeze %dma_wait3A_1219 : memref<1x1x1x8x128xf32, #tpu.memory_space<hbm>> -> memref<8x128xf32, #tpu.memory_space<hbm>>
        %dma_wait3A_1221 = arith.constant 16 : i32
        %dma_wait3A_1222 = arith.constant 0 : i32
        %dma_wait3A_1223 = tpu.memref_slice %arg7[%dma_wait3A_1204, %dma_wait3A_1221, %dma_wait3A_1222] : memref<2x64x137xf32, #tpu.memory_space<vmem>> -> memref<1x8x128xf32, #tpu.memory_space<vmem>>
        %dma_wait3A_1224 = tpu.memref_squeeze %dma_wait3A_1223 : memref<1x8x128xf32, #tpu.memory_space<vmem>> -> memref<8x128xf32, #tpu.memory_space<vmem>>
        tpu.wait_dma2 semaphore(%dma_wait3A_1216 : memref<!tpu.dma_semaphore, #tpu.memory_space<semaphore_mem>>) src(%dma_wait3A_1224 : memref<8x128xf32, #tpu.memory_space<vmem>>) dst(%dma_wait3A_1220 : memref<8x128xf32, #tpu.memory_space<hbm>>)
        %mul3A_1225 = arith.constant 4 : i32
        %mul3A_1226 = arith.muli %add3A, %mul3A_1225 : i32
        %add3A_1227 = arith.addi %mul3A_1226, %sub3A_1152 : i32
        %dma_wait3A_1228 = arith.constant 1 : i32
        %dma_wait3A_1229 = arith.constant 3 : i32
        %dma_wait3A_1230 = arith.constant 1 : i32
        %dma_wait3A_1231 = arith.constant 24 : i32
        %dma_wait3A_1232 = arith.constant 0 : i32
        %dma_wait3A_1233 = tpu.memref_slice %arg7[%dma_wait3A_1228, %dma_wait3A_1231, %dma_wait3A_1232] : memref<2x64x137xf32, #tpu.memory_space<vmem>> -> memref<1x8x128xf32, #tpu.memory_space<vmem>>
        %dma_wait3A_1234 = tpu.memref_squeeze %dma_wait3A_1233 : memref<1x8x128xf32, #tpu.memory_space<vmem>> -> memref<8x128xf32, #tpu.memory_space<vmem>>
        %dma_wait3A_1235 = arith.constant 0 : i32
        %dma_wait3A_1236 = arith.constant 0 : i32
        %dma_wait3A_1237 = tpu.memref_slice %arg4[%select_n3A_1149, %dma_wait3A_1229, %add3A_1227, %dma_wait3A_1235, %dma_wait3A_1236] : memref<50x8x128x8x128xf32, #tpu.memory_space<hbm>> -> memref<1x1x1x8x128xf32, #tpu.memory_space<hbm>>
        %dma_wait3A_1238 = tpu.memref_squeeze %dma_wait3A_1237 : memref<1x1x1x8x128xf32, #tpu.memory_space<hbm>> -> memref<8x128xf32, #tpu.memory_space<hbm>>
        %dma_wait3A_1239 = tpu.memref_slice %arg9[%dma_wait3A_1230] : memref<2x!tpu.dma_semaphore, #tpu.memory_space<semaphore_mem>> -> memref<1x!tpu.dma_semaphore, #tpu.memory_space<semaphore_mem>>
        %dma_wait3A_1240 = tpu.memref_squeeze %dma_wait3A_1239 : memref<1x!tpu.dma_semaphore, #tpu.memory_space<semaphore_mem>> -> memref<!tpu.dma_semaphore, #tpu.memory_space<semaphore_mem>>
        %dma_wait3A_1241 = arith.constant 0 : i32
        %dma_wait3A_1242 = arith.constant 0 : i32
        %dma_wait3A_1243 = tpu.memref_slice %arg4[%select_n3A_1149, %dma_wait3A_1229, %add3A_1227, %dma_wait3A_1241, %dma_wait3A_1242] : memref<50x8x128x8x128xf32, #tpu.memory_space<hbm>> -> memref<1x1x1x8x128xf32, #tpu.memory_space<hbm>>
        %dma_wait3A_1244 = tpu.memref_squeeze %dma_wait3A_1243 : memref<1x1x1x8x128xf32, #tpu.memory_space<hbm>> -> memref<8x128xf32, #tpu.memory_space<hbm>>
        %dma_wait3A_1245 = arith.constant 24 : i32
        %dma_wait3A_1246 = arith.constant 0 : i32
        %dma_wait3A_1247 = tpu.memref_slice %arg7[%dma_wait3A_1228, %dma_wait3A_1245, %dma_wait3A_1246] : memref<2x64x137xf32, #tpu.memory_space<vmem>> -> memref<1x8x128xf32, #tpu.memory_space<vmem>>
        %dma_wait3A_1248 = tpu.memref_squeeze %dma_wait3A_1247 : memref<1x8x128xf32, #tpu.memory_space<vmem>> -> memref<8x128xf32, #tpu.memory_space<vmem>>
        tpu.wait_dma2 semaphore(%dma_wait3A_1240 : memref<!tpu.dma_semaphore, #tpu.memory_space<semaphore_mem>>) src(%dma_wait3A_1248 : memref<8x128xf32, #tpu.memory_space<vmem>>) dst(%dma_wait3A_1244 : memref<8x128xf32, #tpu.memory_space<hbm>>)
        %mul3A_1249 = arith.constant 4 : i32
        %mul3A_1250 = arith.muli %add3A, %mul3A_1249 : i32
        %add3A_1251 = arith.addi %mul3A_1250, %sub3A_1152 : i32
        %dma_wait3A_1252 = arith.constant 1 : i32
        %dma_wait3A_1253 = arith.constant 4 : i32
        %dma_wait3A_1254 = arith.constant 1 : i32
        %dma_wait3A_1255 = arith.constant 32 : i32
        %dma_wait3A_1256 = arith.constant 0 : i32
        %dma_wait3A_1257 = tpu.memref_slice %arg7[%dma_wait3A_1252, %dma_wait3A_1255, %dma_wait3A_1256] : memref<2x64x137xf32, #tpu.memory_space<vmem>> -> memref<1x8x128xf32, #tpu.memory_space<vmem>>
        %dma_wait3A_1258 = tpu.memref_squeeze %dma_wait3A_1257 : memref<1x8x128xf32, #tpu.memory_space<vmem>> -> memref<8x128xf32, #tpu.memory_space<vmem>>
        %dma_wait3A_1259 = arith.constant 0 : i32
        %dma_wait3A_1260 = arith.constant 0 : i32
        %dma_wait3A_1261 = tpu.memref_slice %arg4[%select_n3A_1149, %dma_wait3A_1253, %add3A_1251, %dma_wait3A_1259, %dma_wait3A_1260] : memref<50x8x128x8x128xf32, #tpu.memory_space<hbm>> -> memref<1x1x1x8x128xf32, #tpu.memory_space<hbm>>
        %dma_wait3A_1262 = tpu.memref_squeeze %dma_wait3A_1261 : memref<1x1x1x8x128xf32, #tpu.memory_space<hbm>> -> memref<8x128xf32, #tpu.memory_space<hbm>>
        %dma_wait3A_1263 = tpu.memref_slice %arg9[%dma_wait3A_1254] : memref<2x!tpu.dma_semaphore, #tpu.memory_space<semaphore_mem>> -> memref<1x!tpu.dma_semaphore, #tpu.memory_space<semaphore_mem>>
        %dma_wait3A_1264 = tpu.memref_squeeze %dma_wait3A_1263 : memref<1x!tpu.dma_semaphore, #tpu.memory_space<semaphore_mem>> -> memref<!tpu.dma_semaphore, #tpu.memory_space<semaphore_mem>>
        %dma_wait3A_1265 = arith.constant 0 : i32
        %dma_wait3A_1266 = arith.constant 0 : i32
        %dma_wait3A_1267 = tpu.memref_slice %arg4[%select_n3A_1149, %dma_wait3A_1253, %add3A_1251, %dma_wait3A_1265, %dma_wait3A_1266] : memref<50x8x128x8x128xf32, #tpu.memory_space<hbm>> -> memref<1x1x1x8x128xf32, #tpu.memory_space<hbm>>
        %dma_wait3A_1268 = tpu.memref_squeeze %dma_wait3A_1267 : memref<1x1x1x8x128xf32, #tpu.memory_space<hbm>> -> memref<8x128xf32, #tpu.memory_space<hbm>>
        %dma_wait3A_1269 = arith.constant 32 : i32
        %dma_wait3A_1270 = arith.constant 0 : i32
        %dma_wait3A_1271 = tpu.memref_slice %arg7[%dma_wait3A_1252, %dma_wait3A_1269, %dma_wait3A_1270] : memref<2x64x137xf32, #tpu.memory_space<vmem>> -> memref<1x8x128xf32, #tpu.memory_space<vmem>>
        %dma_wait3A_1272 = tpu.memref_squeeze %dma_wait3A_1271 : memref<1x8x128xf32, #tpu.memory_space<vmem>> -> memref<8x128xf32, #tpu.memory_space<vmem>>
        tpu.wait_dma2 semaphore(%dma_wait3A_1264 : memref<!tpu.dma_semaphore, #tpu.memory_space<semaphore_mem>>) src(%dma_wait3A_1272 : memref<8x128xf32, #tpu.memory_space<vmem>>) dst(%dma_wait3A_1268 : memref<8x128xf32, #tpu.memory_space<hbm>>)
        %mul3A_1273 = arith.constant 4 : i32
        %mul3A_1274 = arith.muli %add3A, %mul3A_1273 : i32
        %add3A_1275 = arith.addi %mul3A_1274, %sub3A_1152 : i32
        %dma_wait3A_1276 = arith.constant 1 : i32
        %dma_wait3A_1277 = arith.constant 5 : i32
        %dma_wait3A_1278 = arith.constant 1 : i32
        %dma_wait3A_1279 = arith.constant 40 : i32
        %dma_wait3A_1280 = arith.constant 0 : i32
        %dma_wait3A_1281 = tpu.memref_slice %arg7[%dma_wait3A_1276, %dma_wait3A_1279, %dma_wait3A_1280] : memref<2x64x137xf32, #tpu.memory_space<vmem>> -> memref<1x8x128xf32, #tpu.memory_space<vmem>>
        %dma_wait3A_1282 = tpu.memref_squeeze %dma_wait3A_1281 : memref<1x8x128xf32, #tpu.memory_space<vmem>> -> memref<8x128xf32, #tpu.memory_space<vmem>>
        %dma_wait3A_1283 = arith.constant 0 : i32
        %dma_wait3A_1284 = arith.constant 0 : i32
        %dma_wait3A_1285 = tpu.memref_slice %arg4[%select_n3A_1149, %dma_wait3A_1277, %add3A_1275, %dma_wait3A_1283, %dma_wait3A_1284] : memref<50x8x128x8x128xf32, #tpu.memory_space<hbm>> -> memref<1x1x1x8x128xf32, #tpu.memory_space<hbm>>
        %dma_wait3A_1286 = tpu.memref_squeeze %dma_wait3A_1285 : memref<1x1x1x8x128xf32, #tpu.memory_space<hbm>> -> memref<8x128xf32, #tpu.memory_space<hbm>>
        %dma_wait3A_1287 = tpu.memref_slice %arg9[%dma_wait3A_1278] : memref<2x!tpu.dma_semaphore, #tpu.memory_space<semaphore_mem>> -> memref<1x!tpu.dma_semaphore, #tpu.memory_space<semaphore_mem>>
        %dma_wait3A_1288 = tpu.memref_squeeze %dma_wait3A_1287 : memref<1x!tpu.dma_semaphore, #tpu.memory_space<semaphore_mem>> -> memref<!tpu.dma_semaphore, #tpu.memory_space<semaphore_mem>>
        %dma_wait3A_1289 = arith.constant 0 : i32
        %dma_wait3A_1290 = arith.constant 0 : i32
        %dma_wait3A_1291 = tpu.memref_slice %arg4[%select_n3A_1149, %dma_wait3A_1277, %add3A_1275, %dma_wait3A_1289, %dma_wait3A_1290] : memref<50x8x128x8x128xf32, #tpu.memory_space<hbm>> -> memref<1x1x1x8x128xf32, #tpu.memory_space<hbm>>
        %dma_wait3A_1292 = tpu.memref_squeeze %dma_wait3A_1291 : memref<1x1x1x8x128xf32, #tpu.memory_space<hbm>> -> memref<8x128xf32, #tpu.memory_space<hbm>>
        %dma_wait3A_1293 = arith.constant 40 : i32
        %dma_wait3A_1294 = arith.constant 0 : i32
        %dma_wait3A_1295 = tpu.memref_slice %arg7[%dma_wait3A_1276, %dma_wait3A_1293, %dma_wait3A_1294] : memref<2x64x137xf32, #tpu.memory_space<vmem>> -> memref<1x8x128xf32, #tpu.memory_space<vmem>>
        %dma_wait3A_1296 = tpu.memref_squeeze %dma_wait3A_1295 : memref<1x8x128xf32, #tpu.memory_space<vmem>> -> memref<8x128xf32, #tpu.memory_space<vmem>>
        tpu.wait_dma2 semaphore(%dma_wait3A_1288 : memref<!tpu.dma_semaphore, #tpu.memory_space<semaphore_mem>>) src(%dma_wait3A_1296 : memref<8x128xf32, #tpu.memory_space<vmem>>) dst(%dma_wait3A_1292 : memref<8x128xf32, #tpu.memory_space<hbm>>)
        %mul3A_1297 = arith.constant 4 : i32
        %mul3A_1298 = arith.muli %add3A, %mul3A_1297 : i32
        %add3A_1299 = arith.addi %mul3A_1298, %sub3A_1152 : i32
        %dma_wait3A_1300 = arith.constant 1 : i32
        %dma_wait3A_1301 = arith.constant 6 : i32
        %dma_wait3A_1302 = arith.constant 1 : i32
        %dma_wait3A_1303 = arith.constant 48 : i32
        %dma_wait3A_1304 = arith.constant 0 : i32
        %dma_wait3A_1305 = tpu.memref_slice %arg7[%dma_wait3A_1300, %dma_wait3A_1303, %dma_wait3A_1304] : memref<2x64x137xf32, #tpu.memory_space<vmem>> -> memref<1x8x128xf32, #tpu.memory_space<vmem>>
        %dma_wait3A_1306 = tpu.memref_squeeze %dma_wait3A_1305 : memref<1x8x128xf32, #tpu.memory_space<vmem>> -> memref<8x128xf32, #tpu.memory_space<vmem>>
        %dma_wait3A_1307 = arith.constant 0 : i32
        %dma_wait3A_1308 = arith.constant 0 : i32
        %dma_wait3A_1309 = tpu.memref_slice %arg4[%select_n3A_1149, %dma_wait3A_1301, %add3A_1299, %dma_wait3A_1307, %dma_wait3A_1308] : memref<50x8x128x8x128xf32, #tpu.memory_space<hbm>> -> memref<1x1x1x8x128xf32, #tpu.memory_space<hbm>>
        %dma_wait3A_1310 = tpu.memref_squeeze %dma_wait3A_1309 : memref<1x1x1x8x128xf32, #tpu.memory_space<hbm>> -> memref<8x128xf32, #tpu.memory_space<hbm>>
        %dma_wait3A_1311 = tpu.memref_slice %arg9[%dma_wait3A_1302] : memref<2x!tpu.dma_semaphore, #tpu.memory_space<semaphore_mem>> -> memref<1x!tpu.dma_semaphore, #tpu.memory_space<semaphore_mem>>
        %dma_wait3A_1312 = tpu.memref_squeeze %dma_wait3A_1311 : memref<1x!tpu.dma_semaphore, #tpu.memory_space<semaphore_mem>> -> memref<!tpu.dma_semaphore, #tpu.memory_space<semaphore_mem>>
        %dma_wait3A_1313 = arith.constant 0 : i32
        %dma_wait3A_1314 = arith.constant 0 : i32
        %dma_wait3A_1315 = tpu.memref_slice %arg4[%select_n3A_1149, %dma_wait3A_1301, %add3A_1299, %dma_wait3A_1313, %dma_wait3A_1314] : memref<50x8x128x8x128xf32, #tpu.memory_space<hbm>> -> memref<1x1x1x8x128xf32, #tpu.memory_space<hbm>>
        %dma_wait3A_1316 = tpu.memref_squeeze %dma_wait3A_1315 : memref<1x1x1x8x128xf32, #tpu.memory_space<hbm>> -> memref<8x128xf32, #tpu.memory_space<hbm>>
        %dma_wait3A_1317 = arith.constant 48 : i32
        %dma_wait3A_1318 = arith.constant 0 : i32
        %dma_wait3A_1319 = tpu.memref_slice %arg7[%dma_wait3A_1300, %dma_wait3A_1317, %dma_wait3A_1318] : memref<2x64x137xf32, #tpu.memory_space<vmem>> -> memref<1x8x128xf32, #tpu.memory_space<vmem>>
        %dma_wait3A_1320 = tpu.memref_squeeze %dma_wait3A_1319 : memref<1x8x128xf32, #tpu.memory_space<vmem>> -> memref<8x128xf32, #tpu.memory_space<vmem>>
        tpu.wait_dma2 semaphore(%dma_wait3A_1312 : memref<!tpu.dma_semaphore, #tpu.memory_space<semaphore_mem>>) src(%dma_wait3A_1320 : memref<8x128xf32, #tpu.memory_space<vmem>>) dst(%dma_wait3A_1316 : memref<8x128xf32, #tpu.memory_space<hbm>>)
        %mul3A_1321 = arith.constant 4 : i32
        %mul3A_1322 = arith.muli %add3A, %mul3A_1321 : i32
        %add3A_1323 = arith.addi %mul3A_1322, %sub3A_1152 : i32
        %dma_wait3A_1324 = arith.constant 1 : i32
        %dma_wait3A_1325 = arith.constant 7 : i32
        %dma_wait3A_1326 = arith.constant 1 : i32
        %dma_wait3A_1327 = arith.constant 56 : i32
        %dma_wait3A_1328 = arith.constant 0 : i32
        %dma_wait3A_1329 = tpu.memref_slice %arg7[%dma_wait3A_1324, %dma_wait3A_1327, %dma_wait3A_1328] : memref<2x64x137xf32, #tpu.memory_space<vmem>> -> memref<1x8x128xf32, #tpu.memory_space<vmem>>
        %dma_wait3A_1330 = tpu.memref_squeeze %dma_wait3A_1329 : memref<1x8x128xf32, #tpu.memory_space<vmem>> -> memref<8x128xf32, #tpu.memory_space<vmem>>
        %dma_wait3A_1331 = arith.constant 0 : i32
        %dma_wait3A_1332 = arith.constant 0 : i32
        %dma_wait3A_1333 = tpu.memref_slice %arg4[%select_n3A_1149, %dma_wait3A_1325, %add3A_1323, %dma_wait3A_1331, %dma_wait3A_1332] : memref<50x8x128x8x128xf32, #tpu.memory_space<hbm>> -> memref<1x1x1x8x128xf32, #tpu.memory_space<hbm>>
        %dma_wait3A_1334 = tpu.memref_squeeze %dma_wait3A_1333 : memref<1x1x1x8x128xf32, #tpu.memory_space<hbm>> -> memref<8x128xf32, #tpu.memory_space<hbm>>
        %dma_wait3A_1335 = tpu.memref_slice %arg9[%dma_wait3A_1326] : memref<2x!tpu.dma_semaphore, #tpu.memory_space<semaphore_mem>> -> memref<1x!tpu.dma_semaphore, #tpu.memory_space<semaphore_mem>>
        %dma_wait3A_1336 = tpu.memref_squeeze %dma_wait3A_1335 : memref<1x!tpu.dma_semaphore, #tpu.memory_space<semaphore_mem>> -> memref<!tpu.dma_semaphore, #tpu.memory_space<semaphore_mem>>
        %dma_wait3A_1337 = arith.constant 0 : i32
        %dma_wait3A_1338 = arith.constant 0 : i32
        %dma_wait3A_1339 = tpu.memref_slice %arg4[%select_n3A_1149, %dma_wait3A_1325, %add3A_1323, %dma_wait3A_1337, %dma_wait3A_1338] : memref<50x8x128x8x128xf32, #tpu.memory_space<hbm>> -> memref<1x1x1x8x128xf32, #tpu.memory_space<hbm>>
        %dma_wait3A_1340 = tpu.memref_squeeze %dma_wait3A_1339 : memref<1x1x1x8x128xf32, #tpu.memory_space<hbm>> -> memref<8x128xf32, #tpu.memory_space<hbm>>
        %dma_wait3A_1341 = arith.constant 56 : i32
        %dma_wait3A_1342 = arith.constant 0 : i32
        %dma_wait3A_1343 = tpu.memref_slice %arg7[%dma_wait3A_1324, %dma_wait3A_1341, %dma_wait3A_1342] : memref<2x64x137xf32, #tpu.memory_space<vmem>> -> memref<1x8x128xf32, #tpu.memory_space<vmem>>
        %dma_wait3A_1344 = tpu.memref_squeeze %dma_wait3A_1343 : memref<1x8x128xf32, #tpu.memory_space<vmem>> -> memref<8x128xf32, #tpu.memory_space<vmem>>
        tpu.wait_dma2 semaphore(%dma_wait3A_1336 : memref<!tpu.dma_semaphore, #tpu.memory_space<semaphore_mem>>) src(%dma_wait3A_1344 : memref<8x128xf32, #tpu.memory_space<vmem>>) dst(%dma_wait3A_1340 : memref<8x128xf32, #tpu.memory_space<hbm>>)
      } else {
      }
      %scan3A_891 = arith.constant 1 : i32
      %scan3A_892 = arith.constant 1 : i32
      %scan3A_893 = arith.constant 0 : i32
      %scan3A_894 = arith.constant 128 : i32
      %scan3A_895 = arith.addi %scan3A_893, %scan3A_894 : i32
      %scan3A_896 = arith.constant 8 : i32
      scf.for %scan3A_1124 = %scan3A_893 to %scan3A_895 step %scan3A_896  : i32 {
        %mul3A_1125 = arith.constant 1 : i32
        %mul3A_1126 = arith.muli %scan3A_1124, %mul3A_1125 : i32
        %add3A_1127 = arith.constant 0 : i32
        %add3A_1128 = arith.addi %add3A_1127, %mul3A_1126 : i32
        %broadcast_in_dim3A = vector.broadcast %add3A_1128 : i32 to vector<16xi32>
        %get3A = arith.constant 0 : i32
        %get3A_1129 = arith.constant 0 : i32
        %get3A_1130 = tpu.memref_slice %arg6[%scan3A_891, %get3A, %get3A_1129] : memref<2x128x64xf32, #tpu.memory_space<vmem>> -> memref<1x128x64xf32, #tpu.memory_space<vmem>>
        %get3A_1131 = tpu.memref_squeeze %get3A_1130 : memref<1x128x64xf32, #tpu.memory_space<vmem>> -> memref<128x64xf32, #tpu.memory_space<vmem>>
        %get3A_1132 = arith.index_cast %add3A_1128 : i32 to index
        %get3A_1133 = arith.constant 0 : index
        %get3A_1134 = tpu.vector_load %get3A_1131[%get3A_1132, %get3A_1133] {strides = array<i32>} : memref<128x64xf32, #tpu.memory_space<vmem>>, vector<16xf32>,
        %scatter3A = arith.constant 0 : i32
        %scatter3A_1135 = arith.constant 0 : i32
        %scatter3A_1136 = tpu.memref_slice %arg7[%scan3A_892, %scatter3A, %scatter3A_1135] : memref<2x64x137xf32, #tpu.memory_space<vmem>> -> memref<1x64x137xf32, #tpu.memory_space<vmem>>
        %scatter3A_1137 = tpu.memref_squeeze %scatter3A_1136 : memref<1x64x137xf32, #tpu.memory_space<vmem>> -> memref<64x137xf32, #tpu.memory_space<vmem>>
        tpu.vector_store_idx %scatter3A_1137[%add3A_3, %broadcast_in_dim3A], %get3A_1134 : memref<64x137xf32, #tpu.memory_space<vmem>>[vector<16xi32>, vector<16xi32>], vector<16xf32>,
        %get3A_1138 = arith.constant 0 : i32
        %get3A_1139 = arith.constant 0 : i32
        %get3A_1140 = tpu.memref_slice %arg6[%scan3A_891, %get3A_1138, %get3A_1139] : memref<2x128x64xf32, #tpu.memory_space<vmem>> -> memref<1x128x64xf32, #tpu.memory_space<vmem>>
        %get3A_1141 = tpu.memref_squeeze %get3A_1140 : memref<1x128x64xf32, #tpu.memory_space<vmem>> -> memref<128x64xf32, #tpu.memory_space<vmem>>
        %get3A_1142 = arith.index_cast %add3A_1128 : i32 to index
        %get3A_1143 = arith.constant 16 : index
        %get3A_1144 = tpu.vector_load %get3A_1141[%get3A_1142, %get3A_1143] {strides = array<i32>} : memref<128x64xf32, #tpu.memory_space<vmem>>, vector<16xf32>,
        %scatter3A_1145 = arith.constant 0 : i32
        %scatter3A_1146 = arith.constant 0 : i32
        %scatter3A_1147 = tpu.memref_slice %arg7[%scan3A_892, %scatter3A_1145, %scatter3A_1146] : memref<2x64x137xf32, #tpu.memory_space<vmem>> -> memref<1x64x137xf32, #tpu.memory_space<vmem>>
        %scatter3A_1148 = tpu.memref_squeeze %scatter3A_1147 : memref<1x64x137xf32, #tpu.memory_space<vmem>> -> memref<64x137xf32, #tpu.memory_space<vmem>>
        tpu.vector_store_idx %scatter3A_1148[%add3A_6, %broadcast_in_dim3A], %get3A_1144 : memref<64x137xf32, #tpu.memory_space<vmem>>[vector<16xi32>, vector<16xi32>], vector<16xf32>,
        %get3A_1149 = arith.constant 0 : i32
        %get3A_1150 = arith.constant 0 : i32
        %get3A_1151 = tpu.memref_slice %arg6[%scan3A_891, %get3A_1149, %get3A_1150] : memref<2x128x64xf32, #tpu.memory_space<vmem>> -> memref<1x128x64xf32, #tpu.memory_space<vmem>>
        %get3A_1152 = tpu.memref_squeeze %get3A_1151 : memref<1x128x64xf32, #tpu.memory_space<vmem>> -> memref<128x64xf32, #tpu.memory_space<vmem>>
        %get3A_1153 = arith.index_cast %add3A_1128 : i32 to index
        %get3A_1154 = arith.constant 32 : index
        %get3A_1155 = tpu.vector_load %get3A_1152[%get3A_1153, %get3A_1154] {strides = array<i32>} : memref<128x64xf32, #tpu.memory_space<vmem>>, vector<16xf32>,
        %scatter3A_1156 = arith.constant 0 : i32
        %scatter3A_1157 = arith.constant 0 : i32
        %scatter3A_1158 = tpu.memref_slice %arg7[%scan3A_892, %scatter3A_1156, %scatter3A_1157] : memref<2x64x137xf32, #tpu.memory_space<vmem>> -> memref<1x64x137xf32, #tpu.memory_space<vmem>>
        %scatter3A_1159 = tpu.memref_squeeze %scatter3A_1158 : memref<1x64x137xf32, #tpu.memory_space<vmem>> -> memref<64x137xf32, #tpu.memory_space<vmem>>
        tpu.vector_store_idx %scatter3A_1159[%add3A_9, %broadcast_in_dim3A], %get3A_1155 : memref<64x137xf32, #tpu.memory_space<vmem>>[vector<16xi32>, vector<16xi32>], vector<16xf32>,
        %get3A_1160 = arith.constant 0 : i32
        %get3A_1161 = arith.constant 0 : i32
        %get3A_1162 = tpu.memref_slice %arg6[%scan3A_891, %get3A_1160, %get3A_1161] : memref<2x128x64xf32, #tpu.memory_space<vmem>> -> memref<1x128x64xf32, #tpu.memory_space<vmem>>
        %get3A_1163 = tpu.memref_squeeze %get3A_1162 : memref<1x128x64xf32, #tpu.memory_space<vmem>> -> memref<128x64xf32, #tpu.memory_space<vmem>>
        %get3A_1164 = arith.index_cast %add3A_1128 : i32 to index
        %get3A_1165 = arith.constant 48 : index
        %get3A_1166 = tpu.vector_load %get3A_1163[%get3A_1164, %get3A_1165] {strides = array<i32>} : memref<128x64xf32, #tpu.memory_space<vmem>>, vector<16xf32>,
        %scatter3A_1167 = arith.constant 0 : i32
        %scatter3A_1168 = arith.constant 0 : i32
        %scatter3A_1169 = tpu.memref_slice %arg7[%scan3A_892, %scatter3A_1167, %scatter3A_1168] : memref<2x64x137xf32, #tpu.memory_space<vmem>> -> memref<1x64x137xf32, #tpu.memory_space<vmem>>
        %scatter3A_1170 = tpu.memref_squeeze %scatter3A_1169 : memref<1x64x137xf32, #tpu.memory_space<vmem>> -> memref<64x137xf32, #tpu.memory_space<vmem>>
        tpu.vector_store_idx %scatter3A_1170[%add3A_12, %broadcast_in_dim3A], %get3A_1166 : memref<64x137xf32, #tpu.memory_space<vmem>>[vector<16xi32>, vector<16xi32>], vector<16xf32>,
        %scan3A_1171 = arith.constant 1 : i32
        %scan3A_1172 = arith.addi %scan3A_1124, %scan3A_1171 : i32
        %mul3A_1173 = arith.constant 1 : i32
        %mul3A_1174 = arith.muli %scan3A_1172, %mul3A_1173 : i32
        %add3A_1175 = arith.constant 0 : i32
        %add3A_1176 = arith.addi %add3A_1175, %mul3A_1174 : i32
        %broadcast_in_dim3A_1177 = vector.broadcast %add3A_1176 : i32 to vector<16xi32>
        %get3A_1178 = arith.constant 0 : i32
        %get3A_1179 = arith.constant 0 : i32
        %get3A_1180 = tpu.memref_slice %arg6[%scan3A_891, %get3A_1178, %get3A_1179] : memref<2x128x64xf32, #tpu.memory_space<vmem>> -> memref<1x128x64xf32, #tpu.memory_space<vmem>>
        %get3A_1181 = tpu.memref_squeeze %get3A_1180 : memref<1x128x64xf32, #tpu.memory_space<vmem>> -> memref<128x64xf32, #tpu.memory_space<vmem>>
        %get3A_1182 = arith.index_cast %add3A_1176 : i32 to index
        %get3A_1183 = arith.constant 0 : index
        %get3A_1184 = tpu.vector_load %get3A_1181[%get3A_1182, %get3A_1183] {strides = array<i32>} : memref<128x64xf32, #tpu.memory_space<vmem>>, vector<16xf32>,
        %scatter3A_1185 = arith.constant 0 : i32
        %scatter3A_1186 = arith.constant 0 : i32
        %scatter3A_1187 = tpu.memref_slice %arg7[%scan3A_892, %scatter3A_1185, %scatter3A_1186] : memref<2x64x137xf32, #tpu.memory_space<vmem>> -> memref<1x64x137xf32, #tpu.memory_space<vmem>>
        %scatter3A_1188 = tpu.memref_squeeze %scatter3A_1187 : memref<1x64x137xf32, #tpu.memory_space<vmem>> -> memref<64x137xf32, #tpu.memory_space<vmem>>
        tpu.vector_store_idx %scatter3A_1188[%add3A_3, %broadcast_in_dim3A_1177], %get3A_1184 : memref<64x137xf32, #tpu.memory_space<vmem>>[vector<16xi32>, vector<16xi32>], vector<16xf32>,
        %get3A_1189 = arith.constant 0 : i32
        %get3A_1190 = arith.constant 0 : i32
        %get3A_1191 = tpu.memref_slice %arg6[%scan3A_891, %get3A_1189, %get3A_1190] : memref<2x128x64xf32, #tpu.memory_space<vmem>> -> memref<1x128x64xf32, #tpu.memory_space<vmem>>
        %get3A_1192 = tpu.memref_squeeze %get3A_1191 : memref<1x128x64xf32, #tpu.memory_space<vmem>> -> memref<128x64xf32, #tpu.memory_space<vmem>>
        %get3A_1193 = arith.index_cast %add3A_1176 : i32 to index
        %get3A_1194 = arith.constant 16 : index
        %get3A_1195 = tpu.vector_load %get3A_1192[%get3A_1193, %get3A_1194] {strides = array<i32>} : memref<128x64xf32, #tpu.memory_space<vmem>>, vector<16xf32>,
        %scatter3A_1196 = arith.constant 0 : i32
        %scatter3A_1197 = arith.constant 0 : i32
        %scatter3A_1198 = tpu.memref_slice %arg7[%scan3A_892, %scatter3A_1196, %scatter3A_1197] : memref<2x64x137xf32, #tpu.memory_space<vmem>> -> memref<1x64x137xf32, #tpu.memory_space<vmem>>
        %scatter3A_1199 = tpu.memref_squeeze %scatter3A_1198 : memref<1x64x137xf32, #tpu.memory_space<vmem>> -> memref<64x137xf32, #tpu.memory_space<vmem>>
        tpu.vector_store_idx %scatter3A_1199[%add3A_6, %broadcast_in_dim3A_1177], %get3A_1195 : memref<64x137xf32, #tpu.memory_space<vmem>>[vector<16xi32>, vector<16xi32>], vector<16xf32>,
        %get3A_1200 = arith.constant 0 : i32
        %get3A_1201 = arith.constant 0 : i32
        %get3A_1202 = tpu.memref_slice %arg6[%scan3A_891, %get3A_1200, %get3A_1201] : memref<2x128x64xf32, #tpu.memory_space<vmem>> -> memref<1x128x64xf32, #tpu.memory_space<vmem>>
        %get3A_1203 = tpu.memref_squeeze %get3A_1202 : memref<1x128x64xf32, #tpu.memory_space<vmem>> -> memref<128x64xf32, #tpu.memory_space<vmem>>
        %get3A_1204 = arith.index_cast %add3A_1176 : i32 to index
        %get3A_1205 = arith.constant 32 : index
        %get3A_1206 = tpu.vector_load %get3A_1203[%get3A_1204, %get3A_1205] {strides = array<i32>} : memref<128x64xf32, #tpu.memory_space<vmem>>, vector<16xf32>,
        %scatter3A_1207 = arith.constant 0 : i32
        %scatter3A_1208 = arith.constant 0 : i32
        %scatter3A_1209 = tpu.memref_slice %arg7[%scan3A_892, %scatter3A_1207, %scatter3A_1208] : memref<2x64x137xf32, #tpu.memory_space<vmem>> -> memref<1x64x137xf32, #tpu.memory_space<vmem>>
        %scatter3A_1210 = tpu.memref_squeeze %scatter3A_1209 : memref<1x64x137xf32, #tpu.memory_space<vmem>> -> memref<64x137xf32, #tpu.memory_space<vmem>>
        tpu.vector_store_idx %scatter3A_1210[%add3A_9, %broadcast_in_dim3A_1177], %get3A_1206 : memref<64x137xf32, #tpu.memory_space<vmem>>[vector<16xi32>, vector<16xi32>], vector<16xf32>,
        %get3A_1211 = arith.constant 0 : i32
        %get3A_1212 = arith.constant 0 : i32
        %get3A_1213 = tpu.memref_slice %arg6[%scan3A_891, %get3A_1211, %get3A_1212] : memref<2x128x64xf32, #tpu.memory_space<vmem>> -> memref<1x128x64xf32, #tpu.memory_space<vmem>>
        %get3A_1214 = tpu.memref_squeeze %get3A_1213 : memref<1x128x64xf32, #tpu.memory_space<vmem>> -> memref<128x64xf32, #tpu.memory_space<vmem>>
        %get3A_1215 = arith.index_cast %add3A_1176 : i32 to index
        %get3A_1216 = arith.constant 48 : index
        %get3A_1217 = tpu.vector_load %get3A_1214[%get3A_1215, %get3A_1216] {strides = array<i32>} : memref<128x64xf32, #tpu.memory_space<vmem>>, vector<16xf32>,
        %scatter3A_1218 = arith.constant 0 : i32
        %scatter3A_1219 = arith.constant 0 : i32
        %scatter3A_1220 = tpu.memref_slice %arg7[%scan3A_892, %scatter3A_1218, %scatter3A_1219] : memref<2x64x137xf32, #tpu.memory_space<vmem>> -> memref<1x64x137xf32, #tpu.memory_space<vmem>>
        %scatter3A_1221 = tpu.memref_squeeze %scatter3A_1220 : memref<1x64x137xf32, #tpu.memory_space<vmem>> -> memref<64x137xf32, #tpu.memory_space<vmem>>
        tpu.vector_store_idx %scatter3A_1221[%add3A_12, %broadcast_in_dim3A_1177], %get3A_1217 : memref<64x137xf32, #tpu.memory_space<vmem>>[vector<16xi32>, vector<16xi32>], vector<16xf32>,
        %scan3A_1222 = arith.constant 2 : i32
        %scan3A_1223 = arith.addi %scan3A_1124, %scan3A_1222 : i32
        %mul3A_1224 = arith.constant 1 : i32
        %mul3A_1225 = arith.muli %scan3A_1223, %mul3A_1224 : i32
        %add3A_1226 = arith.constant 0 : i32
        %add3A_1227 = arith.addi %add3A_1226, %mul3A_1225 : i32
        %broadcast_in_dim3A_1228 = vector.broadcast %add3A_1227 : i32 to vector<16xi32>
        %get3A_1229 = arith.constant 0 : i32
        %get3A_1230 = arith.constant 0 : i32
        %get3A_1231 = tpu.memref_slice %arg6[%scan3A_891, %get3A_1229, %get3A_1230] : memref<2x128x64xf32, #tpu.memory_space<vmem>> -> memref<1x128x64xf32, #tpu.memory_space<vmem>>
        %get3A_1232 = tpu.memref_squeeze %get3A_1231 : memref<1x128x64xf32, #tpu.memory_space<vmem>> -> memref<128x64xf32, #tpu.memory_space<vmem>>
        %get3A_1233 = arith.index_cast %add3A_1227 : i32 to index
        %get3A_1234 = arith.constant 0 : index
        %get3A_1235 = tpu.vector_load %get3A_1232[%get3A_1233, %get3A_1234] {strides = array<i32>} : memref<128x64xf32, #tpu.memory_space<vmem>>, vector<16xf32>,
        %scatter3A_1236 = arith.constant 0 : i32
        %scatter3A_1237 = arith.constant 0 : i32
        %scatter3A_1238 = tpu.memref_slice %arg7[%scan3A_892, %scatter3A_1236, %scatter3A_1237] : memref<2x64x137xf32, #tpu.memory_space<vmem>> -> memref<1x64x137xf32, #tpu.memory_space<vmem>>
        %scatter3A_1239 = tpu.memref_squeeze %scatter3A_1238 : memref<1x64x137xf32, #tpu.memory_space<vmem>> -> memref<64x137xf32, #tpu.memory_space<vmem>>
        tpu.vector_store_idx %scatter3A_1239[%add3A_3, %broadcast_in_dim3A_1228], %get3A_1235 : memref<64x137xf32, #tpu.memory_space<vmem>>[vector<16xi32>, vector<16xi32>], vector<16xf32>,
        %get3A_1240 = arith.constant 0 : i32
        %get3A_1241 = arith.constant 0 : i32
        %get3A_1242 = tpu.memref_slice %arg6[%scan3A_891, %get3A_1240, %get3A_1241] : memref<2x128x64xf32, #tpu.memory_space<vmem>> -> memref<1x128x64xf32, #tpu.memory_space<vmem>>
        %get3A_1243 = tpu.memref_squeeze %get3A_1242 : memref<1x128x64xf32, #tpu.memory_space<vmem>> -> memref<128x64xf32, #tpu.memory_space<vmem>>
        %get3A_1244 = arith.index_cast %add3A_1227 : i32 to index
        %get3A_1245 = arith.constant 16 : index
        %get3A_1246 = tpu.vector_load %get3A_1243[%get3A_1244, %get3A_1245] {strides = array<i32>} : memref<128x64xf32, #tpu.memory_space<vmem>>, vector<16xf32>,
        %scatter3A_1247 = arith.constant 0 : i32
        %scatter3A_1248 = arith.constant 0 : i32
        %scatter3A_1249 = tpu.memref_slice %arg7[%scan3A_892, %scatter3A_1247, %scatter3A_1248] : memref<2x64x137xf32, #tpu.memory_space<vmem>> -> memref<1x64x137xf32, #tpu.memory_space<vmem>>
        %scatter3A_1250 = tpu.memref_squeeze %scatter3A_1249 : memref<1x64x137xf32, #tpu.memory_space<vmem>> -> memref<64x137xf32, #tpu.memory_space<vmem>>
        tpu.vector_store_idx %scatter3A_1250[%add3A_6, %broadcast_in_dim3A_1228], %get3A_1246 : memref<64x137xf32, #tpu.memory_space<vmem>>[vector<16xi32>, vector<16xi32>], vector<16xf32>,
        %get3A_1251 = arith.constant 0 : i32
        %get3A_1252 = arith.constant 0 : i32
        %get3A_1253 = tpu.memref_slice %arg6[%scan3A_891, %get3A_1251, %get3A_1252] : memref<2x128x64xf32, #tpu.memory_space<vmem>> -> memref<1x128x64xf32, #tpu.memory_space<vmem>>
        %get3A_1254 = tpu.memref_squeeze %get3A_1253 : memref<1x128x64xf32, #tpu.memory_space<vmem>> -> memref<128x64xf32, #tpu.memory_space<vmem>>
        %get3A_1255 = arith.index_cast %add3A_1227 : i32 to index
        %get3A_1256 = arith.constant 32 : index
        %get3A_1257 = tpu.vector_load %get3A_1254[%get3A_1255, %get3A_1256] {strides = array<i32>} : memref<128x64xf32, #tpu.memory_space<vmem>>, vector<16xf32>,
        %scatter3A_1258 = arith.constant 0 : i32
        %scatter3A_1259 = arith.constant 0 : i32
        %scatter3A_1260 = tpu.memref_slice %arg7[%scan3A_892, %scatter3A_1258, %scatter3A_1259] : memref<2x64x137xf32, #tpu.memory_space<vmem>> -> memref<1x64x137xf32, #tpu.memory_space<vmem>>
        %scatter3A_1261 = tpu.memref_squeeze %scatter3A_1260 : memref<1x64x137xf32, #tpu.memory_space<vmem>> -> memref<64x137xf32, #tpu.memory_space<vmem>>
        tpu.vector_store_idx %scatter3A_1261[%add3A_9, %broadcast_in_dim3A_1228], %get3A_1257 : memref<64x137xf32, #tpu.memory_space<vmem>>[vector<16xi32>, vector<16xi32>], vector<16xf32>,
        %get3A_1262 = arith.constant 0 : i32
        %get3A_1263 = arith.constant 0 : i32
        %get3A_1264 = tpu.memref_slice %arg6[%scan3A_891, %get3A_1262, %get3A_1263] : memref<2x128x64xf32, #tpu.memory_space<vmem>> -> memref<1x128x64xf32, #tpu.memory_space<vmem>>
        %get3A_1265 = tpu.memref_squeeze %get3A_1264 : memref<1x128x64xf32, #tpu.memory_space<vmem>> -> memref<128x64xf32, #tpu.memory_space<vmem>>
        %get3A_1266 = arith.index_cast %add3A_1227 : i32 to index
        %get3A_1267 = arith.constant 48 : index
        %get3A_1268 = tpu.vector_load %get3A_1265[%get3A_1266, %get3A_1267] {strides = array<i32>} : memref<128x64xf32, #tpu.memory_space<vmem>>, vector<16xf32>,
        %scatter3A_1269 = arith.constant 0 : i32
        %scatter3A_1270 = arith.constant 0 : i32
        %scatter3A_1271 = tpu.memref_slice %arg7[%scan3A_892, %scatter3A_1269, %scatter3A_1270] : memref<2x64x137xf32, #tpu.memory_space<vmem>> -> memref<1x64x137xf32, #tpu.memory_space<vmem>>
        %scatter3A_1272 = tpu.memref_squeeze %scatter3A_1271 : memref<1x64x137xf32, #tpu.memory_space<vmem>> -> memref<64x137xf32, #tpu.memory_space<vmem>>
        tpu.vector_store_idx %scatter3A_1272[%add3A_12, %broadcast_in_dim3A_1228], %get3A_1268 : memref<64x137xf32, #tpu.memory_space<vmem>>[vector<16xi32>, vector<16xi32>], vector<16xf32>,
        %scan3A_1273 = arith.constant 3 : i32
        %scan3A_1274 = arith.addi %scan3A_1124, %scan3A_1273 : i32
        %mul3A_1275 = arith.constant 1 : i32
        %mul3A_1276 = arith.muli %scan3A_1274, %mul3A_1275 : i32
        %add3A_1277 = arith.constant 0 : i32
        %add3A_1278 = arith.addi %add3A_1277, %mul3A_1276 : i32
        %broadcast_in_dim3A_1279 = vector.broadcast %add3A_1278 : i32 to vector<16xi32>
        %get3A_1280 = arith.constant 0 : i32
        %get3A_1281 = arith.constant 0 : i32
        %get3A_1282 = tpu.memref_slice %arg6[%scan3A_891, %get3A_1280, %get3A_1281] : memref<2x128x64xf32, #tpu.memory_space<vmem>> -> memref<1x128x64xf32, #tpu.memory_space<vmem>>
        %get3A_1283 = tpu.memref_squeeze %get3A_1282 : memref<1x128x64xf32, #tpu.memory_space<vmem>> -> memref<128x64xf32, #tpu.memory_space<vmem>>
        %get3A_1284 = arith.index_cast %add3A_1278 : i32 to index
        %get3A_1285 = arith.constant 0 : index
        %get3A_1286 = tpu.vector_load %get3A_1283[%get3A_1284, %get3A_1285] {strides = array<i32>} : memref<128x64xf32, #tpu.memory_space<vmem>>, vector<16xf32>,
        %scatter3A_1287 = arith.constant 0 : i32
        %scatter3A_1288 = arith.constant 0 : i32
        %scatter3A_1289 = tpu.memref_slice %arg7[%scan3A_892, %scatter3A_1287, %scatter3A_1288] : memref<2x64x137xf32, #tpu.memory_space<vmem>> -> memref<1x64x137xf32, #tpu.memory_space<vmem>>
        %scatter3A_1290 = tpu.memref_squeeze %scatter3A_1289 : memref<1x64x137xf32, #tpu.memory_space<vmem>> -> memref<64x137xf32, #tpu.memory_space<vmem>>
        tpu.vector_store_idx %scatter3A_1290[%add3A_3, %broadcast_in_dim3A_1279], %get3A_1286 : memref<64x137xf32, #tpu.memory_space<vmem>>[vector<16xi32>, vector<16xi32>], vector<16xf32>,
        %get3A_1291 = arith.constant 0 : i32
        %get3A_1292 = arith.constant 0 : i32
        %get3A_1293 = tpu.memref_slice %arg6[%scan3A_891, %get3A_1291, %get3A_1292] : memref<2x128x64xf32, #tpu.memory_space<vmem>> -> memref<1x128x64xf32, #tpu.memory_space<vmem>>
        %get3A_1294 = tpu.memref_squeeze %get3A_1293 : memref<1x128x64xf32, #tpu.memory_space<vmem>> -> memref<128x64xf32, #tpu.memory_space<vmem>>
        %get3A_1295 = arith.index_cast %add3A_1278 : i32 to index
        %get3A_1296 = arith.constant 16 : index
        %get3A_1297 = tpu.vector_load %get3A_1294[%get3A_1295, %get3A_1296] {strides = array<i32>} : memref<128x64xf32, #tpu.memory_space<vmem>>, vector<16xf32>,
        %scatter3A_1298 = arith.constant 0 : i32
        %scatter3A_1299 = arith.constant 0 : i32
        %scatter3A_1300 = tpu.memref_slice %arg7[%scan3A_892, %scatter3A_1298, %scatter3A_1299] : memref<2x64x137xf32, #tpu.memory_space<vmem>> -> memref<1x64x137xf32, #tpu.memory_space<vmem>>
        %scatter3A_1301 = tpu.memref_squeeze %scatter3A_1300 : memref<1x64x137xf32, #tpu.memory_space<vmem>> -> memref<64x137xf32, #tpu.memory_space<vmem>>
        tpu.vector_store_idx %scatter3A_1301[%add3A_6, %broadcast_in_dim3A_1279], %get3A_1297 : memref<64x137xf32, #tpu.memory_space<vmem>>[vector<16xi32>, vector<16xi32>], vector<16xf32>,
        %get3A_1302 = arith.constant 0 : i32
        %get3A_1303 = arith.constant 0 : i32
        %get3A_1304 = tpu.memref_slice %arg6[%scan3A_891, %get3A_1302, %get3A_1303] : memref<2x128x64xf32, #tpu.memory_space<vmem>> -> memref<1x128x64xf32, #tpu.memory_space<vmem>>
        %get3A_1305 = tpu.memref_squeeze %get3A_1304 : memref<1x128x64xf32, #tpu.memory_space<vmem>> -> memref<128x64xf32, #tpu.memory_space<vmem>>
        %get3A_1306 = arith.index_cast %add3A_1278 : i32 to index
        %get3A_1307 = arith.constant 32 : index
        %get3A_1308 = tpu.vector_load %get3A_1305[%get3A_1306, %get3A_1307] {strides = array<i32>} : memref<128x64xf32, #tpu.memory_space<vmem>>, vector<16xf32>,
        %scatter3A_1309 = arith.constant 0 : i32
        %scatter3A_1310 = arith.constant 0 : i32
        %scatter3A_1311 = tpu.memref_slice %arg7[%scan3A_892, %scatter3A_1309, %scatter3A_1310] : memref<2x64x137xf32, #tpu.memory_space<vmem>> -> memref<1x64x137xf32, #tpu.memory_space<vmem>>
        %scatter3A_1312 = tpu.memref_squeeze %scatter3A_1311 : memref<1x64x137xf32, #tpu.memory_space<vmem>> -> memref<64x137xf32, #tpu.memory_space<vmem>>
        tpu.vector_store_idx %scatter3A_1312[%add3A_9, %broadcast_in_dim3A_1279], %get3A_1308 : memref<64x137xf32, #tpu.memory_space<vmem>>[vector<16xi32>, vector<16xi32>], vector<16xf32>,
        %get3A_1313 = arith.constant 0 : i32
        %get3A_1314 = arith.constant 0 : i32
        %get3A_1315 = tpu.memref_slice %arg6[%scan3A_891, %get3A_1313, %get3A_1314] : memref<2x128x64xf32, #tpu.memory_space<vmem>> -> memref<1x128x64xf32, #tpu.memory_space<vmem>>
        %get3A_1316 = tpu.memref_squeeze %get3A_1315 : memref<1x128x64xf32, #tpu.memory_space<vmem>> -> memref<128x64xf32, #tpu.memory_space<vmem>>
        %get3A_1317 = arith.index_cast %add3A_1278 : i32 to index
        %get3A_1318 = arith.constant 48 : index
        %get3A_1319 = tpu.vector_load %get3A_1316[%get3A_1317, %get3A_1318] {strides = array<i32>} : memref<128x64xf32, #tpu.memory_space<vmem>>, vector<16xf32>,
        %scatter3A_1320 = arith.constant 0 : i32
        %scatter3A_1321 = arith.constant 0 : i32
        %scatter3A_1322 = tpu.memref_slice %arg7[%scan3A_892, %scatter3A_1320, %scatter3A_1321] : memref<2x64x137xf32, #tpu.memory_space<vmem>> -> memref<1x64x137xf32, #tpu.memory_space<vmem>>
        %scatter3A_1323 = tpu.memref_squeeze %scatter3A_1322 : memref<1x64x137xf32, #tpu.memory_space<vmem>> -> memref<64x137xf32, #tpu.memory_space<vmem>>
        tpu.vector_store_idx %scatter3A_1323[%add3A_12, %broadcast_in_dim3A_1279], %get3A_1319 : memref<64x137xf32, #tpu.memory_space<vmem>>[vector<16xi32>, vector<16xi32>], vector<16xf32>,
        %scan3A_1324 = arith.constant 4 : i32
        %scan3A_1325 = arith.addi %scan3A_1124, %scan3A_1324 : i32
        %mul3A_1326 = arith.constant 1 : i32
        %mul3A_1327 = arith.muli %scan3A_1325, %mul3A_1326 : i32
        %add3A_1328 = arith.constant 0 : i32
        %add3A_1329 = arith.addi %add3A_1328, %mul3A_1327 : i32
        %broadcast_in_dim3A_1330 = vector.broadcast %add3A_1329 : i32 to vector<16xi32>
        %get3A_1331 = arith.constant 0 : i32
        %get3A_1332 = arith.constant 0 : i32
        %get3A_1333 = tpu.memref_slice %arg6[%scan3A_891, %get3A_1331, %get3A_1332] : memref<2x128x64xf32, #tpu.memory_space<vmem>> -> memref<1x128x64xf32, #tpu.memory_space<vmem>>
        %get3A_1334 = tpu.memref_squeeze %get3A_1333 : memref<1x128x64xf32, #tpu.memory_space<vmem>> -> memref<128x64xf32, #tpu.memory_space<vmem>>
        %get3A_1335 = arith.index_cast %add3A_1329 : i32 to index
        %get3A_1336 = arith.constant 0 : index
        %get3A_1337 = tpu.vector_load %get3A_1334[%get3A_1335, %get3A_1336] {strides = array<i32>} : memref<128x64xf32, #tpu.memory_space<vmem>>, vector<16xf32>,
        %scatter3A_1338 = arith.constant 0 : i32
        %scatter3A_1339 = arith.constant 0 : i32
        %scatter3A_1340 = tpu.memref_slice %arg7[%scan3A_892, %scatter3A_1338, %scatter3A_1339] : memref<2x64x137xf32, #tpu.memory_space<vmem>> -> memref<1x64x137xf32, #tpu.memory_space<vmem>>
        %scatter3A_1341 = tpu.memref_squeeze %scatter3A_1340 : memref<1x64x137xf32, #tpu.memory_space<vmem>> -> memref<64x137xf32, #tpu.memory_space<vmem>>
        tpu.vector_store_idx %scatter3A_1341[%add3A_3, %broadcast_in_dim3A_1330], %get3A_1337 : memref<64x137xf32, #tpu.memory_space<vmem>>[vector<16xi32>, vector<16xi32>], vector<16xf32>,
        %get3A_1342 = arith.constant 0 : i32
        %get3A_1343 = arith.constant 0 : i32
        %get3A_1344 = tpu.memref_slice %arg6[%scan3A_891, %get3A_1342, %get3A_1343] : memref<2x128x64xf32, #tpu.memory_space<vmem>> -> memref<1x128x64xf32, #tpu.memory_space<vmem>>
        %get3A_1345 = tpu.memref_squeeze %get3A_1344 : memref<1x128x64xf32, #tpu.memory_space<vmem>> -> memref<128x64xf32, #tpu.memory_space<vmem>>
        %get3A_1346 = arith.index_cast %add3A_1329 : i32 to index
        %get3A_1347 = arith.constant 16 : index
        %get3A_1348 = tpu.vector_load %get3A_1345[%get3A_1346, %get3A_1347] {strides = array<i32>} : memref<128x64xf32, #tpu.memory_space<vmem>>, vector<16xf32>,
        %scatter3A_1349 = arith.constant 0 : i32
        %scatter3A_1350 = arith.constant 0 : i32
        %scatter3A_1351 = tpu.memref_slice %arg7[%scan3A_892, %scatter3A_1349, %scatter3A_1350] : memref<2x64x137xf32, #tpu.memory_space<vmem>> -> memref<1x64x137xf32, #tpu.memory_space<vmem>>
        %scatter3A_1352 = tpu.memref_squeeze %scatter3A_1351 : memref<1x64x137xf32, #tpu.memory_space<vmem>> -> memref<64x137xf32, #tpu.memory_space<vmem>>
        tpu.vector_store_idx %scatter3A_1352[%add3A_6, %broadcast_in_dim3A_1330], %get3A_1348 : memref<64x137xf32, #tpu.memory_space<vmem>>[vector<16xi32>, vector<16xi32>], vector<16xf32>,
        %get3A_1353 = arith.constant 0 : i32
        %get3A_1354 = arith.constant 0 : i32
        %get3A_1355 = tpu.memref_slice %arg6[%scan3A_891, %get3A_1353, %get3A_1354] : memref<2x128x64xf32, #tpu.memory_space<vmem>> -> memref<1x128x64xf32, #tpu.memory_space<vmem>>
        %get3A_1356 = tpu.memref_squeeze %get3A_1355 : memref<1x128x64xf32, #tpu.memory_space<vmem>> -> memref<128x64xf32, #tpu.memory_space<vmem>>
        %get3A_1357 = arith.index_cast %add3A_1329 : i32 to index
        %get3A_1358 = arith.constant 32 : index
        %get3A_1359 = tpu.vector_load %get3A_1356[%get3A_1357, %get3A_1358] {strides = array<i32>} : memref<128x64xf32, #tpu.memory_space<vmem>>, vector<16xf32>,
        %scatter3A_1360 = arith.constant 0 : i32
        %scatter3A_1361 = arith.constant 0 : i32
        %scatter3A_1362 = tpu.memref_slice %arg7[%scan3A_892, %scatter3A_1360, %scatter3A_1361] : memref<2x64x137xf32, #tpu.memory_space<vmem>> -> memref<1x64x137xf32, #tpu.memory_space<vmem>>
        %scatter3A_1363 = tpu.memref_squeeze %scatter3A_1362 : memref<1x64x137xf32, #tpu.memory_space<vmem>> -> memref<64x137xf32, #tpu.memory_space<vmem>>
        tpu.vector_store_idx %scatter3A_1363[%add3A_9, %broadcast_in_dim3A_1330], %get3A_1359 : memref<64x137xf32, #tpu.memory_space<vmem>>[vector<16xi32>, vector<16xi32>], vector<16xf32>,
        %get3A_1364 = arith.constant 0 : i32
        %get3A_1365 = arith.constant 0 : i32
        %get3A_1366 = tpu.memref_slice %arg6[%scan3A_891, %get3A_1364, %get3A_1365] : memref<2x128x64xf32, #tpu.memory_space<vmem>> -> memref<1x128x64xf32, #tpu.memory_space<vmem>>
        %get3A_1367 = tpu.memref_squeeze %get3A_1366 : memref<1x128x64xf32, #tpu.memory_space<vmem>> -> memref<128x64xf32, #tpu.memory_space<vmem>>
        %get3A_1368 = arith.index_cast %add3A_1329 : i32 to index
        %get3A_1369 = arith.constant 48 : index
        %get3A_1370 = tpu.vector_load %get3A_1367[%get3A_1368, %get3A_1369] {strides = array<i32>} : memref<128x64xf32, #tpu.memory_space<vmem>>, vector<16xf32>,
        %scatter3A_1371 = arith.constant 0 : i32
        %scatter3A_1372 = arith.constant 0 : i32
        %scatter3A_1373 = tpu.memref_slice %arg7[%scan3A_892, %scatter3A_1371, %scatter3A_1372] : memref<2x64x137xf32, #tpu.memory_space<vmem>> -> memref<1x64x137xf32, #tpu.memory_space<vmem>>
        %scatter3A_1374 = tpu.memref_squeeze %scatter3A_1373 : memref<1x64x137xf32, #tpu.memory_space<vmem>> -> memref<64x137xf32, #tpu.memory_space<vmem>>
        tpu.vector_store_idx %scatter3A_1374[%add3A_12, %broadcast_in_dim3A_1330], %get3A_1370 : memref<64x137xf32, #tpu.memory_space<vmem>>[vector<16xi32>, vector<16xi32>], vector<16xf32>,
        %scan3A_1375 = arith.constant 5 : i32
        %scan3A_1376 = arith.addi %scan3A_1124, %scan3A_1375 : i32
        %mul3A_1377 = arith.constant 1 : i32
        %mul3A_1378 = arith.muli %scan3A_1376, %mul3A_1377 : i32
        %add3A_1379 = arith.constant 0 : i32
        %add3A_1380 = arith.addi %add3A_1379, %mul3A_1378 : i32
        %broadcast_in_dim3A_1381 = vector.broadcast %add3A_1380 : i32 to vector<16xi32>
        %get3A_1382 = arith.constant 0 : i32
        %get3A_1383 = arith.constant 0 : i32
        %get3A_1384 = tpu.memref_slice %arg6[%scan3A_891, %get3A_1382, %get3A_1383] : memref<2x128x64xf32, #tpu.memory_space<vmem>> -> memref<1x128x64xf32, #tpu.memory_space<vmem>>
        %get3A_1385 = tpu.memref_squeeze %get3A_1384 : memref<1x128x64xf32, #tpu.memory_space<vmem>> -> memref<128x64xf32, #tpu.memory_space<vmem>>
        %get3A_1386 = arith.index_cast %add3A_1380 : i32 to index
        %get3A_1387 = arith.constant 0 : index
        %get3A_1388 = tpu.vector_load %get3A_1385[%get3A_1386, %get3A_1387] {strides = array<i32>} : memref<128x64xf32, #tpu.memory_space<vmem>>, vector<16xf32>,
        %scatter3A_1389 = arith.constant 0 : i32
        %scatter3A_1390 = arith.constant 0 : i32
        %scatter3A_1391 = tpu.memref_slice %arg7[%scan3A_892, %scatter3A_1389, %scatter3A_1390] : memref<2x64x137xf32, #tpu.memory_space<vmem>> -> memref<1x64x137xf32, #tpu.memory_space<vmem>>
        %scatter3A_1392 = tpu.memref_squeeze %scatter3A_1391 : memref<1x64x137xf32, #tpu.memory_space<vmem>> -> memref<64x137xf32, #tpu.memory_space<vmem>>
        tpu.vector_store_idx %scatter3A_1392[%add3A_3, %broadcast_in_dim3A_1381], %get3A_1388 : memref<64x137xf32, #tpu.memory_space<vmem>>[vector<16xi32>, vector<16xi32>], vector<16xf32>,
        %get3A_1393 = arith.constant 0 : i32
        %get3A_1394 = arith.constant 0 : i32
        %get3A_1395 = tpu.memref_slice %arg6[%scan3A_891, %get3A_1393, %get3A_1394] : memref<2x128x64xf32, #tpu.memory_space<vmem>> -> memref<1x128x64xf32, #tpu.memory_space<vmem>>
        %get3A_1396 = tpu.memref_squeeze %get3A_1395 : memref<1x128x64xf32, #tpu.memory_space<vmem>> -> memref<128x64xf32, #tpu.memory_space<vmem>>
        %get3A_1397 = arith.index_cast %add3A_1380 : i32 to index
        %get3A_1398 = arith.constant 16 : index
        %get3A_1399 = tpu.vector_load %get3A_1396[%get3A_1397, %get3A_1398] {strides = array<i32>} : memref<128x64xf32, #tpu.memory_space<vmem>>, vector<16xf32>,
        %scatter3A_1400 = arith.constant 0 : i32
        %scatter3A_1401 = arith.constant 0 : i32
        %scatter3A_1402 = tpu.memref_slice %arg7[%scan3A_892, %scatter3A_1400, %scatter3A_1401] : memref<2x64x137xf32, #tpu.memory_space<vmem>> -> memref<1x64x137xf32, #tpu.memory_space<vmem>>
        %scatter3A_1403 = tpu.memref_squeeze %scatter3A_1402 : memref<1x64x137xf32, #tpu.memory_space<vmem>> -> memref<64x137xf32, #tpu.memory_space<vmem>>
        tpu.vector_store_idx %scatter3A_1403[%add3A_6, %broadcast_in_dim3A_1381], %get3A_1399 : memref<64x137xf32, #tpu.memory_space<vmem>>[vector<16xi32>, vector<16xi32>], vector<16xf32>,
        %get3A_1404 = arith.constant 0 : i32
        %get3A_1405 = arith.constant 0 : i32
        %get3A_1406 = tpu.memref_slice %arg6[%scan3A_891, %get3A_1404, %get3A_1405] : memref<2x128x64xf32, #tpu.memory_space<vmem>> -> memref<1x128x64xf32, #tpu.memory_space<vmem>>
        %get3A_1407 = tpu.memref_squeeze %get3A_1406 : memref<1x128x64xf32, #tpu.memory_space<vmem>> -> memref<128x64xf32, #tpu.memory_space<vmem>>
        %get3A_1408 = arith.index_cast %add3A_1380 : i32 to index
        %get3A_1409 = arith.constant 32 : index
        %get3A_1410 = tpu.vector_load %get3A_1407[%get3A_1408, %get3A_1409] {strides = array<i32>} : memref<128x64xf32, #tpu.memory_space<vmem>>, vector<16xf32>,
        %scatter3A_1411 = arith.constant 0 : i32
        %scatter3A_1412 = arith.constant 0 : i32
        %scatter3A_1413 = tpu.memref_slice %arg7[%scan3A_892, %scatter3A_1411, %scatter3A_1412] : memref<2x64x137xf32, #tpu.memory_space<vmem>> -> memref<1x64x137xf32, #tpu.memory_space<vmem>>
        %scatter3A_1414 = tpu.memref_squeeze %scatter3A_1413 : memref<1x64x137xf32, #tpu.memory_space<vmem>> -> memref<64x137xf32, #tpu.memory_space<vmem>>
        tpu.vector_store_idx %scatter3A_1414[%add3A_9, %broadcast_in_dim3A_1381], %get3A_1410 : memref<64x137xf32, #tpu.memory_space<vmem>>[vector<16xi32>, vector<16xi32>], vector<16xf32>,
        %get3A_1415 = arith.constant 0 : i32
        %get3A_1416 = arith.constant 0 : i32
        %get3A_1417 = tpu.memref_slice %arg6[%scan3A_891, %get3A_1415, %get3A_1416] : memref<2x128x64xf32, #tpu.memory_space<vmem>> -> memref<1x128x64xf32, #tpu.memory_space<vmem>>
        %get3A_1418 = tpu.memref_squeeze %get3A_1417 : memref<1x128x64xf32, #tpu.memory_space<vmem>> -> memref<128x64xf32, #tpu.memory_space<vmem>>
        %get3A_1419 = arith.index_cast %add3A_1380 : i32 to index
        %get3A_1420 = arith.constant 48 : index
        %get3A_1421 = tpu.vector_load %get3A_1418[%get3A_1419, %get3A_1420] {strides = array<i32>} : memref<128x64xf32, #tpu.memory_space<vmem>>, vector<16xf32>,
        %scatter3A_1422 = arith.constant 0 : i32
        %scatter3A_1423 = arith.constant 0 : i32
        %scatter3A_1424 = tpu.memref_slice %arg7[%scan3A_892, %scatter3A_1422, %scatter3A_1423] : memref<2x64x137xf32, #tpu.memory_space<vmem>> -> memref<1x64x137xf32, #tpu.memory_space<vmem>>
        %scatter3A_1425 = tpu.memref_squeeze %scatter3A_1424 : memref<1x64x137xf32, #tpu.memory_space<vmem>> -> memref<64x137xf32, #tpu.memory_space<vmem>>
        tpu.vector_store_idx %scatter3A_1425[%add3A_12, %broadcast_in_dim3A_1381], %get3A_1421 : memref<64x137xf32, #tpu.memory_space<vmem>>[vector<16xi32>, vector<16xi32>], vector<16xf32>,
        %scan3A_1426 = arith.constant 6 : i32
        %scan3A_1427 = arith.addi %scan3A_1124, %scan3A_1426 : i32
        %mul3A_1428 = arith.constant 1 : i32
        %mul3A_1429 = arith.muli %scan3A_1427, %mul3A_1428 : i32
        %add3A_1430 = arith.constant 0 : i32
        %add3A_1431 = arith.addi %add3A_1430, %mul3A_1429 : i32
        %broadcast_in_dim3A_1432 = vector.broadcast %add3A_1431 : i32 to vector<16xi32>
        %get3A_1433 = arith.constant 0 : i32
        %get3A_1434 = arith.constant 0 : i32
        %get3A_1435 = tpu.memref_slice %arg6[%scan3A_891, %get3A_1433, %get3A_1434] : memref<2x128x64xf32, #tpu.memory_space<vmem>> -> memref<1x128x64xf32, #tpu.memory_space<vmem>>
        %get3A_1436 = tpu.memref_squeeze %get3A_1435 : memref<1x128x64xf32, #tpu.memory_space<vmem>> -> memref<128x64xf32, #tpu.memory_space<vmem>>
        %get3A_1437 = arith.index_cast %add3A_1431 : i32 to index
        %get3A_1438 = arith.constant 0 : index
        %get3A_1439 = tpu.vector_load %get3A_1436[%get3A_1437, %get3A_1438] {strides = array<i32>} : memref<128x64xf32, #tpu.memory_space<vmem>>, vector<16xf32>,
        %scatter3A_1440 = arith.constant 0 : i32
        %scatter3A_1441 = arith.constant 0 : i32
        %scatter3A_1442 = tpu.memref_slice %arg7[%scan3A_892, %scatter3A_1440, %scatter3A_1441] : memref<2x64x137xf32, #tpu.memory_space<vmem>> -> memref<1x64x137xf32, #tpu.memory_space<vmem>>
        %scatter3A_1443 = tpu.memref_squeeze %scatter3A_1442 : memref<1x64x137xf32, #tpu.memory_space<vmem>> -> memref<64x137xf32, #tpu.memory_space<vmem>>
        tpu.vector_store_idx %scatter3A_1443[%add3A_3, %broadcast_in_dim3A_1432], %get3A_1439 : memref<64x137xf32, #tpu.memory_space<vmem>>[vector<16xi32>, vector<16xi32>], vector<16xf32>,
        %get3A_1444 = arith.constant 0 : i32
        %get3A_1445 = arith.constant 0 : i32
        %get3A_1446 = tpu.memref_slice %arg6[%scan3A_891, %get3A_1444, %get3A_1445] : memref<2x128x64xf32, #tpu.memory_space<vmem>> -> memref<1x128x64xf32, #tpu.memory_space<vmem>>
        %get3A_1447 = tpu.memref_squeeze %get3A_1446 : memref<1x128x64xf32, #tpu.memory_space<vmem>> -> memref<128x64xf32, #tpu.memory_space<vmem>>
        %get3A_1448 = arith.index_cast %add3A_1431 : i32 to index
        %get3A_1449 = arith.constant 16 : index
        %get3A_1450 = tpu.vector_load %get3A_1447[%get3A_1448, %get3A_1449] {strides = array<i32>} : memref<128x64xf32, #tpu.memory_space<vmem>>, vector<16xf32>,
        %scatter3A_1451 = arith.constant 0 : i32
        %scatter3A_1452 = arith.constant 0 : i32
        %scatter3A_1453 = tpu.memref_slice %arg7[%scan3A_892, %scatter3A_1451, %scatter3A_1452] : memref<2x64x137xf32, #tpu.memory_space<vmem>> -> memref<1x64x137xf32, #tpu.memory_space<vmem>>
        %scatter3A_1454 = tpu.memref_squeeze %scatter3A_1453 : memref<1x64x137xf32, #tpu.memory_space<vmem>> -> memref<64x137xf32, #tpu.memory_space<vmem>>
        tpu.vector_store_idx %scatter3A_1454[%add3A_6, %broadcast_in_dim3A_1432], %get3A_1450 : memref<64x137xf32, #tpu.memory_space<vmem>>[vector<16xi32>, vector<16xi32>], vector<16xf32>,
        %get3A_1455 = arith.constant 0 : i32
        %get3A_1456 = arith.constant 0 : i32
        %get3A_1457 = tpu.memref_slice %arg6[%scan3A_891, %get3A_1455, %get3A_1456] : memref<2x128x64xf32, #tpu.memory_space<vmem>> -> memref<1x128x64xf32, #tpu.memory_space<vmem>>
        %get3A_1458 = tpu.memref_squeeze %get3A_1457 : memref<1x128x64xf32, #tpu.memory_space<vmem>> -> memref<128x64xf32, #tpu.memory_space<vmem>>
        %get3A_1459 = arith.index_cast %add3A_1431 : i32 to index
        %get3A_1460 = arith.constant 32 : index
        %get3A_1461 = tpu.vector_load %get3A_1458[%get3A_1459, %get3A_1460] {strides = array<i32>} : memref<128x64xf32, #tpu.memory_space<vmem>>, vector<16xf32>,
        %scatter3A_1462 = arith.constant 0 : i32
        %scatter3A_1463 = arith.constant 0 : i32
        %scatter3A_1464 = tpu.memref_slice %arg7[%scan3A_892, %scatter3A_1462, %scatter3A_1463] : memref<2x64x137xf32, #tpu.memory_space<vmem>> -> memref<1x64x137xf32, #tpu.memory_space<vmem>>
        %scatter3A_1465 = tpu.memref_squeeze %scatter3A_1464 : memref<1x64x137xf32, #tpu.memory_space<vmem>> -> memref<64x137xf32, #tpu.memory_space<vmem>>
        tpu.vector_store_idx %scatter3A_1465[%add3A_9, %broadcast_in_dim3A_1432], %get3A_1461 : memref<64x137xf32, #tpu.memory_space<vmem>>[vector<16xi32>, vector<16xi32>], vector<16xf32>,
        %get3A_1466 = arith.constant 0 : i32
        %get3A_1467 = arith.constant 0 : i32
        %get3A_1468 = tpu.memref_slice %arg6[%scan3A_891, %get3A_1466, %get3A_1467] : memref<2x128x64xf32, #tpu.memory_space<vmem>> -> memref<1x128x64xf32, #tpu.memory_space<vmem>>
        %get3A_1469 = tpu.memref_squeeze %get3A_1468 : memref<1x128x64xf32, #tpu.memory_space<vmem>> -> memref<128x64xf32, #tpu.memory_space<vmem>>
        %get3A_1470 = arith.index_cast %add3A_1431 : i32 to index
        %get3A_1471 = arith.constant 48 : index
        %get3A_1472 = tpu.vector_load %get3A_1469[%get3A_1470, %get3A_1471] {strides = array<i32>} : memref<128x64xf32, #tpu.memory_space<vmem>>, vector<16xf32>,
        %scatter3A_1473 = arith.constant 0 : i32
        %scatter3A_1474 = arith.constant 0 : i32
        %scatter3A_1475 = tpu.memref_slice %arg7[%scan3A_892, %scatter3A_1473, %scatter3A_1474] : memref<2x64x137xf32, #tpu.memory_space<vmem>> -> memref<1x64x137xf32, #tpu.memory_space<vmem>>
        %scatter3A_1476 = tpu.memref_squeeze %scatter3A_1475 : memref<1x64x137xf32, #tpu.memory_space<vmem>> -> memref<64x137xf32, #tpu.memory_space<vmem>>
        tpu.vector_store_idx %scatter3A_1476[%add3A_12, %broadcast_in_dim3A_1432], %get3A_1472 : memref<64x137xf32, #tpu.memory_space<vmem>>[vector<16xi32>, vector<16xi32>], vector<16xf32>,
        %scan3A_1477 = arith.constant 7 : i32
        %scan3A_1478 = arith.addi %scan3A_1124, %scan3A_1477 : i32
        %mul3A_1479 = arith.constant 1 : i32
        %mul3A_1480 = arith.muli %scan3A_1478, %mul3A_1479 : i32
        %add3A_1481 = arith.constant 0 : i32
        %add3A_1482 = arith.addi %add3A_1481, %mul3A_1480 : i32
        %broadcast_in_dim3A_1483 = vector.broadcast %add3A_1482 : i32 to vector<16xi32>
        %get3A_1484 = arith.constant 0 : i32
        %get3A_1485 = arith.constant 0 : i32
        %get3A_1486 = tpu.memref_slice %arg6[%scan3A_891, %get3A_1484, %get3A_1485] : memref<2x128x64xf32, #tpu.memory_space<vmem>> -> memref<1x128x64xf32, #tpu.memory_space<vmem>>
        %get3A_1487 = tpu.memref_squeeze %get3A_1486 : memref<1x128x64xf32, #tpu.memory_space<vmem>> -> memref<128x64xf32, #tpu.memory_space<vmem>>
        %get3A_1488 = arith.index_cast %add3A_1482 : i32 to index
        %get3A_1489 = arith.constant 0 : index
        %get3A_1490 = tpu.vector_load %get3A_1487[%get3A_1488, %get3A_1489] {strides = array<i32>} : memref<128x64xf32, #tpu.memory_space<vmem>>, vector<16xf32>,
        %scatter3A_1491 = arith.constant 0 : i32
        %scatter3A_1492 = arith.constant 0 : i32
        %scatter3A_1493 = tpu.memref_slice %arg7[%scan3A_892, %scatter3A_1491, %scatter3A_1492] : memref<2x64x137xf32, #tpu.memory_space<vmem>> -> memref<1x64x137xf32, #tpu.memory_space<vmem>>
        %scatter3A_1494 = tpu.memref_squeeze %scatter3A_1493 : memref<1x64x137xf32, #tpu.memory_space<vmem>> -> memref<64x137xf32, #tpu.memory_space<vmem>>
        tpu.vector_store_idx %scatter3A_1494[%add3A_3, %broadcast_in_dim3A_1483], %get3A_1490 : memref<64x137xf32, #tpu.memory_space<vmem>>[vector<16xi32>, vector<16xi32>], vector<16xf32>,
        %get3A_1495 = arith.constant 0 : i32
        %get3A_1496 = arith.constant 0 : i32
        %get3A_1497 = tpu.memref_slice %arg6[%scan3A_891, %get3A_1495, %get3A_1496] : memref<2x128x64xf32, #tpu.memory_space<vmem>> -> memref<1x128x64xf32, #tpu.memory_space<vmem>>
        %get3A_1498 = tpu.memref_squeeze %get3A_1497 : memref<1x128x64xf32, #tpu.memory_space<vmem>> -> memref<128x64xf32, #tpu.memory_space<vmem>>
        %get3A_1499 = arith.index_cast %add3A_1482 : i32 to index
        %get3A_1500 = arith.constant 16 : index
        %get3A_1501 = tpu.vector_load %get3A_1498[%get3A_1499, %get3A_1500] {strides = array<i32>} : memref<128x64xf32, #tpu.memory_space<vmem>>, vector<16xf32>,
        %scatter3A_1502 = arith.constant 0 : i32
        %scatter3A_1503 = arith.constant 0 : i32
        %scatter3A_1504 = tpu.memref_slice %arg7[%scan3A_892, %scatter3A_1502, %scatter3A_1503] : memref<2x64x137xf32, #tpu.memory_space<vmem>> -> memref<1x64x137xf32, #tpu.memory_space<vmem>>
        %scatter3A_1505 = tpu.memref_squeeze %scatter3A_1504 : memref<1x64x137xf32, #tpu.memory_space<vmem>> -> memref<64x137xf32, #tpu.memory_space<vmem>>
        tpu.vector_store_idx %scatter3A_1505[%add3A_6, %broadcast_in_dim3A_1483], %get3A_1501 : memref<64x137xf32, #tpu.memory_space<vmem>>[vector<16xi32>, vector<16xi32>], vector<16xf32>,
        %get3A_1506 = arith.constant 0 : i32
        %get3A_1507 = arith.constant 0 : i32
        %get3A_1508 = tpu.memref_slice %arg6[%scan3A_891, %get3A_1506, %get3A_1507] : memref<2x128x64xf32, #tpu.memory_space<vmem>> -> memref<1x128x64xf32, #tpu.memory_space<vmem>>
        %get3A_1509 = tpu.memref_squeeze %get3A_1508 : memref<1x128x64xf32, #tpu.memory_space<vmem>> -> memref<128x64xf32, #tpu.memory_space<vmem>>
        %get3A_1510 = arith.index_cast %add3A_1482 : i32 to index
        %get3A_1511 = arith.constant 32 : index
        %get3A_1512 = tpu.vector_load %get3A_1509[%get3A_1510, %get3A_1511] {strides = array<i32>} : memref<128x64xf32, #tpu.memory_space<vmem>>, vector<16xf32>,
        %scatter3A_1513 = arith.constant 0 : i32
        %scatter3A_1514 = arith.constant 0 : i32
        %scatter3A_1515 = tpu.memref_slice %arg7[%scan3A_892, %scatter3A_1513, %scatter3A_1514] : memref<2x64x137xf32, #tpu.memory_space<vmem>> -> memref<1x64x137xf32, #tpu.memory_space<vmem>>
        %scatter3A_1516 = tpu.memref_squeeze %scatter3A_1515 : memref<1x64x137xf32, #tpu.memory_space<vmem>> -> memref<64x137xf32, #tpu.memory_space<vmem>>
        tpu.vector_store_idx %scatter3A_1516[%add3A_9, %broadcast_in_dim3A_1483], %get3A_1512 : memref<64x137xf32, #tpu.memory_space<vmem>>[vector<16xi32>, vector<16xi32>], vector<16xf32>,
        %get3A_1517 = arith.constant 0 : i32
        %get3A_1518 = arith.constant 0 : i32
        %get3A_1519 = tpu.memref_slice %arg6[%scan3A_891, %get3A_1517, %get3A_1518] : memref<2x128x64xf32, #tpu.memory_space<vmem>> -> memref<1x128x64xf32, #tpu.memory_space<vmem>>
        %get3A_1520 = tpu.memref_squeeze %get3A_1519 : memref<1x128x64xf32, #tpu.memory_space<vmem>> -> memref<128x64xf32, #tpu.memory_space<vmem>>
        %get3A_1521 = arith.index_cast %add3A_1482 : i32 to index
        %get3A_1522 = arith.constant 48 : index
        %get3A_1523 = tpu.vector_load %get3A_1520[%get3A_1521, %get3A_1522] {strides = array<i32>} : memref<128x64xf32, #tpu.memory_space<vmem>>, vector<16xf32>,
        %scatter3A_1524 = arith.constant 0 : i32
        %scatter3A_1525 = arith.constant 0 : i32
        %scatter3A_1526 = tpu.memref_slice %arg7[%scan3A_892, %scatter3A_1524, %scatter3A_1525] : memref<2x64x137xf32, #tpu.memory_space<vmem>> -> memref<1x64x137xf32, #tpu.memory_space<vmem>>
        %scatter3A_1527 = tpu.memref_squeeze %scatter3A_1526 : memref<1x64x137xf32, #tpu.memory_space<vmem>> -> memref<64x137xf32, #tpu.memory_space<vmem>>
        tpu.vector_store_idx %scatter3A_1527[%add3A_12, %broadcast_in_dim3A_1483], %get3A_1523 : memref<64x137xf32, #tpu.memory_space<vmem>>[vector<16xi32>, vector<16xi32>], vector<16xf32>,
      }
      %scan3A_897 = arith.constant 128 : i32
      %jit3A_898 = arith.constant 4 : i32
      %div3A_899 = arith.divsi %add3A_793, %jit3A_898 : i32
      %sign3A_900 = arith.constant 0 : i32
      %sign3A_901 = arith.cmpi sgt, %add3A_793, %sign3A_900 : i32
      %sign3A_902 = arith.extui %sign3A_901 : i1 to i32
      %sign3A_903 = arith.constant 0 : i32
      %sign3A_904 = arith.cmpi slt, %add3A_793, %sign3A_903 : i32
      %sign3A_905 = arith.extui %sign3A_904 : i1 to i32
      %sign3A_906 = arith.subi %sign3A_902, %sign3A_905 : i32
      %sign3A_907 = arith.constant 0 : i32
      %sign3A_908 = arith.cmpi sgt, %jit3A_898, %sign3A_907 : i32
      %sign3A_909 = arith.extui %sign3A_908 : i1 to i32
      %sign3A_910 = arith.constant 0 : i32
      %sign3A_911 = arith.cmpi slt, %jit3A_898, %sign3A_910 : i32
      %sign3A_912 = arith.extui %sign3A_911 : i1 to i32
      %sign3A_913 = arith.subi %sign3A_909, %sign3A_912 : i32
      %ne3A_914 = arith.cmpi ne, %sign3A_906, %sign3A_913 : i32
      %rem3A_915 = arith.remsi %add3A_793, %jit3A_898 : i32
      %ne3A_916 = arith.constant 0 : i32
      %ne3A_917 = arith.cmpi ne, %rem3A_915, %ne3A_916 : i32
      %and3A_918 = arith.andi %ne3A_914, %ne3A_917 : i1
      %sub3A_919 = arith.constant 1 : i32
      %sub3A_920 = arith.subi %div3A_899, %sub3A_919 : i32
      %select_n3A_921 = arith.select %and3A_918, %sub3A_920, %div3A_899 : i32
      %mul3A_922 = arith.constant 4 : i32
      %mul3A_923 = arith.muli %select_n3A_921, %mul3A_922 : i32
      %sub3A_924 = arith.subi %add3A_793, %mul3A_923 : i32
      %mul3A_925 = arith.constant 4 : i32
      %mul3A_926 = arith.muli %add3A, %mul3A_925 : i32
      %add3A_927 = arith.addi %mul3A_926, %sub3A_924 : i32
      %dma_start3A_928 = arith.constant 1 : i32
      %dma_start3A_929 = arith.constant 0 : i32
      %dma_start3A_930 = arith.constant 1 : i32
      %dma_start3A_931 = arith.constant 0 : i32
      %dma_start3A_932 = arith.constant 0 : i32
      %dma_start3A_933 = tpu.memref_slice %arg7[%dma_start3A_928, %dma_start3A_931, %dma_start3A_932] : memref<2x64x137xf32, #tpu.memory_space<vmem>> -> memref<1x8x128xf32, #tpu.memory_space<vmem>>
      %dma_start3A_934 = tpu.memref_squeeze %dma_start3A_933 : memref<1x8x128xf32, #tpu.memory_space<vmem>> -> memref<8x128xf32, #tpu.memory_space<vmem>>
      %dma_start3A_935 = arith.constant 0 : i32
      %dma_start3A_936 = arith.constant 0 : i32
      %dma_start3A_937 = tpu.memref_slice %arg4[%select_n3A_921, %dma_start3A_929, %add3A_927, %dma_start3A_935, %dma_start3A_936] : memref<50x8x128x8x128xf32, #tpu.memory_space<hbm>> -> memref<1x1x1x8x128xf32, #tpu.memory_space<hbm>>
      %dma_start3A_938 = tpu.memref_squeeze %dma_start3A_937 : memref<1x1x1x8x128xf32, #tpu.memory_space<hbm>> -> memref<8x128xf32, #tpu.memory_space<hbm>>
      %dma_start3A_939 = tpu.memref_slice %arg9[%dma_start3A_930] : memref<2x!tpu.dma_semaphore, #tpu.memory_space<semaphore_mem>> -> memref<1x!tpu.dma_semaphore, #tpu.memory_space<semaphore_mem>>
      %dma_start3A_940 = tpu.memref_squeeze %dma_start3A_939 : memref<1x!tpu.dma_semaphore, #tpu.memory_space<semaphore_mem>> -> memref<!tpu.dma_semaphore, #tpu.memory_space<semaphore_mem>>
      %dma_start3A_941 = arith.constant 0 : i32
      %dma_start3A_942 = arith.constant 0 : i32
      %dma_start3A_943 = tpu.memref_slice %arg4[%select_n3A_921, %dma_start3A_929, %add3A_927, %dma_start3A_941, %dma_start3A_942] : memref<50x8x128x8x128xf32, #tpu.memory_space<hbm>> -> memref<1x1x1x8x128xf32, #tpu.memory_space<hbm>>
      %dma_start3A_944 = tpu.memref_squeeze %dma_start3A_943 : memref<1x1x1x8x128xf32, #tpu.memory_space<hbm>> -> memref<8x128xf32, #tpu.memory_space<hbm>>
      %dma_start3A_945 = arith.constant 0 : i32
      %dma_start3A_946 = arith.constant 0 : i32
      %dma_start3A_947 = tpu.memref_slice %arg7[%dma_start3A_928, %dma_start3A_945, %dma_start3A_946] : memref<2x64x137xf32, #tpu.memory_space<vmem>> -> memref<1x8x128xf32, #tpu.memory_space<vmem>>
      %dma_start3A_948 = tpu.memref_squeeze %dma_start3A_947 : memref<1x8x128xf32, #tpu.memory_space<vmem>> -> memref<8x128xf32, #tpu.memory_space<vmem>>
      tpu.enqueue_dma source(%dma_start3A_948 : memref<8x128xf32, #tpu.memory_space<vmem>>) target(%dma_start3A_944 : memref<8x128xf32, #tpu.memory_space<hbm>>) target_semaphore(%dma_start3A_940 : memref<!tpu.dma_semaphore, #tpu.memory_space<semaphore_mem>>)
      %mul3A_949 = arith.constant 4 : i32
      %mul3A_950 = arith.muli %add3A, %mul3A_949 : i32
      %add3A_951 = arith.addi %mul3A_950, %sub3A_924 : i32
      %dma_start3A_952 = arith.constant 1 : i32
      %dma_start3A_953 = arith.constant 1 : i32
      %dma_start3A_954 = arith.constant 1 : i32
      %dma_start3A_955 = arith.constant 8 : i32
      %dma_start3A_956 = arith.constant 0 : i32
      %dma_start3A_957 = tpu.memref_slice %arg7[%dma_start3A_952, %dma_start3A_955, %dma_start3A_956] : memref<2x64x137xf32, #tpu.memory_space<vmem>> -> memref<1x8x128xf32, #tpu.memory_space<vmem>>
      %dma_start3A_958 = tpu.memref_squeeze %dma_start3A_957 : memref<1x8x128xf32, #tpu.memory_space<vmem>> -> memref<8x128xf32, #tpu.memory_space<vmem>>
      %dma_start3A_959 = arith.constant 0 : i32
      %dma_start3A_960 = arith.constant 0 : i32
      %dma_start3A_961 = tpu.memref_slice %arg4[%select_n3A_921, %dma_start3A_953, %add3A_951, %dma_start3A_959, %dma_start3A_960] : memref<50x8x128x8x128xf32, #tpu.memory_space<hbm>> -> memref<1x1x1x8x128xf32, #tpu.memory_space<hbm>>
      %dma_start3A_962 = tpu.memref_squeeze %dma_start3A_961 : memref<1x1x1x8x128xf32, #tpu.memory_space<hbm>> -> memref<8x128xf32, #tpu.memory_space<hbm>>
      %dma_start3A_963 = tpu.memref_slice %arg9[%dma_start3A_954] : memref<2x!tpu.dma_semaphore, #tpu.memory_space<semaphore_mem>> -> memref<1x!tpu.dma_semaphore, #tpu.memory_space<semaphore_mem>>
      %dma_start3A_964 = tpu.memref_squeeze %dma_start3A_963 : memref<1x!tpu.dma_semaphore, #tpu.memory_space<semaphore_mem>> -> memref<!tpu.dma_semaphore, #tpu.memory_space<semaphore_mem>>
      %dma_start3A_965 = arith.constant 0 : i32
      %dma_start3A_966 = arith.constant 0 : i32
      %dma_start3A_967 = tpu.memref_slice %arg4[%select_n3A_921, %dma_start3A_953, %add3A_951, %dma_start3A_965, %dma_start3A_966] : memref<50x8x128x8x128xf32, #tpu.memory_space<hbm>> -> memref<1x1x1x8x128xf32, #tpu.memory_space<hbm>>
      %dma_start3A_968 = tpu.memref_squeeze %dma_start3A_967 : memref<1x1x1x8x128xf32, #tpu.memory_space<hbm>> -> memref<8x128xf32, #tpu.memory_space<hbm>>
      %dma_start3A_969 = arith.constant 8 : i32
      %dma_start3A_970 = arith.constant 0 : i32
      %dma_start3A_971 = tpu.memref_slice %arg7[%dma_start3A_952, %dma_start3A_969, %dma_start3A_970] : memref<2x64x137xf32, #tpu.memory_space<vmem>> -> memref<1x8x128xf32, #tpu.memory_space<vmem>>
      %dma_start3A_972 = tpu.memref_squeeze %dma_start3A_971 : memref<1x8x128xf32, #tpu.memory_space<vmem>> -> memref<8x128xf32, #tpu.memory_space<vmem>>
      tpu.enqueue_dma source(%dma_start3A_972 : memref<8x128xf32, #tpu.memory_space<vmem>>) target(%dma_start3A_968 : memref<8x128xf32, #tpu.memory_space<hbm>>) target_semaphore(%dma_start3A_964 : memref<!tpu.dma_semaphore, #tpu.memory_space<semaphore_mem>>)
      %mul3A_973 = arith.constant 4 : i32
      %mul3A_974 = arith.muli %add3A, %mul3A_973 : i32
      %add3A_975 = arith.addi %mul3A_974, %sub3A_924 : i32
      %dma_start3A_976 = arith.constant 1 : i32
      %dma_start3A_977 = arith.constant 2 : i32
      %dma_start3A_978 = arith.constant 1 : i32
      %dma_start3A_979 = arith.constant 16 : i32
      %dma_start3A_980 = arith.constant 0 : i32
      %dma_start3A_981 = tpu.memref_slice %arg7[%dma_start3A_976, %dma_start3A_979, %dma_start3A_980] : memref<2x64x137xf32, #tpu.memory_space<vmem>> -> memref<1x8x128xf32, #tpu.memory_space<vmem>>
      %dma_start3A_982 = tpu.memref_squeeze %dma_start3A_981 : memref<1x8x128xf32, #tpu.memory_space<vmem>> -> memref<8x128xf32, #tpu.memory_space<vmem>>
      %dma_start3A_983 = arith.constant 0 : i32
      %dma_start3A_984 = arith.constant 0 : i32
      %dma_start3A_985 = tpu.memref_slice %arg4[%select_n3A_921, %dma_start3A_977, %add3A_975, %dma_start3A_983, %dma_start3A_984] : memref<50x8x128x8x128xf32, #tpu.memory_space<hbm>> -> memref<1x1x1x8x128xf32, #tpu.memory_space<hbm>>
      %dma_start3A_986 = tpu.memref_squeeze %dma_start3A_985 : memref<1x1x1x8x128xf32, #tpu.memory_space<hbm>> -> memref<8x128xf32, #tpu.memory_space<hbm>>
      %dma_start3A_987 = tpu.memref_slice %arg9[%dma_start3A_978] : memref<2x!tpu.dma_semaphore, #tpu.memory_space<semaphore_mem>> -> memref<1x!tpu.dma_semaphore, #tpu.memory_space<semaphore_mem>>
      %dma_start3A_988 = tpu.memref_squeeze %dma_start3A_987 : memref<1x!tpu.dma_semaphore, #tpu.memory_space<semaphore_mem>> -> memref<!tpu.dma_semaphore, #tpu.memory_space<semaphore_mem>>
      %dma_start3A_989 = arith.constant 0 : i32
      %dma_start3A_990 = arith.constant 0 : i32
      %dma_start3A_991 = tpu.memref_slice %arg4[%select_n3A_921, %dma_start3A_977, %add3A_975, %dma_start3A_989, %dma_start3A_990] : memref<50x8x128x8x128xf32, #tpu.memory_space<hbm>> -> memref<1x1x1x8x128xf32, #tpu.memory_space<hbm>>
      %dma_start3A_992 = tpu.memref_squeeze %dma_start3A_991 : memref<1x1x1x8x128xf32, #tpu.memory_space<hbm>> -> memref<8x128xf32, #tpu.memory_space<hbm>>
      %dma_start3A_993 = arith.constant 16 : i32
      %dma_start3A_994 = arith.constant 0 : i32
      %dma_start3A_995 = tpu.memref_slice %arg7[%dma_start3A_976, %dma_start3A_993, %dma_start3A_994] : memref<2x64x137xf32, #tpu.memory_space<vmem>> -> memref<1x8x128xf32, #tpu.memory_space<vmem>>
      %dma_start3A_996 = tpu.memref_squeeze %dma_start3A_995 : memref<1x8x128xf32, #tpu.memory_space<vmem>> -> memref<8x128xf32, #tpu.memory_space<vmem>>
      tpu.enqueue_dma source(%dma_start3A_996 : memref<8x128xf32, #tpu.memory_space<vmem>>) target(%dma_start3A_992 : memref<8x128xf32, #tpu.memory_space<hbm>>) target_semaphore(%dma_start3A_988 : memref<!tpu.dma_semaphore, #tpu.memory_space<semaphore_mem>>)
      %mul3A_997 = arith.constant 4 : i32
      %mul3A_998 = arith.muli %add3A, %mul3A_997 : i32
      %add3A_999 = arith.addi %mul3A_998, %sub3A_924 : i32
      %dma_start3A_1000 = arith.constant 1 : i32
      %dma_start3A_1001 = arith.constant 3 : i32
      %dma_start3A_1002 = arith.constant 1 : i32
      %dma_start3A_1003 = arith.constant 24 : i32
      %dma_start3A_1004 = arith.constant 0 : i32
      %dma_start3A_1005 = tpu.memref_slice %arg7[%dma_start3A_1000, %dma_start3A_1003, %dma_start3A_1004] : memref<2x64x137xf32, #tpu.memory_space<vmem>> -> memref<1x8x128xf32, #tpu.memory_space<vmem>>
      %dma_start3A_1006 = tpu.memref_squeeze %dma_start3A_1005 : memref<1x8x128xf32, #tpu.memory_space<vmem>> -> memref<8x128xf32, #tpu.memory_space<vmem>>
      %dma_start3A_1007 = arith.constant 0 : i32
      %dma_start3A_1008 = arith.constant 0 : i32
      %dma_start3A_1009 = tpu.memref_slice %arg4[%select_n3A_921, %dma_start3A_1001, %add3A_999, %dma_start3A_1007, %dma_start3A_1008] : memref<50x8x128x8x128xf32, #tpu.memory_space<hbm>> -> memref<1x1x1x8x128xf32, #tpu.memory_space<hbm>>
      %dma_start3A_1010 = tpu.memref_squeeze %dma_start3A_1009 : memref<1x1x1x8x128xf32, #tpu.memory_space<hbm>> -> memref<8x128xf32, #tpu.memory_space<hbm>>
      %dma_start3A_1011 = tpu.memref_slice %arg9[%dma_start3A_1002] : memref<2x!tpu.dma_semaphore, #tpu.memory_space<semaphore_mem>> -> memref<1x!tpu.dma_semaphore, #tpu.memory_space<semaphore_mem>>
      %dma_start3A_1012 = tpu.memref_squeeze %dma_start3A_1011 : memref<1x!tpu.dma_semaphore, #tpu.memory_space<semaphore_mem>> -> memref<!tpu.dma_semaphore, #tpu.memory_space<semaphore_mem>>
      %dma_start3A_1013 = arith.constant 0 : i32
      %dma_start3A_1014 = arith.constant 0 : i32
      %dma_start3A_1015 = tpu.memref_slice %arg4[%select_n3A_921, %dma_start3A_1001, %add3A_999, %dma_start3A_1013, %dma_start3A_1014] : memref<50x8x128x8x128xf32, #tpu.memory_space<hbm>> -> memref<1x1x1x8x128xf32, #tpu.memory_space<hbm>>
      %dma_start3A_1016 = tpu.memref_squeeze %dma_start3A_1015 : memref<1x1x1x8x128xf32, #tpu.memory_space<hbm>> -> memref<8x128xf32, #tpu.memory_space<hbm>>
      %dma_start3A_1017 = arith.constant 24 : i32
      %dma_start3A_1018 = arith.constant 0 : i32
      %dma_start3A_1019 = tpu.memref_slice %arg7[%dma_start3A_1000, %dma_start3A_1017, %dma_start3A_1018] : memref<2x64x137xf32, #tpu.memory_space<vmem>> -> memref<1x8x128xf32, #tpu.memory_space<vmem>>
      %dma_start3A_1020 = tpu.memref_squeeze %dma_start3A_1019 : memref<1x8x128xf32, #tpu.memory_space<vmem>> -> memref<8x128xf32, #tpu.memory_space<vmem>>
      tpu.enqueue_dma source(%dma_start3A_1020 : memref<8x128xf32, #tpu.memory_space<vmem>>) target(%dma_start3A_1016 : memref<8x128xf32, #tpu.memory_space<hbm>>) target_semaphore(%dma_start3A_1012 : memref<!tpu.dma_semaphore, #tpu.memory_space<semaphore_mem>>)
      %mul3A_1021 = arith.constant 4 : i32
      %mul3A_1022 = arith.muli %add3A, %mul3A_1021 : i32
      %add3A_1023 = arith.addi %mul3A_1022, %sub3A_924 : i32
      %dma_start3A_1024 = arith.constant 1 : i32
      %dma_start3A_1025 = arith.constant 4 : i32
      %dma_start3A_1026 = arith.constant 1 : i32
      %dma_start3A_1027 = arith.constant 32 : i32
      %dma_start3A_1028 = arith.constant 0 : i32
      %dma_start3A_1029 = tpu.memref_slice %arg7[%dma_start3A_1024, %dma_start3A_1027, %dma_start3A_1028] : memref<2x64x137xf32, #tpu.memory_space<vmem>> -> memref<1x8x128xf32, #tpu.memory_space<vmem>>
      %dma_start3A_1030 = tpu.memref_squeeze %dma_start3A_1029 : memref<1x8x128xf32, #tpu.memory_space<vmem>> -> memref<8x128xf32, #tpu.memory_space<vmem>>
      %dma_start3A_1031 = arith.constant 0 : i32
      %dma_start3A_1032 = arith.constant 0 : i32
      %dma_start3A_1033 = tpu.memref_slice %arg4[%select_n3A_921, %dma_start3A_1025, %add3A_1023, %dma_start3A_1031, %dma_start3A_1032] : memref<50x8x128x8x128xf32, #tpu.memory_space<hbm>> -> memref<1x1x1x8x128xf32, #tpu.memory_space<hbm>>
      %dma_start3A_1034 = tpu.memref_squeeze %dma_start3A_1033 : memref<1x1x1x8x128xf32, #tpu.memory_space<hbm>> -> memref<8x128xf32, #tpu.memory_space<hbm>>
      %dma_start3A_1035 = tpu.memref_slice %arg9[%dma_start3A_1026] : memref<2x!tpu.dma_semaphore, #tpu.memory_space<semaphore_mem>> -> memref<1x!tpu.dma_semaphore, #tpu.memory_space<semaphore_mem>>
      %dma_start3A_1036 = tpu.memref_squeeze %dma_start3A_1035 : memref<1x!tpu.dma_semaphore, #tpu.memory_space<semaphore_mem>> -> memref<!tpu.dma_semaphore, #tpu.memory_space<semaphore_mem>>
      %dma_start3A_1037 = arith.constant 0 : i32
      %dma_start3A_1038 = arith.constant 0 : i32
      %dma_start3A_1039 = tpu.memref_slice %arg4[%select_n3A_921, %dma_start3A_1025, %add3A_1023, %dma_start3A_1037, %dma_start3A_1038] : memref<50x8x128x8x128xf32, #tpu.memory_space<hbm>> -> memref<1x1x1x8x128xf32, #tpu.memory_space<hbm>>
      %dma_start3A_1040 = tpu.memref_squeeze %dma_start3A_1039 : memref<1x1x1x8x128xf32, #tpu.memory_space<hbm>> -> memref<8x128xf32, #tpu.memory_space<hbm>>
      %dma_start3A_1041 = arith.constant 32 : i32
      %dma_start3A_1042 = arith.constant 0 : i32
      %dma_start3A_1043 = tpu.memref_slice %arg7[%dma_start3A_1024, %dma_start3A_1041, %dma_start3A_1042] : memref<2x64x137xf32, #tpu.memory_space<vmem>> -> memref<1x8x128xf32, #tpu.memory_space<vmem>>
      %dma_start3A_1044 = tpu.memref_squeeze %dma_start3A_1043 : memref<1x8x128xf32, #tpu.memory_space<vmem>> -> memref<8x128xf32, #tpu.memory_space<vmem>>
      tpu.enqueue_dma source(%dma_start3A_1044 : memref<8x128xf32, #tpu.memory_space<vmem>>) target(%dma_start3A_1040 : memref<8x128xf32, #tpu.memory_space<hbm>>) target_semaphore(%dma_start3A_1036 : memref<!tpu.dma_semaphore, #tpu.memory_space<semaphore_mem>>)
      %mul3A_1045 = arith.constant 4 : i32
      %mul3A_1046 = arith.muli %add3A, %mul3A_1045 : i32
      %add3A_1047 = arith.addi %mul3A_1046, %sub3A_924 : i32
      %dma_start3A_1048 = arith.constant 1 : i32
      %dma_start3A_1049 = arith.constant 5 : i32
      %dma_start3A_1050 = arith.constant 1 : i32
      %dma_start3A_1051 = arith.constant 40 : i32
      %dma_start3A_1052 = arith.constant 0 : i32
      %dma_start3A_1053 = tpu.memref_slice %arg7[%dma_start3A_1048, %dma_start3A_1051, %dma_start3A_1052] : memref<2x64x137xf32, #tpu.memory_space<vmem>> -> memref<1x8x128xf32, #tpu.memory_space<vmem>>
      %dma_start3A_1054 = tpu.memref_squeeze %dma_start3A_1053 : memref<1x8x128xf32, #tpu.memory_space<vmem>> -> memref<8x128xf32, #tpu.memory_space<vmem>>
      %dma_start3A_1055 = arith.constant 0 : i32
      %dma_start3A_1056 = arith.constant 0 : i32
      %dma_start3A_1057 = tpu.memref_slice %arg4[%select_n3A_921, %dma_start3A_1049, %add3A_1047, %dma_start3A_1055, %dma_start3A_1056] : memref<50x8x128x8x128xf32, #tpu.memory_space<hbm>> -> memref<1x1x1x8x128xf32, #tpu.memory_space<hbm>>
      %dma_start3A_1058 = tpu.memref_squeeze %dma_start3A_1057 : memref<1x1x1x8x128xf32, #tpu.memory_space<hbm>> -> memref<8x128xf32, #tpu.memory_space<hbm>>
      %dma_start3A_1059 = tpu.memref_slice %arg9[%dma_start3A_1050] : memref<2x!tpu.dma_semaphore, #tpu.memory_space<semaphore_mem>> -> memref<1x!tpu.dma_semaphore, #tpu.memory_space<semaphore_mem>>
      %dma_start3A_1060 = tpu.memref_squeeze %dma_start3A_1059 : memref<1x!tpu.dma_semaphore, #tpu.memory_space<semaphore_mem>> -> memref<!tpu.dma_semaphore, #tpu.memory_space<semaphore_mem>>
      %dma_start3A_1061 = arith.constant 0 : i32
      %dma_start3A_1062 = arith.constant 0 : i32
      %dma_start3A_1063 = tpu.memref_slice %arg4[%select_n3A_921, %dma_start3A_1049, %add3A_1047, %dma_start3A_1061, %dma_start3A_1062] : memref<50x8x128x8x128xf32, #tpu.memory_space<hbm>> -> memref<1x1x1x8x128xf32, #tpu.memory_space<hbm>>
      %dma_start3A_1064 = tpu.memref_squeeze %dma_start3A_1063 : memref<1x1x1x8x128xf32, #tpu.memory_space<hbm>> -> memref<8x128xf32, #tpu.memory_space<hbm>>
      %dma_start3A_1065 = arith.constant 40 : i32
      %dma_start3A_1066 = arith.constant 0 : i32
      %dma_start3A_1067 = tpu.memref_slice %arg7[%dma_start3A_1048, %dma_start3A_1065, %dma_start3A_1066] : memref<2x64x137xf32, #tpu.memory_space<vmem>> -> memref<1x8x128xf32, #tpu.memory_space<vmem>>
      %dma_start3A_1068 = tpu.memref_squeeze %dma_start3A_1067 : memref<1x8x128xf32, #tpu.memory_space<vmem>> -> memref<8x128xf32, #tpu.memory_space<vmem>>
      tpu.enqueue_dma source(%dma_start3A_1068 : memref<8x128xf32, #tpu.memory_space<vmem>>) target(%dma_start3A_1064 : memref<8x128xf32, #tpu.memory_space<hbm>>) target_semaphore(%dma_start3A_1060 : memref<!tpu.dma_semaphore, #tpu.memory_space<semaphore_mem>>)
      %mul3A_1069 = arith.constant 4 : i32
      %mul3A_1070 = arith.muli %add3A, %mul3A_1069 : i32
      %add3A_1071 = arith.addi %mul3A_1070, %sub3A_924 : i32
      %dma_start3A_1072 = arith.constant 1 : i32
      %dma_start3A_1073 = arith.constant 6 : i32
      %dma_start3A_1074 = arith.constant 1 : i32
      %dma_start3A_1075 = arith.constant 48 : i32
      %dma_start3A_1076 = arith.constant 0 : i32
      %dma_start3A_1077 = tpu.memref_slice %arg7[%dma_start3A_1072, %dma_start3A_1075, %dma_start3A_1076] : memref<2x64x137xf32, #tpu.memory_space<vmem>> -> memref<1x8x128xf32, #tpu.memory_space<vmem>>
      %dma_start3A_1078 = tpu.memref_squeeze %dma_start3A_1077 : memref<1x8x128xf32, #tpu.memory_space<vmem>> -> memref<8x128xf32, #tpu.memory_space<vmem>>
      %dma_start3A_1079 = arith.constant 0 : i32
      %dma_start3A_1080 = arith.constant 0 : i32
      %dma_start3A_1081 = tpu.memref_slice %arg4[%select_n3A_921, %dma_start3A_1073, %add3A_1071, %dma_start3A_1079, %dma_start3A_1080] : memref<50x8x128x8x128xf32, #tpu.memory_space<hbm>> -> memref<1x1x1x8x128xf32, #tpu.memory_space<hbm>>
      %dma_start3A_1082 = tpu.memref_squeeze %dma_start3A_1081 : memref<1x1x1x8x128xf32, #tpu.memory_space<hbm>> -> memref<8x128xf32, #tpu.memory_space<hbm>>
      %dma_start3A_1083 = tpu.memref_slice %arg9[%dma_start3A_1074] : memref<2x!tpu.dma_semaphore, #tpu.memory_space<semaphore_mem>> -> memref<1x!tpu.dma_semaphore, #tpu.memory_space<semaphore_mem>>
      %dma_start3A_1084 = tpu.memref_squeeze %dma_start3A_1083 : memref<1x!tpu.dma_semaphore, #tpu.memory_space<semaphore_mem>> -> memref<!tpu.dma_semaphore, #tpu.memory_space<semaphore_mem>>
      %dma_start3A_1085 = arith.constant 0 : i32
      %dma_start3A_1086 = arith.constant 0 : i32
      %dma_start3A_1087 = tpu.memref_slice %arg4[%select_n3A_921, %dma_start3A_1073, %add3A_1071, %dma_start3A_1085, %dma_start3A_1086] : memref<50x8x128x8x128xf32, #tpu.memory_space<hbm>> -> memref<1x1x1x8x128xf32, #tpu.memory_space<hbm>>
      %dma_start3A_1088 = tpu.memref_squeeze %dma_start3A_1087 : memref<1x1x1x8x128xf32, #tpu.memory_space<hbm>> -> memref<8x128xf32, #tpu.memory_space<hbm>>
      %dma_start3A_1089 = arith.constant 48 : i32
      %dma_start3A_1090 = arith.constant 0 : i32
      %dma_start3A_1091 = tpu.memref_slice %arg7[%dma_start3A_1072, %dma_start3A_1089, %dma_start3A_1090] : memref<2x64x137xf32, #tpu.memory_space<vmem>> -> memref<1x8x128xf32, #tpu.memory_space<vmem>>
      %dma_start3A_1092 = tpu.memref_squeeze %dma_start3A_1091 : memref<1x8x128xf32, #tpu.memory_space<vmem>> -> memref<8x128xf32, #tpu.memory_space<vmem>>
      tpu.enqueue_dma source(%dma_start3A_1092 : memref<8x128xf32, #tpu.memory_space<vmem>>) target(%dma_start3A_1088 : memref<8x128xf32, #tpu.memory_space<hbm>>) target_semaphore(%dma_start3A_1084 : memref<!tpu.dma_semaphore, #tpu.memory_space<semaphore_mem>>)
      %mul3A_1093 = arith.constant 4 : i32
      %mul3A_1094 = arith.muli %add3A, %mul3A_1093 : i32
      %add3A_1095 = arith.addi %mul3A_1094, %sub3A_924 : i32
      %dma_start3A_1096 = arith.constant 1 : i32
      %dma_start3A_1097 = arith.constant 7 : i32
      %dma_start3A_1098 = arith.constant 1 : i32
      %dma_start3A_1099 = arith.constant 56 : i32
      %dma_start3A_1100 = arith.constant 0 : i32
      %dma_start3A_1101 = tpu.memref_slice %arg7[%dma_start3A_1096, %dma_start3A_1099, %dma_start3A_1100] : memref<2x64x137xf32, #tpu.memory_space<vmem>> -> memref<1x8x128xf32, #tpu.memory_space<vmem>>
      %dma_start3A_1102 = tpu.memref_squeeze %dma_start3A_1101 : memref<1x8x128xf32, #tpu.memory_space<vmem>> -> memref<8x128xf32, #tpu.memory_space<vmem>>
      %dma_start3A_1103 = arith.constant 0 : i32
      %dma_start3A_1104 = arith.constant 0 : i32
      %dma_start3A_1105 = tpu.memref_slice %arg4[%select_n3A_921, %dma_start3A_1097, %add3A_1095, %dma_start3A_1103, %dma_start3A_1104] : memref<50x8x128x8x128xf32, #tpu.memory_space<hbm>> -> memref<1x1x1x8x128xf32, #tpu.memory_space<hbm>>
      %dma_start3A_1106 = tpu.memref_squeeze %dma_start3A_1105 : memref<1x1x1x8x128xf32, #tpu.memory_space<hbm>> -> memref<8x128xf32, #tpu.memory_space<hbm>>
      %dma_start3A_1107 = tpu.memref_slice %arg9[%dma_start3A_1098] : memref<2x!tpu.dma_semaphore, #tpu.memory_space<semaphore_mem>> -> memref<1x!tpu.dma_semaphore, #tpu.memory_space<semaphore_mem>>
      %dma_start3A_1108 = tpu.memref_squeeze %dma_start3A_1107 : memref<1x!tpu.dma_semaphore, #tpu.memory_space<semaphore_mem>> -> memref<!tpu.dma_semaphore, #tpu.memory_space<semaphore_mem>>
      %dma_start3A_1109 = arith.constant 0 : i32
      %dma_start3A_1110 = arith.constant 0 : i32
      %dma_start3A_1111 = tpu.memref_slice %arg4[%select_n3A_921, %dma_start3A_1097, %add3A_1095, %dma_start3A_1109, %dma_start3A_1110] : memref<50x8x128x8x128xf32, #tpu.memory_space<hbm>> -> memref<1x1x1x8x128xf32, #tpu.memory_space<hbm>>
      %dma_start3A_1112 = tpu.memref_squeeze %dma_start3A_1111 : memref<1x1x1x8x128xf32, #tpu.memory_space<hbm>> -> memref<8x128xf32, #tpu.memory_space<hbm>>
      %dma_start3A_1113 = arith.constant 56 : i32
      %dma_start3A_1114 = arith.constant 0 : i32
      %dma_start3A_1115 = tpu.memref_slice %arg7[%dma_start3A_1096, %dma_start3A_1113, %dma_start3A_1114] : memref<2x64x137xf32, #tpu.memory_space<vmem>> -> memref<1x8x128xf32, #tpu.memory_space<vmem>>
      %dma_start3A_1116 = tpu.memref_squeeze %dma_start3A_1115 : memref<1x8x128xf32, #tpu.memory_space<vmem>> -> memref<8x128xf32, #tpu.memory_space<vmem>>
      tpu.enqueue_dma source(%dma_start3A_1116 : memref<8x128xf32, #tpu.memory_space<vmem>>) target(%dma_start3A_1112 : memref<8x128xf32, #tpu.memory_space<hbm>>) target_semaphore(%dma_start3A_1108 : memref<!tpu.dma_semaphore, #tpu.memory_space<semaphore_mem>>)
      %add3A_1117 = arith.constant 2 : i32
      %add3A_1118 = arith.addi %add3A_793, %add3A_1117 : i32
      %lt3A_1119 = arith.constant 200 : i32
      %lt3A_1120 = arith.cmpi slt, %add3A_1118, %lt3A_1119 : i32
      %convert_element_type3A_1121 = arith.extui %lt3A_1120 : i1 to i32
      %cond3A_1122 = arith.constant 0 : i32
      %cond3A_1123 = arith.cmpi ne, %convert_element_type3A_1121, %cond3A_1122 : i32
      scf.if %cond3A_1123 {
        %add3A_1124 = arith.constant 2 : i32
        %add3A_1125 = arith.addi %add3A_793, %add3A_1124 : i32
        %jit3A_1126 = arith.constant 4 : i32
        %div3A_1127 = arith.divsi %add3A_1125, %jit3A_1126 : i32
        %sign3A_1128 = arith.constant 0 : i32
        %sign3A_1129 = arith.cmpi sgt, %add3A_1125, %sign3A_1128 : i32
        %sign3A_1130 = arith.extui %sign3A_1129 : i1 to i32
        %sign3A_1131 = arith.constant 0 : i32
        %sign3A_1132 = arith.cmpi slt, %add3A_1125, %sign3A_1131 : i32
        %sign3A_1133 = arith.extui %sign3A_1132 : i1 to i32
        %sign3A_1134 = arith.subi %sign3A_1130, %sign3A_1133 : i32
        %sign3A_1135 = arith.constant 0 : i32
        %sign3A_1136 = arith.cmpi sgt, %jit3A_1126, %sign3A_1135 : i32
        %sign3A_1137 = arith.extui %sign3A_1136 : i1 to i32
        %sign3A_1138 = arith.constant 0 : i32
        %sign3A_1139 = arith.cmpi slt, %jit3A_1126, %sign3A_1138 : i32
        %sign3A_1140 = arith.extui %sign3A_1139 : i1 to i32
        %sign3A_1141 = arith.subi %sign3A_1137, %sign3A_1140 : i32
        %ne3A_1142 = arith.cmpi ne, %sign3A_1134, %sign3A_1141 : i32
        %rem3A_1143 = arith.remsi %add3A_1125, %jit3A_1126 : i32
        %ne3A_1144 = arith.constant 0 : i32
        %ne3A_1145 = arith.cmpi ne, %rem3A_1143, %ne3A_1144 : i32
        %and3A_1146 = arith.andi %ne3A_1142, %ne3A_1145 : i1
        %sub3A_1147 = arith.constant 1 : i32
        %sub3A_1148 = arith.subi %div3A_1127, %sub3A_1147 : i32
        %select_n3A_1149 = arith.select %and3A_1146, %sub3A_1148, %div3A_1127 : i32
        %mul3A_1150 = arith.constant 4 : i32
        %mul3A_1151 = arith.muli %select_n3A_1149, %mul3A_1150 : i32
        %sub3A_1152 = arith.subi %add3A_1125, %mul3A_1151 : i32
        %jit3A_1153 = arith.constant 8 : i32
        %div3A_1154 = arith.divsi %select_n3A_1149, %jit3A_1153 : i32
        %sign3A_1155 = arith.constant 0 : i32
        %sign3A_1156 = arith.cmpi sgt, %select_n3A_1149, %sign3A_1155 : i32
        %sign3A_1157 = arith.extui %sign3A_1156 : i1 to i32
        %sign3A_1158 = arith.constant 0 : i32
        %sign3A_1159 = arith.cmpi slt, %select_n3A_1149, %sign3A_1158 : i32
        %sign3A_1160 = arith.extui %sign3A_1159 : i1 to i32
        %sign3A_1161 = arith.subi %sign3A_1157, %sign3A_1160 : i32
        %sign3A_1162 = arith.constant 0 : i32
        %sign3A_1163 = arith.cmpi sgt, %jit3A_1153, %sign3A_1162 : i32
        %sign3A_1164 = arith.extui %sign3A_1163 : i1 to i32
        %sign3A_1165 = arith.constant 0 : i32
        %sign3A_1166 = arith.cmpi slt, %jit3A_1153, %sign3A_1165 : i32
        %sign3A_1167 = arith.extui %sign3A_1166 : i1 to i32
        %sign3A_1168 = arith.subi %sign3A_1164, %sign3A_1167 : i32
        %ne3A_1169 = arith.cmpi ne, %sign3A_1161, %sign3A_1168 : i32
        %rem3A_1170 = arith.remsi %select_n3A_1149, %jit3A_1153 : i32
        %ne3A_1171 = arith.constant 0 : i32
        %ne3A_1172 = arith.cmpi ne, %rem3A_1170, %ne3A_1171 : i32
        %and3A_1173 = arith.andi %ne3A_1169, %ne3A_1172 : i1
        %sub3A_1174 = arith.constant 1 : i32
        %sub3A_1175 = arith.subi %div3A_1154, %sub3A_1174 : i32
        %select_n3A_1176 = arith.select %and3A_1173, %sub3A_1175, %div3A_1154 : i32
        %jit3A_1177 = arith.constant 8 : i32
        %div3A_1178 = arith.divsi %select_n3A_1149, %jit3A_1177 : i32
        %sign3A_1179 = arith.constant 0 : i32
        %sign3A_1180 = arith.cmpi sgt, %select_n3A_1149, %sign3A_1179 : i32
        %sign3A_1181 = arith.extui %sign3A_1180 : i1 to i32
        %sign3A_1182 = arith.constant 0 : i32
        %sign3A_1183 = arith.cmpi slt, %select_n3A_1149, %sign3A_1182 : i32
        %sign3A_1184 = arith.extui %sign3A_1183 : i1 to i32
        %sign3A_1185 = arith.subi %sign3A_1181, %sign3A_1184 : i32
        %sign3A_1186 = arith.constant 0 : i32
        %sign3A_1187 = arith.cmpi sgt, %jit3A_1177, %sign3A_1186 : i32
        %sign3A_1188 = arith.extui %sign3A_1187 : i1 to i32
        %sign3A_1189 = arith.constant 0 : i32
        %sign3A_1190 = arith.cmpi slt, %jit3A_1177, %sign3A_1189 : i32
        %sign3A_1191 = arith.extui %sign3A_1190 : i1 to i32
        %sign3A_1192 = arith.subi %sign3A_1188, %sign3A_1191 : i32
        %ne3A_1193 = arith.cmpi ne, %sign3A_1185, %sign3A_1192 : i32
        %rem3A_1194 = arith.remsi %select_n3A_1149, %jit3A_1177 : i32
        %ne3A_1195 = arith.constant 0 : i32
        %ne3A_1196 = arith.cmpi ne, %rem3A_1194, %ne3A_1195 : i32
        %and3A_1197 = arith.andi %ne3A_1193, %ne3A_1196 : i1
        %sub3A_1198 = arith.constant 1 : i32
        %sub3A_1199 = arith.subi %div3A_1178, %sub3A_1198 : i32
        %select_n3A_1200 = arith.select %and3A_1197, %sub3A_1199, %div3A_1178 : i32
        %mul3A_1201 = arith.constant 8 : i32
        %mul3A_1202 = arith.muli %select_n3A_1200, %mul3A_1201 : i32
        %sub3A_1203 = arith.subi %select_n3A_1149, %mul3A_1202 : i32
        %dma_start3A_1204 = arith.constant 1 : i32
        %dma_start3A_1205 = arith.constant 1 : i32
        %dma_start3A_1206 = arith.constant 0 : i32
        %dma_start3A_1207 = arith.constant 0 : i32
        %dma_start3A_1208 = tpu.memref_slice %arg6[%dma_start3A_1204, %dma_start3A_1206, %dma_start3A_1207] : memref<2x128x64xf32, #tpu.memory_space<vmem>> -> memref<1x128x64xf32, #tpu.memory_space<vmem>>
        %dma_start3A_1209 = tpu.memref_squeeze %dma_start3A_1208 : memref<1x128x64xf32, #tpu.memory_space<vmem>> -> memref<128x64xf32, #tpu.memory_space<vmem>>
        %dma_start3A_1210 = arith.constant 0 : i32
        %dma_start3A_1211 = tpu.memref_slice %arg5[%select_n3A_1176, %sub3A_1152, %sub3A_1203, %dma_start3A_1210] : memref<7x4x8x128xi32, #tpu.memory_space<vmem>> -> memref<1x1x1x128xi32, #tpu.memory_space<vmem>>
        %dma_start3A_1212 = tpu.memref_squeeze %dma_start3A_1211 : memref<1x1x1x128xi32, #tpu.memory_space<vmem>> -> memref<128xi32, #tpu.memory_space<vmem>>
        %dma_start3A_1213 = arith.constant 0 : i32
        %dma_start3A_1214 = arith.constant 0 : i32
        %dma_start3A_1215 = tpu.memref_slice %arg2[%dma_start3A_1213, %dma_start3A_1214] : memref<1000000x64xf32, #tpu.memory_space<hbm>> -> memref<1000000x64xf32, #tpu.memory_space<hbm>>
        %dma_start3A_1216 = tpu.memref_slice %arg8[%dma_start3A_1205] : memref<2x!tpu.dma_semaphore, #tpu.memory_space<semaphore_mem>> -> memref<1x!tpu.dma_semaphore, #tpu.memory_space<semaphore_mem>>
        %dma_start3A_1217 = tpu.memref_squeeze %dma_start3A_1216 : memref<1x!tpu.dma_semaphore, #tpu.memory_space<semaphore_mem>> -> memref<!tpu.dma_semaphore, #tpu.memory_space<semaphore_mem>>
        tpu.enqueue_indirect_dma source(%dma_start3A_1215 : memref<1000000x64xf32, #tpu.memory_space<hbm>>) target(%dma_start3A_1209 : memref<128x64xf32, #tpu.memory_space<vmem>>) offsets(%dma_start3A_1212 : memref<128xi32, #tpu.memory_space<vmem>>) semaphore(%dma_start3A_1217 : memref<!tpu.dma_semaphore, #tpu.memory_space<semaphore_mem>>)
      } else {
      }
    }
    %scan3A_51 = arith.constant 100 : i32
    %mul3A_52 = arith.constant 4 : i32
    %mul3A_53 = arith.muli %add3A, %mul3A_52 : i32
    %add3A_54 = arith.constant 2 : i32
    %add3A_55 = arith.addi %mul3A_53, %add3A_54 : i32
    %dma_wait3A = arith.constant 0 : i32
    %dma_wait3A_56 = arith.constant 49 : i32
    %dma_wait3A_57 = arith.constant 0 : i32
    %dma_wait3A_58 = arith.constant 0 : i32
    %dma_wait3A_59 = arith.constant 0 : i32
    %dma_wait3A_60 = arith.constant 0 : i32
    %dma_wait3A_61 = tpu.memref_slice %arg7[%dma_wait3A, %dma_wait3A_59, %dma_wait3A_60] : memref<2x64x137xf32, #tpu.memory_space<vmem>> -> memref<1x8x128xf32, #tpu.memory_space<vmem>>
    %dma_wait3A_62 = tpu.memref_squeeze %dma_wait3A_61 : memref<1x8x128xf32, #tpu.memory_space<vmem>> -> memref<8x128xf32, #tpu.memory_space<vmem>>
    %dma_wait3A_63 = arith.constant 0 : i32
    %dma_wait3A_64 = arith.constant 0 : i32
    %dma_wait3A_65 = tpu.memref_slice %arg4[%dma_wait3A_56, %dma_wait3A_57, %add3A_55, %dma_wait3A_63, %dma_wait3A_64] : memref<50x8x128x8x128xf32, #tpu.memory_space<hbm>> -> memref<1x1x1x8x128xf32, #tpu.memory_space<hbm>>
    %dma_wait3A_66 = tpu.memref_squeeze %dma_wait3A_65 : memref<1x1x1x8x128xf32, #tpu.memory_space<hbm>> -> memref<8x128xf32, #tpu.memory_space<hbm>>
    %dma_wait3A_67 = tpu.memref_slice %arg9[%dma_wait3A_58] : memref<2x!tpu.dma_semaphore, #tpu.memory_space<semaphore_mem>> -> memref<1x!tpu.dma_semaphore, #tpu.memory_space<semaphore_mem>>
    %dma_wait3A_68 = tpu.memref_squeeze %dma_wait3A_67 : memref<1x!tpu.dma_semaphore, #tpu.memory_space<semaphore_mem>> -> memref<!tpu.dma_semaphore, #tpu.memory_space<semaphore_mem>>
    %dma_wait3A_69 = arith.constant 0 : i32
    %dma_wait3A_70 = arith.constant 0 : i32
    %dma_wait3A_71 = tpu.memref_slice %arg4[%dma_wait3A_56, %dma_wait3A_57, %add3A_55, %dma_wait3A_69, %dma_wait3A_70] : memref<50x8x128x8x128xf32, #tpu.memory_space<hbm>> -> memref<1x1x1x8x128xf32, #tpu.memory_space<hbm>>
    %dma_wait3A_72 = tpu.memref_squeeze %dma_wait3A_71 : memref<1x1x1x8x128xf32, #tpu.memory_space<hbm>> -> memref<8x128xf32, #tpu.memory_space<hbm>>
    %dma_wait3A_73 = arith.constant 0 : i32
    %dma_wait3A_74 = arith.constant 0 : i32
    %dma_wait3A_75 = tpu.memref_slice %arg7[%dma_wait3A, %dma_wait3A_73, %dma_wait3A_74] : memref<2x64x137xf32, #tpu.memory_space<vmem>> -> memref<1x8x128xf32, #tpu.memory_space<vmem>>
    %dma_wait3A_76 = tpu.memref_squeeze %dma_wait3A_75 : memref<1x8x128xf32, #tpu.memory_space<vmem>> -> memref<8x128xf32, #tpu.memory_space<vmem>>
    tpu.wait_dma2 semaphore(%dma_wait3A_68 : memref<!tpu.dma_semaphore, #tpu.memory_space<semaphore_mem>>) src(%dma_wait3A_76 : memref<8x128xf32, #tpu.memory_space<vmem>>) dst(%dma_wait3A_72 : memref<8x128xf32, #tpu.memory_space<hbm>>)
    %mul3A_77 = arith.constant 4 : i32
    %mul3A_78 = arith.muli %add3A, %mul3A_77 : i32
    %add3A_79 = arith.constant 2 : i32
    %add3A_80 = arith.addi %mul3A_78, %add3A_79 : i32
    %dma_wait3A_81 = arith.constant 0 : i32
    %dma_wait3A_82 = arith.constant 49 : i32
    %dma_wait3A_83 = arith.constant 1 : i32
    %dma_wait3A_84 = arith.constant 0 : i32
    %dma_wait3A_85 = arith.constant 8 : i32
    %dma_wait3A_86 = arith.constant 0 : i32
    %dma_wait3A_87 = tpu.memref_slice %arg7[%dma_wait3A_81, %dma_wait3A_85, %dma_wait3A_86] : memref<2x64x137xf32, #tpu.memory_space<vmem>> -> memref<1x8x128xf32, #tpu.memory_space<vmem>>
    %dma_wait3A_88 = tpu.memref_squeeze %dma_wait3A_87 : memref<1x8x128xf32, #tpu.memory_space<vmem>> -> memref<8x128xf32, #tpu.memory_space<vmem>>
    %dma_wait3A_89 = arith.constant 0 : i32
    %dma_wait3A_90 = arith.constant 0 : i32
    %dma_wait3A_91 = tpu.memref_slice %arg4[%dma_wait3A_82, %dma_wait3A_83, %add3A_80, %dma_wait3A_89, %dma_wait3A_90] : memref<50x8x128x8x128xf32, #tpu.memory_space<hbm>> -> memref<1x1x1x8x128xf32, #tpu.memory_space<hbm>>
    %dma_wait3A_92 = tpu.memref_squeeze %dma_wait3A_91 : memref<1x1x1x8x128xf32, #tpu.memory_space<hbm>> -> memref<8x128xf32, #tpu.memory_space<hbm>>
    %dma_wait3A_93 = tpu.memref_slice %arg9[%dma_wait3A_84] : memref<2x!tpu.dma_semaphore, #tpu.memory_space<semaphore_mem>> -> memref<1x!tpu.dma_semaphore, #tpu.memory_space<semaphore_mem>>
    %dma_wait3A_94 = tpu.memref_squeeze %dma_wait3A_93 : memref<1x!tpu.dma_semaphore, #tpu.memory_space<semaphore_mem>> -> memref<!tpu.dma_semaphore, #tpu.memory_space<semaphore_mem>>
    %dma_wait3A_95 = arith.constant 0 : i32
    %dma_wait3A_96 = arith.constant 0 : i32
    %dma_wait3A_97 = tpu.memref_slice %arg4[%dma_wait3A_82, %dma_wait3A_83, %add3A_80, %dma_wait3A_95, %dma_wait3A_96] : memref<50x8x128x8x128xf32, #tpu.memory_space<hbm>> -> memref<1x1x1x8x128xf32, #tpu.memory_space<hbm>>
    %dma_wait3A_98 = tpu.memref_squeeze %dma_wait3A_97 : memref<1x1x1x8x128xf32, #tpu.memory_space<hbm>> -> memref<8x128xf32, #tpu.memory_space<hbm>>
    %dma_wait3A_99 = arith.constant 8 : i32
    %dma_wait3A_100 = arith.constant 0 : i32
    %dma_wait3A_101 = tpu.memref_slice %arg7[%dma_wait3A_81, %dma_wait3A_99, %dma_wait3A_100] : memref<2x64x137xf32, #tpu.memory_space<vmem>> -> memref<1x8x128xf32, #tpu.memory_space<vmem>>
    %dma_wait3A_102 = tpu.memref_squeeze %dma_wait3A_101 : memref<1x8x128xf32, #tpu.memory_space<vmem>> -> memref<8x128xf32, #tpu.memory_space<vmem>>
    tpu.wait_dma2 semaphore(%dma_wait3A_94 : memref<!tpu.dma_semaphore, #tpu.memory_space<semaphore_mem>>) src(%dma_wait3A_102 : memref<8x128xf32, #tpu.memory_space<vmem>>) dst(%dma_wait3A_98 : memref<8x128xf32, #tpu.memory_space<hbm>>)
    %mul3A_103 = arith.constant 4 : i32
    %mul3A_104 = arith.muli %add3A, %mul3A_103 : i32
    %add3A_105 = arith.constant 2 : i32
    %add3A_106 = arith.addi %mul3A_104, %add3A_105 : i32
    %dma_wait3A_107 = arith.constant 0 : i32
    %dma_wait3A_108 = arith.constant 49 : i32
    %dma_wait3A_109 = arith.constant 2 : i32
    %dma_wait3A_110 = arith.constant 0 : i32
    %dma_wait3A_111 = arith.constant 16 : i32
    %dma_wait3A_112 = arith.constant 0 : i32
    %dma_wait3A_113 = tpu.memref_slice %arg7[%dma_wait3A_107, %dma_wait3A_111, %dma_wait3A_112] : memref<2x64x137xf32, #tpu.memory_space<vmem>> -> memref<1x8x128xf32, #tpu.memory_space<vmem>>
    %dma_wait3A_114 = tpu.memref_squeeze %dma_wait3A_113 : memref<1x8x128xf32, #tpu.memory_space<vmem>> -> memref<8x128xf32, #tpu.memory_space<vmem>>
    %dma_wait3A_115 = arith.constant 0 : i32
    %dma_wait3A_116 = arith.constant 0 : i32
    %dma_wait3A_117 = tpu.memref_slice %arg4[%dma_wait3A_108, %dma_wait3A_109, %add3A_106, %dma_wait3A_115, %dma_wait3A_116] : memref<50x8x128x8x128xf32, #tpu.memory_space<hbm>> -> memref<1x1x1x8x128xf32, #tpu.memory_space<hbm>>
    %dma_wait3A_118 = tpu.memref_squeeze %dma_wait3A_117 : memref<1x1x1x8x128xf32, #tpu.memory_space<hbm>> -> memref<8x128xf32, #tpu.memory_space<hbm>>
    %dma_wait3A_119 = tpu.memref_slice %arg9[%dma_wait3A_110] : memref<2x!tpu.dma_semaphore, #tpu.memory_space<semaphore_mem>> -> memref<1x!tpu.dma_semaphore, #tpu.memory_space<semaphore_mem>>
    %dma_wait3A_120 = tpu.memref_squeeze %dma_wait3A_119 : memref<1x!tpu.dma_semaphore, #tpu.memory_space<semaphore_mem>> -> memref<!tpu.dma_semaphore, #tpu.memory_space<semaphore_mem>>
    %dma_wait3A_121 = arith.constant 0 : i32
    %dma_wait3A_122 = arith.constant 0 : i32
    %dma_wait3A_123 = tpu.memref_slice %arg4[%dma_wait3A_108, %dma_wait3A_109, %add3A_106, %dma_wait3A_121, %dma_wait3A_122] : memref<50x8x128x8x128xf32, #tpu.memory_space<hbm>> -> memref<1x1x1x8x128xf32, #tpu.memory_space<hbm>>
    %dma_wait3A_124 = tpu.memref_squeeze %dma_wait3A_123 : memref<1x1x1x8x128xf32, #tpu.memory_space<hbm>> -> memref<8x128xf32, #tpu.memory_space<hbm>>
    %dma_wait3A_125 = arith.constant 16 : i32
    %dma_wait3A_126 = arith.constant 0 : i32
    %dma_wait3A_127 = tpu.memref_slice %arg7[%dma_wait3A_107, %dma_wait3A_125, %dma_wait3A_126] : memref<2x64x137xf32, #tpu.memory_space<vmem>> -> memref<1x8x128xf32, #tpu.memory_space<vmem>>
    %dma_wait3A_128 = tpu.memref_squeeze %dma_wait3A_127 : memref<1x8x128xf32, #tpu.memory_space<vmem>> -> memref<8x128xf32, #tpu.memory_space<vmem>>
    tpu.wait_dma2 semaphore(%dma_wait3A_120 : memref<!tpu.dma_semaphore, #tpu.memory_space<semaphore_mem>>) src(%dma_wait3A_128 : memref<8x128xf32, #tpu.memory_space<vmem>>) dst(%dma_wait3A_124 : memref<8x128xf32, #tpu.memory_space<hbm>>)
    %mul3A_129 = arith.constant 4 : i32
    %mul3A_130 = arith.muli %add3A, %mul3A_129 : i32
    %add3A_131 = arith.constant 2 : i32
    %add3A_132 = arith.addi %mul3A_130, %add3A_131 : i32
    %dma_wait3A_133 = arith.constant 0 : i32
    %dma_wait3A_134 = arith.constant 49 : i32
    %dma_wait3A_135 = arith.constant 3 : i32
    %dma_wait3A_136 = arith.constant 0 : i32
    %dma_wait3A_137 = arith.constant 24 : i32
    %dma_wait3A_138 = arith.constant 0 : i32
    %dma_wait3A_139 = tpu.memref_slice %arg7[%dma_wait3A_133, %dma_wait3A_137, %dma_wait3A_138] : memref<2x64x137xf32, #tpu.memory_space<vmem>> -> memref<1x8x128xf32, #tpu.memory_space<vmem>>
    %dma_wait3A_140 = tpu.memref_squeeze %dma_wait3A_139 : memref<1x8x128xf32, #tpu.memory_space<vmem>> -> memref<8x128xf32, #tpu.memory_space<vmem>>
    %dma_wait3A_141 = arith.constant 0 : i32
    %dma_wait3A_142 = arith.constant 0 : i32
    %dma_wait3A_143 = tpu.memref_slice %arg4[%dma_wait3A_134, %dma_wait3A_135, %add3A_132, %dma_wait3A_141, %dma_wait3A_142] : memref<50x8x128x8x128xf32, #tpu.memory_space<hbm>> -> memref<1x1x1x8x128xf32, #tpu.memory_space<hbm>>
    %dma_wait3A_144 = tpu.memref_squeeze %dma_wait3A_143 : memref<1x1x1x8x128xf32, #tpu.memory_space<hbm>> -> memref<8x128xf32, #tpu.memory_space<hbm>>
    %dma_wait3A_145 = tpu.memref_slice %arg9[%dma_wait3A_136] : memref<2x!tpu.dma_semaphore, #tpu.memory_space<semaphore_mem>> -> memref<1x!tpu.dma_semaphore, #tpu.memory_space<semaphore_mem>>
    %dma_wait3A_146 = tpu.memref_squeeze %dma_wait3A_145 : memref<1x!tpu.dma_semaphore, #tpu.memory_space<semaphore_mem>> -> memref<!tpu.dma_semaphore, #tpu.memory_space<semaphore_mem>>
    %dma_wait3A_147 = arith.constant 0 : i32
    %dma_wait3A_148 = arith.constant 0 : i32
    %dma_wait3A_149 = tpu.memref_slice %arg4[%dma_wait3A_134, %dma_wait3A_135, %add3A_132, %dma_wait3A_147, %dma_wait3A_148] : memref<50x8x128x8x128xf32, #tpu.memory_space<hbm>> -> memref<1x1x1x8x128xf32, #tpu.memory_space<hbm>>
    %dma_wait3A_150 = tpu.memref_squeeze %dma_wait3A_149 : memref<1x1x1x8x128xf32, #tpu.memory_space<hbm>> -> memref<8x128xf32, #tpu.memory_space<hbm>>
    %dma_wait3A_151 = arith.constant 24 : i32
    %dma_wait3A_152 = arith.constant 0 : i32
    %dma_wait3A_153 = tpu.memref_slice %arg7[%dma_wait3A_133, %dma_wait3A_151, %dma_wait3A_152] : memref<2x64x137xf32, #tpu.memory_space<vmem>> -> memref<1x8x128xf32, #tpu.memory_space<vmem>>
    %dma_wait3A_154 = tpu.memref_squeeze %dma_wait3A_153 : memref<1x8x128xf32, #tpu.memory_space<vmem>> -> memref<8x128xf32, #tpu.memory_space<vmem>>
    tpu.wait_dma2 semaphore(%dma_wait3A_146 : memref<!tpu.dma_semaphore, #tpu.memory_space<semaphore_mem>>) src(%dma_wait3A_154 : memref<8x128xf32, #tpu.memory_space<vmem>>) dst(%dma_wait3A_150 : memref<8x128xf32, #tpu.memory_space<hbm>>)
    %mul3A_155 = arith.constant 4 : i32
    %mul3A_156 = arith.muli %add3A, %mul3A_155 : i32
    %add3A_157 = arith.constant 2 : i32
    %add3A_158 = arith.addi %mul3A_156, %add3A_157 : i32
    %dma_wait3A_159 = arith.constant 0 : i32
    %dma_wait3A_160 = arith.constant 49 : i32
    %dma_wait3A_161 = arith.constant 4 : i32
    %dma_wait3A_162 = arith.constant 0 : i32
    %dma_wait3A_163 = arith.constant 32 : i32
    %dma_wait3A_164 = arith.constant 0 : i32
    %dma_wait3A_165 = tpu.memref_slice %arg7[%dma_wait3A_159, %dma_wait3A_163, %dma_wait3A_164] : memref<2x64x137xf32, #tpu.memory_space<vmem>> -> memref<1x8x128xf32, #tpu.memory_space<vmem>>
    %dma_wait3A_166 = tpu.memref_squeeze %dma_wait3A_165 : memref<1x8x128xf32, #tpu.memory_space<vmem>> -> memref<8x128xf32, #tpu.memory_space<vmem>>
    %dma_wait3A_167 = arith.constant 0 : i32
    %dma_wait3A_168 = arith.constant 0 : i32
    %dma_wait3A_169 = tpu.memref_slice %arg4[%dma_wait3A_160, %dma_wait3A_161, %add3A_158, %dma_wait3A_167, %dma_wait3A_168] : memref<50x8x128x8x128xf32, #tpu.memory_space<hbm>> -> memref<1x1x1x8x128xf32, #tpu.memory_space<hbm>>
    %dma_wait3A_170 = tpu.memref_squeeze %dma_wait3A_169 : memref<1x1x1x8x128xf32, #tpu.memory_space<hbm>> -> memref<8x128xf32, #tpu.memory_space<hbm>>
    %dma_wait3A_171 = tpu.memref_slice %arg9[%dma_wait3A_162] : memref<2x!tpu.dma_semaphore, #tpu.memory_space<semaphore_mem>> -> memref<1x!tpu.dma_semaphore, #tpu.memory_space<semaphore_mem>>
    %dma_wait3A_172 = tpu.memref_squeeze %dma_wait3A_171 : memref<1x!tpu.dma_semaphore, #tpu.memory_space<semaphore_mem>> -> memref<!tpu.dma_semaphore, #tpu.memory_space<semaphore_mem>>
    %dma_wait3A_173 = arith.constant 0 : i32
    %dma_wait3A_174 = arith.constant 0 : i32
    %dma_wait3A_175 = tpu.memref_slice %arg4[%dma_wait3A_160, %dma_wait3A_161, %add3A_158, %dma_wait3A_173, %dma_wait3A_174] : memref<50x8x128x8x128xf32, #tpu.memory_space<hbm>> -> memref<1x1x1x8x128xf32, #tpu.memory_space<hbm>>
    %dma_wait3A_176 = tpu.memref_squeeze %dma_wait3A_175 : memref<1x1x1x8x128xf32, #tpu.memory_space<hbm>> -> memref<8x128xf32, #tpu.memory_space<hbm>>
    %dma_wait3A_177 = arith.constant 32 : i32
    %dma_wait3A_178 = arith.constant 0 : i32
    %dma_wait3A_179 = tpu.memref_slice %arg7[%dma_wait3A_159, %dma_wait3A_177, %dma_wait3A_178] : memref<2x64x137xf32, #tpu.memory_space<vmem>> -> memref<1x8x128xf32, #tpu.memory_space<vmem>>
    %dma_wait3A_180 = tpu.memref_squeeze %dma_wait3A_179 : memref<1x8x128xf32, #tpu.memory_space<vmem>> -> memref<8x128xf32, #tpu.memory_space<vmem>>
    tpu.wait_dma2 semaphore(%dma_wait3A_172 : memref<!tpu.dma_semaphore, #tpu.memory_space<semaphore_mem>>) src(%dma_wait3A_180 : memref<8x128xf32, #tpu.memory_space<vmem>>) dst(%dma_wait3A_176 : memref<8x128xf32, #tpu.memory_space<hbm>>)
    %mul3A_181 = arith.constant 4 : i32
    %mul3A_182 = arith.muli %add3A, %mul3A_181 : i32
    %add3A_183 = arith.constant 2 : i32
    %add3A_184 = arith.addi %mul3A_182, %add3A_183 : i32
    %dma_wait3A_185 = arith.constant 0 : i32
    %dma_wait3A_186 = arith.constant 49 : i32
    %dma_wait3A_187 = arith.constant 5 : i32
    %dma_wait3A_188 = arith.constant 0 : i32
    %dma_wait3A_189 = arith.constant 40 : i32
    %dma_wait3A_190 = arith.constant 0 : i32
    %dma_wait3A_191 = tpu.memref_slice %arg7[%dma_wait3A_185, %dma_wait3A_189, %dma_wait3A_190] : memref<2x64x137xf32, #tpu.memory_space<vmem>> -> memref<1x8x128xf32, #tpu.memory_space<vmem>>
    %dma_wait3A_192 = tpu.memref_squeeze %dma_wait3A_191 : memref<1x8x128xf32, #tpu.memory_space<vmem>> -> memref<8x128xf32, #tpu.memory_space<vmem>>
    %dma_wait3A_193 = arith.constant 0 : i32
    %dma_wait3A_194 = arith.constant 0 : i32
    %dma_wait3A_195 = tpu.memref_slice %arg4[%dma_wait3A_186, %dma_wait3A_187, %add3A_184, %dma_wait3A_193, %dma_wait3A_194] : memref<50x8x128x8x128xf32, #tpu.memory_space<hbm>> -> memref<1x1x1x8x128xf32, #tpu.memory_space<hbm>>
    %dma_wait3A_196 = tpu.memref_squeeze %dma_wait3A_195 : memref<1x1x1x8x128xf32, #tpu.memory_space<hbm>> -> memref<8x128xf32, #tpu.memory_space<hbm>>
    %dma_wait3A_197 = tpu.memref_slice %arg9[%dma_wait3A_188] : memref<2x!tpu.dma_semaphore, #tpu.memory_space<semaphore_mem>> -> memref<1x!tpu.dma_semaphore, #tpu.memory_space<semaphore_mem>>
    %dma_wait3A_198 = tpu.memref_squeeze %dma_wait3A_197 : memref<1x!tpu.dma_semaphore, #tpu.memory_space<semaphore_mem>> -> memref<!tpu.dma_semaphore, #tpu.memory_space<semaphore_mem>>
    %dma_wait3A_199 = arith.constant 0 : i32
    %dma_wait3A_200 = arith.constant 0 : i32
    %dma_wait3A_201 = tpu.memref_slice %arg4[%dma_wait3A_186, %dma_wait3A_187, %add3A_184, %dma_wait3A_199, %dma_wait3A_200] : memref<50x8x128x8x128xf32, #tpu.memory_space<hbm>> -> memref<1x1x1x8x128xf32, #tpu.memory_space<hbm>>
    %dma_wait3A_202 = tpu.memref_squeeze %dma_wait3A_201 : memref<1x1x1x8x128xf32, #tpu.memory_space<hbm>> -> memref<8x128xf32, #tpu.memory_space<hbm>>
    %dma_wait3A_203 = arith.constant 40 : i32
    %dma_wait3A_204 = arith.constant 0 : i32
    %dma_wait3A_205 = tpu.memref_slice %arg7[%dma_wait3A_185, %dma_wait3A_203, %dma_wait3A_204] : memref<2x64x137xf32, #tpu.memory_space<vmem>> -> memref<1x8x128xf32, #tpu.memory_space<vmem>>
    %dma_wait3A_206 = tpu.memref_squeeze %dma_wait3A_205 : memref<1x8x128xf32, #tpu.memory_space<vmem>> -> memref<8x128xf32, #tpu.memory_space<vmem>>
    tpu.wait_dma2 semaphore(%dma_wait3A_198 : memref<!tpu.dma_semaphore, #tpu.memory_space<semaphore_mem>>) src(%dma_wait3A_206 : memref<8x128xf32, #tpu.memory_space<vmem>>) dst(%dma_wait3A_202 : memref<8x128xf32, #tpu.memory_space<hbm>>)
    %mul3A_207 = arith.constant 4 : i32
    %mul3A_208 = arith.muli %add3A, %mul3A_207 : i32
    %add3A_209 = arith.constant 2 : i32
    %add3A_210 = arith.addi %mul3A_208, %add3A_209 : i32
    %dma_wait3A_211 = arith.constant 0 : i32
    %dma_wait3A_212 = arith.constant 49 : i32
    %dma_wait3A_213 = arith.constant 6 : i32
    %dma_wait3A_214 = arith.constant 0 : i32
    %dma_wait3A_215 = arith.constant 48 : i32
    %dma_wait3A_216 = arith.constant 0 : i32
    %dma_wait3A_217 = tpu.memref_slice %arg7[%dma_wait3A_211, %dma_wait3A_215, %dma_wait3A_216] : memref<2x64x137xf32, #tpu.memory_space<vmem>> -> memref<1x8x128xf32, #tpu.memory_space<vmem>>
    %dma_wait3A_218 = tpu.memref_squeeze %dma_wait3A_217 : memref<1x8x128xf32, #tpu.memory_space<vmem>> -> memref<8x128xf32, #tpu.memory_space<vmem>>
    %dma_wait3A_219 = arith.constant 0 : i32
    %dma_wait3A_220 = arith.constant 0 : i32
    %dma_wait3A_221 = tpu.memref_slice %arg4[%dma_wait3A_212, %dma_wait3A_213, %add3A_210, %dma_wait3A_219, %dma_wait3A_220] : memref<50x8x128x8x128xf32, #tpu.memory_space<hbm>> -> memref<1x1x1x8x128xf32, #tpu.memory_space<hbm>>
    %dma_wait3A_222 = tpu.memref_squeeze %dma_wait3A_221 : memref<1x1x1x8x128xf32, #tpu.memory_space<hbm>> -> memref<8x128xf32, #tpu.memory_space<hbm>>
    %dma_wait3A_223 = tpu.memref_slice %arg9[%dma_wait3A_214] : memref<2x!tpu.dma_semaphore, #tpu.memory_space<semaphore_mem>> -> memref<1x!tpu.dma_semaphore, #tpu.memory_space<semaphore_mem>>
    %dma_wait3A_224 = tpu.memref_squeeze %dma_wait3A_223 : memref<1x!tpu.dma_semaphore, #tpu.memory_space<semaphore_mem>> -> memref<!tpu.dma_semaphore, #tpu.memory_space<semaphore_mem>>
    %dma_wait3A_225 = arith.constant 0 : i32
    %dma_wait3A_226 = arith.constant 0 : i32
    %dma_wait3A_227 = tpu.memref_slice %arg4[%dma_wait3A_212, %dma_wait3A_213, %add3A_210, %dma_wait3A_225, %dma_wait3A_226] : memref<50x8x128x8x128xf32, #tpu.memory_space<hbm>> -> memref<1x1x1x8x128xf32, #tpu.memory_space<hbm>>
    %dma_wait3A_228 = tpu.memref_squeeze %dma_wait3A_227 : memref<1x1x1x8x128xf32, #tpu.memory_space<hbm>> -> memref<8x128xf32, #tpu.memory_space<hbm>>
    %dma_wait3A_229 = arith.constant 48 : i32
    %dma_wait3A_230 = arith.constant 0 : i32
    %dma_wait3A_231 = tpu.memref_slice %arg7[%dma_wait3A_211, %dma_wait3A_229, %dma_wait3A_230] : memref<2x64x137xf32, #tpu.memory_space<vmem>> -> memref<1x8x128xf32, #tpu.memory_space<vmem>>
    %dma_wait3A_232 = tpu.memref_squeeze %dma_wait3A_231 : memref<1x8x128xf32, #tpu.memory_space<vmem>> -> memref<8x128xf32, #tpu.memory_space<vmem>>
    tpu.wait_dma2 semaphore(%dma_wait3A_224 : memref<!tpu.dma_semaphore, #tpu.memory_space<semaphore_mem>>) src(%dma_wait3A_232 : memref<8x128xf32, #tpu.memory_space<vmem>>) dst(%dma_wait3A_228 : memref<8x128xf32, #tpu.memory_space<hbm>>)
    %mul3A_233 = arith.constant 4 : i32
    %mul3A_234 = arith.muli %add3A, %mul3A_233 : i32
    %add3A_235 = arith.constant 2 : i32
    %add3A_236 = arith.addi %mul3A_234, %add3A_235 : i32
    %dma_wait3A_237 = arith.constant 0 : i32
    %dma_wait3A_238 = arith.constant 49 : i32
    %dma_wait3A_239 = arith.constant 7 : i32
    %dma_wait3A_240 = arith.constant 0 : i32
    %dma_wait3A_241 = arith.constant 56 : i32
    %dma_wait3A_242 = arith.constant 0 : i32
    %dma_wait3A_243 = tpu.memref_slice %arg7[%dma_wait3A_237, %dma_wait3A_241, %dma_wait3A_242] : memref<2x64x137xf32, #tpu.memory_space<vmem>> -> memref<1x8x128xf32, #tpu.memory_space<vmem>>
    %dma_wait3A_244 = tpu.memref_squeeze %dma_wait3A_243 : memref<1x8x128xf32, #tpu.memory_space<vmem>> -> memref<8x128xf32, #tpu.memory_space<vmem>>
    %dma_wait3A_245 = arith.constant 0 : i32
    %dma_wait3A_246 = arith.constant 0 : i32
    %dma_wait3A_247 = tpu.memref_slice %arg4[%dma_wait3A_238, %dma_wait3A_239, %add3A_236, %dma_wait3A_245, %dma_wait3A_246] : memref<50x8x128x8x128xf32, #tpu.memory_space<hbm>> -> memref<1x1x1x8x128xf32, #tpu.memory_space<hbm>>
    %dma_wait3A_248 = tpu.memref_squeeze %dma_wait3A_247 : memref<1x1x1x8x128xf32, #tpu.memory_space<hbm>> -> memref<8x128xf32, #tpu.memory_space<hbm>>
    %dma_wait3A_249 = tpu.memref_slice %arg9[%dma_wait3A_240] : memref<2x!tpu.dma_semaphore, #tpu.memory_space<semaphore_mem>> -> memref<1x!tpu.dma_semaphore, #tpu.memory_space<semaphore_mem>>
    %dma_wait3A_250 = tpu.memref_squeeze %dma_wait3A_249 : memref<1x!tpu.dma_semaphore, #tpu.memory_space<semaphore_mem>> -> memref<!tpu.dma_semaphore, #tpu.memory_space<semaphore_mem>>
    %dma_wait3A_251 = arith.constant 0 : i32
    %dma_wait3A_252 = arith.constant 0 : i32
    %dma_wait3A_253 = tpu.memref_slice %arg4[%dma_wait3A_238, %dma_wait3A_239, %add3A_236, %dma_wait3A_251, %dma_wait3A_252] : memref<50x8x128x8x128xf32, #tpu.memory_space<hbm>> -> memref<1x1x1x8x128xf32, #tpu.memory_space<hbm>>
    %dma_wait3A_254 = tpu.memref_squeeze %dma_wait3A_253 : memref<1x1x1x8x128xf32, #tpu.memory_space<hbm>> -> memref<8x128xf32, #tpu.memory_space<hbm>>
    %dma_wait3A_255 = arith.constant 56 : i32
    %dma_wait3A_256 = arith.constant 0 : i32
    %dma_wait3A_257 = tpu.memref_slice %arg7[%dma_wait3A_237, %dma_wait3A_255, %dma_wait3A_256] : memref<2x64x137xf32, #tpu.memory_space<vmem>> -> memref<1x8x128xf32, #tpu.memory_space<vmem>>
    %dma_wait3A_258 = tpu.memref_squeeze %dma_wait3A_257 : memref<1x8x128xf32, #tpu.memory_space<vmem>> -> memref<8x128xf32, #tpu.memory_space<vmem>>
    tpu.wait_dma2 semaphore(%dma_wait3A_250 : memref<!tpu.dma_semaphore, #tpu.memory_space<semaphore_mem>>) src(%dma_wait3A_258 : memref<8x128xf32, #tpu.memory_space<vmem>>) dst(%dma_wait3A_254 : memref<8x128xf32, #tpu.memory_space<hbm>>)
    %mul3A_259 = arith.constant 4 : i32
    %mul3A_260 = arith.muli %add3A, %mul3A_259 : i32
    %add3A_261 = arith.constant 3 : i32
    %add3A_262 = arith.addi %mul3A_260, %add3A_261 : i32
    %dma_wait3A_263 = arith.constant 1 : i32
    %dma_wait3A_264 = arith.constant 49 : i32
    %dma_wait3A_265 = arith.constant 0 : i32
    %dma_wait3A_266 = arith.constant 1 : i32
    %dma_wait3A_267 = arith.constant 0 : i32
    %dma_wait3A_268 = arith.constant 0 : i32
    %dma_wait3A_269 = tpu.memref_slice %arg7[%dma_wait3A_263, %dma_wait3A_267, %dma_wait3A_268] : memref<2x64x137xf32, #tpu.memory_space<vmem>> -> memref<1x8x128xf32, #tpu.memory_space<vmem>>
    %dma_wait3A_270 = tpu.memref_squeeze %dma_wait3A_269 : memref<1x8x128xf32, #tpu.memory_space<vmem>> -> memref<8x128xf32, #tpu.memory_space<vmem>>
    %dma_wait3A_271 = arith.constant 0 : i32
    %dma_wait3A_272 = arith.constant 0 : i32
    %dma_wait3A_273 = tpu.memref_slice %arg4[%dma_wait3A_264, %dma_wait3A_265, %add3A_262, %dma_wait3A_271, %dma_wait3A_272] : memref<50x8x128x8x128xf32, #tpu.memory_space<hbm>> -> memref<1x1x1x8x128xf32, #tpu.memory_space<hbm>>
    %dma_wait3A_274 = tpu.memref_squeeze %dma_wait3A_273 : memref<1x1x1x8x128xf32, #tpu.memory_space<hbm>> -> memref<8x128xf32, #tpu.memory_space<hbm>>
    %dma_wait3A_275 = tpu.memref_slice %arg9[%dma_wait3A_266] : memref<2x!tpu.dma_semaphore, #tpu.memory_space<semaphore_mem>> -> memref<1x!tpu.dma_semaphore, #tpu.memory_space<semaphore_mem>>
    %dma_wait3A_276 = tpu.memref_squeeze %dma_wait3A_275 : memref<1x!tpu.dma_semaphore, #tpu.memory_space<semaphore_mem>> -> memref<!tpu.dma_semaphore, #tpu.memory_space<semaphore_mem>>
    %dma_wait3A_277 = arith.constant 0 : i32
    %dma_wait3A_278 = arith.constant 0 : i32
    %dma_wait3A_279 = tpu.memref_slice %arg4[%dma_wait3A_264, %dma_wait3A_265, %add3A_262, %dma_wait3A_277, %dma_wait3A_278] : memref<50x8x128x8x128xf32, #tpu.memory_space<hbm>> -> memref<1x1x1x8x128xf32, #tpu.memory_space<hbm>>
    %dma_wait3A_280 = tpu.memref_squeeze %dma_wait3A_279 : memref<1x1x1x8x128xf32, #tpu.memory_space<hbm>> -> memref<8x128xf32, #tpu.memory_space<hbm>>
    %dma_wait3A_281 = arith.constant 0 : i32
    %dma_wait3A_282 = arith.constant 0 : i32
    %dma_wait3A_283 = tpu.memref_slice %arg7[%dma_wait3A_263, %dma_wait3A_281, %dma_wait3A_282] : memref<2x64x137xf32, #tpu.memory_space<vmem>> -> memref<1x8x128xf32, #tpu.memory_space<vmem>>
    %dma_wait3A_284 = tpu.memref_squeeze %dma_wait3A_283 : memref<1x8x128xf32, #tpu.memory_space<vmem>> -> memref<8x128xf32, #tpu.memory_space<vmem>>
    tpu.wait_dma2 semaphore(%dma_wait3A_276 : memref<!tpu.dma_semaphore, #tpu.memory_space<semaphore_mem>>) src(%dma_wait3A_284 : memref<8x128xf32, #tpu.memory_space<vmem>>) dst(%dma_wait3A_280 : memref<8x128xf32, #tpu.memory_space<hbm>>)
    %mul3A_285 = arith.constant 4 : i32
    %mul3A_286 = arith.muli %add3A, %mul3A_285 : i32
    %add3A_287 = arith.constant 3 : i32
    %add3A_288 = arith.addi %mul3A_286, %add3A_287 : i32
    %dma_wait3A_289 = arith.constant 1 : i32
    %dma_wait3A_290 = arith.constant 49 : i32
    %dma_wait3A_291 = arith.constant 1 : i32
    %dma_wait3A_292 = arith.constant 1 : i32
    %dma_wait3A_293 = arith.constant 8 : i32
    %dma_wait3A_294 = arith.constant 0 : i32
    %dma_wait3A_295 = tpu.memref_slice %arg7[%dma_wait3A_289, %dma_wait3A_293, %dma_wait3A_294] : memref<2x64x137xf32, #tpu.memory_space<vmem>> -> memref<1x8x128xf32, #tpu.memory_space<vmem>>
    %dma_wait3A_296 = tpu.memref_squeeze %dma_wait3A_295 : memref<1x8x128xf32, #tpu.memory_space<vmem>> -> memref<8x128xf32, #tpu.memory_space<vmem>>
    %dma_wait3A_297 = arith.constant 0 : i32
    %dma_wait3A_298 = arith.constant 0 : i32
    %dma_wait3A_299 = tpu.memref_slice %arg4[%dma_wait3A_290, %dma_wait3A_291, %add3A_288, %dma_wait3A_297, %dma_wait3A_298] : memref<50x8x128x8x128xf32, #tpu.memory_space<hbm>> -> memref<1x1x1x8x128xf32, #tpu.memory_space<hbm>>
    %dma_wait3A_300 = tpu.memref_squeeze %dma_wait3A_299 : memref<1x1x1x8x128xf32, #tpu.memory_space<hbm>> -> memref<8x128xf32, #tpu.memory_space<hbm>>
    %dma_wait3A_301 = tpu.memref_slice %arg9[%dma_wait3A_292] : memref<2x!tpu.dma_semaphore, #tpu.memory_space<semaphore_mem>> -> memref<1x!tpu.dma_semaphore, #tpu.memory_space<semaphore_mem>>
    %dma_wait3A_302 = tpu.memref_squeeze %dma_wait3A_301 : memref<1x!tpu.dma_semaphore, #tpu.memory_space<semaphore_mem>> -> memref<!tpu.dma_semaphore, #tpu.memory_space<semaphore_mem>>
    %dma_wait3A_303 = arith.constant 0 : i32
    %dma_wait3A_304 = arith.constant 0 : i32
    %dma_wait3A_305 = tpu.memref_slice %arg4[%dma_wait3A_290, %dma_wait3A_291, %add3A_288, %dma_wait3A_303, %dma_wait3A_304] : memref<50x8x128x8x128xf32, #tpu.memory_space<hbm>> -> memref<1x1x1x8x128xf32, #tpu.memory_space<hbm>>
    %dma_wait3A_306 = tpu.memref_squeeze %dma_wait3A_305 : memref<1x1x1x8x128xf32, #tpu.memory_space<hbm>> -> memref<8x128xf32, #tpu.memory_space<hbm>>
    %dma_wait3A_307 = arith.constant 8 : i32
    %dma_wait3A_308 = arith.constant 0 : i32
    %dma_wait3A_309 = tpu.memref_slice %arg7[%dma_wait3A_289, %dma_wait3A_307, %dma_wait3A_308] : memref<2x64x137xf32, #tpu.memory_space<vmem>> -> memref<1x8x128xf32, #tpu.memory_space<vmem>>
    %dma_wait3A_310 = tpu.memref_squeeze %dma_wait3A_309 : memref<1x8x128xf32, #tpu.memory_space<vmem>> -> memref<8x128xf32, #tpu.memory_space<vmem>>
    tpu.wait_dma2 semaphore(%dma_wait3A_302 : memref<!tpu.dma_semaphore, #tpu.memory_space<semaphore_mem>>) src(%dma_wait3A_310 : memref<8x128xf32, #tpu.memory_space<vmem>>) dst(%dma_wait3A_306 : memref<8x128xf32, #tpu.memory_space<hbm>>)
    %mul3A_311 = arith.constant 4 : i32
    %mul3A_312 = arith.muli %add3A, %mul3A_311 : i32
    %add3A_313 = arith.constant 3 : i32
    %add3A_314 = arith.addi %mul3A_312, %add3A_313 : i32
    %dma_wait3A_315 = arith.constant 1 : i32
    %dma_wait3A_316 = arith.constant 49 : i32
    %dma_wait3A_317 = arith.constant 2 : i32
    %dma_wait3A_318 = arith.constant 1 : i32
    %dma_wait3A_319 = arith.constant 16 : i32
    %dma_wait3A_320 = arith.constant 0 : i32
    %dma_wait3A_321 = tpu.memref_slice %arg7[%dma_wait3A_315, %dma_wait3A_319, %dma_wait3A_320] : memref<2x64x137xf32, #tpu.memory_space<vmem>> -> memref<1x8x128xf32, #tpu.memory_space<vmem>>
    %dma_wait3A_322 = tpu.memref_squeeze %dma_wait3A_321 : memref<1x8x128xf32, #tpu.memory_space<vmem>> -> memref<8x128xf32, #tpu.memory_space<vmem>>
    %dma_wait3A_323 = arith.constant 0 : i32
    %dma_wait3A_324 = arith.constant 0 : i32
    %dma_wait3A_325 = tpu.memref_slice %arg4[%dma_wait3A_316, %dma_wait3A_317, %add3A_314, %dma_wait3A_323, %dma_wait3A_324] : memref<50x8x128x8x128xf32, #tpu.memory_space<hbm>> -> memref<1x1x1x8x128xf32, #tpu.memory_space<hbm>>
    %dma_wait3A_326 = tpu.memref_squeeze %dma_wait3A_325 : memref<1x1x1x8x128xf32, #tpu.memory_space<hbm>> -> memref<8x128xf32, #tpu.memory_space<hbm>>
    %dma_wait3A_327 = tpu.memref_slice %arg9[%dma_wait3A_318] : memref<2x!tpu.dma_semaphore, #tpu.memory_space<semaphore_mem>> -> memref<1x!tpu.dma_semaphore, #tpu.memory_space<semaphore_mem>>
    %dma_wait3A_328 = tpu.memref_squeeze %dma_wait3A_327 : memref<1x!tpu.dma_semaphore, #tpu.memory_space<semaphore_mem>> -> memref<!tpu.dma_semaphore, #tpu.memory_space<semaphore_mem>>
    %dma_wait3A_329 = arith.constant 0 : i32
    %dma_wait3A_330 = arith.constant 0 : i32
    %dma_wait3A_331 = tpu.memref_slice %arg4[%dma_wait3A_316, %dma_wait3A_317, %add3A_314, %dma_wait3A_329, %dma_wait3A_330] : memref<50x8x128x8x128xf32, #tpu.memory_space<hbm>> -> memref<1x1x1x8x128xf32, #tpu.memory_space<hbm>>
    %dma_wait3A_332 = tpu.memref_squeeze %dma_wait3A_331 : memref<1x1x1x8x128xf32, #tpu.memory_space<hbm>> -> memref<8x128xf32, #tpu.memory_space<hbm>>
    %dma_wait3A_333 = arith.constant 16 : i32
    %dma_wait3A_334 = arith.constant 0 : i32
    %dma_wait3A_335 = tpu.memref_slice %arg7[%dma_wait3A_315, %dma_wait3A_333, %dma_wait3A_334] : memref<2x64x137xf32, #tpu.memory_space<vmem>> -> memref<1x8x128xf32, #tpu.memory_space<vmem>>
    %dma_wait3A_336 = tpu.memref_squeeze %dma_wait3A_335 : memref<1x8x128xf32, #tpu.memory_space<vmem>> -> memref<8x128xf32, #tpu.memory_space<vmem>>
    tpu.wait_dma2 semaphore(%dma_wait3A_328 : memref<!tpu.dma_semaphore, #tpu.memory_space<semaphore_mem>>) src(%dma_wait3A_336 : memref<8x128xf32, #tpu.memory_space<vmem>>) dst(%dma_wait3A_332 : memref<8x128xf32, #tpu.memory_space<hbm>>)
    %mul3A_337 = arith.constant 4 : i32
    %mul3A_338 = arith.muli %add3A, %mul3A_337 : i32
    %add3A_339 = arith.constant 3 : i32
    %add3A_340 = arith.addi %mul3A_338, %add3A_339 : i32
    %dma_wait3A_341 = arith.constant 1 : i32
    %dma_wait3A_342 = arith.constant 49 : i32
    %dma_wait3A_343 = arith.constant 3 : i32
    %dma_wait3A_344 = arith.constant 1 : i32
    %dma_wait3A_345 = arith.constant 24 : i32
    %dma_wait3A_346 = arith.constant 0 : i32
    %dma_wait3A_347 = tpu.memref_slice %arg7[%dma_wait3A_341, %dma_wait3A_345, %dma_wait3A_346] : memref<2x64x137xf32, #tpu.memory_space<vmem>> -> memref<1x8x128xf32, #tpu.memory_space<vmem>>
    %dma_wait3A_348 = tpu.memref_squeeze %dma_wait3A_347 : memref<1x8x128xf32, #tpu.memory_space<vmem>> -> memref<8x128xf32, #tpu.memory_space<vmem>>
    %dma_wait3A_349 = arith.constant 0 : i32
    %dma_wait3A_350 = arith.constant 0 : i32
    %dma_wait3A_351 = tpu.memref_slice %arg4[%dma_wait3A_342, %dma_wait3A_343, %add3A_340, %dma_wait3A_349, %dma_wait3A_350] : memref<50x8x128x8x128xf32, #tpu.memory_space<hbm>> -> memref<1x1x1x8x128xf32, #tpu.memory_space<hbm>>
    %dma_wait3A_352 = tpu.memref_squeeze %dma_wait3A_351 : memref<1x1x1x8x128xf32, #tpu.memory_space<hbm>> -> memref<8x128xf32, #tpu.memory_space<hbm>>
    %dma_wait3A_353 = tpu.memref_slice %arg9[%dma_wait3A_344] : memref<2x!tpu.dma_semaphore, #tpu.memory_space<semaphore_mem>> -> memref<1x!tpu.dma_semaphore, #tpu.memory_space<semaphore_mem>>
    %dma_wait3A_354 = tpu.memref_squeeze %dma_wait3A_353 : memref<1x!tpu.dma_semaphore, #tpu.memory_space<semaphore_mem>> -> memref<!tpu.dma_semaphore, #tpu.memory_space<semaphore_mem>>
    %dma_wait3A_355 = arith.constant 0 : i32
    %dma_wait3A_356 = arith.constant 0 : i32
    %dma_wait3A_357 = tpu.memref_slice %arg4[%dma_wait3A_342, %dma_wait3A_343, %add3A_340, %dma_wait3A_355, %dma_wait3A_356] : memref<50x8x128x8x128xf32, #tpu.memory_space<hbm>> -> memref<1x1x1x8x128xf32, #tpu.memory_space<hbm>>
    %dma_wait3A_358 = tpu.memref_squeeze %dma_wait3A_357 : memref<1x1x1x8x128xf32, #tpu.memory_space<hbm>> -> memref<8x128xf32, #tpu.memory_space<hbm>>
    %dma_wait3A_359 = arith.constant 24 : i32
    %dma_wait3A_360 = arith.constant 0 : i32
    %dma_wait3A_361 = tpu.memref_slice %arg7[%dma_wait3A_341, %dma_wait3A_359, %dma_wait3A_360] : memref<2x64x137xf32, #tpu.memory_space<vmem>> -> memref<1x8x128xf32, #tpu.memory_space<vmem>>
    %dma_wait3A_362 = tpu.memref_squeeze %dma_wait3A_361 : memref<1x8x128xf32, #tpu.memory_space<vmem>> -> memref<8x128xf32, #tpu.memory_space<vmem>>
    tpu.wait_dma2 semaphore(%dma_wait3A_354 : memref<!tpu.dma_semaphore, #tpu.memory_space<semaphore_mem>>) src(%dma_wait3A_362 : memref<8x128xf32, #tpu.memory_space<vmem>>) dst(%dma_wait3A_358 : memref<8x128xf32, #tpu.memory_space<hbm>>)
    %mul3A_363 = arith.constant 4 : i32
    %mul3A_364 = arith.muli %add3A, %mul3A_363 : i32
    %add3A_365 = arith.constant 3 : i32
    %add3A_366 = arith.addi %mul3A_364, %add3A_365 : i32
    %dma_wait3A_367 = arith.constant 1 : i32
    %dma_wait3A_368 = arith.constant 49 : i32
    %dma_wait3A_369 = arith.constant 4 : i32
    %dma_wait3A_370 = arith.constant 1 : i32
    %dma_wait3A_371 = arith.constant 32 : i32
    %dma_wait3A_372 = arith.constant 0 : i32
    %dma_wait3A_373 = tpu.memref_slice %arg7[%dma_wait3A_367, %dma_wait3A_371, %dma_wait3A_372] : memref<2x64x137xf32, #tpu.memory_space<vmem>> -> memref<1x8x128xf32, #tpu.memory_space<vmem>>
    %dma_wait3A_374 = tpu.memref_squeeze %dma_wait3A_373 : memref<1x8x128xf32, #tpu.memory_space<vmem>> -> memref<8x128xf32, #tpu.memory_space<vmem>>
    %dma_wait3A_375 = arith.constant 0 : i32
    %dma_wait3A_376 = arith.constant 0 : i32
    %dma_wait3A_377 = tpu.memref_slice %arg4[%dma_wait3A_368, %dma_wait3A_369, %add3A_366, %dma_wait3A_375, %dma_wait3A_376] : memref<50x8x128x8x128xf32, #tpu.memory_space<hbm>> -> memref<1x1x1x8x128xf32, #tpu.memory_space<hbm>>
    %dma_wait3A_378 = tpu.memref_squeeze %dma_wait3A_377 : memref<1x1x1x8x128xf32, #tpu.memory_space<hbm>> -> memref<8x128xf32, #tpu.memory_space<hbm>>
    %dma_wait3A_379 = tpu.memref_slice %arg9[%dma_wait3A_370] : memref<2x!tpu.dma_semaphore, #tpu.memory_space<semaphore_mem>> -> memref<1x!tpu.dma_semaphore, #tpu.memory_space<semaphore_mem>>
    %dma_wait3A_380 = tpu.memref_squeeze %dma_wait3A_379 : memref<1x!tpu.dma_semaphore, #tpu.memory_space<semaphore_mem>> -> memref<!tpu.dma_semaphore, #tpu.memory_space<semaphore_mem>>
    %dma_wait3A_381 = arith.constant 0 : i32
    %dma_wait3A_382 = arith.constant 0 : i32
    %dma_wait3A_383 = tpu.memref_slice %arg4[%dma_wait3A_368, %dma_wait3A_369, %add3A_366, %dma_wait3A_381, %dma_wait3A_382] : memref<50x8x128x8x128xf32, #tpu.memory_space<hbm>> -> memref<1x1x1x8x128xf32, #tpu.memory_space<hbm>>
    %dma_wait3A_384 = tpu.memref_squeeze %dma_wait3A_383 : memref<1x1x1x8x128xf32, #tpu.memory_space<hbm>> -> memref<8x128xf32, #tpu.memory_space<hbm>>
    %dma_wait3A_385 = arith.constant 32 : i32
    %dma_wait3A_386 = arith.constant 0 : i32
    %dma_wait3A_387 = tpu.memref_slice %arg7[%dma_wait3A_367, %dma_wait3A_385, %dma_wait3A_386] : memref<2x64x137xf32, #tpu.memory_space<vmem>> -> memref<1x8x128xf32, #tpu.memory_space<vmem>>
    %dma_wait3A_388 = tpu.memref_squeeze %dma_wait3A_387 : memref<1x8x128xf32, #tpu.memory_space<vmem>> -> memref<8x128xf32, #tpu.memory_space<vmem>>
    tpu.wait_dma2 semaphore(%dma_wait3A_380 : memref<!tpu.dma_semaphore, #tpu.memory_space<semaphore_mem>>) src(%dma_wait3A_388 : memref<8x128xf32, #tpu.memory_space<vmem>>) dst(%dma_wait3A_384 : memref<8x128xf32, #tpu.memory_space<hbm>>)
    %mul3A_389 = arith.constant 4 : i32
    %mul3A_390 = arith.muli %add3A, %mul3A_389 : i32
    %add3A_391 = arith.constant 3 : i32
    %add3A_392 = arith.addi %mul3A_390, %add3A_391 : i32
    %dma_wait3A_393 = arith.constant 1 : i32
    %dma_wait3A_394 = arith.constant 49 : i32
    %dma_wait3A_395 = arith.constant 5 : i32
    %dma_wait3A_396 = arith.constant 1 : i32
    %dma_wait3A_397 = arith.constant 40 : i32
    %dma_wait3A_398 = arith.constant 0 : i32
    %dma_wait3A_399 = tpu.memref_slice %arg7[%dma_wait3A_393, %dma_wait3A_397, %dma_wait3A_398] : memref<2x64x137xf32, #tpu.memory_space<vmem>> -> memref<1x8x128xf32, #tpu.memory_space<vmem>>
    %dma_wait3A_400 = tpu.memref_squeeze %dma_wait3A_399 : memref<1x8x128xf32, #tpu.memory_space<vmem>> -> memref<8x128xf32, #tpu.memory_space<vmem>>
    %dma_wait3A_401 = arith.constant 0 : i32
    %dma_wait3A_402 = arith.constant 0 : i32
    %dma_wait3A_403 = tpu.memref_slice %arg4[%dma_wait3A_394, %dma_wait3A_395, %add3A_392, %dma_wait3A_401, %dma_wait3A_402] : memref<50x8x128x8x128xf32, #tpu.memory_space<hbm>> -> memref<1x1x1x8x128xf32, #tpu.memory_space<hbm>>
    %dma_wait3A_404 = tpu.memref_squeeze %dma_wait3A_403 : memref<1x1x1x8x128xf32, #tpu.memory_space<hbm>> -> memref<8x128xf32, #tpu.memory_space<hbm>>
    %dma_wait3A_405 = tpu.memref_slice %arg9[%dma_wait3A_396] : memref<2x!tpu.dma_semaphore, #tpu.memory_space<semaphore_mem>> -> memref<1x!tpu.dma_semaphore, #tpu.memory_space<semaphore_mem>>
    %dma_wait3A_406 = tpu.memref_squeeze %dma_wait3A_405 : memref<1x!tpu.dma_semaphore, #tpu.memory_space<semaphore_mem>> -> memref<!tpu.dma_semaphore, #tpu.memory_space<semaphore_mem>>
    %dma_wait3A_407 = arith.constant 0 : i32
    %dma_wait3A_408 = arith.constant 0 : i32
    %dma_wait3A_409 = tpu.memref_slice %arg4[%dma_wait3A_394, %dma_wait3A_395, %add3A_392, %dma_wait3A_407, %dma_wait3A_408] : memref<50x8x128x8x128xf32, #tpu.memory_space<hbm>> -> memref<1x1x1x8x128xf32, #tpu.memory_space<hbm>>
    %dma_wait3A_410 = tpu.memref_squeeze %dma_wait3A_409 : memref<1x1x1x8x128xf32, #tpu.memory_space<hbm>> -> memref<8x128xf32, #tpu.memory_space<hbm>>
    %dma_wait3A_411 = arith.constant 40 : i32
    %dma_wait3A_412 = arith.constant 0 : i32
    %dma_wait3A_413 = tpu.memref_slice %arg7[%dma_wait3A_393, %dma_wait3A_411, %dma_wait3A_412] : memref<2x64x137xf32, #tpu.memory_space<vmem>> -> memref<1x8x128xf32, #tpu.memory_space<vmem>>
    %dma_wait3A_414 = tpu.memref_squeeze %dma_wait3A_413 : memref<1x8x128xf32, #tpu.memory_space<vmem>> -> memref<8x128xf32, #tpu.memory_space<vmem>>
    tpu.wait_dma2 semaphore(%dma_wait3A_406 : memref<!tpu.dma_semaphore, #tpu.memory_space<semaphore_mem>>) src(%dma_wait3A_414 : memref<8x128xf32, #tpu.memory_space<vmem>>) dst(%dma_wait3A_410 : memref<8x128xf32, #tpu.memory_space<hbm>>)
    %mul3A_415 = arith.constant 4 : i32
    %mul3A_416 = arith.muli %add3A, %mul3A_415 : i32
    %add3A_417 = arith.constant 3 : i32
    %add3A_418 = arith.addi %mul3A_416, %add3A_417 : i32
    %dma_wait3A_419 = arith.constant 1 : i32
    %dma_wait3A_420 = arith.constant 49 : i32
    %dma_wait3A_421 = arith.constant 6 : i32
    %dma_wait3A_422 = arith.constant 1 : i32
    %dma_wait3A_423 = arith.constant 48 : i32
    %dma_wait3A_424 = arith.constant 0 : i32
    %dma_wait3A_425 = tpu.memref_slice %arg7[%dma_wait3A_419, %dma_wait3A_423, %dma_wait3A_424] : memref<2x64x137xf32, #tpu.memory_space<vmem>> -> memref<1x8x128xf32, #tpu.memory_space<vmem>>
    %dma_wait3A_426 = tpu.memref_squeeze %dma_wait3A_425 : memref<1x8x128xf32, #tpu.memory_space<vmem>> -> memref<8x128xf32, #tpu.memory_space<vmem>>
    %dma_wait3A_427 = arith.constant 0 : i32
    %dma_wait3A_428 = arith.constant 0 : i32
    %dma_wait3A_429 = tpu.memref_slice %arg4[%dma_wait3A_420, %dma_wait3A_421, %add3A_418, %dma_wait3A_427, %dma_wait3A_428] : memref<50x8x128x8x128xf32, #tpu.memory_space<hbm>> -> memref<1x1x1x8x128xf32, #tpu.memory_space<hbm>>
    %dma_wait3A_430 = tpu.memref_squeeze %dma_wait3A_429 : memref<1x1x1x8x128xf32, #tpu.memory_space<hbm>> -> memref<8x128xf32, #tpu.memory_space<hbm>>
    %dma_wait3A_431 = tpu.memref_slice %arg9[%dma_wait3A_422] : memref<2x!tpu.dma_semaphore, #tpu.memory_space<semaphore_mem>> -> memref<1x!tpu.dma_semaphore, #tpu.memory_space<semaphore_mem>>
    %dma_wait3A_432 = tpu.memref_squeeze %dma_wait3A_431 : memref<1x!tpu.dma_semaphore, #tpu.memory_space<semaphore_mem>> -> memref<!tpu.dma_semaphore, #tpu.memory_space<semaphore_mem>>
    %dma_wait3A_433 = arith.constant 0 : i32
    %dma_wait3A_434 = arith.constant 0 : i32
    %dma_wait3A_435 = tpu.memref_slice %arg4[%dma_wait3A_420, %dma_wait3A_421, %add3A_418, %dma_wait3A_433, %dma_wait3A_434] : memref<50x8x128x8x128xf32, #tpu.memory_space<hbm>> -> memref<1x1x1x8x128xf32, #tpu.memory_space<hbm>>
    %dma_wait3A_436 = tpu.memref_squeeze %dma_wait3A_435 : memref<1x1x1x8x128xf32, #tpu.memory_space<hbm>> -> memref<8x128xf32, #tpu.memory_space<hbm>>
    %dma_wait3A_437 = arith.constant 48 : i32
    %dma_wait3A_438 = arith.constant 0 : i32
    %dma_wait3A_439 = tpu.memref_slice %arg7[%dma_wait3A_419, %dma_wait3A_437, %dma_wait3A_438] : memref<2x64x137xf32, #tpu.memory_space<vmem>> -> memref<1x8x128xf32, #tpu.memory_space<vmem>>
    %dma_wait3A_440 = tpu.memref_squeeze %dma_wait3A_439 : memref<1x8x128xf32, #tpu.memory_space<vmem>> -> memref<8x128xf32, #tpu.memory_space<vmem>>
    tpu.wait_dma2 semaphore(%dma_wait3A_432 : memref<!tpu.dma_semaphore, #tpu.memory_space<semaphore_mem>>) src(%dma_wait3A_440 : memref<8x128xf32, #tpu.memory_space<vmem>>) dst(%dma_wait3A_436 : memref<8x128xf32, #tpu.memory_space<hbm>>)
    %mul3A_441 = arith.constant 4 : i32
    %mul3A_442 = arith.muli %add3A, %mul3A_441 : i32
    %add3A_443 = arith.constant 3 : i32
    %add3A_444 = arith.addi %mul3A_442, %add3A_443 : i32
    %dma_wait3A_445 = arith.constant 1 : i32
    %dma_wait3A_446 = arith.constant 49 : i32
    %dma_wait3A_447 = arith.constant 7 : i32
    %dma_wait3A_448 = arith.constant 1 : i32
    %dma_wait3A_449 = arith.constant 56 : i32
    %dma_wait3A_450 = arith.constant 0 : i32
    %dma_wait3A_451 = tpu.memref_slice %arg7[%dma_wait3A_445, %dma_wait3A_449, %dma_wait3A_450] : memref<2x64x137xf32, #tpu.memory_space<vmem>> -> memref<1x8x128xf32, #tpu.memory_space<vmem>>
    %dma_wait3A_452 = tpu.memref_squeeze %dma_wait3A_451 : memref<1x8x128xf32, #tpu.memory_space<vmem>> -> memref<8x128xf32, #tpu.memory_space<vmem>>
    %dma_wait3A_453 = arith.constant 0 : i32
    %dma_wait3A_454 = arith.constant 0 : i32
    %dma_wait3A_455 = tpu.memref_slice %arg4[%dma_wait3A_446, %dma_wait3A_447, %add3A_444, %dma_wait3A_453, %dma_wait3A_454] : memref<50x8x128x8x128xf32, #tpu.memory_space<hbm>> -> memref<1x1x1x8x128xf32, #tpu.memory_space<hbm>>
    %dma_wait3A_456 = tpu.memref_squeeze %dma_wait3A_455 : memref<1x1x1x8x128xf32, #tpu.memory_space<hbm>> -> memref<8x128xf32, #tpu.memory_space<hbm>>
    %dma_wait3A_457 = tpu.memref_slice %arg9[%dma_wait3A_448] : memref<2x!tpu.dma_semaphore, #tpu.memory_space<semaphore_mem>> -> memref<1x!tpu.dma_semaphore, #tpu.memory_space<semaphore_mem>>
    %dma_wait3A_458 = tpu.memref_squeeze %dma_wait3A_457 : memref<1x!tpu.dma_semaphore, #tpu.memory_space<semaphore_mem>> -> memref<!tpu.dma_semaphore, #tpu.memory_space<semaphore_mem>>
    %dma_wait3A_459 = arith.constant 0 : i32
    %dma_wait3A_460 = arith.constant 0 : i32
    %dma_wait3A_461 = tpu.memref_slice %arg4[%dma_wait3A_446, %dma_wait3A_447, %add3A_444, %dma_wait3A_459, %dma_wait3A_460] : memref<50x8x128x8x128xf32, #tpu.memory_space<hbm>> -> memref<1x1x1x8x128xf32, #tpu.memory_space<hbm>>
    %dma_wait3A_462 = tpu.memref_squeeze %dma_wait3A_461 : memref<1x1x1x8x128xf32, #tpu.memory_space<hbm>> -> memref<8x128xf32, #tpu.memory_space<hbm>>
    %dma_wait3A_463 = arith.constant 56 : i32
    %dma_wait3A_464 = arith.constant 0 : i32
    %dma_wait3A_465 = tpu.memref_slice %arg7[%dma_wait3A_445, %dma_wait3A_463, %dma_wait3A_464] : memref<2x64x137xf32, #tpu.memory_space<vmem>> -> memref<1x8x128xf32, #tpu.memory_space<vmem>>
    %dma_wait3A_466 = tpu.memref_squeeze %dma_wait3A_465 : memref<1x8x128xf32, #tpu.memory_space<vmem>> -> memref<8x128xf32, #tpu.memory_space<vmem>>
    tpu.wait_dma2 semaphore(%dma_wait3A_458 : memref<!tpu.dma_semaphore, #tpu.memory_space<semaphore_mem>>) src(%dma_wait3A_466 : memref<8x128xf32, #tpu.memory_space<vmem>>) dst(%dma_wait3A_462 : memref<8x128xf32, #tpu.memory_space<hbm>>)
    return
  }
}

</mosaic_0001>

<sc_bundles>
// kernel: _gather.3.cloned.1.call-start
scs
__scs_entry_jumppad:
0x0: {  	(pc) =	sbr.rel $0x88, $3  }
0x1: {  	(tag) =	ssettag $0x0;
	lr =	simm.s32 $0x1  }
0x2: {  	[smem:$0x3F9F] =	sst lr;
	_ =	strace $0xD0000000  }
0x3: {  	_ = 	snop  }
0x4: {  	_ = 	snop  }
0x5: {  	_ = 	snop  }
0x6: {  	_ = 	snop  }
0x7: {  	_ = 	snop  }
__scs_overlays_trampoline_lowered:
0x8: {  	[smem:$0x3FAE] =	sst s0  }
0x9: {  	[smem:$0x3FAF] =	sst s1  }
0xa: {  	[smem:$0x3FB0] =	sst s2  }
0xb: {  	[smem:$0x3FB1] =	sst s3  }
0xc: {  	[smem:$0x3FB2] =	sst s4  }
0xd: {  	[smem:$0x3FB3] =	sst s5  }
0xe: {  	[smem:$0x3FB4] =	sst s6  }
0xf: {  	[smem:$0x3FB5] =	sst s7  }
0x10: {  	[smem:$0x3FB6] =	sst s8  }
0x11: {  	[smem:$0x3FB7] =	sst s9;
	s0 =	simm.s32 @!p0 $0x0  }
0x12: {  	s1 =	sld [smem:$0x3F9D];
	s0 =	simm.s32 @p0 $0x1  }
0x13: {  	[smem:$0x3FB8] =	sst s0;
	s0 =	simm.s32 @!p1 $0x0  }
0x14: {  	s2 =	sld [smem:$0x3F9C];
	s0 =	simm.s32 @p1 $0x1  }
0x15: {  	[smem:$0x3FB9] =	sst s0;
	s0 =	simm.s32 @!p2 $0x0  }
0x16: {  	s3 =	sld [smem:$0x3FDB];
	s0 =	simm.s32 @p2 $0x1  }
0x17: {  	s4 =	simm.s32 $0x1BF5;
	[smem:$0x3FBB] =	sst s0  }
0x18: {  	s0 =	sld [smem:$0x3F9E];
	_ =	swait.ge [sflag:s4], $0x0  }
0x19: {  	s7 =	sld [smem:$0x3F9F]  }
0x1a: {  	s8 =	sadd.s32 $0xFFFFE003, lr  }
0x1b: {  	s9 =	sadd.s32 $0xFFFFFEF7, lr;
	s5 =	simm.s32 $0xFFFFFFFF;
	p2 =	slt.u32 s8, $0xFFFFF086  }
0x1c: {  	p1 =	slt.u32 s9, $0xF7A;
	s5 =	simm.s32 @!p2 $0x0  }
0x1d: {  	s5 =	simm.s32 @p1 $0x1;
	p0 =	seq.s32 s7, s2  }
0x1e: {  	s7 =	smul.u32 @!p0 $0xF7A, s2;
	p2 =	seq.s32 @!p0 s5, $0x0  }
0x1f: {  	s9 =	smul.u32 $0xF7A, s1;
	s8 =	simm.s32 @!p0 $0x1BF5;
	p2 =	por !p2, p0  }
0x20: {  	[sflag:s8] =	ssyncset.s32 @!p0 $0xFFFFF086;
	s6 =	sadd.s32 @!p0 s3, s7;
	s7 =	simm.s32 @!p0 $0x108  }
0x21: {  	s3 =	sadd.s32 s3, s9;
	s6 =	sadd.s32 @!p0 $0x88, s6;
	s7 =	simm.s32 @p2 $0x1082  }
0x22: {  	[simem:s7], [sflag:s8] =	dma.local @!p0 [hbm:s6], $0xF7A  }
0x23: {  	s9 =	sor.u32 $0xD0000000, s2;
	s6 =	simm.s32 $0x108;
	_ =	swait.ge @!p0 [sflag:s8], $0x0  }
0x24: {  	s3 =	sadd.s32 $0x88, s3;
	s6 =	simm.s32 @!p1 $0x1082;
	[sflag:s4] =	ssyncset.s32 $0xFFFFF086  }
0x25: {  	[simem:s6], [sflag:s4] =	dma.local [hbm:s3], $0xF7A  }
0x26: {  	[smem:$0x3F9F] =	sst s1;
	(tag) =	ssettag s2;
	_ =	strace s9  }
0x27: {  	s1 =	sld [smem:$0x3FAF]  }
0x28: {  	s2 =	sld [smem:$0x3FB0]  }
0x29: {  	s4 =	sld [smem:$0x3FB2]  }
0x2a: {  	p0 =	seq.s32 s5, $0x0;
	s5 =	sld [smem:$0x3FB3]  }
0x2b: {  	s6 =	sld [smem:$0x3FB4]  }
0x2c: {  	s7 =	sld [smem:$0x3FB5]  }
0x2d: {  	s3 =	simm.s32 $0x108;
	s8 =	sld [smem:$0x3FB6]  }
0x2e: {  	s3 =	simm.s32 @!p0 $0x1082;
	s9 =	sld [smem:$0x3FB7]  }
0x2f: {  	lr =	sadd.s32 s0, s3;
	s0 =	sld [smem:$0x3FAE]  }
0x30: {  	s3 =	sld [smem:$0x3FB1]  }
0x31: {  	[smem:$0x3FBA] =	sst s10  }
0x32: {  	s10 =	sld [smem:$0x3FB8];
	_ =	sdelay $0x3  }
0x33: {  	p0 =	seq.s32 s10, $0x1;
	s10 =	sld [smem:$0x3FBA];
	_ =	sdelay $0x3  }
0x34: {  	[smem:$0x3FBA] =	sst s10  }
0x35: {  	s10 =	sld [smem:$0x3FB9];
	_ =	sdelay $0x3  }
0x36: {  	p1 =	seq.s32 s10, $0x1;
	s10 =	sld [smem:$0x3FBA];
	_ =	sdelay $0x3  }
0x37: {  	[smem:$0x3FBA] =	sst s10  }
0x38: {  	s10 =	sld [smem:$0x3FBB]  }
0x39: {  	_ = 	snop;
	(pc) =	sbr.ind lr, $3  }
0x3a: {  	_ = 	snop  }
0x3b: {  	_ = 	snop  }
0x3c: {  	p2 =	seq.s32 s10, $0x1;
	s10 =	sld [smem:$0x3FBA]  }
0x3d: {  	_ =	shalt  }
0x3e: {  	_ =	shalt  }
0x3f: {  	_ =	shalt  }
0x40: {  	_ =	shalt  }
0x41: {  	_ =	shalt  }
0x42: {  	_ =	shalt  }
0x43: {  	_ =	shalt  }
0x44: {  	_ =	shalt  }
0x45: {  	_ =	shalt  }
0x46: {  	_ =	shalt  }
0x47: {  	_ =	shalt  }
0x48: {  	_ =	shalt  }
0x49: {  	_ =	shalt  }
0x4a: {  	_ =	shalt  }
0x4b: {  	_ =	shalt  }
0x4c: {  	_ =	shalt  }
0x4d: {  	_ =	shalt  }
0x4e: {  	_ =	shalt  }
0x4f: {  	_ =	shalt  }
0x50: {  	_ =	shalt  }
0x51: {  	_ =	shalt  }
0x52: {  	_ =	shalt  }
0x53: {  	_ =	shalt  }
0x54: {  	_ =	shalt  }
0x55: {  	_ =	shalt  }
0x56: {  	_ =	shalt  }
0x57: {  	_ =	shalt  }
0x58: {  	_ =	shalt  }
0x59: {  	_ =	shalt  }
0x5a: {  	_ =	shalt  }
0x5b: {  	_ =	shalt  }
0x5c: {  	_ =	shalt  }
0x5d: {  	_ =	shalt  }
0x5e: {  	_ =	shalt  }
0x5f: {  	_ =	shalt  }
0x60: {  	_ =	shalt  }
0x61: {  	_ =	shalt  }
0x62: {  	_ =	shalt  }
0x63: {  	_ =	shalt  }
0x64: {  	_ =	shalt  }
0x65: {  	_ =	shalt  }
0x66: {  	_ =	shalt  }
0x67: {  	_ =	shalt  }
0x68: {  	_ =	shalt  }
0x69: {  	_ =	shalt  }
0x6a: {  	_ =	shalt  }
0x6b: {  	_ =	shalt  }
0x6c: {  	_ =	shalt  }
0x6d: {  	_ =	shalt  }
0x6e: {  	_ =	shalt  }
0x6f: {  	_ =	shalt  }
0x70: {  	_ =	shalt  }
0x71: {  	_ =	shalt  }
0x72: {  	_ =	shalt  }
0x73: {  	_ =	shalt  }
0x74: {  	_ =	shalt  }
0x75: {  	_ =	shalt  }
0x76: {  	_ =	shalt  }
0x77: {  	_ =	shalt  }
0x78: {  	_ =	shalt  }
0x79: {  	_ =	shalt  }
0x7a: {  	_ =	shalt  }
0x7b: {  	_ =	shalt  }
0x7c: {  	_ =	shalt  }
0x7d: {  	_ =	shalt  }
0x7e: {  	_ =	shalt  }
0x7f: {  	_ =	shalt  }
0x80: {  	_ =	shalt  }
0x81: {  	_ =	shalt  }
0x82: {  	_ =	shalt  }
0x83: {  	_ =	shalt  }
0x84: {  	_ =	shalt  }
0x85: {  	_ =	shalt  }
0x86: {  	_ =	shalt  }
0x87: {  	_ =	shalt  }
.Lfunc_end0:
.L_simem_size_0:
called_computation_lowered:
.L_overlay_start_0:
0x88: {  	s2 =	sld [smem:$0x3FD9]  }
0x89: {  	s3 =	sld [smem:$0x3FFE];
	_ =	sdelay $0x1  }
0x8a: {  	s1 =	srdreg.scid  }
0x8b: {  	s0 =	sand.u32 $0x1, s1  }
0x8c: {  	s17 =	sshll.u32 s0, $0xA;
	s2 =	sadd.s32 s3, s2  }
0x8d: {  	s2 =	sadd.s32 s2, s17  }
0x8e: {  	[smem:$0x3FC6] =	sst s2  }
0x8f: {  	_ = 	snop  }
0x90: {  	s2 =	sld [smem:$0x3FC8]  }
0x91: {  	s18 =	sld [smem:$0x3FD0];
	(tm) =	ssettm $0x1  }
0x92: {  	s4 =	sld [smem:$0x3FFB];
	_ =	sdelay $0x3  }
0x93: {  	_ =	strace s4  }
0x94: {  	s4 =	sld [smem:$0x3FFC];
	_ =	sdelay $0x3  }
0x95: {  	_ =	strace s4  }
0x96: {  	s4 =	sld [smem:$0x3FFD];
	_ =	sdelay $0x3  }
0x97: {  	_ =	strace s4  }
0x98: {  	_ =	strace $0x8FFFFFFF  }
0x99: {  	s19 =	sld [smem:$0x3FDB];
	_ =	sdelay $0x1  }
0x9a: {  	s5 =	simm.s32 $_scs_section_size  }
0x9b: {  	s6 =	simm.s32 $_size__tile_overlayer_lowered;
	s7 =	simm.s32 $_tile_overlayer_lowered  }
0x9c: {  	s22 =	simm.s32 $0x1BFF;
	s21 =	sshll.u32 s7, $0x1;
	s4 =	sadd.s32 s5, s19  }
0x9d: {  	s8 =	simm.s32 $0x0;
	s20 =	sshll.u32 s6, $0x1;
	s6 =	sadd.s32 s21, s4  }
0x9e: {  	[timem:s8], [sflag:s22] =	dma.local [hbm:s6], s20  }
0x9f: {  	_ =	swait.ge [sflag:s22], s20  }
0xa0: {  	s5 =	ssub.s32 $0x0, s20;
	[sflag:s22] =	ssyncset.done $0x0  }
0xa1: {  	[sflag:s22] =	ssyncadd.s32 s5;
	_ =	sdelay $0x1  }
0xa2: {  	s23 =	simm.s32 $0x1B8B  }
0xa3: {  	_ =	swait.ge [sflag:s23], $0x1  }
0xa4: {  	[sflag:s23] =	ssyncset.done $0x0  }
0xa5: {  	s25 =	simm.s32 $0x1B8E;
	s24 =	sld [smem:$0x3FFE];
	[sflag:s23] =	ssyncadd.s32 $0xFFFFFFFF  }
0xa6: {  	s26 =	simm.s32 $execute0_lowered;
	[smem:$0x3FD2] =	sst s25  }
0xa7: {  	s6 =	sshll.u32 s26, $0x1;
	_ =	strace $0x80000046;
	[dreg:$0x1] =	wrdreg $0xFFFFFFFF  }
0xa8: {  	s28 =	simm.s32 $_size_execute0_lowered;
	s4 =	sadd.s32 s4, s6;
	[dreg:$0x0] =	wrdreg $0x0  }
0xa9: {  	s6 =	sshll.u32 s28, $0x1;
	[dreg:$0x2] =	wrdreg s4  }
0xaa: {  	[dreg:$0x3] =	wrdreg s6  }
0xab: {  	[dreg:$0x4] =	wrdreg $0xC0  }
0xac: {  	_ =	task [dreg:s8], $0x5FFFF  }
0xad: {  	[dreg:$0x1] =	wrdreg $0xFFFFFFFF  }
0xae: {  	[dreg:$0x0] =	wrdreg $0x60  }
0xaf: {  	[dreg:$0x2] =	wrdreg s24  }
0xb0: {  	[dreg:$0x3] =	wrdreg s2  }
0xb1: {  	[dreg:$0x4] =	wrdreg s18  }
0xb2: {  	[dreg:$0x5] =	wrdreg $0x9  }
0xb3: {  	_ =	task.clear_ibuf [dreg:s8], $0x6FFFF;
	_ =	strace $0x90000046  }
0xb4: {  	s29 =	simm.s32 $0x9;
	_ =	strace $0x80000048  }
0xb5: {  	_ =	swait.ge [sflag:s29], $0x1  }
0xb6: {  	[sflag:s29] =	ssyncadd.s32 $0xFFFFFFFF  }
0xb7: {  	_ =	strace $0x90000048  }
0xb8: {  	_ =	sfence  }
0xb9: {  	s30 =	sld [smem:$0x0];
	_ =	sdelay $0x2  }
0xba: {  	s31 =	sshll.u32 s1, $0xD;
	s1 =	sshrl.u32 s1, $0x2  }
0xbb: {  	s3 =	sand.u32 $0x4000, s31;
	s1 =	sadd.s32 s1, s30  }
0xbc: {  	s0 =	sor.u32 s3, s0;
	s1 =	sshll.u32 s1, $0x11  }
0xbd: {  	s0 =	sor.u32 s1, s0  }
0xbe: {  	s0 =	sadd.s32 $0x8F2B, s0  }
0xbf: {  	[sflag:s0] =	ssyncadd.remote.s32 $0x1  }
0xc0: {  	_ =	sfence.sel $0xFFFF  }
0xc1: {  	[dreg:$0x0] =	wrdreg $0xFFFFFFFF;
	(pc) =	sbr.abs _section_cstart, $3  }
0xc2: {  	[dreg:$0x1] =	wrdreg $0xFFFFFFFF  }
0xc3: {  	_ =	task.clear_ibuf [dreg:s8], $0x2FFFF;
	_ =	strace $0x9FFFFFFF  }
0xc4: {  	(tm) =	ssettm $0x7FFFFFFF  }
0xc5: {  	_ =	shalt  }
tec
execute0_lowered:
.L_overlay_start_1:
0x0: {  	(tag) =	ssettag $0x1  }
0x1: {  	s0 =	rddreg [dreg:$0x0]  }
0x2: {  	s1 =	rddreg [dreg:$0x1]  }
0x3: {  	s2 =	rddreg [dreg:$0x2];
	v0 =	vlaneseq.u32  }
0x4: {  	s4 =	srdreg.scid;
	s3 =	simm.s32 $0x0;
	s5 =	stileid.u32;
	v0 =	vmul.u32 $0x90, v0  }
0x5: {  	s12 =	simm.s32 $0x80;
	s16 =	simm.s32 $0x1;
	s17 =	simm.s32 $0xB000;
	v1 =	vimm.s32 $0x0;
	vm0 =	vcmask $0x300  }
0x6: {  	s14 =	simm.s32 $0x2;
	s8 =	simm.s32 $0xD400;
	s28 =	simm.s32 $0xF1D0;
	v1 =	vsel vm0, $0x3, v1;
	v2 =	vadd.s32 $0x900, v0  }
0x7: {  	s29 =	simm.s32 $0xF260;
	s30 =	simm.s32 $0xF2F0;
	s31 =	simm.s32 $0xF380;
	v3 =	vadd.s32 $0x1200, v0;
	v4 =	vadd.s32 $0x1B00, v0;
	v5 =	vor.u32 $0x1, v0  }
0x8: {  	s9 =	simm.s32 $0xF530;
	s10 =	simm.s32 $0xF5C0;
	s11 =	simm.s32 $0xF650;
	v6 =	vadd.s32 $0x901, v0;
	v7 =	vadd.s32 $0x1201, v0;
	v8 =	vadd.s32 $0x1B01, v0  }
0x9: {  	s13 =	simm.s32 $0xF6E0;
	s15 =	simm.s32 $0xF770;
	s19 =	simm.s32 $0x0;
	v9 =	vor.u32 $0x2, v0;
	v10 =	vadd.s32 $0x902, v0;
	v11 =	vadd.s32 $0x1202, v0  }
0xa: {  	s4 =	sand.u32 $0x1, s4;
	[smem:$0x7FF] =	sst s3;
	s5 =	sshll.u32 s5, $0x3;
	v12 =	vadd.s32 $0x1B02, v0;
	v13 =	vor.u32 $0x3, v0;
	v14 =	vadd.s32 $0x903, v0  }
0xb: {  	s6 =	sshll.u32 s4, $0x2;
	_ =	strace $0x80000047;
	s7 =	ssub.s32 $0x2, s4;
	v15 =	vadd.s32 $0x1203, v0;
	v16 =	vadd.s32 $0x1B03, v0;
	v17 =	vor.u32 $0x4, v0  }
.Ltmp0:
0xc: {  	s4 =	sor.u32 s6, s5;
	s26 =	sshrl.u32 s7, $0x1;
	v18 =	vadd.s32 $0x904, v0;
	v19 =	vadd.s32 $0x1204, v0;
	v20 =	vadd.s32 $0x1B04, v0;
	(pc) =	sbr.rel .LBB2_1-.Ltmp0, $4  }
0xd: {  	s5 =	sadd.s32 $0xF42800, s0;
	v21 =	vor.u32 $0x5, v0;
	v22 =	vadd.s32 $0x905, v0;
	v23 =	vadd.s32 $0x1205, v0;
	s6 =	sshll.u32 s4, $0x7;
	s0 =	ssub.s32 s7, s26  }
0xe: {  	v24 =	vadd.s32 $0x1B05, v0;
	v25 =	vor.u32 $0x6, v0;
	v26 =	vadd.s32 $0x906, v0;
	s7 =	sor.u32 $0x1, s4;
	s26 =	simm.s32 $0xF140;
	s1 =	sadd.s32 s1, s6  }
0xf: {  	v27 =	vadd.s32 $0x1206, v0;
	v28 =	vadd.s32 $0x1B06, v0;
	v29 =	vor.u32 $0x7, v0;
	s0 =	smax.u32 s0, $0x1;
	s6 =	simm.s32 $0x4;
	[dreg:$0x4] =	wrdreg s1  }
0x10: {  	v30 =	vadd.s32 $0x907, v0;
	v31 =	vadd.s32 $0x1207, v0;
	v32 =	vadd.s32 $0x1B07, v0;
	[dreg:$0x5] =	wrdreg s0;
	s0 =	simm.s32 $0xF410;
	s1 =	simm.s32 $0xF4A0  }
.LBB2_12:
0x11: {  	s18 =	simm.s32 $0x3  }
0x12: {  	_ =	swait.ge [sflag:s18], $0x400  }
0x13: {  	[sflag:s18] =	ssyncset.done $0x0  }
0x14: {  	[sflag:s18] =	ssyncadd.s32 $0xFFFFFC00  }
0x15: {  	_ =	swait.ge [sflag:s18], $0x400  }
0x16: {  	[sflag:s18] =	ssyncset.done $0x0  }
0x17: {  	[sflag:s18] =	ssyncadd.s32 $0xFFFFFC00  }
0x18: {  	_ =	swait.ge [sflag:s18], $0x400  }
0x19: {  	[sflag:s18] =	ssyncset.done $0x0  }
0x1a: {  	[sflag:s18] =	ssyncadd.s32 $0xFFFFFC00  }
0x1b: {  	_ =	swait.ge [sflag:s18], $0x400  }
0x1c: {  	[sflag:s18] =	ssyncset.done $0x0  }
0x1d: {  	[sflag:s18] =	ssyncadd.s32 $0xFFFFFC00  }
0x1e: {  	_ =	swait.ge [sflag:s18], $0x400  }
0x1f: {  	[sflag:s18] =	ssyncset.done $0x0  }
0x20: {  	[sflag:s18] =	ssyncadd.s32 $0xFFFFFC00  }
0x21: {  	_ =	swait.ge [sflag:s18], $0x400  }
0x22: {  	[sflag:s18] =	ssyncset.done $0x0  }
0x23: {  	[sflag:s18] =	ssyncadd.s32 $0xFFFFFC00  }
0x24: {  	_ =	swait.ge [sflag:s18], $0x400  }
0x25: {  	[sflag:s18] =	ssyncset.done $0x0  }
0x26: {  	[sflag:s18] =	ssyncadd.s32 $0xFFFFFC00  }
0x27: {  	_ =	swait.ge [sflag:s18], $0x400  }
0x28: {  	[sflag:s18] =	ssyncset.done $0x0  }
0x29: {  	[sflag:s18] =	ssyncadd.s32 $0xFFFFFC00  }
0x2a: {  	_ =	swait.ge [sflag:s6], $0x400  }
0x2b: {  	[sflag:s6] =	ssyncset.done $0x0  }
0x2c: {  	[sflag:s6] =	ssyncadd.s32 $0xFFFFFC00  }
0x2d: {  	_ =	swait.ge [sflag:s6], $0x400  }
0x2e: {  	[sflag:s6] =	ssyncset.done $0x0  }
0x2f: {  	[sflag:s6] =	ssyncadd.s32 $0xFFFFFC00  }
0x30: {  	_ =	swait.ge [sflag:s6], $0x400  }
0x31: {  	[sflag:s6] =	ssyncset.done $0x0  }
0x32: {  	[sflag:s6] =	ssyncadd.s32 $0xFFFFFC00  }
0x33: {  	_ =	swait.ge [sflag:s6], $0x400  }
0x34: {  	[sflag:s6] =	ssyncset.done $0x0  }
0x35: {  	[sflag:s6] =	ssyncadd.s32 $0xFFFFFC00  }
0x36: {  	_ =	swait.ge [sflag:s6], $0x400  }
0x37: {  	[sflag:s6] =	ssyncset.done $0x0  }
0x38: {  	[sflag:s6] =	ssyncadd.s32 $0xFFFFFC00  }
0x39: {  	_ =	swait.ge [sflag:s6], $0x400  }
0x3a: {  	[sflag:s6] =	ssyncset.done $0x0  }
0x3b: {  	[sflag:s6] =	ssyncadd.s32 $0xFFFFFC00  }
0x3c: {  	_ =	swait.ge [sflag:s6], $0x400  }
0x3d: {  	[sflag:s6] =	ssyncset.done $0x0  }
0x3e: {  	[sflag:s6] =	ssyncadd.s32 $0xFFFFFC00  }
0x3f: {  	_ =	swait.ge [sflag:s6], $0x400  }
0x40: {  	s19 =	rddreg [dreg:$0x6]  }
0x41: {  	s25 =	rddreg [dreg:$0x5];
	s19 =	sadd.s32 $0x1, s19  }
0x42: {  	p0 =	sne.s32 s19, s25  }
.Ltmp1:
0x43: {  	_ = 	snop;
	(pc) =	sbr.rel @!p0 .LBB2_13-.Ltmp1, $3  }
0x44: {  	_ =	sdelay $0x1  }
0x45: {  	[sflag:s6] =	ssyncset.done $0x0  }
0x46: {  	[sflag:s6] =	ssyncadd.s32 $0xFFFFFC00  }
.LBB2_1:
0x47: {  	[dreg:$0x6] =	wrdreg s19  }
0x48: {  	s18 =	rddreg [dreg:$0x4]  }
0x49: {  	s21 =	simm.s32 $0x1000;
	s20 =	simm.s32 $0x20000;
	s22 =	simm.s32 $0x5  }
0x4a: {  	[tilespmem:s3], [sflag:$0x5] =	stream.strided.gather [hbm4b:s18+s21], $0x7000, s20, s21, $0x38;
	[tilespmem:$0xF800] =	vst v63  }
0x4b: {  	_ =	swait.ge [sflag:s22], $0x7000  }
0x4c: {  	[sflag:s22] =	ssyncset.done $0x0  }
0x4d: {  	s23 =	simm.s32 $0x7000;
	[sflag:s22] =	ssyncadd.s32 $0xFFFF9000  }
0x4e: {  	[tilespmem:s23], [sflag:$0x1] =	stream.indirect.gather [hbm4b:s5+s12], $0x40, s3, s12, $0xb8;
	[tilespmem:$0xF800] =	vst v63  }
0x4f: {  	s24 =	simm.s32 $0x400;
	s25 =	simm.s32 $0x9000;
	s18 =	simm.s32 $0x0  }
0x50: {  	[tilespmem:s25], [sflag:$0x2] =	stream.indirect.gather [hbm4b:s5+s12], $0x40, s24, s12, $0xb8;
	[tilespmem:$0xF800] =	vst v63  }
.LBB2_2:
0x51: {  	_ =	swait.ge [sflag:s16], $0x2000  }
0x52: {  	p0 =	seq.s32 s18, $0x0;
	[sflag:s16] =	ssyncset.done $0x0  }
0x53: {  	s19 =	simm.s32 @!p0 $0x3;
	[sflag:s16] =	ssyncadd.s32 $0xFFFFE000  }
0x54: {  	_ =	swait.ge @!p0 [sflag:s19], $0x400  }
0x55: {  	[sflag:s19] =	ssyncset.done @!p0 $0x0  }
0x56: {  	[sflag:s19] =	ssyncadd.s32 @!p0 $0xFFFFFC00  }
0x57: {  	_ =	swait.ge @!p0 [sflag:s19], $0x400  }
0x58: {  	[sflag:s19] =	ssyncset.done @!p0 $0x0  }
0x59: {  	[sflag:s19] =	ssyncadd.s32 @!p0 $0xFFFFFC00  }
0x5a: {  	_ =	swait.ge @!p0 [sflag:s19], $0x400  }
0x5b: {  	[sflag:s19] =	ssyncset.done @!p0 $0x0  }
0x5c: {  	[sflag:s19] =	ssyncadd.s32 @!p0 $0xFFFFFC00  }
0x5d: {  	_ =	swait.ge @!p0 [sflag:s19], $0x400  }
0x5e: {  	[sflag:s19] =	ssyncset.done @!p0 $0x0  }
0x5f: {  	[sflag:s19] =	ssyncadd.s32 @!p0 $0xFFFFFC00  }
0x60: {  	_ =	swait.ge @!p0 [sflag:s19], $0x400  }
0x61: {  	[sflag:s19] =	ssyncset.done @!p0 $0x0  }
0x62: {  	[sflag:s19] =	ssyncadd.s32 @!p0 $0xFFFFFC00  }
0x63: {  	_ =	swait.ge @!p0 [sflag:s19], $0x400  }
0x64: {  	[sflag:s19] =	ssyncset.done @!p0 $0x0  }
0x65: {  	[sflag:s19] =	ssyncadd.s32 @!p0 $0xFFFFFC00  }
0x66: {  	s20 =	simm.s32 $0x0;
	_ =	swait.ge @!p0 [sflag:s19], $0x400  }
0x67: {  	v33 =	vmov s20;
	[sflag:s19] =	ssyncset.done @!p0 $0x0  }
0x68: {  	v33 =	vshrl.u32 v33, $0x3;
	[sflag:s19] =	ssyncadd.s32 @!p0 $0xFFFFFC00  }
0x69: {  	v33 =	vshll.u32 v33, v1;
	_ =	swait.ge @!p0 [sflag:s19], $0x400  }
0x6a: {  	v33 =	vbroadcast v33, $0x0;
	[sflag:s19] =	ssyncset.done @!p0 $0x0  }
0x6b: {  	s20 =	simm.s32 $0x7100;
	[sflag:s19] =	ssyncadd.s32 @!p0 $0xFFFFFC00  }
0x6c: {  	v35 =	vadd.s32 v0, v33;
	v34 =	vld [tilespmem:s20+$0xFFFFFF00];
	_ =	sdelay $0x4  }
0x6d: {  	[tilespmem:v35+s17+$0x0] =	vst.idx.msk $0xffff, v34  }
0x6e: {  	v56 =	vadd.s32 v2, v33;
	v34 =	vld [tilespmem:s20+$0xFFFFFF10];
	_ =	sdelay $0x4  }
0x6f: {  	[tilespmem:v56+s17+$0x0] =	vst.idx.msk $0xffff, v34  }
0x70: {  	v57 =	vadd.s32 v3, v33;
	v34 =	vld [tilespmem:s20+$0xFFFFFF20];
	_ =	sdelay $0x4  }
0x71: {  	[tilespmem:v57+s17+$0x0] =	vst.idx.msk $0xffff, v34  }
0x72: {  	s24 =	simm.s32 $0x1;
	v33 =	vadd.s32 v4, v33;
	v34 =	vld [tilespmem:s20+$0xFFFFFF30]  }
0x73: {  	v58 =	vmov s24  }
0x74: {  	v35 =	vshrl.u32 v58, $0x3  }
0x75: {  	v35 =	vshll.u32 v35, v1  }
0x76: {  	v35 =	vbroadcast v35, $0x0  }
0x77: {  	[tilespmem:v33+s17+$0x0] =	vst.idx.msk $0xffff, v34  }
0x78: {  	v59 =	vadd.s32 v5, v35;
	v33 =	vld [tilespmem:s20+$0xFFFFFF40];
	_ =	sdelay $0x4  }
0x79: {  	[tilespmem:v59+s17+$0x0] =	vst.idx.msk $0xffff, v33  }
0x7a: {  	v60 =	vadd.s32 v6, v35;
	v33 =	vld [tilespmem:s20+$0xFFFFFF50];
	_ =	sdelay $0x4  }
0x7b: {  	[tilespmem:v60+s17+$0x0] =	vst.idx.msk $0xffff, v33  }
0x7c: {  	v61 =	vadd.s32 v7, v35;
	v33 =	vld [tilespmem:s20+$0xFFFFFF60];
	_ =	sdelay $0x4  }
0x7d: {  	[tilespmem:v61+s17+$0x0] =	vst.idx.msk $0xffff, v33  }
0x7e: {  	s25 =	simm.s32 $0x2;
	v62 =	vadd.s32 v8, v35;
	v33 =	vld [tilespmem:s20+$0xFFFFFF70]  }
0x7f: {  	v63 =	vmov s25  }
0x80: {  	v35 =	vshrl.u32 v63, $0x3  }
0x81: {  	v35 =	vshll.u32 v35, v1  }
0x82: {  	v35 =	vbroadcast v35, $0x0  }
0x83: {  	[tilespmem:v62+s17+$0x0] =	vst.idx.msk $0xffff, v33  }
0x84: {  	v36 =	vadd.s32 v9, v35;
	v33 =	vld [tilespmem:s20+$0xFFFFFF80];
	_ =	sdelay $0x4  }
0x85: {  	[tilespmem:v36+s17+$0x0] =	vst.idx.msk $0xffff, v33  }
0x86: {  	v37 =	vadd.s32 v10, v35;
	v33 =	vld [tilespmem:s20+$0xFFFFFF90];
	_ =	sdelay $0x4  }
0x87: {  	[tilespmem:v37+s17+$0x0] =	vst.idx.msk $0xffff, v33  }
0x88: {  	v38 =	vadd.s32 v11, v35;
	v33 =	vld [tilespmem:s20+$0xFFFFFFA0];
	_ =	sdelay $0x4  }
0x89: {  	[tilespmem:v38+s17+$0x0] =	vst.idx.msk $0xffff, v33  }
0x8a: {  	s21 =	simm.s32 $0x3;
	v39 =	vadd.s32 v12, v35;
	v33 =	vld [tilespmem:s20+$0xFFFFFFB0]  }
0x8b: {  	v40 =	vmov s21  }
0x8c: {  	v35 =	vshrl.u32 v40, $0x3  }
0x8d: {  	v35 =	vshll.u32 v35, v1  }
0x8e: {  	v35 =	vbroadcast v35, $0x0  }
0x8f: {  	[tilespmem:v39+s17+$0x0] =	vst.idx.msk $0xffff, v33  }
0x90: {  	v41 =	vadd.s32 v13, v35;
	v33 =	vld [tilespmem:s20+$0xFFFFFFC0];
	_ =	sdelay $0x4  }
0x91: {  	[tilespmem:v41+s17+$0x0] =	vst.idx.msk $0xffff, v33  }
0x92: {  	v42 =	vadd.s32 v14, v35;
	v33 =	vld [tilespmem:s20+$0xFFFFFFD0];
	_ =	sdelay $0x4  }
0x93: {  	[tilespmem:v42+s17+$0x0] =	vst.idx.msk $0xffff, v33  }
0x94: {  	v43 =	vadd.s32 v15, v35;
	v33 =	vld [tilespmem:s20+$0xFFFFFFE0];
	_ =	sdelay $0x4  }
0x95: {  	[tilespmem:v43+s17+$0x0] =	vst.idx.msk $0xffff, v33  }
0x96: {  	s22 =	simm.s32 $0x4;
	v44 =	vadd.s32 v16, v35;
	v33 =	vld [tilespmem:s20+$0xFFFFFFF0]  }
0x97: {  	v45 =	vmov s22  }
0x98: {  	v35 =	vshrl.u32 v45, $0x3  }
0x99: {  	v35 =	vshll.u32 v35, v1  }
0x9a: {  	v35 =	vbroadcast v35, $0x0  }
0x9b: {  	[tilespmem:v44+s17+$0x0] =	vst.idx.msk $0xffff, v33  }
0x9c: {  	v46 =	vadd.s32 v17, v35;
	v33 =	vld [tilespmem:s20+$0x0];
	_ =	sdelay $0x4  }
0x9d: {  	[tilespmem:v46+s17+$0x0] =	vst.idx.msk $0xffff, v33  }
0x9e: {  	v47 =	vadd.s32 v18, v35;
	v33 =	vld [tilespmem:s20+$0x10];
	_ =	sdelay $0x4  }
0x9f: {  	[tilespmem:v47+s17+$0x0] =	vst.idx.msk $0xffff, v33  }
0xa0: {  	v48 =	vadd.s32 v19, v35;
	v33 =	vld [tilespmem:s20+$0x20];
	_ =	sdelay $0x4  }
0xa1: {  	[tilespmem:v48+s17+$0x0] =	vst.idx.msk $0xffff, v33  }
0xa2: {  	s23 =	simm.s32 $0x5;
	v49 =	vadd.s32 v20, v35;
	v33 =	vld [tilespmem:s20+$0x30]  }
0xa3: {  	v50 =	vmov s23  }
0xa4: {  	v35 =	vshrl.u32 v50, $0x3  }
0xa5: {  	v35 =	vshll.u32 v35, v1  }
0xa6: {  	v35 =	vbroadcast v35, $0x0  }
0xa7: {  	[tilespmem:v49+s17+$0x0] =	vst.idx.msk $0xffff, v33  }
0xa8: {  	v51 =	vadd.s32 v21, v35;
	v33 =	vld [tilespmem:s20+$0x40];
	_ =	sdelay $0x4  }
0xa9: {  	[tilespmem:v51+s17+$0x0] =	vst.idx.msk $0xffff, v33  }
0xaa: {  	v52 =	vadd.s32 v22, v35;
	v33 =	vld [tilespmem:s20+$0x50];
	_ =	sdelay $0x4  }
0xab: {  	[tilespmem:v52+s17+$0x0] =	vst.idx.msk $0xffff, v33  }
0xac: {  	v53 =	vadd.s32 v23, v35;
	v33 =	vld [tilespmem:s20+$0x60];
	_ =	sdelay $0x4  }
0xad: {  	[tilespmem:v53+s17+$0x0] =	vst.idx.msk $0xffff, v33  }
0xae: {  	s24 =	simm.s32 $0x6;
	v54 =	vadd.s32 v24, v35;
	v33 =	vld [tilespmem:s20+$0x70]  }
0xaf: {  	v55 =	vmov s24  }
0xb0: {  	v35 =	vshrl.u32 v55, $0x3  }
0xb1: {  	v35 =	vshll.u32 v35, v1  }
0xb2: {  	v35 =	vbroadcast v35, $0x0  }
0xb3: {  	[tilespmem:v54+s17+$0x0] =	vst.idx.msk $0xffff, v33  }
0xb4: {  	v56 =	vadd.s32 v25, v35;
	v33 =	vld [tilespmem:s20+$0x80];
	_ =	sdelay $0x4  }
0xb5: {  	[tilespmem:v56+s17+$0x0] =	vst.idx.msk $0xffff, v33  }
0xb6: {  	v57 =	vadd.s32 v26, v35;
	v33 =	vld [tilespmem:s20+$0x90];
	_ =	sdelay $0x4  }
0xb7: {  	[tilespmem:v57+s17+$0x0] =	vst.idx.msk $0xffff, v33  }
0xb8: {  	v58 =	vadd.s32 v27, v35;
	v33 =	vld [tilespmem:s20+$0xA0];
	_ =	sdelay $0x4  }
0xb9: {  	[tilespmem:v58+s17+$0x0] =	vst.idx.msk $0xffff, v33  }
0xba: {  	s25 =	simm.s32 $0x7;
	v59 =	vadd.s32 v28, v35;
	v33 =	vld [tilespmem:s20+$0xB0]  }
0xbb: {  	v60 =	vmov s25  }
0xbc: {  	v35 =	vshrl.u32 v60, $0x3  }
0xbd: {  	v35 =	vshll.u32 v35, v1  }
0xbe: {  	v35 =	vbroadcast v35, $0x0  }
0xbf: {  	[tilespmem:v59+s17+$0x0] =	vst.idx.msk $0xffff, v33  }
0xc0: {  	v61 =	vadd.s32 v29, v35;
	v33 =	vld [tilespmem:s20+$0xC0];
	_ =	sdelay $0x4  }
0xc1: {  	[tilespmem:v61+s17+$0x0] =	vst.idx.msk $0xffff, v33  }
0xc2: {  	v62 =	vadd.s32 v30, v35;
	v33 =	vld [tilespmem:s20+$0xD0];
	_ =	sdelay $0x4  }
0xc3: {  	[tilespmem:v62+s17+$0x0] =	vst.idx.msk $0xffff, v33  }
0xc4: {  	v63 =	vadd.s32 v31, v35;
	v33 =	vld [tilespmem:s20+$0xE0];
	_ =	sdelay $0x4  }
0xc5: {  	[tilespmem:v63+s17+$0x0] =	vst.idx.msk $0xffff, v33  }
0xc6: {  	s21 =	simm.s32 $0x8;
	v34 =	vadd.s32 v32, v35;
	v33 =	vld [tilespmem:s20+$0xF0]  }
0xc7: {  	s22 =	simm.s32 $0x10;
	s19 =	sshll.u32 s18, $0x1;
	v35 =	vmov s21  }
.LBB2_3:
0xc8: {  	p1 =	slt.u32 s22, $0x78;
	v35 =	vshrl.u32 v35, $0x3  }
0xc9: {  	v35 =	vshll.u32 v35, v1  }
0xca: {  	v35 =	vbroadcast v35, $0x0  }
0xcb: {  	s20 =	sadd.s32 $0x200, s20;
	[tilespmem:v34+s17+$0x0] =	vst.idx.msk $0xffff, v33  }
0xcc: {  	v33 =	vld [tilespmem:s20+$0xFFFFFF00];
	v34 =	vadd.s32 v0, v35;
	_ =	sdelay $0x4  }
0xcd: {  	[tilespmem:v34+s17+$0x0] =	vst.idx.msk $0xffff, v33  }
0xce: {  	v34 =	vadd.s32 v2, v35;
	v33 =	vld [tilespmem:s20+$0xFFFFFF10];
	_ =	sdelay $0x4  }
0xcf: {  	[tilespmem:v34+s17+$0x0] =	vst.idx.msk $0xffff, v33  }
0xd0: {  	v34 =	vadd.s32 v3, v35;
	v33 =	vld [tilespmem:s20+$0xFFFFFF20];
	_ =	sdelay $0x4  }
0xd1: {  	[tilespmem:v34+s17+$0x0] =	vst.idx.msk $0xffff, v33  }
0xd2: {  	s23 =	sadd.s32 $0x1, s21;
	v34 =	vadd.s32 v4, v35;
	v33 =	vld [tilespmem:s20+$0xFFFFFF30]  }
0xd3: {  	v35 =	vmov s23  }
0xd4: {  	v35 =	vshrl.u32 v35, $0x3  }
0xd5: {  	v35 =	vshll.u32 v35, v1  }
0xd6: {  	v35 =	vbroadcast v35, $0x0  }
0xd7: {  	[tilespmem:v34+s17+$0x0] =	vst.idx.msk $0xffff, v33  }
0xd8: {  	v34 =	vadd.s32 v5, v35;
	v33 =	vld [tilespmem:s20+$0xFFFFFF40];
	_ =	sdelay $0x4  }
0xd9: {  	[tilespmem:v34+s17+$0x0] =	vst.idx.msk $0xffff, v33  }
0xda: {  	v34 =	vadd.s32 v6, v35;
	v33 =	vld [tilespmem:s20+$0xFFFFFF50];
	_ =	sdelay $0x4  }
0xdb: {  	[tilespmem:v34+s17+$0x0] =	vst.idx.msk $0xffff, v33  }
0xdc: {  	v34 =	vadd.s32 v7, v35;
	v33 =	vld [tilespmem:s20+$0xFFFFFF60];
	_ =	sdelay $0x4  }
0xdd: {  	[tilespmem:v34+s17+$0x0] =	vst.idx.msk $0xffff, v33  }
0xde: {  	s23 =	sadd.s32 $0x2, s21;
	v34 =	vadd.s32 v8, v35;
	v33 =	vld [tilespmem:s20+$0xFFFFFF70]  }
0xdf: {  	v35 =	vmov s23  }
0xe0: {  	v35 =	vshrl.u32 v35, $0x3  }
0xe1: {  	v35 =	vshll.u32 v35, v1  }
0xe2: {  	v35 =	vbroadcast v35, $0x0  }
0xe3: {  	[tilespmem:v34+s17+$0x0] =	vst.idx.msk $0xffff, v33  }
0xe4: {  	v34 =	vadd.s32 v9, v35;
	v33 =	vld [tilespmem:s20+$0xFFFFFF80];
	_ =	sdelay $0x4  }
0xe5: {  	[tilespmem:v34+s17+$0x0] =	vst.idx.msk $0xffff, v33  }
0xe6: {  	v34 =	vadd.s32 v10, v35;
	v33 =	vld [tilespmem:s20+$0xFFFFFF90];
	_ =	sdelay $0x4  }
0xe7: {  	[tilespmem:v34+s17+$0x0] =	vst.idx.msk $0xffff, v33  }
0xe8: {  	v34 =	vadd.s32 v11, v35;
	v33 =	vld [tilespmem:s20+$0xFFFFFFA0];
	_ =	sdelay $0x4  }
0xe9: {  	[tilespmem:v34+s17+$0x0] =	vst.idx.msk $0xffff, v33  }
0xea: {  	s23 =	sadd.s32 $0x3, s21;
	v34 =	vadd.s32 v12, v35;
	v33 =	vld [tilespmem:s20+$0xFFFFFFB0]  }
0xeb: {  	v35 =	vmov s23  }
0xec: {  	v35 =	vshrl.u32 v35, $0x3  }
0xed: {  	v35 =	vshll.u32 v35, v1  }
0xee: {  	v35 =	vbroadcast v35, $0x0  }
0xef: {  	[tilespmem:v34+s17+$0x0] =	vst.idx.msk $0xffff, v33  }
0xf0: {  	v34 =	vadd.s32 v13, v35;
	v33 =	vld [tilespmem:s20+$0xFFFFFFC0];
	_ =	sdelay $0x4  }
0xf1: {  	[tilespmem:v34+s17+$0x0] =	vst.idx.msk $0xffff, v33  }
0xf2: {  	v34 =	vadd.s32 v14, v35;
	v33 =	vld [tilespmem:s20+$0xFFFFFFD0];
	_ =	sdelay $0x4  }
0xf3: {  	[tilespmem:v34+s17+$0x0] =	vst.idx.msk $0xffff, v33  }
0xf4: {  	v34 =	vadd.s32 v15, v35;
	v33 =	vld [tilespmem:s20+$0xFFFFFFE0];
	_ =	sdelay $0x4  }
0xf5: {  	[tilespmem:v34+s17+$0x0] =	vst.idx.msk $0xffff, v33  }
0xf6: {  	s23 =	sadd.s32 $0x4, s21;
	v34 =	vadd.s32 v16, v35;
	v33 =	vld [tilespmem:s20+$0xFFFFFFF0]  }
0xf7: {  	v35 =	vmov s23  }
0xf8: {  	v35 =	vshrl.u32 v35, $0x3  }
0xf9: {  	v35 =	vshll.u32 v35, v1  }
0xfa: {  	v35 =	vbroadcast v35, $0x0  }
0xfb: {  	[tilespmem:v34+s17+$0x0] =	vst.idx.msk $0xffff, v33  }
0xfc: {  	v34 =	vadd.s32 v17, v35;
	v33 =	vld [tilespmem:s20+$0x0];
	_ =	sdelay $0x4  }
0xfd: {  	[tilespmem:v34+s17+$0x0] =	vst.idx.msk $0xffff, v33  }
0xfe: {  	v34 =	vadd.s32 v18, v35;
	v33 =	vld [tilespmem:s20+$0x10];
	_ =	sdelay $0x4  }
0xff: {  	[tilespmem:v34+s17+$0x0] =	vst.idx.msk $0xffff, v33  }
0x100: {  	v34 =	vadd.s32 v19, v35;
	v33 =	vld [tilespmem:s20+$0x20];
	_ =	sdelay $0x4  }
0x101: {  	[tilespmem:v34+s17+$0x0] =	vst.idx.msk $0xffff, v33  }
0x102: {  	s23 =	sadd.s32 $0x5, s21;
	v34 =	vadd.s32 v20, v35;
	v33 =	vld [tilespmem:s20+$0x30]  }
0x103: {  	v35 =	vmov s23  }
0x104: {  	v35 =	vshrl.u32 v35, $0x3  }
0x105: {  	v35 =	vshll.u32 v35, v1  }
0x106: {  	v35 =	vbroadcast v35, $0x0  }
0x107: {  	[tilespmem:v34+s17+$0x0] =	vst.idx.msk $0xffff, v33  }
0x108: {  	v34 =	vadd.s32 v21, v35;
	v33 =	vld [tilespmem:s20+$0x40];
	_ =	sdelay $0x4  }
0x109: {  	[tilespmem:v34+s17+$0x0] =	vst.idx.msk $0xffff, v33  }
0x10a: {  	v34 =	vadd.s32 v22, v35;
	v33 =	vld [tilespmem:s20+$0x50];
	_ =	sdelay $0x4  }
0x10b: {  	[tilespmem:v34+s17+$0x0] =	vst.idx.msk $0xffff, v33  }
0x10c: {  	v34 =	vadd.s32 v23, v35;
	v33 =	vld [tilespmem:s20+$0x60];
	_ =	sdelay $0x4  }
0x10d: {  	[tilespmem:v34+s17+$0x0] =	vst.idx.msk $0xffff, v33  }
0x10e: {  	s23 =	sadd.s32 $0x6, s21;
	v34 =	vadd.s32 v24, v35;
	v33 =	vld [tilespmem:s20+$0x70]  }
0x10f: {  	v35 =	vmov s23  }
0x110: {  	v35 =	vshrl.u32 v35, $0x3  }
0x111: {  	v35 =	vshll.u32 v35, v1  }
0x112: {  	v35 =	vbroadcast v35, $0x0  }
0x113: {  	[tilespmem:v34+s17+$0x0] =	vst.idx.msk $0xffff, v33  }
0x114: {  	v34 =	vadd.s32 v25, v35;
	v33 =	vld [tilespmem:s20+$0x80];
	_ =	sdelay $0x4  }
0x115: {  	[tilespmem:v34+s17+$0x0] =	vst.idx.msk $0xffff, v33  }
0x116: {  	v34 =	vadd.s32 v26, v35;
	v33 =	vld [tilespmem:s20+$0x90];
	_ =	sdelay $0x4  }
0x117: {  	[tilespmem:v34+s17+$0x0] =	vst.idx.msk $0xffff, v33  }
0x118: {  	v34 =	vadd.s32 v27, v35;
	v33 =	vld [tilespmem:s20+$0xA0];
	_ =	sdelay $0x4  }
0x119: {  	[tilespmem:v34+s17+$0x0] =	vst.idx.msk $0xffff, v33  }
0x11a: {  	s23 =	sadd.s32 $0x7, s21;
	s21 =	smov.u32 s22;
	v34 =	vadd.s32 v28, v35;
	v33 =	vld [tilespmem:s20+$0xB0]  }
0x11b: {  	v35 =	vmov s23  }
0x11c: {  	v35 =	vshrl.u32 v35, $0x3  }
0x11d: {  	v35 =	vshll.u32 v35, v1  }
0x11e: {  	v35 =	vbroadcast v35, $0x0  }
0x11f: {  	[tilespmem:v34+s17+$0x0] =	vst.idx.msk $0xffff, v33  }
0x120: {  	v34 =	vadd.s32 v29, v35;
	v33 =	vld [tilespmem:s20+$0xC0];
	_ =	sdelay $0x4  }
0x121: {  	[tilespmem:v34+s17+$0x0] =	vst.idx.msk $0xffff, v33  }
0x122: {  	v34 =	vadd.s32 v30, v35;
	v33 =	vld [tilespmem:s20+$0xD0];
	_ =	sdelay $0x4  }
0x123: {  	[tilespmem:v34+s17+$0x0] =	vst.idx.msk $0xffff, v33  }
0x124: {  	v34 =	vadd.s32 v31, v35;
	v33 =	vld [tilespmem:s20+$0xE0];
	_ =	sdelay $0x2  }
.Ltmp2:
0x125: {  	(pc) =	sbr.rel @p1 .LBB2_3-.Ltmp2, $4  }
0x126: {  	_ = 	snop  }
0x127: {  	[tilespmem:v34+s17+$0x0] =	vst.idx.msk $0xffff, v33  }
0x128: {  	v34 =	vadd.s32 v32, v35;
	v33 =	vld [tilespmem:s20+$0xF0]  }
0x129: {  	s22 =	sadd.s32 $0x8, s22;
	v35 =	vmov s21  }
0x12a: {  	_ = 	snop  }
0x12b: {  	v35 =	vshrl.u32 v35, $0x3  }
0x12c: {  	v35 =	vshll.u32 v35, v1  }
0x12d: {  	v35 =	vbroadcast v35, $0x0  }
0x12e: {  	s20 =	sadd.s32 $0x200, s20;
	[tilespmem:v34+s17+$0x0] =	vst.idx.msk $0xffff, v33  }
0x12f: {  	v33 =	vld [tilespmem:s20+$0xFFFFFF00];
	v53 =	vadd.s32 v0, v35;
	_ =	sdelay $0x4  }
0x130: {  	[tilespmem:v53+s17+$0x0] =	vst.idx.msk $0xffff, v33  }
0x131: {  	v54 =	vadd.s32 v2, v35;
	v33 =	vld [tilespmem:s20+$0xFFFFFF10];
	_ =	sdelay $0x4  }
0x132: {  	[tilespmem:v54+s17+$0x0] =	vst.idx.msk $0xffff, v33  }
0x133: {  	v55 =	vadd.s32 v3, v35;
	v33 =	vld [tilespmem:s20+$0xFFFFFF20];
	_ =	sdelay $0x4  }
0x134: {  	[tilespmem:v55+s17+$0x0] =	vst.idx.msk $0xffff, v33  }
0x135: {  	s22 =	sadd.s32 $0x1, s21;
	v56 =	vadd.s32 v4, v35;
	v33 =	vld [tilespmem:s20+$0xFFFFFF30]  }
0x136: {  	v57 =	vmov s22  }
0x137: {  	v35 =	vshrl.u32 v57, $0x3  }
0x138: {  	v35 =	vshll.u32 v35, v1  }
0x139: {  	v35 =	vbroadcast v35, $0x0  }
0x13a: {  	[tilespmem:v56+s17+$0x0] =	vst.idx.msk $0xffff, v33  }
0x13b: {  	v58 =	vadd.s32 v5, v35;
	v33 =	vld [tilespmem:s20+$0xFFFFFF40];
	_ =	sdelay $0x4  }
0x13c: {  	[tilespmem:v58+s17+$0x0] =	vst.idx.msk $0xffff, v33  }
0x13d: {  	v59 =	vadd.s32 v6, v35;
	v33 =	vld [tilespmem:s20+$0xFFFFFF50];
	_ =	sdelay $0x4  }
0x13e: {  	[tilespmem:v59+s17+$0x0] =	vst.idx.msk $0xffff, v33  }
0x13f: {  	v60 =	vadd.s32 v7, v35;
	v33 =	vld [tilespmem:s20+$0xFFFFFF60];
	_ =	sdelay $0x4  }
0x140: {  	[tilespmem:v60+s17+$0x0] =	vst.idx.msk $0xffff, v33  }
0x141: {  	s24 =	sadd.s32 $0x2, s21;
	v61 =	vadd.s32 v8, v35;
	v33 =	vld [tilespmem:s20+$0xFFFFFF70]  }
0x142: {  	v62 =	vmov s24  }
0x143: {  	v35 =	vshrl.u32 v62, $0x3  }
0x144: {  	v35 =	vshll.u32 v35, v1  }
0x145: {  	v35 =	vbroadcast v35, $0x0  }
0x146: {  	[tilespmem:v61+s17+$0x0] =	vst.idx.msk $0xffff, v33  }
0x147: {  	v63 =	vadd.s32 v9, v35;
	v33 =	vld [tilespmem:s20+$0xFFFFFF80];
	_ =	sdelay $0x4  }
0x148: {  	[tilespmem:v63+s17+$0x0] =	vst.idx.msk $0xffff, v33  }
0x149: {  	v36 =	vadd.s32 v10, v35;
	v33 =	vld [tilespmem:s20+$0xFFFFFF90];
	_ =	sdelay $0x4  }
0x14a: {  	[tilespmem:v36+s17+$0x0] =	vst.idx.msk $0xffff, v33  }
0x14b: {  	v37 =	vadd.s32 v11, v35;
	v33 =	vld [tilespmem:s20+$0xFFFFFFA0];
	_ =	sdelay $0x4  }
0x14c: {  	[tilespmem:v37+s17+$0x0] =	vst.idx.msk $0xffff, v33  }
0x14d: {  	s25 =	sadd.s32 $0x3, s21;
	v38 =	vadd.s32 v12, v35;
	v33 =	vld [tilespmem:s20+$0xFFFFFFB0]  }
0x14e: {  	v39 =	vmov s25  }
0x14f: {  	v35 =	vshrl.u32 v39, $0x3  }
0x150: {  	v35 =	vshll.u32 v35, v1  }
0x151: {  	v35 =	vbroadcast v35, $0x0  }
0x152: {  	[tilespmem:v38+s17+$0x0] =	vst.idx.msk $0xffff, v33  }
0x153: {  	v40 =	vadd.s32 v13, v35;
	v33 =	vld [tilespmem:s20+$0xFFFFFFC0];
	_ =	sdelay $0x4  }
0x154: {  	[tilespmem:v40+s17+$0x0] =	vst.idx.msk $0xffff, v33  }
0x155: {  	v41 =	vadd.s32 v14, v35;
	v33 =	vld [tilespmem:s20+$0xFFFFFFD0];
	_ =	sdelay $0x4  }
0x156: {  	[tilespmem:v41+s17+$0x0] =	vst.idx.msk $0xffff, v33  }
0x157: {  	v42 =	vadd.s32 v15, v35;
	v33 =	vld [tilespmem:s20+$0xFFFFFFE0];
	_ =	sdelay $0x4  }
0x158: {  	[tilespmem:v42+s17+$0x0] =	vst.idx.msk $0xffff, v33  }
0x159: {  	s23 =	sadd.s32 $0x4, s21;
	v43 =	vadd.s32 v16, v35;
	v33 =	vld [tilespmem:s20+$0xFFFFFFF0]  }
0x15a: {  	v44 =	vmov s23  }
0x15b: {  	v35 =	vshrl.u32 v44, $0x3  }
0x15c: {  	v35 =	vshll.u32 v35, v1  }
0x15d: {  	v35 =	vbroadcast v35, $0x0  }
0x15e: {  	[tilespmem:v43+s17+$0x0] =	vst.idx.msk $0xffff, v33  }
0x15f: {  	v45 =	vadd.s32 v17, v35;
	v33 =	vld [tilespmem:s20+$0x0];
	_ =	sdelay $0x4  }
0x160: {  	[tilespmem:v45+s17+$0x0] =	vst.idx.msk $0xffff, v33  }
0x161: {  	v46 =	vadd.s32 v18, v35;
	v33 =	vld [tilespmem:s20+$0x10];
	_ =	sdelay $0x4  }
0x162: {  	[tilespmem:v46+s17+$0x0] =	vst.idx.msk $0xffff, v33  }
0x163: {  	v47 =	vadd.s32 v19, v35;
	v33 =	vld [tilespmem:s20+$0x20];
	_ =	sdelay $0x4  }
0x164: {  	[tilespmem:v47+s17+$0x0] =	vst.idx.msk $0xffff, v33  }
0x165: {  	s24 =	sadd.s32 $0x5, s21;
	v48 =	vadd.s32 v20, v35;
	v33 =	vld [tilespmem:s20+$0x30]  }
0x166: {  	v49 =	vmov s24  }
0x167: {  	v35 =	vshrl.u32 v49, $0x3  }
0x168: {  	v35 =	vshll.u32 v35, v1  }
0x169: {  	v35 =	vbroadcast v35, $0x0  }
0x16a: {  	[tilespmem:v48+s17+$0x0] =	vst.idx.msk $0xffff, v33  }
0x16b: {  	v50 =	vadd.s32 v21, v35;
	v33 =	vld [tilespmem:s20+$0x40];
	_ =	sdelay $0x4  }
0x16c: {  	[tilespmem:v50+s17+$0x0] =	vst.idx.msk $0xffff, v33  }
0x16d: {  	v51 =	vadd.s32 v22, v35;
	v33 =	vld [tilespmem:s20+$0x50];
	_ =	sdelay $0x4  }
0x16e: {  	[tilespmem:v51+s17+$0x0] =	vst.idx.msk $0xffff, v33  }
0x16f: {  	v52 =	vadd.s32 v23, v35;
	v33 =	vld [tilespmem:s20+$0x60];
	_ =	sdelay $0x4  }
0x170: {  	[tilespmem:v52+s17+$0x0] =	vst.idx.msk $0xffff, v33  }
0x171: {  	s25 =	sadd.s32 $0x6, s21;
	v53 =	vadd.s32 v24, v35;
	v33 =	vld [tilespmem:s20+$0x70]  }
0x172: {  	v54 =	vmov s25  }
0x173: {  	v35 =	vshrl.u32 v54, $0x3  }
0x174: {  	v35 =	vshll.u32 v35, v1  }
0x175: {  	v35 =	vbroadcast v35, $0x0  }
0x176: {  	[tilespmem:v53+s17+$0x0] =	vst.idx.msk $0xffff, v33  }
0x177: {  	v55 =	vadd.s32 v25, v35;
	v33 =	vld [tilespmem:s20+$0x80];
	_ =	sdelay $0x4  }
0x178: {  	[tilespmem:v55+s17+$0x0] =	vst.idx.msk $0xffff, v33  }
0x179: {  	v56 =	vadd.s32 v26, v35;
	v33 =	vld [tilespmem:s20+$0x90];
	_ =	sdelay $0x4  }
0x17a: {  	[tilespmem:v56+s17+$0x0] =	vst.idx.msk $0xffff, v33  }
0x17b: {  	v57 =	vadd.s32 v27, v35;
	v33 =	vld [tilespmem:s20+$0xA0];
	_ =	sdelay $0x4  }
0x17c: {  	[tilespmem:v57+s17+$0x0] =	vst.idx.msk $0xffff, v33  }
0x17d: {  	s23 =	sadd.s32 $0x7, s21;
	v58 =	vadd.s32 v28, v35;
	v33 =	vld [tilespmem:s20+$0xB0]  }
0x17e: {  	v59 =	vmov s23  }
0x17f: {  	v35 =	vshrl.u32 v59, $0x3  }
0x180: {  	v35 =	vshll.u32 v35, v1  }
0x181: {  	v35 =	vbroadcast v35, $0x0  }
0x182: {  	[tilespmem:v58+s17+$0x0] =	vst.idx.msk $0xffff, v33  }
0x183: {  	v60 =	vadd.s32 v29, v35;
	v33 =	vld [tilespmem:s20+$0xC0];
	_ =	sdelay $0x4  }
0x184: {  	[tilespmem:v60+s17+$0x0] =	vst.idx.msk $0xffff, v33  }
0x185: {  	v61 =	vadd.s32 v30, v35;
	v33 =	vld [tilespmem:s20+$0xD0];
	_ =	sdelay $0x4  }
0x186: {  	[tilespmem:v61+s17+$0x0] =	vst.idx.msk $0xffff, v33  }
0x187: {  	v62 =	vadd.s32 v31, v35;
	v33 =	vld [tilespmem:s20+$0xE0];
	_ =	sdelay $0x4  }
0x188: {  	s24 =	sshrl.u32 s18, $0x1;
	[tilespmem:v62+s17+$0x0] =	vst.idx.msk $0xffff, v33  }
0x189: {  	s21 =	sshll.u32 s24, $0x2;
	s25 =	sadd.s32 s4, s19;
	v63 =	vadd.s32 v32, v35;
	v33 =	vld [tilespmem:s20+$0xF0]  }
0x18a: {  	s23 =	ssub.s32 s25, s21  }
0x18b: {  	s23 =	sshll.u32 s23, $0xA;
	s20 =	sshll.u32 s24, $0x14  }
0x18c: {  	s22 =	sadd.s32 s20, s23  }
0x18d: {  	s24 =	sshrl.u32 s22, $0x3  }
0x18e: {  	s23 =	sadd.s32 s2, s24;
	[tilespmem:v63+s17+$0x0] =	vst.idx.msk $0xffff, v33  }
0x18f: {  	[hbm4b:s23+s3] =	stream.linear.scatter [tilespmem:s17], [sflag:$0x3], $0x80, $0x38;
	[tilespmem:$0xF800] =	vst v63  }
0x190: {  	s25 =	simm.s32 $0xB090;
	s24 =	sadd.s32 $0x10, s23  }
0x191: {  	[hbm4b:s24+s3] =	stream.linear.scatter [tilespmem:s25], [sflag:$0x3], $0x80, $0x38;
	[tilespmem:$0xF800] =	vst v63  }
0x192: {  	s24 =	sadd.s32 $0x20, s23;
	s25 =	simm.s32 $0xB120  }
0x193: {  	[hbm4b:s24+s3] =	stream.linear.scatter [tilespmem:s25], [sflag:$0x3], $0x80, $0x38;
	[tilespmem:$0xF800] =	vst v63  }
0x194: {  	s24 =	sadd.s32 $0x30, s23;
	s25 =	simm.s32 $0xB1B0  }
0x195: {  	[hbm4b:s24+s3] =	stream.linear.scatter [tilespmem:s25], [sflag:$0x3], $0x80, $0x38;
	[tilespmem:$0xF800] =	vst v63  }
0x196: {  	s24 =	sadd.s32 $0x40, s23;
	s25 =	simm.s32 $0xB240  }
0x197: {  	[hbm4b:s24+s3] =	stream.linear.scatter [tilespmem:s25], [sflag:$0x3], $0x80, $0x38;
	[tilespmem:$0xF800] =	vst v63  }
0x198: {  	s24 =	sadd.s32 $0x50, s23;
	s25 =	simm.s32 $0xB2D0  }
0x199: {  	[hbm4b:s24+s3] =	stream.linear.scatter [tilespmem:s25], [sflag:$0x3], $0x80, $0x38;
	[tilespmem:$0xF800] =	vst v63  }
0x19a: {  	s24 =	sadd.s32 $0x60, s23;
	s25 =	simm.s32 $0xB360  }
0x19b: {  	[hbm4b:s24+s3] =	stream.linear.scatter [tilespmem:s25], [sflag:$0x3], $0x80, $0x38;
	[tilespmem:$0xF800] =	vst v63  }
0x19c: {  	s23 =	sadd.s32 $0x70, s23;
	s25 =	simm.s32 $0xB3F0;
	s24 =	sadd.s32 $0x20000, s22  }
0x19d: {  	[hbm4b:s23+s3] =	stream.linear.scatter [tilespmem:s25], [sflag:$0x3], $0x80, $0x38;
	[tilespmem:$0xF800] =	vst v63  }
0x19e: {  	s23 =	sshrl.u32 s24, $0x3  }
0x19f: {  	s25 =	simm.s32 $0xB480;
	s23 =	sadd.s32 s2, s23  }
0x1a0: {  	[hbm4b:s23+s3] =	stream.linear.scatter [tilespmem:s25], [sflag:$0x3], $0x80, $0x38;
	[tilespmem:$0xF800] =	vst v63  }
0x1a1: {  	s24 =	sadd.s32 $0x10, s23;
	s25 =	simm.s32 $0xB510  }
0x1a2: {  	[hbm4b:s24+s3] =	stream.linear.scatter [tilespmem:s25], [sflag:$0x3], $0x80, $0x38;
	[tilespmem:$0xF800] =	vst v63  }
0x1a3: {  	s24 =	sadd.s32 $0x20, s23;
	s25 =	simm.s32 $0xB5A0  }
0x1a4: {  	[hbm4b:s24+s3] =	stream.linear.scatter [tilespmem:s25], [sflag:$0x3], $0x80, $0x38;
	[tilespmem:$0xF800] =	vst v63  }
0x1a5: {  	s24 =	sadd.s32 $0x30, s23;
	s25 =	simm.s32 $0xB630  }
0x1a6: {  	[hbm4b:s24+s3] =	stream.linear.scatter [tilespmem:s25], [sflag:$0x3], $0x80, $0x38;
	[tilespmem:$0xF800] =	vst v63  }
0x1a7: {  	s24 =	sadd.s32 $0x40, s23;
	s25 =	simm.s32 $0xB6C0  }
0x1a8: {  	[hbm4b:s24+s3] =	stream.linear.scatter [tilespmem:s25], [sflag:$0x3], $0x80, $0x38;
	[tilespmem:$0xF800] =	vst v63  }
0x1a9: {  	s24 =	sadd.s32 $0x50, s23;
	s25 =	simm.s32 $0xB750  }
0x1aa: {  	[hbm4b:s24+s3] =	stream.linear.scatter [tilespmem:s25], [sflag:$0x3], $0x80, $0x38;
	[tilespmem:$0xF800] =	vst v63  }
0x1ab: {  	s24 =	sadd.s32 $0x60, s23;
	s25 =	simm.s32 $0xB7E0  }
0x1ac: {  	[hbm4b:s24+s3] =	stream.linear.scatter [tilespmem:s25], [sflag:$0x3], $0x80, $0x38;
	[tilespmem:$0xF800] =	vst v63  }
0x1ad: {  	s23 =	sadd.s32 $0x70, s23;
	s25 =	simm.s32 $0xB870;
	s24 =	sadd.s32 $0x40000, s22  }
0x1ae: {  	[hbm4b:s23+s3] =	stream.linear.scatter [tilespmem:s25], [sflag:$0x3], $0x80, $0x38;
	[tilespmem:$0xF800] =	vst v63  }
0x1af: {  	s23 =	sshrl.u32 s24, $0x3  }
0x1b0: {  	s25 =	simm.s32 $0xB900;
	s23 =	sadd.s32 s2, s23  }
0x1b1: {  	[hbm4b:s23+s3] =	stream.linear.scatter [tilespmem:s25], [sflag:$0x3], $0x80, $0x38;
	[tilespmem:$0xF800] =	vst v63  }
0x1b2: {  	s24 =	sadd.s32 $0x10, s23;
	s25 =	simm.s32 $0xB990  }
0x1b3: {  	[hbm4b:s24+s3] =	stream.linear.scatter [tilespmem:s25], [sflag:$0x3], $0x80, $0x38;
	[tilespmem:$0xF800] =	vst v63  }
0x1b4: {  	s24 =	sadd.s32 $0x20, s23;
	s25 =	simm.s32 $0xBA20  }
0x1b5: {  	[hbm4b:s24+s3] =	stream.linear.scatter [tilespmem:s25], [sflag:$0x3], $0x80, $0x38;
	[tilespmem:$0xF800] =	vst v63  }
0x1b6: {  	s24 =	sadd.s32 $0x30, s23;
	s25 =	simm.s32 $0xBAB0  }
0x1b7: {  	[hbm4b:s24+s3] =	stream.linear.scatter [tilespmem:s25], [sflag:$0x3], $0x80, $0x38;
	[tilespmem:$0xF800] =	vst v63  }
0x1b8: {  	s24 =	sadd.s32 $0x40, s23;
	s25 =	simm.s32 $0xBB40  }
0x1b9: {  	[hbm4b:s24+s3] =	stream.linear.scatter [tilespmem:s25], [sflag:$0x3], $0x80, $0x38;
	[tilespmem:$0xF800] =	vst v63  }
0x1ba: {  	s24 =	sadd.s32 $0x50, s23;
	s25 =	simm.s32 $0xBBD0  }
0x1bb: {  	[hbm4b:s24+s3] =	stream.linear.scatter [tilespmem:s25], [sflag:$0x3], $0x80, $0x38;
	[tilespmem:$0xF800] =	vst v63  }
0x1bc: {  	s24 =	sadd.s32 $0x60, s23;
	s25 =	simm.s32 $0xBC60  }
0x1bd: {  	[hbm4b:s24+s3] =	stream.linear.scatter [tilespmem:s25], [sflag:$0x3], $0x80, $0x38;
	[tilespmem:$0xF800] =	vst v63  }
0x1be: {  	s23 =	sadd.s32 $0x70, s23;
	s25 =	simm.s32 $0xBCF0;
	s24 =	sadd.s32 $0x60000, s22  }
0x1bf: {  	[hbm4b:s23+s3] =	stream.linear.scatter [tilespmem:s25], [sflag:$0x3], $0x80, $0x38;
	[tilespmem:$0xF800] =	vst v63  }
0x1c0: {  	s23 =	sshrl.u32 s24, $0x3  }
0x1c1: {  	s25 =	simm.s32 $0xBD80;
	s23 =	sadd.s32 s2, s23  }
0x1c2: {  	[hbm4b:s23+s3] =	stream.linear.scatter [tilespmem:s25], [sflag:$0x3], $0x80, $0x38;
	[tilespmem:$0xF800] =	vst v63  }
0x1c3: {  	s24 =	sadd.s32 $0x10, s23;
	s25 =	simm.s32 $0xBE10  }
0x1c4: {  	[hbm4b:s24+s3] =	stream.linear.scatter [tilespmem:s25], [sflag:$0x3], $0x80, $0x38;
	[tilespmem:$0xF800] =	vst v63  }
0x1c5: {  	s24 =	sadd.s32 $0x20, s23;
	s25 =	simm.s32 $0xBEA0  }
0x1c6: {  	[hbm4b:s24+s3] =	stream.linear.scatter [tilespmem:s25], [sflag:$0x3], $0x80, $0x38;
	[tilespmem:$0xF800] =	vst v63  }
0x1c7: {  	s24 =	sadd.s32 $0x30, s23;
	s25 =	simm.s32 $0xBF30  }
0x1c8: {  	[hbm4b:s24+s3] =	stream.linear.scatter [tilespmem:s25], [sflag:$0x3], $0x80, $0x38;
	[tilespmem:$0xF800] =	vst v63  }
0x1c9: {  	s24 =	sadd.s32 $0x40, s23;
	s25 =	simm.s32 $0xBFC0  }
0x1ca: {  	[hbm4b:s24+s3] =	stream.linear.scatter [tilespmem:s25], [sflag:$0x3], $0x80, $0x38;
	[tilespmem:$0xF800] =	vst v63  }
0x1cb: {  	s24 =	sadd.s32 $0x50, s23;
	s25 =	simm.s32 $0xC050  }
0x1cc: {  	[hbm4b:s24+s3] =	stream.linear.scatter [tilespmem:s25], [sflag:$0x3], $0x80, $0x38;
	[tilespmem:$0xF800] =	vst v63  }
0x1cd: {  	s24 =	sadd.s32 $0x60, s23;
	s25 =	simm.s32 $0xC0E0  }
0x1ce: {  	[hbm4b:s24+s3] =	stream.linear.scatter [tilespmem:s25], [sflag:$0x3], $0x80, $0x38;
	[tilespmem:$0xF800] =	vst v63  }
0x1cf: {  	s23 =	sadd.s32 $0x70, s23;
	s25 =	simm.s32 $0xC170;
	s24 =	sadd.s32 $0x80000, s22  }
0x1d0: {  	[hbm4b:s23+s3] =	stream.linear.scatter [tilespmem:s25], [sflag:$0x3], $0x80, $0x38;
	[tilespmem:$0xF800] =	vst v63  }
0x1d1: {  	s23 =	sshrl.u32 s24, $0x3  }
0x1d2: {  	s25 =	simm.s32 $0xC200;
	s23 =	sadd.s32 s2, s23  }
0x1d3: {  	[hbm4b:s23+s3] =	stream.linear.scatter [tilespmem:s25], [sflag:$0x3], $0x80, $0x38;
	[tilespmem:$0xF800] =	vst v63  }
0x1d4: {  	s24 =	sadd.s32 $0x10, s23;
	s25 =	simm.s32 $0xC290  }
0x1d5: {  	[hbm4b:s24+s3] =	stream.linear.scatter [tilespmem:s25], [sflag:$0x3], $0x80, $0x38;
	[tilespmem:$0xF800] =	vst v63  }
0x1d6: {  	s24 =	sadd.s32 $0x20, s23;
	s25 =	simm.s32 $0xC320  }
0x1d7: {  	[hbm4b:s24+s3] =	stream.linear.scatter [tilespmem:s25], [sflag:$0x3], $0x80, $0x38;
	[tilespmem:$0xF800] =	vst v63  }
0x1d8: {  	s24 =	sadd.s32 $0x30, s23;
	s25 =	simm.s32 $0xC3B0  }
0x1d9: {  	[hbm4b:s24+s3] =	stream.linear.scatter [tilespmem:s25], [sflag:$0x3], $0x80, $0x38;
	[tilespmem:$0xF800] =	vst v63  }
0x1da: {  	s24 =	sadd.s32 $0x40, s23;
	s25 =	simm.s32 $0xC440  }
0x1db: {  	[hbm4b:s24+s3] =	stream.linear.scatter [tilespmem:s25], [sflag:$0x3], $0x80, $0x38;
	[tilespmem:$0xF800] =	vst v63  }
0x1dc: {  	s24 =	sadd.s32 $0x50, s23;
	s25 =	simm.s32 $0xC4D0  }
0x1dd: {  	[hbm4b:s24+s3] =	stream.linear.scatter [tilespmem:s25], [sflag:$0x3], $0x80, $0x38;
	[tilespmem:$0xF800] =	vst v63  }
0x1de: {  	s24 =	sadd.s32 $0x60, s23;
	s25 =	simm.s32 $0xC560  }
0x1df: {  	[hbm4b:s24+s3] =	stream.linear.scatter [tilespmem:s25], [sflag:$0x3], $0x80, $0x38;
	[tilespmem:$0xF800] =	vst v63  }
0x1e0: {  	s23 =	sadd.s32 $0x70, s23;
	s25 =	simm.s32 $0xC5F0;
	s24 =	sadd.s32 $0xA0000, s22  }
0x1e1: {  	[hbm4b:s23+s3] =	stream.linear.scatter [tilespmem:s25], [sflag:$0x3], $0x80, $0x38;
	[tilespmem:$0xF800] =	vst v63  }
0x1e2: {  	s23 =	sshrl.u32 s24, $0x3  }
0x1e3: {  	s25 =	simm.s32 $0xC680;
	s23 =	sadd.s32 s2, s23  }
0x1e4: {  	[hbm4b:s23+s3] =	stream.linear.scatter [tilespmem:s25], [sflag:$0x3], $0x80, $0x38;
	[tilespmem:$0xF800] =	vst v63  }
0x1e5: {  	s24 =	sadd.s32 $0x10, s23;
	s25 =	simm.s32 $0xC710  }
0x1e6: {  	[hbm4b:s24+s3] =	stream.linear.scatter [tilespmem:s25], [sflag:$0x3], $0x80, $0x38;
	[tilespmem:$0xF800] =	vst v63  }
0x1e7: {  	s24 =	sadd.s32 $0x20, s23;
	s25 =	simm.s32 $0xC7A0  }
0x1e8: {  	[hbm4b:s24+s3] =	stream.linear.scatter [tilespmem:s25], [sflag:$0x3], $0x80, $0x38;
	[tilespmem:$0xF800] =	vst v63  }
0x1e9: {  	s24 =	sadd.s32 $0x30, s23;
	s25 =	simm.s32 $0xC830  }
0x1ea: {  	[hbm4b:s24+s3] =	stream.linear.scatter [tilespmem:s25], [sflag:$0x3], $0x80, $0x38;
	[tilespmem:$0xF800] =	vst v63  }
0x1eb: {  	s24 =	sadd.s32 $0x40, s23;
	s25 =	simm.s32 $0xC8C0  }
0x1ec: {  	[hbm4b:s24+s3] =	stream.linear.scatter [tilespmem:s25], [sflag:$0x3], $0x80, $0x38;
	[tilespmem:$0xF800] =	vst v63  }
0x1ed: {  	s24 =	sadd.s32 $0x50, s23;
	s25 =	simm.s32 $0xC950  }
0x1ee: {  	[hbm4b:s24+s3] =	stream.linear.scatter [tilespmem:s25], [sflag:$0x3], $0x80, $0x38;
	[tilespmem:$0xF800] =	vst v63  }
0x1ef: {  	s24 =	sadd.s32 $0x60, s23;
	s25 =	simm.s32 $0xC9E0  }
0x1f0: {  	[hbm4b:s24+s3] =	stream.linear.scatter [tilespmem:s25], [sflag:$0x3], $0x80, $0x38;
	[tilespmem:$0xF800] =	vst v63  }
0x1f1: {  	s23 =	sadd.s32 $0x70, s23;
	s25 =	simm.s32 $0xCA70;
	s24 =	sadd.s32 $0xC0000, s22  }
0x1f2: {  	[hbm4b:s23+s3] =	stream.linear.scatter [tilespmem:s25], [sflag:$0x3], $0x80, $0x38;
	[tilespmem:$0xF800] =	vst v63  }
0x1f3: {  	s23 =	sshrl.u32 s24, $0x3  }
0x1f4: {  	s25 =	simm.s32 $0xCB00;
	s23 =	sadd.s32 s2, s23  }
0x1f5: {  	[hbm4b:s23+s3] =	stream.linear.scatter [tilespmem:s25], [sflag:$0x3], $0x80, $0x38;
	[tilespmem:$0xF800] =	vst v63  }
0x1f6: {  	s24 =	sadd.s32 $0x10, s23;
	s25 =	simm.s32 $0xCB90  }
0x1f7: {  	[hbm4b:s24+s3] =	stream.linear.scatter [tilespmem:s25], [sflag:$0x3], $0x80, $0x38;
	[tilespmem:$0xF800] =	vst v63  }
0x1f8: {  	s24 =	sadd.s32 $0x20, s23;
	s25 =	simm.s32 $0xCC20  }
0x1f9: {  	[hbm4b:s24+s3] =	stream.linear.scatter [tilespmem:s25], [sflag:$0x3], $0x80, $0x38;
	[tilespmem:$0xF800] =	vst v63  }
0x1fa: {  	s24 =	sadd.s32 $0x30, s23;
	s25 =	simm.s32 $0xCCB0  }
0x1fb: {  	[hbm4b:s24+s3] =	stream.linear.scatter [tilespmem:s25], [sflag:$0x3], $0x80, $0x38;
	[tilespmem:$0xF800] =	vst v63  }
0x1fc: {  	s24 =	sadd.s32 $0x40, s23;
	s25 =	simm.s32 $0xCD40  }
0x1fd: {  	[hbm4b:s24+s3] =	stream.linear.scatter [tilespmem:s25], [sflag:$0x3], $0x80, $0x38;
	[tilespmem:$0xF800] =	vst v63  }
0x1fe: {  	s24 =	sadd.s32 $0x50, s23;
	s25 =	simm.s32 $0xCDD0  }
0x1ff: {  	[hbm4b:s24+s3] =	stream.linear.scatter [tilespmem:s25], [sflag:$0x3], $0x80, $0x38;
	[tilespmem:$0xF800] =	vst v63  }
0x200: {  	s22 =	sadd.s32 $0xE0000, s22;
	s24 =	sadd.s32 $0x60, s23;
	s25 =	simm.s32 $0xCE60  }
0x201: {  	[hbm4b:s24+s3] =	stream.linear.scatter [tilespmem:s25], [sflag:$0x3], $0x80, $0x38;
	[tilespmem:$0xF800] =	vst v63  }
0x202: {  	s22 =	sshrl.u32 s22, $0x3;
	s23 =	sadd.s32 $0x70, s23;
	s25 =	simm.s32 $0xCEF0  }
0x203: {  	[hbm4b:s23+s3] =	stream.linear.scatter [tilespmem:s25], [sflag:$0x3], $0x80, $0x38;
	[tilespmem:$0xF800] =	vst v63  }
0x204: {  	s22 =	sadd.s32 s2, s22;
	s25 =	simm.s32 $0xCF80  }
0x205: {  	[hbm4b:s22+s3] =	stream.linear.scatter [tilespmem:s25], [sflag:$0x3], $0x80, $0x38;
	[tilespmem:$0xF800] =	vst v63  }
0x206: {  	s24 =	sadd.s32 $0x10, s22;
	s25 =	simm.s32 $0xD010  }
0x207: {  	[hbm4b:s24+s3] =	stream.linear.scatter [tilespmem:s25], [sflag:$0x3], $0x80, $0x38;
	[tilespmem:$0xF800] =	vst v63  }
0x208: {  	s24 =	sadd.s32 $0x20, s22;
	s25 =	simm.s32 $0xD0A0  }
0x209: {  	[hbm4b:s24+s3] =	stream.linear.scatter [tilespmem:s25], [sflag:$0x3], $0x80, $0x38;
	[tilespmem:$0xF800] =	vst v63  }
0x20a: {  	s24 =	sadd.s32 $0x30, s22;
	s25 =	simm.s32 $0xD130  }
0x20b: {  	[hbm4b:s24+s3] =	stream.linear.scatter [tilespmem:s25], [sflag:$0x3], $0x80, $0x38;
	[tilespmem:$0xF800] =	vst v63  }
0x20c: {  	s24 =	sadd.s32 $0x40, s22;
	s25 =	simm.s32 $0xD1C0  }
0x20d: {  	[hbm4b:s24+s3] =	stream.linear.scatter [tilespmem:s25], [sflag:$0x3], $0x80, $0x38;
	[tilespmem:$0xF800] =	vst v63  }
0x20e: {  	p1 =	sne.s32 s18, $0x63;
	s24 =	sadd.s32 $0x50, s22;
	s25 =	simm.s32 $0xD250  }
0x20f: {  	[hbm4b:s24+s3] =	stream.linear.scatter [tilespmem:s25], [sflag:$0x3], $0x80, $0x38;
	[tilespmem:$0xF800] =	vst v63  }
.Ltmp3:
0x210: {  	_ = 	snop;
	(pc) =	sbr.rel @p1 .LBB2_6-.Ltmp3, $4  }
0x211: {  	s24 =	sadd.s32 $0x60, s22;
	s25 =	simm.s32 $0xD2E0  }
0x212: {  	[hbm4b:s24+s3] =	stream.linear.scatter [tilespmem:s25], [sflag:$0x3], $0x80, $0x38;
	[tilespmem:$0xF800] =	vst v63  }
0x213: {  	s22 =	sadd.s32 $0x70, s22;
	s25 =	simm.s32 $0xD370  }
0x214: {  	[hbm4b:s22+s3] =	stream.linear.scatter [tilespmem:s25], [sflag:$0x3], $0x80, $0x38;
	[tilespmem:$0xF800] =	vst v63  }
.Ltmp4:
0x215: {  	(pc) =	sbr.rel .LBB2_7-.Ltmp4, $4  }
0x216: {  	_ = 	snop  }
0x217: {  	_ =	swait.ge [sflag:s14], $0x2000  }
0x218: {  	[sflag:s14] =	ssyncset.done $0x0  }
0x219: {  	[sflag:s14] =	ssyncadd.s32 $0xFFFFE000  }
.LBB2_6:
0x21a: {  	s22 =	sadd.s32 $0x2, s19  }
0x21b: {  	s23 =	sshrl.u32 s22, $0x2;
	s24 =	sand.u32 $0x1C, s22  }
0x21c: {  	p1 =	seq.s32 s23, $0x0;
	p2 =	sne.s32 s24, $0x0  }
0x21d: {  	p1 =	por !p1, !p2  }
0x21e: {  	s24 =	simm.s32 $0x1;
	p1 =	por !p1, !p1  }
0x21f: {  	s25 =	sshrl.u32 s22, $0x5;
	s24 =	simm.s32 @!p1 $0x0  }
0x220: {  	s22 =	sshll.u32 s22, $0xA;
	s24 =	ssub.s32 s25, s24;
	s25 =	sshll.u32 s23, $0xC  }
0x221: {  	s22 =	ssub.s32 s22, s25;
	s25 =	sshll.u32 s24, $0xE  }
0x222: {  	s23 =	sshll.u32 s23, $0x7;
	s24 =	sshll.u32 s24, $0xA;
	s25 =	sshra.s32 s25, $0x2  }
0x223: {  	s23 =	ssub.s32 s23, s24;
	s22 =	sadd.s32 s22, s25  }
.Ltmp5:
0x224: {  	s25 =	simm.s32 $0x7000;
	s22 =	sadd.s32 s23, s22;
	(pc) =	sbr.rel @p0 .LBB2_8-.Ltmp5, $4  }
0x225: {  	[tilespmem:s25], [sflag:$0x1] =	stream.indirect.gather [hbm4b:s5+s12], $0x40, s22, s12, $0xb8;
	[tilespmem:$0xF800] =	vst v63  }
0x226: {  	_ =	swait.ge [sflag:s14], $0x2000  }
0x227: {  	[sflag:s14] =	ssyncset.done $0x0  }
0x228: {  	[sflag:s14] =	ssyncadd.s32 $0xFFFFE000  }
.LBB2_7:
0x229: {  	_ =	swait.ge [sflag:s6], $0x400  }
0x22a: {  	[sflag:s6] =	ssyncset.done $0x0  }
0x22b: {  	[sflag:s6] =	ssyncadd.s32 $0xFFFFFC00  }
0x22c: {  	_ =	swait.ge [sflag:s6], $0x400  }
0x22d: {  	[sflag:s6] =	ssyncset.done $0x0  }
0x22e: {  	[sflag:s6] =	ssyncadd.s32 $0xFFFFFC00  }
0x22f: {  	_ =	swait.ge [sflag:s6], $0x400  }
0x230: {  	[sflag:s6] =	ssyncset.done $0x0  }
0x231: {  	[sflag:s6] =	ssyncadd.s32 $0xFFFFFC00  }
0x232: {  	_ =	swait.ge [sflag:s6], $0x400  }
0x233: {  	[sflag:s6] =	ssyncset.done $0x0  }
0x234: {  	[sflag:s6] =	ssyncadd.s32 $0xFFFFFC00  }
0x235: {  	_ =	swait.ge [sflag:s6], $0x400  }
0x236: {  	[sflag:s6] =	ssyncset.done $0x0  }
0x237: {  	[sflag:s6] =	ssyncadd.s32 $0xFFFFFC00  }
0x238: {  	_ =	swait.ge [sflag:s6], $0x400  }
0x239: {  	[sflag:s6] =	ssyncset.done $0x0  }
0x23a: {  	[sflag:s6] =	ssyncadd.s32 $0xFFFFFC00  }
0x23b: {  	_ =	swait.ge [sflag:s6], $0x400  }
0x23c: {  	[sflag:s6] =	ssyncset.done $0x0  }
0x23d: {  	[sflag:s6] =	ssyncadd.s32 $0xFFFFFC00  }
0x23e: {  	_ =	swait.ge [sflag:s6], $0x400  }
0x23f: {  	[sflag:s6] =	ssyncset.done $0x0  }
0x240: {  	[sflag:s6] =	ssyncadd.s32 $0xFFFFFC00  }
.LBB2_8:
0x241: {  	s22 =	simm.s32 $0x0  }
0x242: {  	v33 =	vmov s22  }
0x243: {  	v33 =	vshrl.u32 v33, $0x3  }
0x244: {  	v33 =	vshll.u32 v33, v1  }
0x245: {  	v33 =	vbroadcast v33, $0x0  }
0x246: {  	s22 =	simm.s32 $0x91F0  }
0x247: {  	v34 =	vld [tilespmem:s22+$0xFFFFFE10];
	v35 =	vadd.s32 v0, v33;
	_ =	sdelay $0x4  }
0x248: {  	[tilespmem:v35+s8+$0x0] =	vst.idx.msk $0xffff, v34  }
0x249: {  	v56 =	vadd.s32 v2, v33;
	v34 =	vld [tilespmem:s22+$0xFFFFFE20];
	_ =	sdelay $0x4  }
0x24a: {  	[tilespmem:v56+s8+$0x0] =	vst.idx.msk $0xffff, v34  }
0x24b: {  	v57 =	vadd.s32 v3, v33;
	v34 =	vld [tilespmem:s22+$0xFFFFFE30];
	_ =	sdelay $0x4  }
0x24c: {  	[tilespmem:v57+s8+$0x0] =	vst.idx.msk $0xffff, v34  }
0x24d: {  	s23 =	simm.s32 $0x1;
	v33 =	vadd.s32 v4, v33;
	v34 =	vld [tilespmem:s22+$0xFFFFFE40]  }
0x24e: {  	v58 =	vmov s23  }
0x24f: {  	v35 =	vshrl.u32 v58, $0x3  }
0x250: {  	v35 =	vshll.u32 v35, v1  }
0x251: {  	v35 =	vbroadcast v35, $0x0  }
0x252: {  	[tilespmem:v33+s8+$0x0] =	vst.idx.msk $0xffff, v34  }
0x253: {  	v59 =	vadd.s32 v5, v35;
	v33 =	vld [tilespmem:s22+$0xFFFFFE50];
	_ =	sdelay $0x4  }
0x254: {  	[tilespmem:v59+s8+$0x0] =	vst.idx.msk $0xffff, v33  }
0x255: {  	v60 =	vadd.s32 v6, v35;
	v33 =	vld [tilespmem:s22+$0xFFFFFE60];
	_ =	sdelay $0x4  }
0x256: {  	[tilespmem:v60+s8+$0x0] =	vst.idx.msk $0xffff, v33  }
0x257: {  	v61 =	vadd.s32 v7, v35;
	v33 =	vld [tilespmem:s22+$0xFFFFFE70];
	_ =	sdelay $0x4  }
0x258: {  	[tilespmem:v61+s8+$0x0] =	vst.idx.msk $0xffff, v33  }
0x259: {  	s24 =	simm.s32 $0x2;
	v62 =	vadd.s32 v8, v35;
	v33 =	vld [tilespmem:s22+$0xFFFFFE80]  }
0x25a: {  	v63 =	vmov s24  }
0x25b: {  	v35 =	vshrl.u32 v63, $0x3  }
0x25c: {  	v35 =	vshll.u32 v35, v1  }
0x25d: {  	v35 =	vbroadcast v35, $0x0  }
0x25e: {  	[tilespmem:v62+s8+$0x0] =	vst.idx.msk $0xffff, v33  }
0x25f: {  	v36 =	vadd.s32 v9, v35;
	v33 =	vld [tilespmem:s22+$0xFFFFFE90];
	_ =	sdelay $0x4  }
0x260: {  	[tilespmem:v36+s8+$0x0] =	vst.idx.msk $0xffff, v33  }
0x261: {  	v37 =	vadd.s32 v10, v35;
	v33 =	vld [tilespmem:s22+$0xFFFFFEA0];
	_ =	sdelay $0x4  }
0x262: {  	[tilespmem:v37+s8+$0x0] =	vst.idx.msk $0xffff, v33  }
0x263: {  	v38 =	vadd.s32 v11, v35;
	v33 =	vld [tilespmem:s22+$0xFFFFFEB0];
	_ =	sdelay $0x4  }
0x264: {  	[tilespmem:v38+s8+$0x0] =	vst.idx.msk $0xffff, v33  }
0x265: {  	s25 =	simm.s32 $0x3;
	v39 =	vadd.s32 v12, v35;
	v33 =	vld [tilespmem:s22+$0xFFFFFEC0]  }
0x266: {  	v40 =	vmov s25  }
0x267: {  	v35 =	vshrl.u32 v40, $0x3  }
0x268: {  	v35 =	vshll.u32 v35, v1  }
0x269: {  	v35 =	vbroadcast v35, $0x0  }
0x26a: {  	[tilespmem:v39+s8+$0x0] =	vst.idx.msk $0xffff, v33  }
0x26b: {  	v41 =	vadd.s32 v13, v35;
	v33 =	vld [tilespmem:s22+$0xFFFFFED0];
	_ =	sdelay $0x4  }
0x26c: {  	[tilespmem:v41+s8+$0x0] =	vst.idx.msk $0xffff, v33  }
0x26d: {  	v42 =	vadd.s32 v14, v35;
	v33 =	vld [tilespmem:s22+$0xFFFFFEE0];
	_ =	sdelay $0x4  }
0x26e: {  	[tilespmem:v42+s8+$0x0] =	vst.idx.msk $0xffff, v33  }
0x26f: {  	v43 =	vadd.s32 v15, v35;
	v33 =	vld [tilespmem:s22+$0xFFFFFEF0];
	_ =	sdelay $0x4  }
0x270: {  	[tilespmem:v43+s8+$0x0] =	vst.idx.msk $0xffff, v33  }
0x271: {  	s24 =	simm.s32 $0x4;
	v44 =	vadd.s32 v16, v35;
	v33 =	vld [tilespmem:s22+$0xFFFFFF00]  }
0x272: {  	v45 =	vmov s24  }
0x273: {  	v35 =	vshrl.u32 v45, $0x3  }
0x274: {  	v35 =	vshll.u32 v35, v1  }
0x275: {  	v35 =	vbroadcast v35, $0x0  }
0x276: {  	[tilespmem:v44+s8+$0x0] =	vst.idx.msk $0xffff, v33  }
0x277: {  	v46 =	vadd.s32 v17, v35;
	v33 =	vld [tilespmem:s22+$0xFFFFFF10];
	_ =	sdelay $0x4  }
0x278: {  	[tilespmem:v46+s8+$0x0] =	vst.idx.msk $0xffff, v33  }
0x279: {  	v47 =	vadd.s32 v18, v35;
	v33 =	vld [tilespmem:s22+$0xFFFFFF20];
	_ =	sdelay $0x4  }
0x27a: {  	[tilespmem:v47+s8+$0x0] =	vst.idx.msk $0xffff, v33  }
0x27b: {  	v48 =	vadd.s32 v19, v35;
	v33 =	vld [tilespmem:s22+$0xFFFFFF30];
	_ =	sdelay $0x4  }
0x27c: {  	[tilespmem:v48+s8+$0x0] =	vst.idx.msk $0xffff, v33  }
0x27d: {  	s25 =	simm.s32 $0x5;
	v49 =	vadd.s32 v20, v35;
	v33 =	vld [tilespmem:s22+$0xFFFFFF40]  }
0x27e: {  	v50 =	vmov s25  }
0x27f: {  	v35 =	vshrl.u32 v50, $0x3  }
0x280: {  	v35 =	vshll.u32 v35, v1  }
0x281: {  	v35 =	vbroadcast v35, $0x0  }
0x282: {  	[tilespmem:v49+s8+$0x0] =	vst.idx.msk $0xffff, v33  }
0x283: {  	v51 =	vadd.s32 v21, v35;
	v33 =	vld [tilespmem:s22+$0xFFFFFF50];
	_ =	sdelay $0x4  }
0x284: {  	[tilespmem:v51+s8+$0x0] =	vst.idx.msk $0xffff, v33  }
0x285: {  	v52 =	vadd.s32 v22, v35;
	v33 =	vld [tilespmem:s22+$0xFFFFFF60];
	_ =	sdelay $0x4  }
0x286: {  	[tilespmem:v52+s8+$0x0] =	vst.idx.msk $0xffff, v33  }
0x287: {  	v53 =	vadd.s32 v23, v35;
	v33 =	vld [tilespmem:s22+$0xFFFFFF70];
	_ =	sdelay $0x4  }
0x288: {  	[tilespmem:v53+s8+$0x0] =	vst.idx.msk $0xffff, v33  }
0x289: {  	s24 =	simm.s32 $0x6;
	v54 =	vadd.s32 v24, v35;
	v33 =	vld [tilespmem:s22+$0xFFFFFF80]  }
0x28a: {  	v55 =	vmov s24  }
0x28b: {  	v35 =	vshrl.u32 v55, $0x3  }
0x28c: {  	v35 =	vshll.u32 v35, v1  }
0x28d: {  	v35 =	vbroadcast v35, $0x0  }
0x28e: {  	[tilespmem:v54+s8+$0x0] =	vst.idx.msk $0xffff, v33  }
0x28f: {  	v56 =	vadd.s32 v25, v35;
	v33 =	vld [tilespmem:s22+$0xFFFFFF90];
	_ =	sdelay $0x4  }
0x290: {  	[tilespmem:v56+s8+$0x0] =	vst.idx.msk $0xffff, v33  }
0x291: {  	v57 =	vadd.s32 v26, v35;
	v33 =	vld [tilespmem:s22+$0xFFFFFFA0];
	_ =	sdelay $0x4  }
0x292: {  	[tilespmem:v57+s8+$0x0] =	vst.idx.msk $0xffff, v33  }
0x293: {  	v58 =	vadd.s32 v27, v35;
	v33 =	vld [tilespmem:s22+$0xFFFFFFB0];
	_ =	sdelay $0x4  }
0x294: {  	[tilespmem:v58+s8+$0x0] =	vst.idx.msk $0xffff, v33  }
0x295: {  	s25 =	simm.s32 $0x7;
	v59 =	vadd.s32 v28, v35;
	v33 =	vld [tilespmem:s22+$0xFFFFFFC0]  }
0x296: {  	v60 =	vmov s25  }
0x297: {  	v35 =	vshrl.u32 v60, $0x3  }
0x298: {  	v35 =	vshll.u32 v35, v1  }
0x299: {  	v35 =	vbroadcast v35, $0x0  }
0x29a: {  	[tilespmem:v59+s8+$0x0] =	vst.idx.msk $0xffff, v33  }
0x29b: {  	v61 =	vadd.s32 v29, v35;
	v33 =	vld [tilespmem:s22+$0xFFFFFFD0];
	_ =	sdelay $0x4  }
0x29c: {  	[tilespmem:v61+s8+$0x0] =	vst.idx.msk $0xffff, v33  }
0x29d: {  	v62 =	vadd.s32 v30, v35;
	v33 =	vld [tilespmem:s22+$0xFFFFFFE0];
	_ =	sdelay $0x4  }
0x29e: {  	[tilespmem:v62+s8+$0x0] =	vst.idx.msk $0xffff, v33  }
0x29f: {  	v63 =	vadd.s32 v31, v35;
	v33 =	vld [tilespmem:s22+$0xFFFFFFF0];
	_ =	sdelay $0x4  }
0x2a0: {  	[tilespmem:v63+s8+$0x0] =	vst.idx.msk $0xffff, v33  }
0x2a1: {  	s23 =	simm.s32 $0x8;
	v34 =	vadd.s32 v32, v35;
	v33 =	vld [tilespmem:s22+$0x0]  }
0x2a2: {  	s21 =	ssub.s32 $0x0, s21;
	s24 =	simm.s32 $0x10;
	v35 =	vmov s23  }
.LBB2_9:
0x2a3: {  	p0 =	slt.u32 s24, $0x78;
	v35 =	vshrl.u32 v35, $0x3  }
0x2a4: {  	v35 =	vshll.u32 v35, v1  }
0x2a5: {  	v35 =	vbroadcast v35, $0x0  }
0x2a6: {  	s22 =	sadd.s32 $0x200, s22;
	[tilespmem:v34+s8+$0x0] =	vst.idx.msk $0xffff, v33  }
0x2a7: {  	v33 =	vld [tilespmem:s22+$0xFFFFFE10];
	v34 =	vadd.s32 v0, v35;
	_ =	sdelay $0x4  }
0x2a8: {  	[tilespmem:v34+s8+$0x0] =	vst.idx.msk $0xffff, v33  }
0x2a9: {  	v34 =	vadd.s32 v2, v35;
	v33 =	vld [tilespmem:s22+$0xFFFFFE20];
	_ =	sdelay $0x4  }
0x2aa: {  	[tilespmem:v34+s8+$0x0] =	vst.idx.msk $0xffff, v33  }
0x2ab: {  	v34 =	vadd.s32 v3, v35;
	v33 =	vld [tilespmem:s22+$0xFFFFFE30];
	_ =	sdelay $0x4  }
0x2ac: {  	[tilespmem:v34+s8+$0x0] =	vst.idx.msk $0xffff, v33  }
0x2ad: {  	s25 =	sadd.s32 $0x1, s23;
	v34 =	vadd.s32 v4, v35;
	v33 =	vld [tilespmem:s22+$0xFFFFFE40]  }
0x2ae: {  	v35 =	vmov s25  }
0x2af: {  	v35 =	vshrl.u32 v35, $0x3  }
0x2b0: {  	v35 =	vshll.u32 v35, v1  }
0x2b1: {  	v35 =	vbroadcast v35, $0x0  }
0x2b2: {  	[tilespmem:v34+s8+$0x0] =	vst.idx.msk $0xffff, v33  }
0x2b3: {  	v34 =	vadd.s32 v5, v35;
	v33 =	vld [tilespmem:s22+$0xFFFFFE50];
	_ =	sdelay $0x4  }
0x2b4: {  	[tilespmem:v34+s8+$0x0] =	vst.idx.msk $0xffff, v33  }
0x2b5: {  	v34 =	vadd.s32 v6, v35;
	v33 =	vld [tilespmem:s22+$0xFFFFFE60];
	_ =	sdelay $0x4  }
0x2b6: {  	[tilespmem:v34+s8+$0x0] =	vst.idx.msk $0xffff, v33  }
0x2b7: {  	v34 =	vadd.s32 v7, v35;
	v33 =	vld [tilespmem:s22+$0xFFFFFE70];
	_ =	sdelay $0x4  }
0x2b8: {  	[tilespmem:v34+s8+$0x0] =	vst.idx.msk $0xffff, v33  }
0x2b9: {  	s25 =	sadd.s32 $0x2, s23;
	v34 =	vadd.s32 v8, v35;
	v33 =	vld [tilespmem:s22+$0xFFFFFE80]  }
0x2ba: {  	v35 =	vmov s25  }
0x2bb: {  	v35 =	vshrl.u32 v35, $0x3  }
0x2bc: {  	v35 =	vshll.u32 v35, v1  }
0x2bd: {  	v35 =	vbroadcast v35, $0x0  }
0x2be: {  	[tilespmem:v34+s8+$0x0] =	vst.idx.msk $0xffff, v33  }
0x2bf: {  	v34 =	vadd.s32 v9, v35;
	v33 =	vld [tilespmem:s22+$0xFFFFFE90];
	_ =	sdelay $0x4  }
0x2c0: {  	[tilespmem:v34+s8+$0x0] =	vst.idx.msk $0xffff, v33  }
0x2c1: {  	v34 =	vadd.s32 v10, v35;
	v33 =	vld [tilespmem:s22+$0xFFFFFEA0];
	_ =	sdelay $0x4  }
0x2c2: {  	[tilespmem:v34+s8+$0x0] =	vst.idx.msk $0xffff, v33  }
0x2c3: {  	v34 =	vadd.s32 v11, v35;
	v33 =	vld [tilespmem:s22+$0xFFFFFEB0];
	_ =	sdelay $0x4  }
0x2c4: {  	[tilespmem:v34+s8+$0x0] =	vst.idx.msk $0xffff, v33  }
0x2c5: {  	s25 =	sadd.s32 $0x3, s23;
	v34 =	vadd.s32 v12, v35;
	v33 =	vld [tilespmem:s22+$0xFFFFFEC0]  }
0x2c6: {  	v35 =	vmov s25  }
0x2c7: {  	v35 =	vshrl.u32 v35, $0x3  }
0x2c8: {  	v35 =	vshll.u32 v35, v1  }
0x2c9: {  	v35 =	vbroadcast v35, $0x0  }
0x2ca: {  	[tilespmem:v34+s8+$0x0] =	vst.idx.msk $0xffff, v33  }
0x2cb: {  	v34 =	vadd.s32 v13, v35;
	v33 =	vld [tilespmem:s22+$0xFFFFFED0];
	_ =	sdelay $0x4  }
0x2cc: {  	[tilespmem:v34+s8+$0x0] =	vst.idx.msk $0xffff, v33  }
0x2cd: {  	v34 =	vadd.s32 v14, v35;
	v33 =	vld [tilespmem:s22+$0xFFFFFEE0];
	_ =	sdelay $0x4  }
0x2ce: {  	[tilespmem:v34+s8+$0x0] =	vst.idx.msk $0xffff, v33  }
0x2cf: {  	v34 =	vadd.s32 v15, v35;
	v33 =	vld [tilespmem:s22+$0xFFFFFEF0];
	_ =	sdelay $0x4  }
0x2d0: {  	[tilespmem:v34+s8+$0x0] =	vst.idx.msk $0xffff, v33  }
0x2d1: {  	s25 =	sadd.s32 $0x4, s23;
	v34 =	vadd.s32 v16, v35;
	v33 =	vld [tilespmem:s22+$0xFFFFFF00]  }
0x2d2: {  	v35 =	vmov s25  }
0x2d3: {  	v35 =	vshrl.u32 v35, $0x3  }
0x2d4: {  	v35 =	vshll.u32 v35, v1  }
0x2d5: {  	v35 =	vbroadcast v35, $0x0  }
0x2d6: {  	[tilespmem:v34+s8+$0x0] =	vst.idx.msk $0xffff, v33  }
0x2d7: {  	v34 =	vadd.s32 v17, v35;
	v33 =	vld [tilespmem:s22+$0xFFFFFF10];
	_ =	sdelay $0x4  }
0x2d8: {  	[tilespmem:v34+s8+$0x0] =	vst.idx.msk $0xffff, v33  }
0x2d9: {  	v34 =	vadd.s32 v18, v35;
	v33 =	vld [tilespmem:s22+$0xFFFFFF20];
	_ =	sdelay $0x4  }
0x2da: {  	[tilespmem:v34+s8+$0x0] =	vst.idx.msk $0xffff, v33  }
0x2db: {  	v34 =	vadd.s32 v19, v35;
	v33 =	vld [tilespmem:s22+$0xFFFFFF30];
	_ =	sdelay $0x4  }
0x2dc: {  	[tilespmem:v34+s8+$0x0] =	vst.idx.msk $0xffff, v33  }
0x2dd: {  	s25 =	sadd.s32 $0x5, s23;
	v34 =	vadd.s32 v20, v35;
	v33 =	vld [tilespmem:s22+$0xFFFFFF40]  }
0x2de: {  	v35 =	vmov s25  }
0x2df: {  	v35 =	vshrl.u32 v35, $0x3  }
0x2e0: {  	v35 =	vshll.u32 v35, v1  }
0x2e1: {  	v35 =	vbroadcast v35, $0x0  }
0x2e2: {  	[tilespmem:v34+s8+$0x0] =	vst.idx.msk $0xffff, v33  }
0x2e3: {  	v34 =	vadd.s32 v21, v35;
	v33 =	vld [tilespmem:s22+$0xFFFFFF50];
	_ =	sdelay $0x4  }
0x2e4: {  	[tilespmem:v34+s8+$0x0] =	vst.idx.msk $0xffff, v33  }
0x2e5: {  	v34 =	vadd.s32 v22, v35;
	v33 =	vld [tilespmem:s22+$0xFFFFFF60];
	_ =	sdelay $0x4  }
0x2e6: {  	[tilespmem:v34+s8+$0x0] =	vst.idx.msk $0xffff, v33  }
0x2e7: {  	v34 =	vadd.s32 v23, v35;
	v33 =	vld [tilespmem:s22+$0xFFFFFF70];
	_ =	sdelay $0x4  }
0x2e8: {  	[tilespmem:v34+s8+$0x0] =	vst.idx.msk $0xffff, v33  }
0x2e9: {  	s25 =	sadd.s32 $0x6, s23;
	v34 =	vadd.s32 v24, v35;
	v33 =	vld [tilespmem:s22+$0xFFFFFF80]  }
0x2ea: {  	v35 =	vmov s25  }
0x2eb: {  	v35 =	vshrl.u32 v35, $0x3  }
0x2ec: {  	v35 =	vshll.u32 v35, v1  }
0x2ed: {  	v35 =	vbroadcast v35, $0x0  }
0x2ee: {  	[tilespmem:v34+s8+$0x0] =	vst.idx.msk $0xffff, v33  }
0x2ef: {  	v34 =	vadd.s32 v25, v35;
	v33 =	vld [tilespmem:s22+$0xFFFFFF90];
	_ =	sdelay $0x4  }
0x2f0: {  	[tilespmem:v34+s8+$0x0] =	vst.idx.msk $0xffff, v33  }
0x2f1: {  	v34 =	vadd.s32 v26, v35;
	v33 =	vld [tilespmem:s22+$0xFFFFFFA0];
	_ =	sdelay $0x4  }
0x2f2: {  	[tilespmem:v34+s8+$0x0] =	vst.idx.msk $0xffff, v33  }
0x2f3: {  	v34 =	vadd.s32 v27, v35;
	v33 =	vld [tilespmem:s22+$0xFFFFFFB0];
	_ =	sdelay $0x4  }
0x2f4: {  	[tilespmem:v34+s8+$0x0] =	vst.idx.msk $0xffff, v33  }
0x2f5: {  	s25 =	sadd.s32 $0x7, s23;
	s23 =	smov.u32 s24;
	v34 =	vadd.s32 v28, v35;
	v33 =	vld [tilespmem:s22+$0xFFFFFFC0]  }
0x2f6: {  	v35 =	vmov s25  }
0x2f7: {  	v35 =	vshrl.u32 v35, $0x3  }
0x2f8: {  	v35 =	vshll.u32 v35, v1  }
0x2f9: {  	v35 =	vbroadcast v35, $0x0  }
0x2fa: {  	[tilespmem:v34+s8+$0x0] =	vst.idx.msk $0xffff, v33  }
0x2fb: {  	v34 =	vadd.s32 v29, v35;
	v33 =	vld [tilespmem:s22+$0xFFFFFFD0];
	_ =	sdelay $0x4  }
0x2fc: {  	[tilespmem:v34+s8+$0x0] =	vst.idx.msk $0xffff, v33  }
0x2fd: {  	v34 =	vadd.s32 v30, v35;
	v33 =	vld [tilespmem:s22+$0xFFFFFFE0];
	_ =	sdelay $0x4  }
0x2fe: {  	[tilespmem:v34+s8+$0x0] =	vst.idx.msk $0xffff, v33  }
0x2ff: {  	v34 =	vadd.s32 v31, v35;
	v33 =	vld [tilespmem:s22+$0xFFFFFFF0];
	_ =	sdelay $0x2  }
.Ltmp6:
0x300: {  	(pc) =	sbr.rel @p0 .LBB2_9-.Ltmp6, $4  }
0x301: {  	_ = 	snop  }
0x302: {  	[tilespmem:v34+s8+$0x0] =	vst.idx.msk $0xffff, v33  }
0x303: {  	v34 =	vadd.s32 v32, v35;
	v33 =	vld [tilespmem:s22+$0x0]  }
0x304: {  	s24 =	sadd.s32 $0x8, s24;
	v35 =	vmov s23  }
0x305: {  	_ = 	snop  }
0x306: {  	v35 =	vshrl.u32 v35, $0x3  }
0x307: {  	v35 =	vshll.u32 v35, v1  }
0x308: {  	v35 =	vbroadcast v35, $0x0  }
0x309: {  	s22 =	sadd.s32 $0x200, s22;
	[tilespmem:v34+s8+$0x0] =	vst.idx.msk $0xffff, v33  }
0x30a: {  	v33 =	vld [tilespmem:s22+$0xFFFFFE10];
	v53 =	vadd.s32 v0, v35;
	_ =	sdelay $0x4  }
0x30b: {  	[tilespmem:v53+s8+$0x0] =	vst.idx.msk $0xffff, v33  }
0x30c: {  	v54 =	vadd.s32 v2, v35;
	v33 =	vld [tilespmem:s22+$0xFFFFFE20];
	_ =	sdelay $0x4  }
0x30d: {  	[tilespmem:v54+s8+$0x0] =	vst.idx.msk $0xffff, v33  }
0x30e: {  	v55 =	vadd.s32 v3, v35;
	v33 =	vld [tilespmem:s22+$0xFFFFFE30];
	_ =	sdelay $0x4  }
0x30f: {  	[tilespmem:v55+s8+$0x0] =	vst.idx.msk $0xffff, v33  }
0x310: {  	s24 =	sadd.s32 $0x1, s23;
	v56 =	vadd.s32 v4, v35;
	v33 =	vld [tilespmem:s22+$0xFFFFFE40]  }
0x311: {  	v57 =	vmov s24  }
0x312: {  	v35 =	vshrl.u32 v57, $0x3  }
0x313: {  	v35 =	vshll.u32 v35, v1  }
0x314: {  	v35 =	vbroadcast v35, $0x0  }
0x315: {  	[tilespmem:v56+s8+$0x0] =	vst.idx.msk $0xffff, v33  }
0x316: {  	v58 =	vadd.s32 v5, v35;
	v33 =	vld [tilespmem:s22+$0xFFFFFE50];
	_ =	sdelay $0x4  }
0x317: {  	[tilespmem:v58+s8+$0x0] =	vst.idx.msk $0xffff, v33  }
0x318: {  	v59 =	vadd.s32 v6, v35;
	v33 =	vld [tilespmem:s22+$0xFFFFFE60];
	_ =	sdelay $0x4  }
0x319: {  	[tilespmem:v59+s8+$0x0] =	vst.idx.msk $0xffff, v33  }
0x31a: {  	v60 =	vadd.s32 v7, v35;
	v33 =	vld [tilespmem:s22+$0xFFFFFE70];
	_ =	sdelay $0x4  }
0x31b: {  	[tilespmem:v60+s8+$0x0] =	vst.idx.msk $0xffff, v33  }
0x31c: {  	s25 =	sadd.s32 $0x2, s23;
	v61 =	vadd.s32 v8, v35;
	v33 =	vld [tilespmem:s22+$0xFFFFFE80]  }
0x31d: {  	v62 =	vmov s25  }
0x31e: {  	v35 =	vshrl.u32 v62, $0x3  }
0x31f: {  	v35 =	vshll.u32 v35, v1  }
0x320: {  	v35 =	vbroadcast v35, $0x0  }
0x321: {  	[tilespmem:v61+s8+$0x0] =	vst.idx.msk $0xffff, v33  }
0x322: {  	v63 =	vadd.s32 v9, v35;
	v33 =	vld [tilespmem:s22+$0xFFFFFE90];
	_ =	sdelay $0x4  }
0x323: {  	[tilespmem:v63+s8+$0x0] =	vst.idx.msk $0xffff, v33  }
0x324: {  	v36 =	vadd.s32 v10, v35;
	v33 =	vld [tilespmem:s22+$0xFFFFFEA0];
	_ =	sdelay $0x4  }
0x325: {  	[tilespmem:v36+s8+$0x0] =	vst.idx.msk $0xffff, v33  }
0x326: {  	v37 =	vadd.s32 v11, v35;
	v33 =	vld [tilespmem:s22+$0xFFFFFEB0];
	_ =	sdelay $0x4  }
0x327: {  	[tilespmem:v37+s8+$0x0] =	vst.idx.msk $0xffff, v33  }
0x328: {  	s25 =	sadd.s32 $0x3, s23;
	v38 =	vadd.s32 v12, v35;
	v33 =	vld [tilespmem:s22+$0xFFFFFEC0]  }
0x329: {  	v39 =	vmov s25  }
0x32a: {  	v35 =	vshrl.u32 v39, $0x3  }
0x32b: {  	v35 =	vshll.u32 v35, v1  }
0x32c: {  	v35 =	vbroadcast v35, $0x0  }
0x32d: {  	[tilespmem:v38+s8+$0x0] =	vst.idx.msk $0xffff, v33  }
0x32e: {  	v40 =	vadd.s32 v13, v35;
	v33 =	vld [tilespmem:s22+$0xFFFFFED0];
	_ =	sdelay $0x4  }
0x32f: {  	[tilespmem:v40+s8+$0x0] =	vst.idx.msk $0xffff, v33  }
0x330: {  	v41 =	vadd.s32 v14, v35;
	v33 =	vld [tilespmem:s22+$0xFFFFFEE0];
	_ =	sdelay $0x4  }
0x331: {  	[tilespmem:v41+s8+$0x0] =	vst.idx.msk $0xffff, v33  }
0x332: {  	v42 =	vadd.s32 v15, v35;
	v33 =	vld [tilespmem:s22+$0xFFFFFEF0];
	_ =	sdelay $0x4  }
0x333: {  	[tilespmem:v42+s8+$0x0] =	vst.idx.msk $0xffff, v33  }
0x334: {  	s25 =	sadd.s32 $0x4, s23;
	v43 =	vadd.s32 v16, v35;
	v33 =	vld [tilespmem:s22+$0xFFFFFF00]  }
0x335: {  	v44 =	vmov s25  }
0x336: {  	v35 =	vshrl.u32 v44, $0x3  }
0x337: {  	v35 =	vshll.u32 v35, v1  }
0x338: {  	v35 =	vbroadcast v35, $0x0  }
0x339: {  	[tilespmem:v43+s8+$0x0] =	vst.idx.msk $0xffff, v33  }
0x33a: {  	v45 =	vadd.s32 v17, v35;
	v33 =	vld [tilespmem:s22+$0xFFFFFF10];
	_ =	sdelay $0x4  }
0x33b: {  	[tilespmem:v45+s8+$0x0] =	vst.idx.msk $0xffff, v33  }
0x33c: {  	v46 =	vadd.s32 v18, v35;
	v33 =	vld [tilespmem:s22+$0xFFFFFF20];
	_ =	sdelay $0x4  }
0x33d: {  	[tilespmem:v46+s8+$0x0] =	vst.idx.msk $0xffff, v33  }
0x33e: {  	v47 =	vadd.s32 v19, v35;
	v33 =	vld [tilespmem:s22+$0xFFFFFF30];
	_ =	sdelay $0x4  }
0x33f: {  	[tilespmem:v47+s8+$0x0] =	vst.idx.msk $0xffff, v33  }
0x340: {  	s25 =	sadd.s32 $0x5, s23;
	v48 =	vadd.s32 v20, v35;
	v33 =	vld [tilespmem:s22+$0xFFFFFF40]  }
0x341: {  	v49 =	vmov s25  }
0x342: {  	v35 =	vshrl.u32 v49, $0x3  }
0x343: {  	v35 =	vshll.u32 v35, v1  }
0x344: {  	v35 =	vbroadcast v35, $0x0  }
0x345: {  	[tilespmem:v48+s8+$0x0] =	vst.idx.msk $0xffff, v33  }
0x346: {  	v50 =	vadd.s32 v21, v35;
	v33 =	vld [tilespmem:s22+$0xFFFFFF50];
	_ =	sdelay $0x4  }
0x347: {  	[tilespmem:v50+s8+$0x0] =	vst.idx.msk $0xffff, v33  }
0x348: {  	v51 =	vadd.s32 v22, v35;
	v33 =	vld [tilespmem:s22+$0xFFFFFF60];
	_ =	sdelay $0x4  }
0x349: {  	[tilespmem:v51+s8+$0x0] =	vst.idx.msk $0xffff, v33  }
0x34a: {  	v52 =	vadd.s32 v23, v35;
	v33 =	vld [tilespmem:s22+$0xFFFFFF70];
	_ =	sdelay $0x4  }
0x34b: {  	[tilespmem:v52+s8+$0x0] =	vst.idx.msk $0xffff, v33  }
0x34c: {  	s25 =	sadd.s32 $0x6, s23;
	v53 =	vadd.s32 v24, v35;
	v33 =	vld [tilespmem:s22+$0xFFFFFF80]  }
0x34d: {  	v54 =	vmov s25  }
0x34e: {  	v35 =	vshrl.u32 v54, $0x3  }
0x34f: {  	v35 =	vshll.u32 v35, v1  }
0x350: {  	v35 =	vbroadcast v35, $0x0  }
0x351: {  	[tilespmem:v53+s8+$0x0] =	vst.idx.msk $0xffff, v33  }
0x352: {  	v55 =	vadd.s32 v25, v35;
	v33 =	vld [tilespmem:s22+$0xFFFFFF90];
	_ =	sdelay $0x4  }
0x353: {  	[tilespmem:v55+s8+$0x0] =	vst.idx.msk $0xffff, v33  }
0x354: {  	v56 =	vadd.s32 v26, v35;
	v33 =	vld [tilespmem:s22+$0xFFFFFFA0];
	_ =	sdelay $0x4  }
0x355: {  	[tilespmem:v56+s8+$0x0] =	vst.idx.msk $0xffff, v33  }
0x356: {  	v57 =	vadd.s32 v27, v35;
	v33 =	vld [tilespmem:s22+$0xFFFFFFB0];
	_ =	sdelay $0x4  }
0x357: {  	[tilespmem:v57+s8+$0x0] =	vst.idx.msk $0xffff, v33  }
0x358: {  	s25 =	sadd.s32 $0x7, s23;
	v58 =	vadd.s32 v28, v35;
	v33 =	vld [tilespmem:s22+$0xFFFFFFC0]  }
0x359: {  	v59 =	vmov s25  }
0x35a: {  	v35 =	vshrl.u32 v59, $0x3  }
0x35b: {  	v35 =	vshll.u32 v35, v1  }
0x35c: {  	v35 =	vbroadcast v35, $0x0  }
0x35d: {  	[tilespmem:v58+s8+$0x0] =	vst.idx.msk $0xffff, v33  }
0x35e: {  	v60 =	vadd.s32 v29, v35;
	v33 =	vld [tilespmem:s22+$0xFFFFFFD0];
	_ =	sdelay $0x4  }
0x35f: {  	[tilespmem:v60+s8+$0x0] =	vst.idx.msk $0xffff, v33  }
0x360: {  	v61 =	vadd.s32 v30, v35;
	v33 =	vld [tilespmem:s22+$0xFFFFFFE0];
	_ =	sdelay $0x4  }
0x361: {  	[tilespmem:v61+s8+$0x0] =	vst.idx.msk $0xffff, v33  }
0x362: {  	v62 =	vadd.s32 v31, v35;
	v33 =	vld [tilespmem:s22+$0xFFFFFFF0];
	_ =	sdelay $0x4  }
0x363: {  	[tilespmem:v62+s8+$0x0] =	vst.idx.msk $0xffff, v33  }
0x364: {  	s23 =	sadd.s32 s19, s7;
	v63 =	vadd.s32 v32, v35;
	v33 =	vld [tilespmem:s22+$0x0]  }
0x365: {  	s21 =	sadd.s32 s21, s23  }
0x366: {  	s21 =	sshll.u32 s21, $0xA  }
0x367: {  	s20 =	sadd.s32 s20, s21  }
0x368: {  	s21 =	sshrl.u32 s20, $0x3  }
0x369: {  	s21 =	sadd.s32 s2, s21;
	[tilespmem:v63+s8+$0x0] =	vst.idx.msk $0xffff, v33  }
0x36a: {  	[hbm4b:s21+s3] =	stream.linear.scatter [tilespmem:s8], [sflag:$0x4], $0x80, $0x38;
	[tilespmem:$0xF800] =	vst v63  }
0x36b: {  	s24 =	sadd.s32 $0x10, s21;
	s25 =	simm.s32 $0xD490  }
0x36c: {  	[hbm4b:s24+s3] =	stream.linear.scatter [tilespmem:s25], [sflag:$0x4], $0x80, $0x38;
	[tilespmem:$0xF800] =	vst v63  }
0x36d: {  	s24 =	sadd.s32 $0x20, s21;
	s25 =	simm.s32 $0xD520  }
0x36e: {  	[hbm4b:s24+s3] =	stream.linear.scatter [tilespmem:s25], [sflag:$0x4], $0x80, $0x38;
	[tilespmem:$0xF800] =	vst v63  }
0x36f: {  	s24 =	sadd.s32 $0x30, s21;
	s25 =	simm.s32 $0xD5B0  }
0x370: {  	[hbm4b:s24+s3] =	stream.linear.scatter [tilespmem:s25], [sflag:$0x4], $0x80, $0x38;
	[tilespmem:$0xF800] =	vst v63  }
0x371: {  	s24 =	sadd.s32 $0x40, s21;
	s25 =	simm.s32 $0xD640  }
0x372: {  	[hbm4b:s24+s3] =	stream.linear.scatter [tilespmem:s25], [sflag:$0x4], $0x80, $0x38;
	[tilespmem:$0xF800] =	vst v63  }
0x373: {  	s24 =	sadd.s32 $0x50, s21;
	s25 =	simm.s32 $0xD6D0  }
0x374: {  	[hbm4b:s24+s3] =	stream.linear.scatter [tilespmem:s25], [sflag:$0x4], $0x80, $0x38;
	[tilespmem:$0xF800] =	vst v63  }
0x375: {  	s23 =	sadd.s32 $0x60, s21;
	s24 =	simm.s32 $0xD760  }
0x376: {  	[hbm4b:s23+s3] =	stream.linear.scatter [tilespmem:s24], [sflag:$0x4], $0x80, $0x38;
	[tilespmem:$0xF800] =	vst v63  }
0x377: {  	s22 =	sadd.s32 $0x20000, s20;
	s21 =	sadd.s32 $0x70, s21;
	s25 =	simm.s32 $0xD7F0  }
0x378: {  	[hbm4b:s21+s3] =	stream.linear.scatter [tilespmem:s25], [sflag:$0x4], $0x80, $0x38;
	[tilespmem:$0xF800] =	vst v63  }
0x379: {  	s21 =	sshrl.u32 s22, $0x3  }
0x37a: {  	s23 =	simm.s32 $0xD880;
	s21 =	sadd.s32 s2, s21  }
0x37b: {  	[hbm4b:s21+s3] =	stream.linear.scatter [tilespmem:s23], [sflag:$0x4], $0x80, $0x38;
	[tilespmem:$0xF800] =	vst v63  }
0x37c: {  	s25 =	simm.s32 $0xD910;
	s24 =	sadd.s32 $0x10, s21  }
0x37d: {  	[hbm4b:s24+s3] =	stream.linear.scatter [tilespmem:s25], [sflag:$0x4], $0x80, $0x38;
	[tilespmem:$0xF800] =	vst v63  }
0x37e: {  	s24 =	sadd.s32 $0x20, s21;
	s25 =	simm.s32 $0xD9A0  }
0x37f: {  	[hbm4b:s24+s3] =	stream.linear.scatter [tilespmem:s25], [sflag:$0x4], $0x80, $0x38;
	[tilespmem:$0xF800] =	vst v63  }
0x380: {  	s24 =	sadd.s32 $0x30, s21;
	s25 =	simm.s32 $0xDA30  }
0x381: {  	[hbm4b:s24+s3] =	stream.linear.scatter [tilespmem:s25], [sflag:$0x4], $0x80, $0x38;
	[tilespmem:$0xF800] =	vst v63  }
0x382: {  	s24 =	sadd.s32 $0x40, s21;
	s25 =	simm.s32 $0xDAC0  }
0x383: {  	[hbm4b:s24+s3] =	stream.linear.scatter [tilespmem:s25], [sflag:$0x4], $0x80, $0x38;
	[tilespmem:$0xF800] =	vst v63  }
0x384: {  	s24 =	sadd.s32 $0x50, s21;
	s25 =	simm.s32 $0xDB50  }
0x385: {  	[hbm4b:s24+s3] =	stream.linear.scatter [tilespmem:s25], [sflag:$0x4], $0x80, $0x38;
	[tilespmem:$0xF800] =	vst v63  }
0x386: {  	s23 =	sadd.s32 $0x60, s21;
	s24 =	simm.s32 $0xDBE0  }
0x387: {  	[hbm4b:s23+s3] =	stream.linear.scatter [tilespmem:s24], [sflag:$0x4], $0x80, $0x38;
	[tilespmem:$0xF800] =	vst v63  }
0x388: {  	s22 =	sadd.s32 $0x40000, s20;
	s21 =	sadd.s32 $0x70, s21;
	s25 =	simm.s32 $0xDC70  }
0x389: {  	[hbm4b:s21+s3] =	stream.linear.scatter [tilespmem:s25], [sflag:$0x4], $0x80, $0x38;
	[tilespmem:$0xF800] =	vst v63  }
0x38a: {  	s21 =	sshrl.u32 s22, $0x3  }
0x38b: {  	s23 =	simm.s32 $0xDD00;
	s21 =	sadd.s32 s2, s21  }
0x38c: {  	[hbm4b:s21+s3] =	stream.linear.scatter [tilespmem:s23], [sflag:$0x4], $0x80, $0x38;
	[tilespmem:$0xF800] =	vst v63  }
0x38d: {  	s25 =	simm.s32 $0xDD90;
	s24 =	sadd.s32 $0x10, s21  }
0x38e: {  	[hbm4b:s24+s3] =	stream.linear.scatter [tilespmem:s25], [sflag:$0x4], $0x80, $0x38;
	[tilespmem:$0xF800] =	vst v63  }
0x38f: {  	s24 =	sadd.s32 $0x20, s21;
	s25 =	simm.s32 $0xDE20  }
0x390: {  	[hbm4b:s24+s3] =	stream.linear.scatter [tilespmem:s25], [sflag:$0x4], $0x80, $0x38;
	[tilespmem:$0xF800] =	vst v63  }
0x391: {  	s24 =	sadd.s32 $0x30, s21;
	s25 =	simm.s32 $0xDEB0  }
0x392: {  	[hbm4b:s24+s3] =	stream.linear.scatter [tilespmem:s25], [sflag:$0x4], $0x80, $0x38;
	[tilespmem:$0xF800] =	vst v63  }
0x393: {  	s24 =	sadd.s32 $0x40, s21;
	s25 =	simm.s32 $0xDF40  }
0x394: {  	[hbm4b:s24+s3] =	stream.linear.scatter [tilespmem:s25], [sflag:$0x4], $0x80, $0x38;
	[tilespmem:$0xF800] =	vst v63  }
0x395: {  	s24 =	sadd.s32 $0x50, s21;
	s25 =	simm.s32 $0xDFD0  }
0x396: {  	[hbm4b:s24+s3] =	stream.linear.scatter [tilespmem:s25], [sflag:$0x4], $0x80, $0x38;
	[tilespmem:$0xF800] =	vst v63  }
0x397: {  	s23 =	sadd.s32 $0x60, s21;
	s24 =	simm.s32 $0xE060  }
0x398: {  	[hbm4b:s23+s3] =	stream.linear.scatter [tilespmem:s24], [sflag:$0x4], $0x80, $0x38;
	[tilespmem:$0xF800] =	vst v63  }
0x399: {  	s22 =	sadd.s32 $0x60000, s20;
	s21 =	sadd.s32 $0x70, s21;
	s25 =	simm.s32 $0xE0F0  }
0x39a: {  	[hbm4b:s21+s3] =	stream.linear.scatter [tilespmem:s25], [sflag:$0x4], $0x80, $0x38;
	[tilespmem:$0xF800] =	vst v63  }
0x39b: {  	s21 =	sshrl.u32 s22, $0x3  }
0x39c: {  	s23 =	simm.s32 $0xE180;
	s21 =	sadd.s32 s2, s21  }
0x39d: {  	[hbm4b:s21+s3] =	stream.linear.scatter [tilespmem:s23], [sflag:$0x4], $0x80, $0x38;
	[tilespmem:$0xF800] =	vst v63  }
0x39e: {  	s25 =	simm.s32 $0xE210;
	s24 =	sadd.s32 $0x10, s21  }
0x39f: {  	[hbm4b:s24+s3] =	stream.linear.scatter [tilespmem:s25], [sflag:$0x4], $0x80, $0x38;
	[tilespmem:$0xF800] =	vst v63  }
0x3a0: {  	s24 =	sadd.s32 $0x20, s21;
	s25 =	simm.s32 $0xE2A0  }
0x3a1: {  	[hbm4b:s24+s3] =	stream.linear.scatter [tilespmem:s25], [sflag:$0x4], $0x80, $0x38;
	[tilespmem:$0xF800] =	vst v63  }
0x3a2: {  	s24 =	sadd.s32 $0x30, s21;
	s25 =	simm.s32 $0xE330  }
0x3a3: {  	[hbm4b:s24+s3] =	stream.linear.scatter [tilespmem:s25], [sflag:$0x4], $0x80, $0x38;
	[tilespmem:$0xF800] =	vst v63  }
0x3a4: {  	s24 =	sadd.s32 $0x40, s21;
	s25 =	simm.s32 $0xE3C0  }
0x3a5: {  	[hbm4b:s24+s3] =	stream.linear.scatter [tilespmem:s25], [sflag:$0x4], $0x80, $0x38;
	[tilespmem:$0xF800] =	vst v63  }
0x3a6: {  	s24 =	sadd.s32 $0x50, s21;
	s25 =	simm.s32 $0xE450  }
0x3a7: {  	[hbm4b:s24+s3] =	stream.linear.scatter [tilespmem:s25], [sflag:$0x4], $0x80, $0x38;
	[tilespmem:$0xF800] =	vst v63  }
0x3a8: {  	s23 =	sadd.s32 $0x60, s21;
	s24 =	simm.s32 $0xE4E0  }
0x3a9: {  	[hbm4b:s23+s3] =	stream.linear.scatter [tilespmem:s24], [sflag:$0x4], $0x80, $0x38;
	[tilespmem:$0xF800] =	vst v63  }
0x3aa: {  	s22 =	sadd.s32 $0x80000, s20;
	s21 =	sadd.s32 $0x70, s21;
	s25 =	simm.s32 $0xE570  }
0x3ab: {  	[hbm4b:s21+s3] =	stream.linear.scatter [tilespmem:s25], [sflag:$0x4], $0x80, $0x38;
	[tilespmem:$0xF800] =	vst v63  }
0x3ac: {  	s21 =	sshrl.u32 s22, $0x3  }
0x3ad: {  	s23 =	simm.s32 $0xE600;
	s21 =	sadd.s32 s2, s21  }
0x3ae: {  	[hbm4b:s21+s3] =	stream.linear.scatter [tilespmem:s23], [sflag:$0x4], $0x80, $0x38;
	[tilespmem:$0xF800] =	vst v63  }
0x3af: {  	s25 =	simm.s32 $0xE690;
	s24 =	sadd.s32 $0x10, s21  }
0x3b0: {  	[hbm4b:s24+s3] =	stream.linear.scatter [tilespmem:s25], [sflag:$0x4], $0x80, $0x38;
	[tilespmem:$0xF800] =	vst v63  }
0x3b1: {  	s24 =	sadd.s32 $0x20, s21;
	s25 =	simm.s32 $0xE720  }
0x3b2: {  	[hbm4b:s24+s3] =	stream.linear.scatter [tilespmem:s25], [sflag:$0x4], $0x80, $0x38;
	[tilespmem:$0xF800] =	vst v63  }
0x3b3: {  	s24 =	sadd.s32 $0x30, s21;
	s25 =	simm.s32 $0xE7B0  }
0x3b4: {  	[hbm4b:s24+s3] =	stream.linear.scatter [tilespmem:s25], [sflag:$0x4], $0x80, $0x38;
	[tilespmem:$0xF800] =	vst v63  }
0x3b5: {  	s24 =	sadd.s32 $0x40, s21;
	s25 =	simm.s32 $0xE840  }
0x3b6: {  	[hbm4b:s24+s3] =	stream.linear.scatter [tilespmem:s25], [sflag:$0x4], $0x80, $0x38;
	[tilespmem:$0xF800] =	vst v63  }
0x3b7: {  	s24 =	sadd.s32 $0x50, s21;
	s25 =	simm.s32 $0xE8D0  }
0x3b8: {  	[hbm4b:s24+s3] =	stream.linear.scatter [tilespmem:s25], [sflag:$0x4], $0x80, $0x38;
	[tilespmem:$0xF800] =	vst v63  }
0x3b9: {  	s23 =	sadd.s32 $0x60, s21;
	s24 =	simm.s32 $0xE960  }
0x3ba: {  	[hbm4b:s23+s3] =	stream.linear.scatter [tilespmem:s24], [sflag:$0x4], $0x80, $0x38;
	[tilespmem:$0xF800] =	vst v63  }
0x3bb: {  	s22 =	sadd.s32 $0xA0000, s20;
	s21 =	sadd.s32 $0x70, s21;
	s25 =	simm.s32 $0xE9F0  }
0x3bc: {  	[hbm4b:s21+s3] =	stream.linear.scatter [tilespmem:s25], [sflag:$0x4], $0x80, $0x38;
	[tilespmem:$0xF800] =	vst v63  }
0x3bd: {  	s21 =	sshrl.u32 s22, $0x3  }
0x3be: {  	s23 =	simm.s32 $0xEA80;
	s21 =	sadd.s32 s2, s21  }
0x3bf: {  	[hbm4b:s21+s3] =	stream.linear.scatter [tilespmem:s23], [sflag:$0x4], $0x80, $0x38;
	[tilespmem:$0xF800] =	vst v63  }
0x3c0: {  	s25 =	simm.s32 $0xEB10;
	s24 =	sadd.s32 $0x10, s21  }
0x3c1: {  	[hbm4b:s24+s3] =	stream.linear.scatter [tilespmem:s25], [sflag:$0x4], $0x80, $0x38;
	[tilespmem:$0xF800] =	vst v63  }
0x3c2: {  	s24 =	sadd.s32 $0x20, s21;
	s25 =	simm.s32 $0xEBA0  }
0x3c3: {  	[hbm4b:s24+s3] =	stream.linear.scatter [tilespmem:s25], [sflag:$0x4], $0x80, $0x38;
	[tilespmem:$0xF800] =	vst v63  }
0x3c4: {  	s24 =	sadd.s32 $0x30, s21;
	s25 =	simm.s32 $0xEC30  }
0x3c5: {  	[hbm4b:s24+s3] =	stream.linear.scatter [tilespmem:s25], [sflag:$0x4], $0x80, $0x38;
	[tilespmem:$0xF800] =	vst v63  }
0x3c6: {  	s24 =	sadd.s32 $0x40, s21;
	s25 =	simm.s32 $0xECC0  }
0x3c7: {  	[hbm4b:s24+s3] =	stream.linear.scatter [tilespmem:s25], [sflag:$0x4], $0x80, $0x38;
	[tilespmem:$0xF800] =	vst v63  }
0x3c8: {  	s24 =	sadd.s32 $0x50, s21;
	s25 =	simm.s32 $0xED50  }
0x3c9: {  	[hbm4b:s24+s3] =	stream.linear.scatter [tilespmem:s25], [sflag:$0x4], $0x80, $0x38;
	[tilespmem:$0xF800] =	vst v63  }
0x3ca: {  	s23 =	sadd.s32 $0x60, s21;
	s24 =	simm.s32 $0xEDE0  }
0x3cb: {  	[hbm4b:s23+s3] =	stream.linear.scatter [tilespmem:s24], [sflag:$0x4], $0x80, $0x38;
	[tilespmem:$0xF800] =	vst v63  }
0x3cc: {  	s22 =	sadd.s32 $0xC0000, s20;
	s21 =	sadd.s32 $0x70, s21;
	s25 =	simm.s32 $0xEE70  }
0x3cd: {  	[hbm4b:s21+s3] =	stream.linear.scatter [tilespmem:s25], [sflag:$0x4], $0x80, $0x38;
	[tilespmem:$0xF800] =	vst v63  }
0x3ce: {  	s21 =	sshrl.u32 s22, $0x3  }
0x3cf: {  	s23 =	simm.s32 $0xEF00;
	s21 =	sadd.s32 s2, s21  }
0x3d0: {  	[hbm4b:s21+s3] =	stream.linear.scatter [tilespmem:s23], [sflag:$0x4], $0x80, $0x38;
	[tilespmem:$0xF800] =	vst v63  }
0x3d1: {  	s25 =	simm.s32 $0xEF90;
	s24 =	sadd.s32 $0x10, s21  }
0x3d2: {  	[hbm4b:s24+s3] =	stream.linear.scatter [tilespmem:s25], [sflag:$0x4], $0x80, $0x38;
	[tilespmem:$0xF800] =	vst v63  }
0x3d3: {  	s24 =	sadd.s32 $0x20, s21;
	s25 =	simm.s32 $0xF020  }
0x3d4: {  	[hbm4b:s24+s3] =	stream.linear.scatter [tilespmem:s25], [sflag:$0x4], $0x80, $0x38;
	[tilespmem:$0xF800] =	vst v63  }
0x3d5: {  	s24 =	sadd.s32 $0x30, s21;
	s25 =	simm.s32 $0xF0B0  }
0x3d6: {  	[hbm4b:s24+s3] =	stream.linear.scatter [tilespmem:s25], [sflag:$0x4], $0x80, $0x38;
	[tilespmem:$0xF800] =	vst v63  }
0x3d7: {  	s24 =	sadd.s32 $0x40, s21  }
0x3d8: {  	[hbm4b:s24+s3] =	stream.linear.scatter [tilespmem:s26], [sflag:$0x4], $0x80, $0x38;
	[tilespmem:$0xF800] =	vst v63  }
0x3d9: {  	s25 =	sadd.s32 $0x50, s21  }
0x3da: {  	[hbm4b:s25+s3] =	stream.linear.scatter [tilespmem:s28], [sflag:$0x4], $0x80, $0x38;
	[tilespmem:$0xF800] =	vst v63  }
0x3db: {  	s20 =	sadd.s32 $0xE0000, s20;
	s23 =	sadd.s32 $0x60, s21  }
0x3dc: {  	[hbm4b:s23+s3] =	stream.linear.scatter [tilespmem:s29], [sflag:$0x4], $0x80, $0x38;
	[tilespmem:$0xF800] =	vst v63  }
0x3dd: {  	s20 =	sshrl.u32 s20, $0x3;
	s21 =	sadd.s32 $0x70, s21  }
0x3de: {  	[hbm4b:s21+s3] =	stream.linear.scatter [tilespmem:s30], [sflag:$0x4], $0x80, $0x38;
	[tilespmem:$0xF800] =	vst v63  }
0x3df: {  	s20 =	sadd.s32 s2, s20  }
0x3e0: {  	[hbm4b:s20+s3] =	stream.linear.scatter [tilespmem:s31], [sflag:$0x4], $0x80, $0x38;
	[tilespmem:$0xF800] =	vst v63  }
0x3e1: {  	s24 =	sadd.s32 $0x10, s20  }
0x3e2: {  	[hbm4b:s24+s3] =	stream.linear.scatter [tilespmem:s0], [sflag:$0x4], $0x80, $0x38;
	[tilespmem:$0xF800] =	vst v63  }
0x3e3: {  	s25 =	sadd.s32 $0x20, s20  }
0x3e4: {  	[hbm4b:s25+s3] =	stream.linear.scatter [tilespmem:s1], [sflag:$0x4], $0x80, $0x38;
	[tilespmem:$0xF800] =	vst v63  }
0x3e5: {  	s22 =	sadd.s32 $0x30, s20  }
0x3e6: {  	[hbm4b:s22+s3] =	stream.linear.scatter [tilespmem:s9], [sflag:$0x4], $0x80, $0x38;
	[tilespmem:$0xF800] =	vst v63  }
0x3e7: {  	s23 =	sadd.s32 $0x40, s20  }
0x3e8: {  	[hbm4b:s23+s3] =	stream.linear.scatter [tilespmem:s10], [sflag:$0x4], $0x80, $0x38;
	[tilespmem:$0xF800] =	vst v63  }
0x3e9: {  	p0 =	seq.s32 s18, $0x63;
	s24 =	sadd.s32 $0x50, s20  }
0x3ea: {  	[hbm4b:s24+s3] =	stream.linear.scatter [tilespmem:s11], [sflag:$0x4], $0x80, $0x38;
	[tilespmem:$0xF800] =	vst v63  }
.Ltmp7:
0x3eb: {  	_ = 	snop;
	(pc) =	sbr.rel @p0 .LBB2_12-.Ltmp7, $4  }
0x3ec: {  	s25 =	sadd.s32 $0x60, s20  }
0x3ed: {  	[hbm4b:s25+s3] =	stream.linear.scatter [tilespmem:s13], [sflag:$0x4], $0x80, $0x38;
	[tilespmem:$0xF800] =	vst v63  }
0x3ee: {  	s20 =	sadd.s32 $0x70, s20  }
0x3ef: {  	[hbm4b:s20+s3] =	stream.linear.scatter [tilespmem:s15], [sflag:$0x4], $0x80, $0x38;
	[tilespmem:$0xF800] =	vst v63  }
0x3f0: {  	s19 =	sadd.s32 $0x3, s19  }
0x3f1: {  	s20 =	sshrl.u32 s19, $0x2;
	s21 =	sand.u32 $0x1C, s19  }
0x3f2: {  	p0 =	seq.s32 s20, $0x0;
	p1 =	sne.s32 s21, $0x0  }
0x3f3: {  	p0 =	por !p0, !p1  }
0x3f4: {  	s21 =	simm.s32 $0x1;
	p0 =	por !p0, !p0  }
0x3f5: {  	s22 =	sshrl.u32 s19, $0x5;
	s21 =	simm.s32 @!p0 $0x0  }
0x3f6: {  	s19 =	sshll.u32 s19, $0xA;
	s23 =	sshll.u32 s20, $0xC;
	s21 =	ssub.s32 s22, s21  }
.Ltmp8:
0x3f7: {  	s20 =	sshll.u32 s20, $0x7;
	s24 =	sshll.u32 s21, $0xE;
	(pc) =	sbr.rel .LBB2_2-.Ltmp8, $4  }
0x3f8: {  	s19 =	ssub.s32 s19, s23;
	s21 =	sshll.u32 s21, $0xA;
	s22 =	sshra.s32 s24, $0x2  }
0x3f9: {  	s20 =	ssub.s32 s20, s21;
	s19 =	sadd.s32 s19, s22  }
0x3fa: {  	s25 =	simm.s32 $0x9000;
	s18 =	sadd.s32 $0x1, s18;
	s19 =	sadd.s32 s20, s19  }
0x3fb: {  	[tilespmem:s25], [sflag:$0x2] =	stream.indirect.gather [hbm4b:s5+s12], $0x40, s19, s12, $0xb8;
	[tilespmem:$0xF800] =	vst v63  }
.LBB2_13:
0x3fc: {  	_ =	sfence.sel $0x180000  }
0x3fd: {  	[bflag:$0x0] =	sbarrier.arrive $0xFFFF  }
0x3fe: {  	_ =	strace $0x90000047  }
0x3ff: {  	s0 =	stileid.u32;
	[bflag:$0x2] =	sbarrier.arrive $0xFFFF  }
0x400: {  	p0 =	sne.s32 s0, $0x0;
	s0 =	rddreg [dreg:$0x3]  }
0x401: {  	s0 =	sadd.s32 @!p0 $0x100000, s0  }
0x402: {  	[sflag:s0] =	ssyncadd.tile.s32 @!p0 $0x1;
	_ =	shalt  }
.Lfunc_end2:
_tile_overlayer_lowered:
.L_overlay_start_2:
0x403: {  	(tag) =	ssettag $0x2  }
0x404: {  	s0 =	rddreg [dreg:$0x0];
	s2 =	stileid.u32  }
0x405: {  	s1 =	rddreg [dreg:$0x1];
	p0 =	sne.s32 s2, $0x0  }
0x406: {  	s3 =	rddreg [dreg:$0x2];
	[bflag:$0x3] =	sbarrier.arrive $0xFFFF;
	s2 =	simm.s32 @!p0 $0x1C05  }
0x407: {  	[timem:s3], [sflag:s2] =	dma.local @!p0 [hbm:s0], s1  }
0x408: {  	s0 =	simm.s32 @!p0 $0x5  }
0x409: {  	_ =	swait.ge @!p0 [sflag:s0], s1  }
0x40a: {  	s1 =	ssub.s32 @!p0 $0x0, s1;
	[sflag:s0] =	ssyncset.done @!p0 $0x0  }
0x40b: {  	[sflag:s0] =	ssyncadd.s32 @!p0 s1  }
0x40c: {  	[bflag:$0x3] =	sbarrier.arrive $0xFFFF  }
0x40d: {  	_ =	shalt  }

</sc_bundles>
